<compile_context>
chip_gen: v7x
topology: tpu7x:2x2x1
jax: 0.10.2.dev20260603
libtpu: 0.0.44.dev20260713+nightly
codegen_flags: <defaults>
</compile_context>

<pallas_src>
import functools

import jax
import jax.numpy as jnp
import numpy as np
from jax import lax
from jax.experimental import pallas as pl
from jax.experimental.pallas import tpu as pltpu
from jax.experimental.pallas import tpu_sc as plsc

N = 10000
E = 320000
D_IN = 256
H = 128

NC = 2
NS = 16
K = 128
CHT = 160
CH = CHT // NC
HP = CH // 2
DEG_CH = CH
E_PAD = NS * CHT * K
N_PAD = 10240
SLICE = N_PAD // NS

f32 = jnp.float32


def _sc_mesh():
    return plsc.VectorSubcoreMesh(core_axis_name="c", subcore_axis_name="s")


DEG_W = H


def _fill(ref, value, width=H):
    vec = jnp.full((16,), value, f32)

    def body(i, _):
        for t in range(width // 16):
            ref[i, pl.ds(t * 16, 16)] = vec
        return 0

    lax.fori_loop(0, K, body, 0)


def _make_deg_kernel():
    @functools.partial(
        pl.kernel,
        mesh=_sc_mesh(),
        out_type=jax.ShapeDtypeStruct((NC, N_PAD, DEG_W), f32),
        scratch_types=[
            pltpu.VMEM((DEG_CH, K), jnp.int32),
            pltpu.VMEM((K, DEG_W), f32),
            pltpu.VMEM_SHARED((N_PAD, DEG_W), f32),
        ],
    )
    def deg_kernel(col_hbm, out_hbm, col_v, ones_v, acc_sh):
        c = lax.axis_index("c")
        s = lax.axis_index("s")
        pltpu.sync_copy(col_hbm.at[s, pl.ds(c * DEG_CH, DEG_CH)], col_v)
        _fill(ones_v, 0.0, DEG_W)
        for b in range(SLICE // K):
            pltpu.sync_copy(ones_v, acc_sh.at[pl.ds(s * SLICE + b * K, K)])
        _fill(ones_v, 1.0, DEG_W)
        plsc.subcore_barrier()

        def chunk_body(j, _):
            pltpu.sync_copy(ones_v, acc_sh.at[col_v.at[j]], add=True)
            return 0

        lax.fori_loop(0, DEG_CH, chunk_body, 0)
        plsc.subcore_barrier()
        pltpu.sync_copy(acc_sh.at[pl.ds(s * SLICE, SLICE)],
                        out_hbm.at[c, pl.ds(s * SLICE, SLICE)])

    return deg_kernel


def _make_scatter_kernel():
    @functools.partial(
        pl.kernel,
        mesh=_sc_mesh(),
        out_type=jax.ShapeDtypeStruct((NC, N_PAD, H), f32),
        scratch_types=[
            pltpu.VMEM((HP, K), jnp.int32),
            pltpu.VMEM((HP, K), jnp.int32),
            pltpu.VMEM((K, H), f32),
            pltpu.VMEM((K, H), f32),
            pltpu.VMEM_SHARED((N_PAD, H), f32),
            pltpu.SemaphoreType.DMA,
            pltpu.SemaphoreType.DMA,
        ],
    )
    def scatter_kernel(row_hbm, col_hbm, a_hbm, out_hbm,
                       row_v, col_v, rows_v0, rows_v1, acc_sh, sem0, sem1):
        c = lax.axis_index("c")
        s = lax.axis_index("s")

        _fill(rows_v0, 0.0)
        for b in range(SLICE // K):
            pltpu.sync_copy(rows_v0, acc_sh.at[pl.ds(s * SLICE + b * K, K)])
        plsc.subcore_barrier()

        for p in range(2):
            off = c * CH + p * HP
            pltpu.sync_copy(row_hbm.at[s, pl.ds(off, HP)], row_v)
            pltpu.sync_copy(col_hbm.at[s, pl.ds(off, HP)], col_v)
            pltpu.async_copy(a_hbm.at[row_v.at[0]], rows_v0, sem0)

            def chunk_body(g, _):
                j0 = 2 * g
                pltpu.make_async_copy(a_hbm.at[row_v.at[j0]], rows_v0, sem0).wait()
                pltpu.async_copy(a_hbm.at[row_v.at[j0 + 1]], rows_v1, sem1)
                pltpu.sync_copy(rows_v0, acc_sh.at[col_v.at[j0]], add=True)
                pltpu.make_async_copy(a_hbm.at[row_v.at[j0 + 1]], rows_v1, sem1).wait()

                @pl.when(g + 1 < HP // 2)
                def _prefetch():
                    pltpu.async_copy(a_hbm.at[row_v.at[j0 + 2]], rows_v0, sem0)

                pltpu.sync_copy(rows_v1, acc_sh.at[col_v.at[j0 + 1]], add=True)
                return 0

            lax.fori_loop(0, HP // 2, chunk_body, 0)

        plsc.subcore_barrier()
        pltpu.sync_copy(acc_sh.at[pl.ds(s * SLICE, SLICE)],
                        out_hbm.at[c, pl.ds(s * SLICE, SLICE)])

    return scatter_kernel


_deg_sc = _make_deg_kernel()
_scatter_sc = _make_scatter_kernel()



_R = 1024
_RC = 1000


def _pre_body(x_ref, wpt_ref, bp_ref, wat_ref, wbt_ref, mb_ref,
              h_ref, a_ref, b_ref):
    h = jnp.dot(x_ref[...], wpt_ref[...], preferred_element_type=f32)
    h = h + bp_ref[...]
    h_ref[...] = h
    a_ref[...] = jnp.dot(h, wat_ref[...], preferred_element_type=f32)
    b_ref[...] = jnp.dot(h, wbt_ref[...], preferred_element_type=f32) + mb_ref[...]


def _pre_tc(x, wpt, bp, wat, wbt, mb):
    return pl.pallas_call(
        _pre_body,
        grid=(10,),
        in_specs=[
            pl.BlockSpec((_R, D_IN), lambda r: (r, 0)),
            pl.BlockSpec((D_IN, H), lambda r: (0, 0)),
            pl.BlockSpec((1, H), lambda r: (0, 0)),
            pl.BlockSpec((H, H), lambda r: (0, 0)),
            pl.BlockSpec((H, H), lambda r: (0, 0)),
            pl.BlockSpec((1, H), lambda r: (0, 0)),
        ],
        out_specs=[
            pl.BlockSpec((_R, H), lambda r: (r, 0)),
            pl.BlockSpec((_R, H), lambda r: (r, 0)),
            pl.BlockSpec((_R, H), lambda r: (r, 0)),
        ],
        out_shape=[
            jax.ShapeDtypeStruct((N_PAD, H), f32),
            jax.ShapeDtypeStruct((N_PAD, H), f32),
            jax.ShapeDtypeStruct((N_PAD, H), f32),
        ],
    )(x, wpt, bp, wat, wbt, mb)


def _gru_core(h, s_ref, b_ref, degp_ref, wih_ref, whh_ref, bih_ref, bhh_ref):
    deg = degp_ref[0][:, 0] + degp_ref[1][:, 0]
    aggr = s_ref[0] + s_ref[1] + deg[:, None] * b_ref[...]
    gi = jnp.dot(aggr, wih_ref[...], preferred_element_type=f32) + bih_ref[...]
    gh = jnp.dot(h, whh_ref[...], preferred_element_type=f32) + bhh_ref[...]
    r = jax.nn.sigmoid(gi[:, :H] + gh[:, :H])
    z = jax.nn.sigmoid(gi[:, H:2 * H] + gh[:, H:2 * H])
    n = jnp.tanh(gi[:, 2 * H:] + r * gh[:, 2 * H:])
    return (1.0 - z) * n + z * h


def _layer_body(h_ref, s_ref, b_ref, deg_ref, wih_ref, whh_ref,
                bih_ref, bhh_ref, wat_ref, wbt_ref, mb_ref,
                hn_ref, an_ref, bn_ref):
    hn = _gru_core(h_ref[...], s_ref, b_ref, deg_ref,
                   wih_ref, whh_ref, bih_ref, bhh_ref)
    hn_ref[...] = hn
    an_ref[...] = jnp.dot(hn, wat_ref[...], preferred_element_type=f32)
    bn_ref[...] = jnp.dot(hn, wbt_ref[...], preferred_element_type=f32) + mb_ref[...]


def _final_body(h_ref, s_ref, b_ref, deg_ref, wih_ref, whh_ref,
                bih_ref, bhh_ref, hn_ref):
    hn_ref[...] = _gru_core(h_ref[...], s_ref, b_ref, deg_ref,
                            wih_ref, whh_ref, bih_ref, bhh_ref)


_LAYER_IN_SPECS = [
    pl.BlockSpec((_R, H), lambda r: (r, 0)),
    pl.BlockSpec((NC, _R, H), lambda r: (0, r, 0)),
    pl.BlockSpec((_R, H), lambda r: (r, 0)),
    pl.BlockSpec((NC, _R, DEG_W), lambda r: (0, r, 0)),
    pl.BlockSpec((H, 3 * H), lambda r: (0, 0)),
    pl.BlockSpec((H, 3 * H), lambda r: (0, 0)),
    pl.BlockSpec((1, 3 * H), lambda r: (0, 0)),
    pl.BlockSpec((1, 3 * H), lambda r: (0, 0)),
]


def _layer_tc(h, s_parts, b_cur, deg, wih_t, whh_t, bih, bhh, wat, wbt, mb):
    return pl.pallas_call(
        _layer_body,
        grid=(10,),
        in_specs=_LAYER_IN_SPECS + [
            pl.BlockSpec((H, H), lambda r: (0, 0)),
            pl.BlockSpec((H, H), lambda r: (0, 0)),
            pl.BlockSpec((1, H), lambda r: (0, 0)),
        ],
        out_specs=[
            pl.BlockSpec((_R, H), lambda r: (r, 0)),
            pl.BlockSpec((_R, H), lambda r: (r, 0)),
            pl.BlockSpec((_R, H), lambda r: (r, 0)),
        ],
        out_shape=[
            jax.ShapeDtypeStruct((N_PAD, H), f32),
            jax.ShapeDtypeStruct((N_PAD, H), f32),
            jax.ShapeDtypeStruct((N_PAD, H), f32),
        ],
    )(h, s_parts, b_cur, deg, wih_t, whh_t, bih, bhh, wat, wbt, mb)


def _final_tc(h, s_parts, b_cur, deg, wih_t, whh_t, bih, bhh):
    return pl.pallas_call(
        _final_body,
        grid=(10,),
        in_specs=_LAYER_IN_SPECS,
        out_specs=pl.BlockSpec((_R, H), lambda r: (r, 0)),
        out_shape=jax.ShapeDtypeStruct((N_PAD, H), f32),
    )(h, s_parts, b_cur, deg, wih_t, whh_t, bih, bhh)


def _cls_body(ht_ref, hb_ref, w1a_ref, w1b_ref, b1_ref, w2_ref, b2_ref, o_ref):
    hid = jnp.dot(ht_ref[...], w1a_ref[...], preferred_element_type=f32)
    hid = hid + jnp.dot(hb_ref[...], w1b_ref[...], preferred_element_type=f32)
    hid = jax.nn.relu(hid + b1_ref[...])
    o_ref[...] = jnp.dot(hid, w2_ref[...], preferred_element_type=f32) + b2_ref[...]


def _cls_tc(h, w1a, w1b, b1, w2p, b2p):
    nb = N // 2 // _RC
    return pl.pallas_call(
        _cls_body,
        grid=(nb,),
        in_specs=[
            pl.BlockSpec((_RC, H), lambda r: (r, 0)),
            pl.BlockSpec((_RC, H), lambda r: (r + nb, 0)),
            pl.BlockSpec((H, H), lambda r: (0, 0)),
            pl.BlockSpec((H, H), lambda r: (0, 0)),
            pl.BlockSpec((1, H), lambda r: (0, 0)),
            pl.BlockSpec((H, H), lambda r: (0, 0)),
            pl.BlockSpec((1, H), lambda r: (0, 0)),
        ],
        out_specs=pl.BlockSpec((_RC, H), lambda r: (r, 0)),
        out_shape=jax.ShapeDtypeStruct((N // 2, H), f32),
    )(h, h, w1a, w1b, b1, w2p, b2p)


def kernel(x, edge_index, W_proj, b_proj,
           msg_W0, msg_b0, gru_Wih0, gru_Whh0, gru_bih0, gru_bhh0,
           msg_W1, msg_b1, gru_Wih1, gru_Whh1, gru_bih1, gru_bhh1,
           msg_W2, msg_b2, gru_Wih2, gru_Whh2, gru_bih2, gru_bhh2,
           cls_W1, cls_b1, cls_W2, cls_b2):
    msg_W = [msg_W0, msg_W1, msg_W2]
    msg_b = [msg_b0, msg_b1, msg_b2]
    gru = [(gru_Wih0, gru_Whh0, gru_bih0, gru_bhh0),
           (gru_Wih1, gru_Whh1, gru_bih1, gru_bhh1),
           (gru_Wih2, gru_Whh2, gru_bih2, gru_bhh2)]

    pad = E_PAD - E
    pad_iota = jnp.arange(pad, dtype=jnp.int32)
    row_t = jnp.concatenate(
        [edge_index[0], pad_iota % N]).reshape(NS, CHT, K)
    col_t = jnp.concatenate(
        [edge_index[1], N + pad_iota % K]).reshape(NS, CHT, K)

    wat = [w[:, :H].T for w in msg_W]
    wbt = [w[:, H:].T for w in msg_W]
    mb = [b.reshape(1, H) for b in msg_b]

    deg_parts = _deg_sc(col_t)
    h, a_cur, b_cur = _pre_tc(
        x, W_proj.T, b_proj.reshape(1, H), wat[0], wbt[0], mb[0])

    for i in range(3):
        s_parts = _scatter_sc(row_t, col_t, a_cur)
        wih_t = gru[i][0].T
        whh_t = gru[i][1].T
        bih = gru[i][2].reshape(1, 3 * H)
        bhh = gru[i][3].reshape(1, 3 * H)
        if i < 2:
            h, a_cur, b_cur = _layer_tc(h, s_parts, b_cur, deg_parts, wih_t, whh_t,
                                        bih, bhh, wat[i + 1], wbt[i + 1], mb[i + 1])
        else:
            h = _final_tc(h, s_parts, b_cur, deg_parts, wih_t, whh_t, bih, bhh)

    w2p = jnp.zeros((H, H), f32).at[:, :2].set(cls_W2.T)
    b2p = jnp.zeros((1, H), f32).at[0, :2].set(cls_b2)
    out_pad = _cls_tc(h, cls_W1[:, :H].T, cls_W1[:, H:].T,
                      cls_b1.reshape(1, H), w2p, b2p)
    return out_pad[:, :2]

# --- scband reference (transcript-rebuilt; emitter-appended) ---
"""Pipeline reference for scband-mpnnmodel-58574763983202 (READ-ONLY COPY).

The authoritative reference and input builder live on the scoring server;
editing this copy changes nothing except your own understanding.
"""

import jax, jax.numpy as jnp
import numpy as np

N = 10000
E = 320000
D_IN = 256
H = 128
L = 3


def _gru_cell(inp, h, Wih, Whh, bih, bhh):
    gi = inp @ Wih.T + bih
    gh = h @ Whh.T + bhh
    i_r, i_z, i_n = jnp.split(gi, 3, axis=-1)
    h_r, h_z, h_n = jnp.split(gh, 3, axis=-1)
    r = jax.nn.sigmoid(i_r + h_r)
    z = jax.nn.sigmoid(i_z + h_z)
    n = jnp.tanh(i_n + r * h_n)
    return (1.0 - z) * n + z * h


def setup_inputs(seed: int = 0):
    key = jax.random.key(seed)
    k = lambda i: jax.random.fold_in(key, i)
    s = 0.05
    inp = {}
    inp['x'] = jax.random.normal(k(0), (N, D_IN), dtype=jnp.float32)
    inp['edge_index'] = jax.random.randint(k(1), (2, E), 0, N, dtype=jnp.int32)
    inp['W_proj'] = jax.random.normal(k(2), (H, D_IN), dtype=jnp.float32) * s
    inp['b_proj'] = jnp.zeros((H,), dtype=jnp.float32)
    for i in range(L):
        inp['msg_W%d' % i] = jax.random.normal(k(10 + i), (H, 2 * H), dtype=jnp.float32) * s
        inp['msg_b%d' % i] = jnp.zeros((H,), dtype=jnp.float32)
        inp['gru_Wih%d' % i] = jax.random.normal(k(20 + i), (3 * H, H), dtype=jnp.float32) * s
        inp['gru_Whh%d' % i] = jax.random.normal(k(25 + i), (3 * H, H), dtype=jnp.float32) * s
        inp['gru_bih%d' % i] = jnp.zeros((3 * H,), dtype=jnp.float32)
        inp['gru_bhh%d' % i] = jnp.zeros((3 * H,), dtype=jnp.float32)
    inp['cls_W1'] = jax.random.normal(k(30), (H, 2 * H), dtype=jnp.float32) * s
    inp['cls_b1'] = jnp.zeros((H,), dtype=jnp.float32)
    inp['cls_W2'] = jax.random.normal(k(31), (2, H), dtype=jnp.float32) * s
    inp['cls_b2'] = jnp.zeros((2,), dtype=jnp.float32)
    return inp


def reference(x, edge_index, W_proj, b_proj, msg_W0, msg_b0, gru_Wih0, gru_Whh0, gru_bih0, gru_bhh0, msg_W1, msg_b1, gru_Wih1, gru_Whh1, gru_bih1, gru_bhh1, msg_W2, msg_b2, gru_Wih2, gru_Whh2, gru_bih2, gru_bhh2, cls_W1, cls_b1, cls_W2, cls_b2):
    h = x @ W_proj.T + b_proj
    msg_W = [msg_W0, msg_W1, msg_W2]
    msg_b = [msg_b0, msg_b1, msg_b2]
    gru = [(gru_Wih0, gru_Whh0, gru_bih0, gru_bhh0), (gru_Wih1, gru_Whh1, gru_bih1, gru_bhh1), (gru_Wih2, gru_Whh2, gru_bih2, gru_bhh2)]
    row = edge_index[0]
    col = edge_index[1]
    for i in range(L):
        messages = jnp.concatenate([h[row], h[col]], axis=1) @ msg_W[i].T + msg_b[i]
        aggr = jnp.zeros_like(h).at[col].add(messages)
        h = _gru_cell(aggr, h, gru[i][0], gru[i][1], gru[i][2], gru[i][3])
        # dropout is identity in eval mode
    b = h.shape[0] // 2
    combined = jnp.concatenate([h[:b], h[b:2 * b]], axis=1)
    hid = jax.nn.relu(combined @ cls_W1.T + cls_b1)
    return hid @ cls_W2.T + cls_b2

if __name__ == "__main__":
    import jax
    _d = setup_inputs()
    print(jax.jit(kernel)(*tuple(_d.values())))

</pallas_src>

<mosaic_0001>
#map = affine_map<(d0, d1) -> (0, 0, 0)>
#map1 = affine_map<(d0, d1) -> (0, 0)>
module attributes {stable_mosaic.version = 14 : i64} {
  func.func @scatter_kernel(%arg0: i32, %arg1: i32, %arg2: memref<16x160x128xi32, #tpu.memory_space<hbm>>, %arg3: memref<16x160x128xi32, #tpu.memory_space<hbm>>, %arg4: memref<10240x128xf32, #tpu.memory_space<hbm>>, %arg5: memref<2x10240x128xf32, #tpu.memory_space<hbm>>, %arg6: memref<40x128xi32, #tpu.memory_space<vmem>>, %arg7: memref<40x128xi32, #tpu.memory_space<vmem>>, %arg8: memref<128x128xf32, #tpu.memory_space<vmem>>, %arg9: memref<128x128xf32, #tpu.memory_space<vmem>>, %arg10: memref<10240x128xf32, #tpu.memory_space<vmem_shared>>, %arg11: memref<!tpu.dma_semaphore, #tpu.memory_space<semaphore_mem>>, %arg12: memref<!tpu.dma_semaphore, #tpu.memory_space<semaphore_mem>>) attributes {dimension_semantics = [#tpu.dimension_semantics<core_parallel>, #tpu.dimension_semantics<subcore_parallel>], iteration_bounds = array<i64: 2, 16>, scalar_prefetch = 0 : i64, scratch_operands = 7 : i64, tpu.core_type = #tpu.core_type<sc_vector_subcore>, window_params = [{transform_indices = #map}, {transform_indices = #map}, {transform_indices = #map1}, {transform_indices = #map}]} {
    %broadcast_in_dim3A = arith.constant 0.000000e+00 : f32
    %broadcast_in_dim3A_0 = vector.broadcast %broadcast_in_dim3A : f32 to vector<16xf32>
    %scan3A = arith.constant 0 : i32
    %scan3A_1 = arith.constant 0 : i32
    %scan3A_2 = arith.constant 128 : i32
    %scan3A_3 = arith.addi %scan3A_1, %scan3A_2 : i32
    %scan3A_4 = arith.constant 1 : i32
    %scan3A_5 = scf.for %scan3A_65 = %scan3A_1 to %scan3A_3 step %scan3A_4 iter_args(%scan3A_66 = %scan3A) -> (i32)  : i32 {
      %swap3A = arith.index_cast %scan3A_65 : i32 to index
      %swap3A_67 = arith.constant 0 : index
      %swap3A_68 = tpu.vector_load %arg8[%swap3A, %swap3A_67] {strides = array<i32>} : memref<128x128xf32, #tpu.memory_space<vmem>>, vector<1x16xf32>,
      %swap3A_69 = vector.shape_cast %swap3A_68 : vector<1x16xf32> to vector<16xf32>
      %swap3A_70 = vector.shape_cast %broadcast_in_dim3A_0 : vector<16xf32> to vector<1x16xf32>
      tpu.vector_store %arg8[%swap3A, %swap3A_67], %swap3A_70 {strides = array<i32>} : memref<128x128xf32, #tpu.memory_space<vmem>>, vector<1x16xf32>,
      %swap3A_71 = arith.index_cast %scan3A_65 : i32 to index
      %swap3A_72 = arith.constant 16 : index
      %swap3A_73 = tpu.vector_load %arg8[%swap3A_71, %swap3A_72] {strides = array<i32>} : memref<128x128xf32, #tpu.memory_space<vmem>>, vector<1x16xf32>,
      %swap3A_74 = vector.shape_cast %swap3A_73 : vector<1x16xf32> to vector<16xf32>
      %swap3A_75 = vector.shape_cast %broadcast_in_dim3A_0 : vector<16xf32> to vector<1x16xf32>
      tpu.vector_store %arg8[%swap3A_71, %swap3A_72], %swap3A_75 {strides = array<i32>} : memref<128x128xf32, #tpu.memory_space<vmem>>, vector<1x16xf32>,
      %swap3A_76 = arith.index_cast %scan3A_65 : i32 to index
      %swap3A_77 = arith.constant 32 : index
      %swap3A_78 = tpu.vector_load %arg8[%swap3A_76, %swap3A_77] {strides = array<i32>} : memref<128x128xf32, #tpu.memory_space<vmem>>, vector<1x16xf32>,
      %swap3A_79 = vector.shape_cast %swap3A_78 : vector<1x16xf32> to vector<16xf32>
      %swap3A_80 = vector.shape_cast %broadcast_in_dim3A_0 : vector<16xf32> to vector<1x16xf32>
      tpu.vector_store %arg8[%swap3A_76, %swap3A_77], %swap3A_80 {strides = array<i32>} : memref<128x128xf32, #tpu.memory_space<vmem>>, vector<1x16xf32>,
      %swap3A_81 = arith.index_cast %scan3A_65 : i32 to index
      %swap3A_82 = arith.constant 48 : index
      %swap3A_83 = tpu.vector_load %arg8[%swap3A_81, %swap3A_82] {strides = array<i32>} : memref<128x128xf32, #tpu.memory_space<vmem>>, vector<1x16xf32>,
      %swap3A_84 = vector.shape_cast %swap3A_83 : vector<1x16xf32> to vector<16xf32>
      %swap3A_85 = vector.shape_cast %broadcast_in_dim3A_0 : vector<16xf32> to vector<1x16xf32>
      tpu.vector_store %arg8[%swap3A_81, %swap3A_82], %swap3A_85 {strides = array<i32>} : memref<128x128xf32, #tpu.memory_space<vmem>>, vector<1x16xf32>,
      %swap3A_86 = arith.index_cast %scan3A_65 : i32 to index
      %swap3A_87 = arith.constant 64 : index
      %swap3A_88 = tpu.vector_load %arg8[%swap3A_86, %swap3A_87] {strides = array<i32>} : memref<128x128xf32, #tpu.memory_space<vmem>>, vector<1x16xf32>,
      %swap3A_89 = vector.shape_cast %swap3A_88 : vector<1x16xf32> to vector<16xf32>
      %swap3A_90 = vector.shape_cast %broadcast_in_dim3A_0 : vector<16xf32> to vector<1x16xf32>
      tpu.vector_store %arg8[%swap3A_86, %swap3A_87], %swap3A_90 {strides = array<i32>} : memref<128x128xf32, #tpu.memory_space<vmem>>, vector<1x16xf32>,
      %swap3A_91 = arith.index_cast %scan3A_65 : i32 to index
      %swap3A_92 = arith.constant 80 : index
      %swap3A_93 = tpu.vector_load %arg8[%swap3A_91, %swap3A_92] {strides = array<i32>} : memref<128x128xf32, #tpu.memory_space<vmem>>, vector<1x16xf32>,
      %swap3A_94 = vector.shape_cast %swap3A_93 : vector<1x16xf32> to vector<16xf32>
      %swap3A_95 = vector.shape_cast %broadcast_in_dim3A_0 : vector<16xf32> to vector<1x16xf32>
      tpu.vector_store %arg8[%swap3A_91, %swap3A_92], %swap3A_95 {strides = array<i32>} : memref<128x128xf32, #tpu.memory_space<vmem>>, vector<1x16xf32>,
      %swap3A_96 = arith.index_cast %scan3A_65 : i32 to index
      %swap3A_97 = arith.constant 96 : index
      %swap3A_98 = tpu.vector_load %arg8[%swap3A_96, %swap3A_97] {strides = array<i32>} : memref<128x128xf32, #tpu.memory_space<vmem>>, vector<1x16xf32>,
      %swap3A_99 = vector.shape_cast %swap3A_98 : vector<1x16xf32> to vector<16xf32>
      %swap3A_100 = vector.shape_cast %broadcast_in_dim3A_0 : vector<16xf32> to vector<1x16xf32>
      tpu.vector_store %arg8[%swap3A_96, %swap3A_97], %swap3A_100 {strides = array<i32>} : memref<128x128xf32, #tpu.memory_space<vmem>>, vector<1x16xf32>,
      %swap3A_101 = arith.index_cast %scan3A_65 : i32 to index
      %swap3A_102 = arith.constant 112 : index
      %swap3A_103 = tpu.vector_load %arg8[%swap3A_101, %swap3A_102] {strides = array<i32>} : memref<128x128xf32, #tpu.memory_space<vmem>>, vector<1x16xf32>,
      %swap3A_104 = vector.shape_cast %swap3A_103 : vector<1x16xf32> to vector<16xf32>
      %swap3A_105 = vector.shape_cast %broadcast_in_dim3A_0 : vector<16xf32> to vector<1x16xf32>
      tpu.vector_store %arg8[%swap3A_101, %swap3A_102], %swap3A_105 {strides = array<i32>} : memref<128x128xf32, #tpu.memory_space<vmem>>, vector<1x16xf32>,
      %scan3A_106 = arith.constant 0 : i32
      scf.yield %scan3A_106 : i32
    }
    %scan3A_6 = arith.constant 128 : i32
    %mul3A = arith.constant 640 : i32
    %mul3A_7 = arith.muli %arg1, %mul3A : i32
    %add3A = arith.constant 0 : i32
    %add3A_8 = arith.addi %mul3A_7, %add3A : i32
    "tpu.region"() ({
      %run_scoped3A = tpu.sem_alloc : memref<!tpu.dma_semaphore, #tpu.memory_space<semaphore_mem>>
      %dma_start3A_65 = arith.constant 0 : i32
      %dma_start3A_66 = tpu.memref_slice %arg10[%add3A_8, %dma_start3A_65] : memref<10240x128xf32, #tpu.memory_space<vmem_shared>> -> memref<128x128xf32, #tpu.memory_space<vmem_shared>>
      %dma_start3A_67 = arith.constant 0 : i32
      %dma_start3A_68 = tpu.memref_slice %arg10[%add3A_8, %dma_start3A_67] : memref<10240x128xf32, #tpu.memory_space<vmem_shared>> -> memref<128x128xf32, #tpu.memory_space<vmem_shared>>
      tpu.enqueue_dma source(%arg8 : memref<128x128xf32, #tpu.memory_space<vmem>>) target(%dma_start3A_68 : memref<128x128xf32, #tpu.memory_space<vmem_shared>>) target_semaphore(%run_scoped3A : memref<!tpu.dma_semaphore, #tpu.memory_space<semaphore_mem>>)
      %dma_wait3A = arith.constant 0 : i32
      %dma_wait3A_69 = tpu.memref_slice %arg10[%add3A_8, %dma_wait3A] : memref<10240x128xf32, #tpu.memory_space<vmem_shared>> -> memref<128x128xf32, #tpu.memory_space<vmem_shared>>
      %dma_wait3A_70 = arith.constant 0 : i32
      %dma_wait3A_71 = tpu.memref_slice %arg10[%add3A_8, %dma_wait3A_70] : memref<10240x128xf32, #tpu.memory_space<vmem_shared>> -> memref<128x128xf32, #tpu.memory_space<vmem_shared>>
      tpu.wait_dma2 semaphore(%run_scoped3A : memref<!tpu.dma_semaphore, #tpu.memory_space<semaphore_mem>>) src(%arg8 : memref<128x128xf32, #tpu.memory_space<vmem>>) dst(%dma_wait3A_71 : memref<128x128xf32, #tpu.memory_space<vmem_shared>>)
      tpu.yield
    }) : () -> ()
    %mul3A_9 = arith.constant 640 : i32
    %mul3A_10 = arith.muli %arg1, %mul3A_9 : i32
    %add3A_11 = arith.constant 128 : i32
    %add3A_12 = arith.addi %mul3A_10, %add3A_11 : i32
    "tpu.region"() ({
      %run_scoped3A = tpu.sem_alloc : memref<!tpu.dma_semaphore, #tpu.memory_space<semaphore_mem>>
      %dma_start3A_65 = arith.constant 0 : i32
      %dma_start3A_66 = tpu.memref_slice %arg10[%add3A_12, %dma_start3A_65] : memref<10240x128xf32, #tpu.memory_space<vmem_shared>> -> memref<128x128xf32, #tpu.memory_space<vmem_shared>>
      %dma_start3A_67 = arith.constant 0 : i32
      %dma_start3A_68 = tpu.memref_slice %arg10[%add3A_12, %dma_start3A_67] : memref<10240x128xf32, #tpu.memory_space<vmem_shared>> -> memref<128x128xf32, #tpu.memory_space<vmem_shared>>
      tpu.enqueue_dma source(%arg8 : memref<128x128xf32, #tpu.memory_space<vmem>>) target(%dma_start3A_68 : memref<128x128xf32, #tpu.memory_space<vmem_shared>>) target_semaphore(%run_scoped3A : memref<!tpu.dma_semaphore, #tpu.memory_space<semaphore_mem>>)
      %dma_wait3A = arith.constant 0 : i32
      %dma_wait3A_69 = tpu.memref_slice %arg10[%add3A_12, %dma_wait3A] : memref<10240x128xf32, #tpu.memory_space<vmem_shared>> -> memref<128x128xf32, #tpu.memory_space<vmem_shared>>
      %dma_wait3A_70 = arith.constant 0 : i32
      %dma_wait3A_71 = tpu.memref_slice %arg10[%add3A_12, %dma_wait3A_70] : memref<10240x128xf32, #tpu.memory_space<vmem_shared>> -> memref<128x128xf32, #tpu.memory_space<vmem_shared>>
      tpu.wait_dma2 semaphore(%run_scoped3A : memref<!tpu.dma_semaphore, #tpu.memory_space<semaphore_mem>>) src(%arg8 : memref<128x128xf32, #tpu.memory_space<vmem>>) dst(%dma_wait3A_71 : memref<128x128xf32, #tpu.memory_space<vmem_shared>>)
      tpu.yield
    }) : () -> ()
    %mul3A_13 = arith.constant 640 : i32
    %mul3A_14 = arith.muli %arg1, %mul3A_13 : i32
    %add3A_15 = arith.constant 256 : i32
    %add3A_16 = arith.addi %mul3A_14, %add3A_15 : i32
    "tpu.region"() ({
      %run_scoped3A = tpu.sem_alloc : memref<!tpu.dma_semaphore, #tpu.memory_space<semaphore_mem>>
      %dma_start3A_65 = arith.constant 0 : i32
      %dma_start3A_66 = tpu.memref_slice %arg10[%add3A_16, %dma_start3A_65] : memref<10240x128xf32, #tpu.memory_space<vmem_shared>> -> memref<128x128xf32, #tpu.memory_space<vmem_shared>>
      %dma_start3A_67 = arith.constant 0 : i32
      %dma_start3A_68 = tpu.memref_slice %arg10[%add3A_16, %dma_start3A_67] : memref<10240x128xf32, #tpu.memory_space<vmem_shared>> -> memref<128x128xf32, #tpu.memory_space<vmem_shared>>
      tpu.enqueue_dma source(%arg8 : memref<128x128xf32, #tpu.memory_space<vmem>>) target(%dma_start3A_68 : memref<128x128xf32, #tpu.memory_space<vmem_shared>>) target_semaphore(%run_scoped3A : memref<!tpu.dma_semaphore, #tpu.memory_space<semaphore_mem>>)
      %dma_wait3A = arith.constant 0 : i32
      %dma_wait3A_69 = tpu.memref_slice %arg10[%add3A_16, %dma_wait3A] : memref<10240x128xf32, #tpu.memory_space<vmem_shared>> -> memref<128x128xf32, #tpu.memory_space<vmem_shared>>
      %dma_wait3A_70 = arith.constant 0 : i32
      %dma_wait3A_71 = tpu.memref_slice %arg10[%add3A_16, %dma_wait3A_70] : memref<10240x128xf32, #tpu.memory_space<vmem_shared>> -> memref<128x128xf32, #tpu.memory_space<vmem_shared>>
      tpu.wait_dma2 semaphore(%run_scoped3A : memref<!tpu.dma_semaphore, #tpu.memory_space<semaphore_mem>>) src(%arg8 : memref<128x128xf32, #tpu.memory_space<vmem>>) dst(%dma_wait3A_71 : memref<128x128xf32, #tpu.memory_space<vmem_shared>>)
      tpu.yield
    }) : () -> ()
    %mul3A_17 = arith.constant 640 : i32
    %mul3A_18 = arith.muli %arg1, %mul3A_17 : i32
    %add3A_19 = arith.constant 384 : i32
    %add3A_20 = arith.addi %mul3A_18, %add3A_19 : i32
    "tpu.region"() ({
      %run_scoped3A = tpu.sem_alloc : memref<!tpu.dma_semaphore, #tpu.memory_space<semaphore_mem>>
      %dma_start3A_65 = arith.constant 0 : i32
      %dma_start3A_66 = tpu.memref_slice %arg10[%add3A_20, %dma_start3A_65] : memref<10240x128xf32, #tpu.memory_space<vmem_shared>> -> memref<128x128xf32, #tpu.memory_space<vmem_shared>>
      %dma_start3A_67 = arith.constant 0 : i32
      %dma_start3A_68 = tpu.memref_slice %arg10[%add3A_20, %dma_start3A_67] : memref<10240x128xf32, #tpu.memory_space<vmem_shared>> -> memref<128x128xf32, #tpu.memory_space<vmem_shared>>
      tpu.enqueue_dma source(%arg8 : memref<128x128xf32, #tpu.memory_space<vmem>>) target(%dma_start3A_68 : memref<128x128xf32, #tpu.memory_space<vmem_shared>>) target_semaphore(%run_scoped3A : memref<!tpu.dma_semaphore, #tpu.memory_space<semaphore_mem>>)
      %dma_wait3A = arith.constant 0 : i32
      %dma_wait3A_69 = tpu.memref_slice %arg10[%add3A_20, %dma_wait3A] : memref<10240x128xf32, #tpu.memory_space<vmem_shared>> -> memref<128x128xf32, #tpu.memory_space<vmem_shared>>
      %dma_wait3A_70 = arith.constant 0 : i32
      %dma_wait3A_71 = tpu.memref_slice %arg10[%add3A_20, %dma_wait3A_70] : memref<10240x128xf32, #tpu.memory_space<vmem_shared>> -> memref<128x128xf32, #tpu.memory_space<vmem_shared>>
      tpu.wait_dma2 semaphore(%run_scoped3A : memref<!tpu.dma_semaphore, #tpu.memory_space<semaphore_mem>>) src(%arg8 : memref<128x128xf32, #tpu.memory_space<vmem>>) dst(%dma_wait3A_71 : memref<128x128xf32, #tpu.memory_space<vmem_shared>>)
      tpu.yield
    }) : () -> ()
    %mul3A_21 = arith.constant 640 : i32
    %mul3A_22 = arith.muli %arg1, %mul3A_21 : i32
    %add3A_23 = arith.constant 512 : i32
    %add3A_24 = arith.addi %mul3A_22, %add3A_23 : i32
    "tpu.region"() ({
      %run_scoped3A = tpu.sem_alloc : memref<!tpu.dma_semaphore, #tpu.memory_space<semaphore_mem>>
      %dma_start3A_65 = arith.constant 0 : i32
      %dma_start3A_66 = tpu.memref_slice %arg10[%add3A_24, %dma_start3A_65] : memref<10240x128xf32, #tpu.memory_space<vmem_shared>> -> memref<128x128xf32, #tpu.memory_space<vmem_shared>>
      %dma_start3A_67 = arith.constant 0 : i32
      %dma_start3A_68 = tpu.memref_slice %arg10[%add3A_24, %dma_start3A_67] : memref<10240x128xf32, #tpu.memory_space<vmem_shared>> -> memref<128x128xf32, #tpu.memory_space<vmem_shared>>
      tpu.enqueue_dma source(%arg8 : memref<128x128xf32, #tpu.memory_space<vmem>>) target(%dma_start3A_68 : memref<128x128xf32, #tpu.memory_space<vmem_shared>>) target_semaphore(%run_scoped3A : memref<!tpu.dma_semaphore, #tpu.memory_space<semaphore_mem>>)
      %dma_wait3A = arith.constant 0 : i32
      %dma_wait3A_69 = tpu.memref_slice %arg10[%add3A_24, %dma_wait3A] : memref<10240x128xf32, #tpu.memory_space<vmem_shared>> -> memref<128x128xf32, #tpu.memory_space<vmem_shared>>
      %dma_wait3A_70 = arith.constant 0 : i32
      %dma_wait3A_71 = tpu.memref_slice %arg10[%add3A_24, %dma_wait3A_70] : memref<10240x128xf32, #tpu.memory_space<vmem_shared>> -> memref<128x128xf32, #tpu.memory_space<vmem_shared>>
      tpu.wait_dma2 semaphore(%run_scoped3A : memref<!tpu.dma_semaphore, #tpu.memory_space<semaphore_mem>>) src(%arg8 : memref<128x128xf32, #tpu.memory_space<vmem>>) dst(%dma_wait3A_71 : memref<128x128xf32, #tpu.memory_space<vmem_shared>>)
      tpu.yield
    }) : () -> ()
    %barrier3A = arith.constant 0 : index
    tpu.barrier barrier_id(%barrier3A)
    %mul3A_25 = arith.constant 80 : i32
    %mul3A_26 = arith.muli %arg0, %mul3A_25 : i32
    %add3A_27 = arith.constant 0 : i32
    %add3A_28 = arith.addi %mul3A_26, %add3A_27 : i32
    "tpu.region"() ({
      %run_scoped3A = tpu.sem_alloc : memref<!tpu.dma_semaphore, #tpu.memory_space<semaphore_mem>>
      %dma_start3A_65 = arith.constant 0 : i32
      %dma_start3A_66 = tpu.memref_slice %arg2[%arg1, %add3A_28, %dma_start3A_65] : memref<16x160x128xi32, #tpu.memory_space<hbm>> -> memref<1x40x128xi32, #tpu.memory_space<hbm>>
      %dma_start3A_67 = tpu.memref_squeeze %dma_start3A_66 : memref<1x40x128xi32, #tpu.memory_space<hbm>> -> memref<40x128xi32, #tpu.memory_space<hbm>>
      %dma_start3A_68 = arith.constant 0 : i32
      %dma_start3A_69 = tpu.memref_slice %arg2[%arg1, %add3A_28, %dma_start3A_68] : memref<16x160x128xi32, #tpu.memory_space<hbm>> -> memref<1x40x128xi32, #tpu.memory_space<hbm>>
      %dma_start3A_70 = tpu.memref_squeeze %dma_start3A_69 : memref<1x40x128xi32, #tpu.memory_space<hbm>> -> memref<40x128xi32, #tpu.memory_space<hbm>>
      tpu.enqueue_dma source(%dma_start3A_70 : memref<40x128xi32, #tpu.memory_space<hbm>>) target(%arg6 : memref<40x128xi32, #tpu.memory_space<vmem>>) target_semaphore(%run_scoped3A : memref<!tpu.dma_semaphore, #tpu.memory_space<semaphore_mem>>)
      %dma_wait3A = arith.constant 0 : i32
      %dma_wait3A_71 = tpu.memref_slice %arg2[%arg1, %add3A_28, %dma_wait3A] : memref<16x160x128xi32, #tpu.memory_space<hbm>> -> memref<1x40x128xi32, #tpu.memory_space<hbm>>
      %dma_wait3A_72 = tpu.memref_squeeze %dma_wait3A_71 : memref<1x40x128xi32, #tpu.memory_space<hbm>> -> memref<40x128xi32, #tpu.memory_space<hbm>>
      %dma_wait3A_73 = arith.constant 0 : i32
      %dma_wait3A_74 = tpu.memref_slice %arg2[%arg1, %add3A_28, %dma_wait3A_73] : memref<16x160x128xi32, #tpu.memory_space<hbm>> -> memref<1x40x128xi32, #tpu.memory_space<hbm>>
      %dma_wait3A_75 = tpu.memref_squeeze %dma_wait3A_74 : memref<1x40x128xi32, #tpu.memory_space<hbm>> -> memref<40x128xi32, #tpu.memory_space<hbm>>
      tpu.wait_dma2 semaphore(%run_scoped3A : memref<!tpu.dma_semaphore, #tpu.memory_space<semaphore_mem>>) src(%dma_wait3A_75 : memref<40x128xi32, #tpu.memory_space<hbm>>) dst(%arg6 : memref<40x128xi32, #tpu.memory_space<vmem>>)
      tpu.yield
    }) : () -> ()
    "tpu.region"() ({
      %run_scoped3A = tpu.sem_alloc : memref<!tpu.dma_semaphore, #tpu.memory_space<semaphore_mem>>
      %dma_start3A_65 = arith.constant 0 : i32
      %dma_start3A_66 = tpu.memref_slice %arg3[%arg1, %add3A_28, %dma_start3A_65] : memref<16x160x128xi32, #tpu.memory_space<hbm>> -> memref<1x40x128xi32, #tpu.memory_space<hbm>>
      %dma_start3A_67 = tpu.memref_squeeze %dma_start3A_66 : memref<1x40x128xi32, #tpu.memory_space<hbm>> -> memref<40x128xi32, #tpu.memory_space<hbm>>
      %dma_start3A_68 = arith.constant 0 : i32
      %dma_start3A_69 = tpu.memref_slice %arg3[%arg1, %add3A_28, %dma_start3A_68] : memref<16x160x128xi32, #tpu.memory_space<hbm>> -> memref<1x40x128xi32, #tpu.memory_space<hbm>>
      %dma_start3A_70 = tpu.memref_squeeze %dma_start3A_69 : memref<1x40x128xi32, #tpu.memory_space<hbm>> -> memref<40x128xi32, #tpu.memory_space<hbm>>
      tpu.enqueue_dma source(%dma_start3A_70 : memref<40x128xi32, #tpu.memory_space<hbm>>) target(%arg7 : memref<40x128xi32, #tpu.memory_space<vmem>>) target_semaphore(%run_scoped3A : memref<!tpu.dma_semaphore, #tpu.memory_space<semaphore_mem>>)
      %dma_wait3A = arith.constant 0 : i32
      %dma_wait3A_71 = tpu.memref_slice %arg3[%arg1, %add3A_28, %dma_wait3A] : memref<16x160x128xi32, #tpu.memory_space<hbm>> -> memref<1x40x128xi32, #tpu.memory_space<hbm>>
      %dma_wait3A_72 = tpu.memref_squeeze %dma_wait3A_71 : memref<1x40x128xi32, #tpu.memory_space<hbm>> -> memref<40x128xi32, #tpu.memory_space<hbm>>
      %dma_wait3A_73 = arith.constant 0 : i32
      %dma_wait3A_74 = tpu.memref_slice %arg3[%arg1, %add3A_28, %dma_wait3A_73] : memref<16x160x128xi32, #tpu.memory_space<hbm>> -> memref<1x40x128xi32, #tpu.memory_space<hbm>>
      %dma_wait3A_75 = tpu.memref_squeeze %dma_wait3A_74 : memref<1x40x128xi32, #tpu.memory_space<hbm>> -> memref<40x128xi32, #tpu.memory_space<hbm>>
      tpu.wait_dma2 semaphore(%run_scoped3A : memref<!tpu.dma_semaphore, #tpu.memory_space<semaphore_mem>>) src(%dma_wait3A_75 : memref<40x128xi32, #tpu.memory_space<hbm>>) dst(%arg7 : memref<40x128xi32, #tpu.memory_space<vmem>>)
      tpu.yield
    }) : () -> ()
    %dma_start3A = arith.constant 0 : i32
    %dma_start3A_29 = arith.constant 0 : i32
    %dma_start3A_30 = tpu.memref_slice %arg6[%dma_start3A, %dma_start3A_29] : memref<40x128xi32, #tpu.memory_space<vmem>> -> memref<1x128xi32, #tpu.memory_space<vmem>>
    %dma_start3A_31 = tpu.memref_squeeze %dma_start3A_30 : memref<1x128xi32, #tpu.memory_space<vmem>> -> memref<128xi32, #tpu.memory_space<vmem>>
    %dma_start3A_32 = arith.constant 0 : i32
    %dma_start3A_33 = arith.constant 0 : i32
    %dma_start3A_34 = tpu.memref_slice %arg4[%dma_start3A_32, %dma_start3A_33] : memref<10240x128xf32, #tpu.memory_space<hbm>> -> memref<10240x128xf32, #tpu.memory_space<hbm>>
    tpu.enqueue_indirect_dma source(%dma_start3A_34 : memref<10240x128xf32, #tpu.memory_space<hbm>>) target(%arg8 : memref<128x128xf32, #tpu.memory_space<vmem>>) offsets(%dma_start3A_31 : memref<128xi32, #tpu.memory_space<vmem>>) semaphore(%arg11 : memref<!tpu.dma_semaphore, #tpu.memory_space<semaphore_mem>>)
    %scan3A_35 = arith.constant 0 : i32
    %scan3A_36 = arith.constant 0 : i32
    %scan3A_37 = arith.constant 20 : i32
    %scan3A_38 = arith.addi %scan3A_36, %scan3A_37 : i32
    %scan3A_39 = arith.constant 1 : i32
    %scan3A_40 = scf.for %scan3A_65 = %scan3A_36 to %scan3A_38 step %scan3A_39 iter_args(%scan3A_66 = %scan3A_35) -> (i32)  : i32 {
      %mul3A_67 = arith.constant 2 : i32
      %mul3A_68 = arith.muli %mul3A_67, %scan3A_65 : i32
      %dma_wait3A = arith.constant 0 : i32
      %dma_wait3A_69 = tpu.memref_slice %arg6[%mul3A_68, %dma_wait3A] : memref<40x128xi32, #tpu.memory_space<vmem>> -> memref<1x128xi32, #tpu.memory_space<vmem>>
      %dma_wait3A_70 = tpu.memref_squeeze %dma_wait3A_69 : memref<1x128xi32, #tpu.memory_space<vmem>> -> memref<128xi32, #tpu.memory_space<vmem>>
      %dma_wait3A_71 = arith.constant 0 : i32
      %dma_wait3A_72 = arith.constant 0 : i32
      %dma_wait3A_73 = tpu.memref_slice %arg4[%dma_wait3A_71, %dma_wait3A_72] : memref<10240x128xf32, #tpu.memory_space<hbm>> -> memref<10240x128xf32, #tpu.memory_space<hbm>>
      tpu.wait_indirect_dma semaphore(%arg11 : memref<!tpu.dma_semaphore, #tpu.memory_space<semaphore_mem>>) src(%dma_wait3A_73 : memref<10240x128xf32, #tpu.memory_space<hbm>>) dst(%arg8 : memref<128x128xf32, #tpu.memory_space<vmem>>)
      %add3A_74 = arith.constant 1 : i32
      %add3A_75 = arith.addi %mul3A_68, %add3A_74 : i32
      %dma_start3A_76 = arith.constant 0 : i32
      %dma_start3A_77 = tpu.memref_slice %arg6[%add3A_75, %dma_start3A_76] : memref<40x128xi32, #tpu.memory_space<vmem>> -> memref<1x128xi32, #tpu.memory_space<vmem>>
      %dma_start3A_78 = tpu.memref_squeeze %dma_start3A_77 : memref<1x128xi32, #tpu.memory_space<vmem>> -> memref<128xi32, #tpu.memory_space<vmem>>
      %dma_start3A_79 = arith.constant 0 : i32
      %dma_start3A_80 = arith.constant 0 : i32
      %dma_start3A_81 = tpu.memref_slice %arg4[%dma_start3A_79, %dma_start3A_80] : memref<10240x128xf32, #tpu.memory_space<hbm>> -> memref<10240x128xf32, #tpu.memory_space<hbm>>
      tpu.enqueue_indirect_dma source(%dma_start3A_81 : memref<10240x128xf32, #tpu.memory_space<hbm>>) target(%arg9 : memref<128x128xf32, #tpu.memory_space<vmem>>) offsets(%dma_start3A_78 : memref<128xi32, #tpu.memory_space<vmem>>) semaphore(%arg12 : memref<!tpu.dma_semaphore, #tpu.memory_space<semaphore_mem>>)
      "tpu.region"() ({
        %run_scoped3A = tpu.sem_alloc : memref<!tpu.dma_semaphore, #tpu.memory_space<semaphore_mem>>
        %dma_start3A_97 = arith.constant 0 : i32
        %dma_start3A_98 = tpu.memref_slice %arg7[%mul3A_68, %dma_start3A_97] : memref<40x128xi32, #tpu.memory_space<vmem>> -> memref<1x128xi32, #tpu.memory_space<vmem>>
        %dma_start3A_99 = tpu.memref_squeeze %dma_start3A_98 : memref<1x128xi32, #tpu.memory_space<vmem>> -> memref<128xi32, #tpu.memory_space<vmem>>
        %dma_start3A_100 = arith.constant 0 : i32
        %dma_start3A_101 = arith.constant 0 : i32
        %dma_start3A_102 = tpu.memref_slice %arg10[%dma_start3A_100, %dma_start3A_101] : memref<10240x128xf32, #tpu.memory_space<vmem_shared>> -> memref<10240x128xf32, #tpu.memory_space<vmem_shared>>
        tpu.enqueue_indirect_dma source(%arg8 : memref<128x128xf32, #tpu.memory_space<vmem>>) target(%dma_start3A_102 : memref<10240x128xf32, #tpu.memory_space<vmem_shared>>) offsets(%dma_start3A_99 : memref<128xi32, #tpu.memory_space<vmem>>) semaphore(%run_scoped3A : memref<!tpu.dma_semaphore, #tpu.memory_space<semaphore_mem>>) {add = true}
        %dma_wait3A_103 = arith.constant 0 : i32
        %dma_wait3A_104 = tpu.memref_slice %arg7[%mul3A_68, %dma_wait3A_103] : memref<40x128xi32, #tpu.memory_space<vmem>> -> memref<1x128xi32, #tpu.memory_space<vmem>>
        %dma_wait3A_105 = tpu.memref_squeeze %dma_wait3A_104 : memref<1x128xi32, #tpu.memory_space<vmem>> -> memref<128xi32, #tpu.memory_space<vmem>>
        %dma_wait3A_106 = arith.constant 0 : i32
        %dma_wait3A_107 = arith.constant 0 : i32
        %dma_wait3A_108 = tpu.memref_slice %arg10[%dma_wait3A_106, %dma_wait3A_107] : memref<10240x128xf32, #tpu.memory_space<vmem_shared>> -> memref<10240x128xf32, #tpu.memory_space<vmem_shared>>
        tpu.wait_indirect_dma semaphore(%run_scoped3A : memref<!tpu.dma_semaphore, #tpu.memory_space<semaphore_mem>>) src(%arg8 : memref<128x128xf32, #tpu.memory_space<vmem>>) dst(%dma_wait3A_108 : memref<10240x128xf32, #tpu.memory_space<vmem_shared>>)
        tpu.yield
      }) : () -> ()
      %add3A_82 = arith.constant 1 : i32
      %add3A_83 = arith.addi %mul3A_68, %add3A_82 : i32
      %dma_wait3A_84 = arith.constant 0 : i32
      %dma_wait3A_85 = tpu.memref_slice %arg6[%add3A_83, %dma_wait3A_84] : memref<40x128xi32, #tpu.memory_space<vmem>> -> memref<1x128xi32, #tpu.memory_space<vmem>>
      %dma_wait3A_86 = tpu.memref_squeeze %dma_wait3A_85 : memref<1x128xi32, #tpu.memory_space<vmem>> -> memref<128xi32, #tpu.memory_space<vmem>>
      %dma_wait3A_87 = arith.constant 0 : i32
      %dma_wait3A_88 = arith.constant 0 : i32
      %dma_wait3A_89 = tpu.memref_slice %arg4[%dma_wait3A_87, %dma_wait3A_88] : memref<10240x128xf32, #tpu.memory_space<hbm>> -> memref<10240x128xf32, #tpu.memory_space<hbm>>
      tpu.wait_indirect_dma semaphore(%arg12 : memref<!tpu.dma_semaphore, #tpu.memory_space<semaphore_mem>>) src(%dma_wait3A_89 : memref<10240x128xf32, #tpu.memory_space<hbm>>) dst(%arg9 : memref<128x128xf32, #tpu.memory_space<vmem>>)
      %add3A_90 = arith.constant 1 : i32
      %add3A_91 = arith.addi %scan3A_65, %add3A_90 : i32
      %lt3A = arith.constant 20 : i32
      %lt3A_92 = arith.cmpi slt, %add3A_91, %lt3A : i32
      %convert_element_type3A = arith.extui %lt3A_92 : i1 to i32
      %cond3A = arith.constant 0 : i32
      %cond3A_93 = arith.cmpi ne, %convert_element_type3A, %cond3A : i32
      scf.if %cond3A_93 {
        %add3A_97 = arith.constant 2 : i32
        %add3A_98 = arith.addi %mul3A_68, %add3A_97 : i32
        %dma_start3A_99 = arith.constant 0 : i32
        %dma_start3A_100 = tpu.memref_slice %arg6[%add3A_98, %dma_start3A_99] : memref<40x128xi32, #tpu.memory_space<vmem>> -> memref<1x128xi32, #tpu.memory_space<vmem>>
        %dma_start3A_101 = tpu.memref_squeeze %dma_start3A_100 : memref<1x128xi32, #tpu.memory_space<vmem>> -> memref<128xi32, #tpu.memory_space<vmem>>
        %dma_start3A_102 = arith.constant 0 : i32
        %dma_start3A_103 = arith.constant 0 : i32
        %dma_start3A_104 = tpu.memref_slice %arg4[%dma_start3A_102, %dma_start3A_103] : memref<10240x128xf32, #tpu.memory_space<hbm>> -> memref<10240x128xf32, #tpu.memory_space<hbm>>
        tpu.enqueue_indirect_dma source(%dma_start3A_104 : memref<10240x128xf32, #tpu.memory_space<hbm>>) target(%arg8 : memref<128x128xf32, #tpu.memory_space<vmem>>) offsets(%dma_start3A_101 : memref<128xi32, #tpu.memory_space<vmem>>) semaphore(%arg11 : memref<!tpu.dma_semaphore, #tpu.memory_space<semaphore_mem>>)
      } else {
      }
      %add3A_94 = arith.constant 1 : i32
      %add3A_95 = arith.addi %mul3A_68, %add3A_94 : i32
      "tpu.region"() ({
        %run_scoped3A = tpu.sem_alloc : memref<!tpu.dma_semaphore, #tpu.memory_space<semaphore_mem>>
        %dma_start3A_97 = arith.constant 0 : i32
        %dma_start3A_98 = tpu.memref_slice %arg7[%add3A_95, %dma_start3A_97] : memref<40x128xi32, #tpu.memory_space<vmem>> -> memref<1x128xi32, #tpu.memory_space<vmem>>
        %dma_start3A_99 = tpu.memref_squeeze %dma_start3A_98 : memref<1x128xi32, #tpu.memory_space<vmem>> -> memref<128xi32, #tpu.memory_space<vmem>>
        %dma_start3A_100 = arith.constant 0 : i32
        %dma_start3A_101 = arith.constant 0 : i32
        %dma_start3A_102 = tpu.memref_slice %arg10[%dma_start3A_100, %dma_start3A_101] : memref<10240x128xf32, #tpu.memory_space<vmem_shared>> -> memref<10240x128xf32, #tpu.memory_space<vmem_shared>>
        tpu.enqueue_indirect_dma source(%arg9 : memref<128x128xf32, #tpu.memory_space<vmem>>) target(%dma_start3A_102 : memref<10240x128xf32, #tpu.memory_space<vmem_shared>>) offsets(%dma_start3A_99 : memref<128xi32, #tpu.memory_space<vmem>>) semaphore(%run_scoped3A : memref<!tpu.dma_semaphore, #tpu.memory_space<semaphore_mem>>) {add = true}
        %dma_wait3A_103 = arith.constant 0 : i32
        %dma_wait3A_104 = tpu.memref_slice %arg7[%add3A_95, %dma_wait3A_103] : memref<40x128xi32, #tpu.memory_space<vmem>> -> memref<1x128xi32, #tpu.memory_space<vmem>>
        %dma_wait3A_105 = tpu.memref_squeeze %dma_wait3A_104 : memref<1x128xi32, #tpu.memory_space<vmem>> -> memref<128xi32, #tpu.memory_space<vmem>>
        %dma_wait3A_106 = arith.constant 0 : i32
        %dma_wait3A_107 = arith.constant 0 : i32
        %dma_wait3A_108 = tpu.memref_slice %arg10[%dma_wait3A_106, %dma_wait3A_107] : memref<10240x128xf32, #tpu.memory_space<vmem_shared>> -> memref<10240x128xf32, #tpu.memory_space<vmem_shared>>
        tpu.wait_indirect_dma semaphore(%run_scoped3A : memref<!tpu.dma_semaphore, #tpu.memory_space<semaphore_mem>>) src(%arg9 : memref<128x128xf32, #tpu.memory_space<vmem>>) dst(%dma_wait3A_108 : memref<10240x128xf32, #tpu.memory_space<vmem_shared>>)
        tpu.yield
      }) : () -> ()
      %scan3A_96 = arith.constant 0 : i32
      scf.yield %scan3A_96 : i32
    }
    %scan3A_41 = arith.constant 20 : i32
    %mul3A_42 = arith.constant 80 : i32
    %mul3A_43 = arith.muli %arg0, %mul3A_42 : i32
    %add3A_44 = arith.constant 40 : i32
    %add3A_45 = arith.addi %mul3A_43, %add3A_44 : i32
    "tpu.region"() ({
      %run_scoped3A = tpu.sem_alloc : memref<!tpu.dma_semaphore, #tpu.memory_space<semaphore_mem>>
      %dma_start3A_65 = arith.constant 0 : i32
      %dma_start3A_66 = tpu.memref_slice %arg2[%arg1, %add3A_45, %dma_start3A_65] : memref<16x160x128xi32, #tpu.memory_space<hbm>> -> memref<1x40x128xi32, #tpu.memory_space<hbm>>
      %dma_start3A_67 = tpu.memref_squeeze %dma_start3A_66 : memref<1x40x128xi32, #tpu.memory_space<hbm>> -> memref<40x128xi32, #tpu.memory_space<hbm>>
      %dma_start3A_68 = arith.constant 0 : i32
      %dma_start3A_69 = tpu.memref_slice %arg2[%arg1, %add3A_45, %dma_start3A_68] : memref<16x160x128xi32, #tpu.memory_space<hbm>> -> memref<1x40x128xi32, #tpu.memory_space<hbm>>
      %dma_start3A_70 = tpu.memref_squeeze %dma_start3A_69 : memref<1x40x128xi32, #tpu.memory_space<hbm>> -> memref<40x128xi32, #tpu.memory_space<hbm>>
      tpu.enqueue_dma source(%dma_start3A_70 : memref<40x128xi32, #tpu.memory_space<hbm>>) target(%arg6 : memref<40x128xi32, #tpu.memory_space<vmem>>) target_semaphore(%run_scoped3A : memref<!tpu.dma_semaphore, #tpu.memory_space<semaphore_mem>>)
      %dma_wait3A = arith.constant 0 : i32
      %dma_wait3A_71 = tpu.memref_slice %arg2[%arg1, %add3A_45, %dma_wait3A] : memref<16x160x128xi32, #tpu.memory_space<hbm>> -> memref<1x40x128xi32, #tpu.memory_space<hbm>>
      %dma_wait3A_72 = tpu.memref_squeeze %dma_wait3A_71 : memref<1x40x128xi32, #tpu.memory_space<hbm>> -> memref<40x128xi32, #tpu.memory_space<hbm>>
      %dma_wait3A_73 = arith.constant 0 : i32
      %dma_wait3A_74 = tpu.memref_slice %arg2[%arg1, %add3A_45, %dma_wait3A_73] : memref<16x160x128xi32, #tpu.memory_space<hbm>> -> memref<1x40x128xi32, #tpu.memory_space<hbm>>
      %dma_wait3A_75 = tpu.memref_squeeze %dma_wait3A_74 : memref<1x40x128xi32, #tpu.memory_space<hbm>> -> memref<40x128xi32, #tpu.memory_space<hbm>>
      tpu.wait_dma2 semaphore(%run_scoped3A : memref<!tpu.dma_semaphore, #tpu.memory_space<semaphore_mem>>) src(%dma_wait3A_75 : memref<40x128xi32, #tpu.memory_space<hbm>>) dst(%arg6 : memref<40x128xi32, #tpu.memory_space<vmem>>)
      tpu.yield
    }) : () -> ()
    "tpu.region"() ({
      %run_scoped3A = tpu.sem_alloc : memref<!tpu.dma_semaphore, #tpu.memory_space<semaphore_mem>>
      %dma_start3A_65 = arith.constant 0 : i32
      %dma_start3A_66 = tpu.memref_slice %arg3[%arg1, %add3A_45, %dma_start3A_65] : memref<16x160x128xi32, #tpu.memory_space<hbm>> -> memref<1x40x128xi32, #tpu.memory_space<hbm>>
      %dma_start3A_67 = tpu.memref_squeeze %dma_start3A_66 : memref<1x40x128xi32, #tpu.memory_space<hbm>> -> memref<40x128xi32, #tpu.memory_space<hbm>>
      %dma_start3A_68 = arith.constant 0 : i32
      %dma_start3A_69 = tpu.memref_slice %arg3[%arg1, %add3A_45, %dma_start3A_68] : memref<16x160x128xi32, #tpu.memory_space<hbm>> -> memref<1x40x128xi32, #tpu.memory_space<hbm>>
      %dma_start3A_70 = tpu.memref_squeeze %dma_start3A_69 : memref<1x40x128xi32, #tpu.memory_space<hbm>> -> memref<40x128xi32, #tpu.memory_space<hbm>>
      tpu.enqueue_dma source(%dma_start3A_70 : memref<40x128xi32, #tpu.memory_space<hbm>>) target(%arg7 : memref<40x128xi32, #tpu.memory_space<vmem>>) target_semaphore(%run_scoped3A : memref<!tpu.dma_semaphore, #tpu.memory_space<semaphore_mem>>)
      %dma_wait3A = arith.constant 0 : i32
      %dma_wait3A_71 = tpu.memref_slice %arg3[%arg1, %add3A_45, %dma_wait3A] : memref<16x160x128xi32, #tpu.memory_space<hbm>> -> memref<1x40x128xi32, #tpu.memory_space<hbm>>
      %dma_wait3A_72 = tpu.memref_squeeze %dma_wait3A_71 : memref<1x40x128xi32, #tpu.memory_space<hbm>> -> memref<40x128xi32, #tpu.memory_space<hbm>>
      %dma_wait3A_73 = arith.constant 0 : i32
      %dma_wait3A_74 = tpu.memref_slice %arg3[%arg1, %add3A_45, %dma_wait3A_73] : memref<16x160x128xi32, #tpu.memory_space<hbm>> -> memref<1x40x128xi32, #tpu.memory_space<hbm>>
      %dma_wait3A_75 = tpu.memref_squeeze %dma_wait3A_74 : memref<1x40x128xi32, #tpu.memory_space<hbm>> -> memref<40x128xi32, #tpu.memory_space<hbm>>
      tpu.wait_dma2 semaphore(%run_scoped3A : memref<!tpu.dma_semaphore, #tpu.memory_space<semaphore_mem>>) src(%dma_wait3A_75 : memref<40x128xi32, #tpu.memory_space<hbm>>) dst(%arg7 : memref<40x128xi32, #tpu.memory_space<vmem>>)
      tpu.yield
    }) : () -> ()
    %dma_start3A_46 = arith.constant 0 : i32
    %dma_start3A_47 = arith.constant 0 : i32
    %dma_start3A_48 = tpu.memref_slice %arg6[%dma_start3A_46, %dma_start3A_47] : memref<40x128xi32, #tpu.memory_space<vmem>> -> memref<1x128xi32, #tpu.memory_space<vmem>>
    %dma_start3A_49 = tpu.memref_squeeze %dma_start3A_48 : memref<1x128xi32, #tpu.memory_space<vmem>> -> memref<128xi32, #tpu.memory_space<vmem>>
    %dma_start3A_50 = arith.constant 0 : i32
    %dma_start3A_51 = arith.constant 0 : i32
    %dma_start3A_52 = tpu.memref_slice %arg4[%dma_start3A_50, %dma_start3A_51] : memref<10240x128xf32, #tpu.memory_space<hbm>> -> memref<10240x128xf32, #tpu.memory_space<hbm>>
    tpu.enqueue_indirect_dma source(%dma_start3A_52 : memref<10240x128xf32, #tpu.memory_space<hbm>>) target(%arg8 : memref<128x128xf32, #tpu.memory_space<vmem>>) offsets(%dma_start3A_49 : memref<128xi32, #tpu.memory_space<vmem>>) semaphore(%arg11 : memref<!tpu.dma_semaphore, #tpu.memory_space<semaphore_mem>>)
    %scan3A_53 = arith.constant 0 : i32
    %scan3A_54 = arith.constant 0 : i32
    %scan3A_55 = arith.constant 20 : i32
    %scan3A_56 = arith.addi %scan3A_54, %scan3A_55 : i32
    %scan3A_57 = arith.constant 1 : i32
    %scan3A_58 = scf.for %scan3A_65 = %scan3A_54 to %scan3A_56 step %scan3A_57 iter_args(%scan3A_66 = %scan3A_53) -> (i32)  : i32 {
      %mul3A_67 = arith.constant 2 : i32
      %mul3A_68 = arith.muli %mul3A_67, %scan3A_65 : i32
      %dma_wait3A = arith.constant 0 : i32
      %dma_wait3A_69 = tpu.memref_slice %arg6[%mul3A_68, %dma_wait3A] : memref<40x128xi32, #tpu.memory_space<vmem>> -> memref<1x128xi32, #tpu.memory_space<vmem>>
      %dma_wait3A_70 = tpu.memref_squeeze %dma_wait3A_69 : memref<1x128xi32, #tpu.memory_space<vmem>> -> memref<128xi32, #tpu.memory_space<vmem>>
      %dma_wait3A_71 = arith.constant 0 : i32
      %dma_wait3A_72 = arith.constant 0 : i32
      %dma_wait3A_73 = tpu.memref_slice %arg4[%dma_wait3A_71, %dma_wait3A_72] : memref<10240x128xf32, #tpu.memory_space<hbm>> -> memref<10240x128xf32, #tpu.memory_space<hbm>>
      tpu.wait_indirect_dma semaphore(%arg11 : memref<!tpu.dma_semaphore, #tpu.memory_space<semaphore_mem>>) src(%dma_wait3A_73 : memref<10240x128xf32, #tpu.memory_space<hbm>>) dst(%arg8 : memref<128x128xf32, #tpu.memory_space<vmem>>)
      %add3A_74 = arith.constant 1 : i32
      %add3A_75 = arith.addi %mul3A_68, %add3A_74 : i32
      %dma_start3A_76 = arith.constant 0 : i32
      %dma_start3A_77 = tpu.memref_slice %arg6[%add3A_75, %dma_start3A_76] : memref<40x128xi32, #tpu.memory_space<vmem>> -> memref<1x128xi32, #tpu.memory_space<vmem>>
      %dma_start3A_78 = tpu.memref_squeeze %dma_start3A_77 : memref<1x128xi32, #tpu.memory_space<vmem>> -> memref<128xi32, #tpu.memory_space<vmem>>
      %dma_start3A_79 = arith.constant 0 : i32
      %dma_start3A_80 = arith.constant 0 : i32
      %dma_start3A_81 = tpu.memref_slice %arg4[%dma_start3A_79, %dma_start3A_80] : memref<10240x128xf32, #tpu.memory_space<hbm>> -> memref<10240x128xf32, #tpu.memory_space<hbm>>
      tpu.enqueue_indirect_dma source(%dma_start3A_81 : memref<10240x128xf32, #tpu.memory_space<hbm>>) target(%arg9 : memref<128x128xf32, #tpu.memory_space<vmem>>) offsets(%dma_start3A_78 : memref<128xi32, #tpu.memory_space<vmem>>) semaphore(%arg12 : memref<!tpu.dma_semaphore, #tpu.memory_space<semaphore_mem>>)
      "tpu.region"() ({
        %run_scoped3A = tpu.sem_alloc : memref<!tpu.dma_semaphore, #tpu.memory_space<semaphore_mem>>
        %dma_start3A_97 = arith.constant 0 : i32
        %dma_start3A_98 = tpu.memref_slice %arg7[%mul3A_68, %dma_start3A_97] : memref<40x128xi32, #tpu.memory_space<vmem>> -> memref<1x128xi32, #tpu.memory_space<vmem>>
        %dma_start3A_99 = tpu.memref_squeeze %dma_start3A_98 : memref<1x128xi32, #tpu.memory_space<vmem>> -> memref<128xi32, #tpu.memory_space<vmem>>
        %dma_start3A_100 = arith.constant 0 : i32
        %dma_start3A_101 = arith.constant 0 : i32
        %dma_start3A_102 = tpu.memref_slice %arg10[%dma_start3A_100, %dma_start3A_101] : memref<10240x128xf32, #tpu.memory_space<vmem_shared>> -> memref<10240x128xf32, #tpu.memory_space<vmem_shared>>
        tpu.enqueue_indirect_dma source(%arg8 : memref<128x128xf32, #tpu.memory_space<vmem>>) target(%dma_start3A_102 : memref<10240x128xf32, #tpu.memory_space<vmem_shared>>) offsets(%dma_start3A_99 : memref<128xi32, #tpu.memory_space<vmem>>) semaphore(%run_scoped3A : memref<!tpu.dma_semaphore, #tpu.memory_space<semaphore_mem>>) {add = true}
        %dma_wait3A_103 = arith.constant 0 : i32
        %dma_wait3A_104 = tpu.memref_slice %arg7[%mul3A_68, %dma_wait3A_103] : memref<40x128xi32, #tpu.memory_space<vmem>> -> memref<1x128xi32, #tpu.memory_space<vmem>>
        %dma_wait3A_105 = tpu.memref_squeeze %dma_wait3A_104 : memref<1x128xi32, #tpu.memory_space<vmem>> -> memref<128xi32, #tpu.memory_space<vmem>>
        %dma_wait3A_106 = arith.constant 0 : i32
        %dma_wait3A_107 = arith.constant 0 : i32
        %dma_wait3A_108 = tpu.memref_slice %arg10[%dma_wait3A_106, %dma_wait3A_107] : memref<10240x128xf32, #tpu.memory_space<vmem_shared>> -> memref<10240x128xf32, #tpu.memory_space<vmem_shared>>
        tpu.wait_indirect_dma semaphore(%run_scoped3A : memref<!tpu.dma_semaphore, #tpu.memory_space<semaphore_mem>>) src(%arg8 : memref<128x128xf32, #tpu.memory_space<vmem>>) dst(%dma_wait3A_108 : memref<10240x128xf32, #tpu.memory_space<vmem_shared>>)
        tpu.yield
      }) : () -> ()
      %add3A_82 = arith.constant 1 : i32
      %add3A_83 = arith.addi %mul3A_68, %add3A_82 : i32
      %dma_wait3A_84 = arith.constant 0 : i32
      %dma_wait3A_85 = tpu.memref_slice %arg6[%add3A_83, %dma_wait3A_84] : memref<40x128xi32, #tpu.memory_space<vmem>> -> memref<1x128xi32, #tpu.memory_space<vmem>>
      %dma_wait3A_86 = tpu.memref_squeeze %dma_wait3A_85 : memref<1x128xi32, #tpu.memory_space<vmem>> -> memref<128xi32, #tpu.memory_space<vmem>>
      %dma_wait3A_87 = arith.constant 0 : i32
      %dma_wait3A_88 = arith.constant 0 : i32
      %dma_wait3A_89 = tpu.memref_slice %arg4[%dma_wait3A_87, %dma_wait3A_88] : memref<10240x128xf32, #tpu.memory_space<hbm>> -> memref<10240x128xf32, #tpu.memory_space<hbm>>
      tpu.wait_indirect_dma semaphore(%arg12 : memref<!tpu.dma_semaphore, #tpu.memory_space<semaphore_mem>>) src(%dma_wait3A_89 : memref<10240x128xf32, #tpu.memory_space<hbm>>) dst(%arg9 : memref<128x128xf32, #tpu.memory_space<vmem>>)
      %add3A_90 = arith.constant 1 : i32
      %add3A_91 = arith.addi %scan3A_65, %add3A_90 : i32
      %lt3A = arith.constant 20 : i32
      %lt3A_92 = arith.cmpi slt, %add3A_91, %lt3A : i32
      %convert_element_type3A = arith.extui %lt3A_92 : i1 to i32
      %cond3A = arith.constant 0 : i32
      %cond3A_93 = arith.cmpi ne, %convert_element_type3A, %cond3A : i32
      scf.if %cond3A_93 {
        %add3A_97 = arith.constant 2 : i32
        %add3A_98 = arith.addi %mul3A_68, %add3A_97 : i32
        %dma_start3A_99 = arith.constant 0 : i32
        %dma_start3A_100 = tpu.memref_slice %arg6[%add3A_98, %dma_start3A_99] : memref<40x128xi32, #tpu.memory_space<vmem>> -> memref<1x128xi32, #tpu.memory_space<vmem>>
        %dma_start3A_101 = tpu.memref_squeeze %dma_start3A_100 : memref<1x128xi32, #tpu.memory_space<vmem>> -> memref<128xi32, #tpu.memory_space<vmem>>
        %dma_start3A_102 = arith.constant 0 : i32
        %dma_start3A_103 = arith.constant 0 : i32
        %dma_start3A_104 = tpu.memref_slice %arg4[%dma_start3A_102, %dma_start3A_103] : memref<10240x128xf32, #tpu.memory_space<hbm>> -> memref<10240x128xf32, #tpu.memory_space<hbm>>
        tpu.enqueue_indirect_dma source(%dma_start3A_104 : memref<10240x128xf32, #tpu.memory_space<hbm>>) target(%arg8 : memref<128x128xf32, #tpu.memory_space<vmem>>) offsets(%dma_start3A_101 : memref<128xi32, #tpu.memory_space<vmem>>) semaphore(%arg11 : memref<!tpu.dma_semaphore, #tpu.memory_space<semaphore_mem>>)
      } else {
      }
      %add3A_94 = arith.constant 1 : i32
      %add3A_95 = arith.addi %mul3A_68, %add3A_94 : i32
      "tpu.region"() ({
        %run_scoped3A = tpu.sem_alloc : memref<!tpu.dma_semaphore, #tpu.memory_space<semaphore_mem>>
        %dma_start3A_97 = arith.constant 0 : i32
        %dma_start3A_98 = tpu.memref_slice %arg7[%add3A_95, %dma_start3A_97] : memref<40x128xi32, #tpu.memory_space<vmem>> -> memref<1x128xi32, #tpu.memory_space<vmem>>
        %dma_start3A_99 = tpu.memref_squeeze %dma_start3A_98 : memref<1x128xi32, #tpu.memory_space<vmem>> -> memref<128xi32, #tpu.memory_space<vmem>>
        %dma_start3A_100 = arith.constant 0 : i32
        %dma_start3A_101 = arith.constant 0 : i32
        %dma_start3A_102 = tpu.memref_slice %arg10[%dma_start3A_100, %dma_start3A_101] : memref<10240x128xf32, #tpu.memory_space<vmem_shared>> -> memref<10240x128xf32, #tpu.memory_space<vmem_shared>>
        tpu.enqueue_indirect_dma source(%arg9 : memref<128x128xf32, #tpu.memory_space<vmem>>) target(%dma_start3A_102 : memref<10240x128xf32, #tpu.memory_space<vmem_shared>>) offsets(%dma_start3A_99 : memref<128xi32, #tpu.memory_space<vmem>>) semaphore(%run_scoped3A : memref<!tpu.dma_semaphore, #tpu.memory_space<semaphore_mem>>) {add = true}
        %dma_wait3A_103 = arith.constant 0 : i32
        %dma_wait3A_104 = tpu.memref_slice %arg7[%add3A_95, %dma_wait3A_103] : memref<40x128xi32, #tpu.memory_space<vmem>> -> memref<1x128xi32, #tpu.memory_space<vmem>>
        %dma_wait3A_105 = tpu.memref_squeeze %dma_wait3A_104 : memref<1x128xi32, #tpu.memory_space<vmem>> -> memref<128xi32, #tpu.memory_space<vmem>>
        %dma_wait3A_106 = arith.constant 0 : i32
        %dma_wait3A_107 = arith.constant 0 : i32
        %dma_wait3A_108 = tpu.memref_slice %arg10[%dma_wait3A_106, %dma_wait3A_107] : memref<10240x128xf32, #tpu.memory_space<vmem_shared>> -> memref<10240x128xf32, #tpu.memory_space<vmem_shared>>
        tpu.wait_indirect_dma semaphore(%run_scoped3A : memref<!tpu.dma_semaphore, #tpu.memory_space<semaphore_mem>>) src(%arg9 : memref<128x128xf32, #tpu.memory_space<vmem>>) dst(%dma_wait3A_108 : memref<10240x128xf32, #tpu.memory_space<vmem_shared>>)
        tpu.yield
      }) : () -> ()
      %scan3A_96 = arith.constant 0 : i32
      scf.yield %scan3A_96 : i32
    }
    %scan3A_59 = arith.constant 20 : i32
    %barrier3A_60 = arith.constant 0 : index
    tpu.barrier barrier_id(%barrier3A_60)
    %mul3A_61 = arith.constant 640 : i32
    %mul3A_62 = arith.muli %arg1, %mul3A_61 : i32
    %mul3A_63 = arith.constant 640 : i32
    %mul3A_64 = arith.muli %arg1, %mul3A_63 : i32
    "tpu.region"() ({
      %run_scoped3A = tpu.sem_alloc : memref<!tpu.dma_semaphore, #tpu.memory_space<semaphore_mem>>
      %dma_start3A_65 = arith.constant 0 : i32
      %dma_start3A_66 = tpu.memref_slice %arg5[%arg0, %mul3A_64, %dma_start3A_65] : memref<2x10240x128xf32, #tpu.memory_space<hbm>> -> memref<1x640x128xf32, #tpu.memory_space<hbm>>
      %dma_start3A_67 = tpu.memref_squeeze %dma_start3A_66 : memref<1x640x128xf32, #tpu.memory_space<hbm>> -> memref<640x128xf32, #tpu.memory_space<hbm>>
      %dma_start3A_68 = arith.constant 0 : i32
      %dma_start3A_69 = tpu.memref_slice %arg10[%mul3A_62, %dma_start3A_68] : memref<10240x128xf32, #tpu.memory_space<vmem_shared>> -> memref<640x128xf32, #tpu.memory_space<vmem_shared>>
      tpu.enqueue_dma source(%dma_start3A_69 : memref<640x128xf32, #tpu.memory_space<vmem_shared>>) target(%dma_start3A_67 : memref<640x128xf32, #tpu.memory_space<hbm>>) target_semaphore(%run_scoped3A : memref<!tpu.dma_semaphore, #tpu.memory_space<semaphore_mem>>)
      %dma_wait3A = arith.constant 0 : i32
      %dma_wait3A_70 = tpu.memref_slice %arg5[%arg0, %mul3A_64, %dma_wait3A] : memref<2x10240x128xf32, #tpu.memory_space<hbm>> -> memref<1x640x128xf32, #tpu.memory_space<hbm>>
      %dma_wait3A_71 = tpu.memref_squeeze %dma_wait3A_70 : memref<1x640x128xf32, #tpu.memory_space<hbm>> -> memref<640x128xf32, #tpu.memory_space<hbm>>
      %dma_wait3A_72 = arith.constant 0 : i32
      %dma_wait3A_73 = tpu.memref_slice %arg10[%mul3A_62, %dma_wait3A_72] : memref<10240x128xf32, #tpu.memory_space<vmem_shared>> -> memref<640x128xf32, #tpu.memory_space<vmem_shared>>
      tpu.wait_dma2 semaphore(%run_scoped3A : memref<!tpu.dma_semaphore, #tpu.memory_space<semaphore_mem>>) src(%dma_wait3A_73 : memref<640x128xf32, #tpu.memory_space<vmem_shared>>) dst(%dma_wait3A_71 : memref<640x128xf32, #tpu.memory_space<hbm>>)
      tpu.yield
    }) : () -> ()
    return
  }
}

#map = affine_map<(d0, d1) -> (0, 0, 0)>
#map1 = affine_map<(d0, d1) -> (0, 0)>
module attributes {stable_mosaic.version = 14 : i64} {
  func.func @scatter_kernel(%arg0: i32, %arg1: i32, %arg2: memref<16x160x128xi32, #tpu.memory_space<hbm>>, %arg3: memref<16x160x128xi32, #tpu.memory_space<hbm>>, %arg4: memref<10240x128xf32, #tpu.memory_space<hbm>>, %arg5: memref<2x10240x128xf32, #tpu.memory_space<hbm>>, %arg6: memref<40x128xi32, #tpu.memory_space<vmem>>, %arg7: memref<40x128xi32, #tpu.memory_space<vmem>>, %arg8: memref<128x128xf32, #tpu.memory_space<vmem>>, %arg9: memref<128x128xf32, #tpu.memory_space<vmem>>, %arg10: memref<10240x128xf32, #tpu.memory_space<vmem_shared>>, %arg11: memref<!tpu.dma_semaphore, #tpu.memory_space<semaphore_mem>>, %arg12: memref<!tpu.dma_semaphore, #tpu.memory_space<semaphore_mem>>) attributes {dimension_semantics = [#tpu.dimension_semantics<core_parallel>, #tpu.dimension_semantics<subcore_parallel>], iteration_bounds = array<i64: 2, 16>, scalar_prefetch = 0 : i64, scratch_operands = 7 : i64, tpu.core_type = #tpu.core_type<sc_vector_subcore>, window_params = [{transform_indices = #map}, {transform_indices = #map}, {transform_indices = #map1}, {transform_indices = #map}]} {
    %broadcast_in_dim3A = arith.constant 0.000000e+00 : f32
    %broadcast_in_dim3A_0 = vector.broadcast %broadcast_in_dim3A : f32 to vector<16xf32>
    %scan3A = arith.constant 0 : i32
    %scan3A_1 = arith.constant 0 : i32
    %scan3A_2 = arith.constant 128 : i32
    %scan3A_3 = arith.addi %scan3A_1, %scan3A_2 : i32
    %scan3A_4 = arith.constant 1 : i32
    %scan3A_5 = scf.for %scan3A_65 = %scan3A_1 to %scan3A_3 step %scan3A_4 iter_args(%scan3A_66 = %scan3A) -> (i32)  : i32 {
      %swap3A = arith.index_cast %scan3A_65 : i32 to index
      %swap3A_67 = arith.constant 0 : index
      %swap3A_68 = tpu.vector_load %arg8[%swap3A, %swap3A_67] {strides = array<i32>} : memref<128x128xf32, #tpu.memory_space<vmem>>, vector<1x16xf32>,
      %swap3A_69 = vector.shape_cast %swap3A_68 : vector<1x16xf32> to vector<16xf32>
      %swap3A_70 = vector.shape_cast %broadcast_in_dim3A_0 : vector<16xf32> to vector<1x16xf32>
      tpu.vector_store %arg8[%swap3A, %swap3A_67], %swap3A_70 {strides = array<i32>} : memref<128x128xf32, #tpu.memory_space<vmem>>, vector<1x16xf32>,
      %swap3A_71 = arith.index_cast %scan3A_65 : i32 to index
      %swap3A_72 = arith.constant 16 : index
      %swap3A_73 = tpu.vector_load %arg8[%swap3A_71, %swap3A_72] {strides = array<i32>} : memref<128x128xf32, #tpu.memory_space<vmem>>, vector<1x16xf32>,
      %swap3A_74 = vector.shape_cast %swap3A_73 : vector<1x16xf32> to vector<16xf32>
      %swap3A_75 = vector.shape_cast %broadcast_in_dim3A_0 : vector<16xf32> to vector<1x16xf32>
      tpu.vector_store %arg8[%swap3A_71, %swap3A_72], %swap3A_75 {strides = array<i32>} : memref<128x128xf32, #tpu.memory_space<vmem>>, vector<1x16xf32>,
      %swap3A_76 = arith.index_cast %scan3A_65 : i32 to index
      %swap3A_77 = arith.constant 32 : index
      %swap3A_78 = tpu.vector_load %arg8[%swap3A_76, %swap3A_77] {strides = array<i32>} : memref<128x128xf32, #tpu.memory_space<vmem>>, vector<1x16xf32>,
      %swap3A_79 = vector.shape_cast %swap3A_78 : vector<1x16xf32> to vector<16xf32>
      %swap3A_80 = vector.shape_cast %broadcast_in_dim3A_0 : vector<16xf32> to vector<1x16xf32>
      tpu.vector_store %arg8[%swap3A_76, %swap3A_77], %swap3A_80 {strides = array<i32>} : memref<128x128xf32, #tpu.memory_space<vmem>>, vector<1x16xf32>,
      %swap3A_81 = arith.index_cast %scan3A_65 : i32 to index
      %swap3A_82 = arith.constant 48 : index
      %swap3A_83 = tpu.vector_load %arg8[%swap3A_81, %swap3A_82] {strides = array<i32>} : memref<128x128xf32, #tpu.memory_space<vmem>>, vector<1x16xf32>,
      %swap3A_84 = vector.shape_cast %swap3A_83 : vector<1x16xf32> to vector<16xf32>
      %swap3A_85 = vector.shape_cast %broadcast_in_dim3A_0 : vector<16xf32> to vector<1x16xf32>
      tpu.vector_store %arg8[%swap3A_81, %swap3A_82], %swap3A_85 {strides = array<i32>} : memref<128x128xf32, #tpu.memory_space<vmem>>, vector<1x16xf32>,
      %swap3A_86 = arith.index_cast %scan3A_65 : i32 to index
      %swap3A_87 = arith.constant 64 : index
      %swap3A_88 = tpu.vector_load %arg8[%swap3A_86, %swap3A_87] {strides = array<i32>} : memref<128x128xf32, #tpu.memory_space<vmem>>, vector<1x16xf32>,
      %swap3A_89 = vector.shape_cast %swap3A_88 : vector<1x16xf32> to vector<16xf32>
      %swap3A_90 = vector.shape_cast %broadcast_in_dim3A_0 : vector<16xf32> to vector<1x16xf32>
      tpu.vector_store %arg8[%swap3A_86, %swap3A_87], %swap3A_90 {strides = array<i32>} : memref<128x128xf32, #tpu.memory_space<vmem>>, vector<1x16xf32>,
      %swap3A_91 = arith.index_cast %scan3A_65 : i32 to index
      %swap3A_92 = arith.constant 80 : index
      %swap3A_93 = tpu.vector_load %arg8[%swap3A_91, %swap3A_92] {strides = array<i32>} : memref<128x128xf32, #tpu.memory_space<vmem>>, vector<1x16xf32>,
      %swap3A_94 = vector.shape_cast %swap3A_93 : vector<1x16xf32> to vector<16xf32>
      %swap3A_95 = vector.shape_cast %broadcast_in_dim3A_0 : vector<16xf32> to vector<1x16xf32>
      tpu.vector_store %arg8[%swap3A_91, %swap3A_92], %swap3A_95 {strides = array<i32>} : memref<128x128xf32, #tpu.memory_space<vmem>>, vector<1x16xf32>,
      %swap3A_96 = arith.index_cast %scan3A_65 : i32 to index
      %swap3A_97 = arith.constant 96 : index
      %swap3A_98 = tpu.vector_load %arg8[%swap3A_96, %swap3A_97] {strides = array<i32>} : memref<128x128xf32, #tpu.memory_space<vmem>>, vector<1x16xf32>,
      %swap3A_99 = vector.shape_cast %swap3A_98 : vector<1x16xf32> to vector<16xf32>
      %swap3A_100 = vector.shape_cast %broadcast_in_dim3A_0 : vector<16xf32> to vector<1x16xf32>
      tpu.vector_store %arg8[%swap3A_96, %swap3A_97], %swap3A_100 {strides = array<i32>} : memref<128x128xf32, #tpu.memory_space<vmem>>, vector<1x16xf32>,
      %swap3A_101 = arith.index_cast %scan3A_65 : i32 to index
      %swap3A_102 = arith.constant 112 : index
      %swap3A_103 = tpu.vector_load %arg8[%swap3A_101, %swap3A_102] {strides = array<i32>} : memref<128x128xf32, #tpu.memory_space<vmem>>, vector<1x16xf32>,
      %swap3A_104 = vector.shape_cast %swap3A_103 : vector<1x16xf32> to vector<16xf32>
      %swap3A_105 = vector.shape_cast %broadcast_in_dim3A_0 : vector<16xf32> to vector<1x16xf32>
      tpu.vector_store %arg8[%swap3A_101, %swap3A_102], %swap3A_105 {strides = array<i32>} : memref<128x128xf32, #tpu.memory_space<vmem>>, vector<1x16xf32>,
      %scan3A_106 = arith.constant 0 : i32
      scf.yield %scan3A_106 : i32
    }
    %scan3A_6 = arith.constant 128 : i32
    %mul3A = arith.constant 640 : i32
    %mul3A_7 = arith.muli %arg1, %mul3A : i32
    %add3A = arith.constant 0 : i32
    %add3A_8 = arith.addi %mul3A_7, %add3A : i32
    "tpu.region"() ({
      %run_scoped3A = tpu.sem_alloc : memref<!tpu.dma_semaphore, #tpu.memory_space<semaphore_mem>>
      %dma_start3A_65 = arith.constant 0 : i32
      %dma_start3A_66 = tpu.memref_slice %arg10[%add3A_8, %dma_start3A_65] : memref<10240x128xf32, #tpu.memory_space<vmem_shared>> -> memref<128x128xf32, #tpu.memory_space<vmem_shared>>
      %dma_start3A_67 = arith.constant 0 : i32
      %dma_start3A_68 = tpu.memref_slice %arg10[%add3A_8, %dma_start3A_67] : memref<10240x128xf32, #tpu.memory_space<vmem_shared>> -> memref<128x128xf32, #tpu.memory_space<vmem_shared>>
      tpu.enqueue_dma source(%arg8 : memref<128x128xf32, #tpu.memory_space<vmem>>) target(%dma_start3A_68 : memref<128x128xf32, #tpu.memory_space<vmem_shared>>) target_semaphore(%run_scoped3A : memref<!tpu.dma_semaphore, #tpu.memory_space<semaphore_mem>>)
      %dma_wait3A = arith.constant 0 : i32
      %dma_wait3A_69 = tpu.memref_slice %arg10[%add3A_8, %dma_wait3A] : memref<10240x128xf32, #tpu.memory_space<vmem_shared>> -> memref<128x128xf32, #tpu.memory_space<vmem_shared>>
      %dma_wait3A_70 = arith.constant 0 : i32
      %dma_wait3A_71 = tpu.memref_slice %arg10[%add3A_8, %dma_wait3A_70] : memref<10240x128xf32, #tpu.memory_space<vmem_shared>> -> memref<128x128xf32, #tpu.memory_space<vmem_shared>>
      tpu.wait_dma2 semaphore(%run_scoped3A : memref<!tpu.dma_semaphore, #tpu.memory_space<semaphore_mem>>) src(%arg8 : memref<128x128xf32, #tpu.memory_space<vmem>>) dst(%dma_wait3A_71 : memref<128x128xf32, #tpu.memory_space<vmem_shared>>)
      tpu.yield
    }) : () -> ()
    %mul3A_9 = arith.constant 640 : i32
    %mul3A_10 = arith.muli %arg1, %mul3A_9 : i32
    %add3A_11 = arith.constant 128 : i32
    %add3A_12 = arith.addi %mul3A_10, %add3A_11 : i32
    "tpu.region"() ({
      %run_scoped3A = tpu.sem_alloc : memref<!tpu.dma_semaphore, #tpu.memory_space<semaphore_mem>>
      %dma_start3A_65 = arith.constant 0 : i32
      %dma_start3A_66 = tpu.memref_slice %arg10[%add3A_12, %dma_start3A_65] : memref<10240x128xf32, #tpu.memory_space<vmem_shared>> -> memref<128x128xf32, #tpu.memory_space<vmem_shared>>
      %dma_start3A_67 = arith.constant 0 : i32
      %dma_start3A_68 = tpu.memref_slice %arg10[%add3A_12, %dma_start3A_67] : memref<10240x128xf32, #tpu.memory_space<vmem_shared>> -> memref<128x128xf32, #tpu.memory_space<vmem_shared>>
      tpu.enqueue_dma source(%arg8 : memref<128x128xf32, #tpu.memory_space<vmem>>) target(%dma_start3A_68 : memref<128x128xf32, #tpu.memory_space<vmem_shared>>) target_semaphore(%run_scoped3A : memref<!tpu.dma_semaphore, #tpu.memory_space<semaphore_mem>>)
      %dma_wait3A = arith.constant 0 : i32
      %dma_wait3A_69 = tpu.memref_slice %arg10[%add3A_12, %dma_wait3A] : memref<10240x128xf32, #tpu.memory_space<vmem_shared>> -> memref<128x128xf32, #tpu.memory_space<vmem_shared>>
      %dma_wait3A_70 = arith.constant 0 : i32
      %dma_wait3A_71 = tpu.memref_slice %arg10[%add3A_12, %dma_wait3A_70] : memref<10240x128xf32, #tpu.memory_space<vmem_shared>> -> memref<128x128xf32, #tpu.memory_space<vmem_shared>>
      tpu.wait_dma2 semaphore(%run_scoped3A : memref<!tpu.dma_semaphore, #tpu.memory_space<semaphore_mem>>) src(%arg8 : memref<128x128xf32, #tpu.memory_space<vmem>>) dst(%dma_wait3A_71 : memref<128x128xf32, #tpu.memory_space<vmem_shared>>)
      tpu.yield
    }) : () -> ()
    %mul3A_13 = arith.constant 640 : i32
    %mul3A_14 = arith.muli %arg1, %mul3A_13 : i32
    %add3A_15 = arith.constant 256 : i32
    %add3A_16 = arith.addi %mul3A_14, %add3A_15 : i32
    "tpu.region"() ({
      %run_scoped3A = tpu.sem_alloc : memref<!tpu.dma_semaphore, #tpu.memory_space<semaphore_mem>>
      %dma_start3A_65 = arith.constant 0 : i32
      %dma_start3A_66 = tpu.memref_slice %arg10[%add3A_16, %dma_start3A_65] : memref<10240x128xf32, #tpu.memory_space<vmem_shared>> -> memref<128x128xf32, #tpu.memory_space<vmem_shared>>
      %dma_start3A_67 = arith.constant 0 : i32
      %dma_start3A_68 = tpu.memref_slice %arg10[%add3A_16, %dma_start3A_67] : memref<10240x128xf32, #tpu.memory_space<vmem_shared>> -> memref<128x128xf32, #tpu.memory_space<vmem_shared>>
      tpu.enqueue_dma source(%arg8 : memref<128x128xf32, #tpu.memory_space<vmem>>) target(%dma_start3A_68 : memref<128x128xf32, #tpu.memory_space<vmem_shared>>) target_semaphore(%run_scoped3A : memref<!tpu.dma_semaphore, #tpu.memory_space<semaphore_mem>>)
      %dma_wait3A = arith.constant 0 : i32
      %dma_wait3A_69 = tpu.memref_slice %arg10[%add3A_16, %dma_wait3A] : memref<10240x128xf32, #tpu.memory_space<vmem_shared>> -> memref<128x128xf32, #tpu.memory_space<vmem_shared>>
      %dma_wait3A_70 = arith.constant 0 : i32
      %dma_wait3A_71 = tpu.memref_slice %arg10[%add3A_16, %dma_wait3A_70] : memref<10240x128xf32, #tpu.memory_space<vmem_shared>> -> memref<128x128xf32, #tpu.memory_space<vmem_shared>>
      tpu.wait_dma2 semaphore(%run_scoped3A : memref<!tpu.dma_semaphore, #tpu.memory_space<semaphore_mem>>) src(%arg8 : memref<128x128xf32, #tpu.memory_space<vmem>>) dst(%dma_wait3A_71 : memref<128x128xf32, #tpu.memory_space<vmem_shared>>)
      tpu.yield
    }) : () -> ()
    %mul3A_17 = arith.constant 640 : i32
    %mul3A_18 = arith.muli %arg1, %mul3A_17 : i32
    %add3A_19 = arith.constant 384 : i32
    %add3A_20 = arith.addi %mul3A_18, %add3A_19 : i32
    "tpu.region"() ({
      %run_scoped3A = tpu.sem_alloc : memref<!tpu.dma_semaphore, #tpu.memory_space<semaphore_mem>>
      %dma_start3A_65 = arith.constant 0 : i32
      %dma_start3A_66 = tpu.memref_slice %arg10[%add3A_20, %dma_start3A_65] : memref<10240x128xf32, #tpu.memory_space<vmem_shared>> -> memref<128x128xf32, #tpu.memory_space<vmem_shared>>
      %dma_start3A_67 = arith.constant 0 : i32
      %dma_start3A_68 = tpu.memref_slice %arg10[%add3A_20, %dma_start3A_67] : memref<10240x128xf32, #tpu.memory_space<vmem_shared>> -> memref<128x128xf32, #tpu.memory_space<vmem_shared>>
      tpu.enqueue_dma source(%arg8 : memref<128x128xf32, #tpu.memory_space<vmem>>) target(%dma_start3A_68 : memref<128x128xf32, #tpu.memory_space<vmem_shared>>) target_semaphore(%run_scoped3A : memref<!tpu.dma_semaphore, #tpu.memory_space<semaphore_mem>>)
      %dma_wait3A = arith.constant 0 : i32
      %dma_wait3A_69 = tpu.memref_slice %arg10[%add3A_20, %dma_wait3A] : memref<10240x128xf32, #tpu.memory_space<vmem_shared>> -> memref<128x128xf32, #tpu.memory_space<vmem_shared>>
      %dma_wait3A_70 = arith.constant 0 : i32
      %dma_wait3A_71 = tpu.memref_slice %arg10[%add3A_20, %dma_wait3A_70] : memref<10240x128xf32, #tpu.memory_space<vmem_shared>> -> memref<128x128xf32, #tpu.memory_space<vmem_shared>>
      tpu.wait_dma2 semaphore(%run_scoped3A : memref<!tpu.dma_semaphore, #tpu.memory_space<semaphore_mem>>) src(%arg8 : memref<128x128xf32, #tpu.memory_space<vmem>>) dst(%dma_wait3A_71 : memref<128x128xf32, #tpu.memory_space<vmem_shared>>)
      tpu.yield
    }) : () -> ()
    %mul3A_21 = arith.constant 640 : i32
    %mul3A_22 = arith.muli %arg1, %mul3A_21 : i32
    %add3A_23 = arith.constant 512 : i32
    %add3A_24 = arith.addi %mul3A_22, %add3A_23 : i32
    "tpu.region"() ({
      %run_scoped3A = tpu.sem_alloc : memref<!tpu.dma_semaphore, #tpu.memory_space<semaphore_mem>>
      %dma_start3A_65 = arith.constant 0 : i32
      %dma_start3A_66 = tpu.memref_slice %arg10[%add3A_24, %dma_start3A_65] : memref<10240x128xf32, #tpu.memory_space<vmem_shared>> -> memref<128x128xf32, #tpu.memory_space<vmem_shared>>
      %dma_start3A_67 = arith.constant 0 : i32
      %dma_start3A_68 = tpu.memref_slice %arg10[%add3A_24, %dma_start3A_67] : memref<10240x128xf32, #tpu.memory_space<vmem_shared>> -> memref<128x128xf32, #tpu.memory_space<vmem_shared>>
      tpu.enqueue_dma source(%arg8 : memref<128x128xf32, #tpu.memory_space<vmem>>) target(%dma_start3A_68 : memref<128x128xf32, #tpu.memory_space<vmem_shared>>) target_semaphore(%run_scoped3A : memref<!tpu.dma_semaphore, #tpu.memory_space<semaphore_mem>>)
      %dma_wait3A = arith.constant 0 : i32
      %dma_wait3A_69 = tpu.memref_slice %arg10[%add3A_24, %dma_wait3A] : memref<10240x128xf32, #tpu.memory_space<vmem_shared>> -> memref<128x128xf32, #tpu.memory_space<vmem_shared>>
      %dma_wait3A_70 = arith.constant 0 : i32
      %dma_wait3A_71 = tpu.memref_slice %arg10[%add3A_24, %dma_wait3A_70] : memref<10240x128xf32, #tpu.memory_space<vmem_shared>> -> memref<128x128xf32, #tpu.memory_space<vmem_shared>>
      tpu.wait_dma2 semaphore(%run_scoped3A : memref<!tpu.dma_semaphore, #tpu.memory_space<semaphore_mem>>) src(%arg8 : memref<128x128xf32, #tpu.memory_space<vmem>>) dst(%dma_wait3A_71 : memref<128x128xf32, #tpu.memory_space<vmem_shared>>)
      tpu.yield
    }) : () -> ()
    %barrier3A = arith.constant 0 : index
    tpu.barrier barrier_id(%barrier3A)
    %mul3A_25 = arith.constant 80 : i32
    %mul3A_26 = arith.muli %arg0, %mul3A_25 : i32
    %add3A_27 = arith.constant 0 : i32
    %add3A_28 = arith.addi %mul3A_26, %add3A_27 : i32
    "tpu.region"() ({
      %run_scoped3A = tpu.sem_alloc : memref<!tpu.dma_semaphore, #tpu.memory_space<semaphore_mem>>
      %dma_start3A_65 = arith.constant 0 : i32
      %dma_start3A_66 = tpu.memref_slice %arg2[%arg1, %add3A_28, %dma_start3A_65] : memref<16x160x128xi32, #tpu.memory_space<hbm>> -> memref<1x40x128xi32, #tpu.memory_space<hbm>>
      %dma_start3A_67 = tpu.memref_squeeze %dma_start3A_66 : memref<1x40x128xi32, #tpu.memory_space<hbm>> -> memref<40x128xi32, #tpu.memory_space<hbm>>
      %dma_start3A_68 = arith.constant 0 : i32
      %dma_start3A_69 = tpu.memref_slice %arg2[%arg1, %add3A_28, %dma_start3A_68] : memref<16x160x128xi32, #tpu.memory_space<hbm>> -> memref<1x40x128xi32, #tpu.memory_space<hbm>>
      %dma_start3A_70 = tpu.memref_squeeze %dma_start3A_69 : memref<1x40x128xi32, #tpu.memory_space<hbm>> -> memref<40x128xi32, #tpu.memory_space<hbm>>
      tpu.enqueue_dma source(%dma_start3A_70 : memref<40x128xi32, #tpu.memory_space<hbm>>) target(%arg6 : memref<40x128xi32, #tpu.memory_space<vmem>>) target_semaphore(%run_scoped3A : memref<!tpu.dma_semaphore, #tpu.memory_space<semaphore_mem>>)
      %dma_wait3A = arith.constant 0 : i32
      %dma_wait3A_71 = tpu.memref_slice %arg2[%arg1, %add3A_28, %dma_wait3A] : memref<16x160x128xi32, #tpu.memory_space<hbm>> -> memref<1x40x128xi32, #tpu.memory_space<hbm>>
      %dma_wait3A_72 = tpu.memref_squeeze %dma_wait3A_71 : memref<1x40x128xi32, #tpu.memory_space<hbm>> -> memref<40x128xi32, #tpu.memory_space<hbm>>
      %dma_wait3A_73 = arith.constant 0 : i32
      %dma_wait3A_74 = tpu.memref_slice %arg2[%arg1, %add3A_28, %dma_wait3A_73] : memref<16x160x128xi32, #tpu.memory_space<hbm>> -> memref<1x40x128xi32, #tpu.memory_space<hbm>>
      %dma_wait3A_75 = tpu.memref_squeeze %dma_wait3A_74 : memref<1x40x128xi32, #tpu.memory_space<hbm>> -> memref<40x128xi32, #tpu.memory_space<hbm>>
      tpu.wait_dma2 semaphore(%run_scoped3A : memref<!tpu.dma_semaphore, #tpu.memory_space<semaphore_mem>>) src(%dma_wait3A_75 : memref<40x128xi32, #tpu.memory_space<hbm>>) dst(%arg6 : memref<40x128xi32, #tpu.memory_space<vmem>>)
      tpu.yield
    }) : () -> ()
    "tpu.region"() ({
      %run_scoped3A = tpu.sem_alloc : memref<!tpu.dma_semaphore, #tpu.memory_space<semaphore_mem>>
      %dma_start3A_65 = arith.constant 0 : i32
      %dma_start3A_66 = tpu.memref_slice %arg3[%arg1, %add3A_28, %dma_start3A_65] : memref<16x160x128xi32, #tpu.memory_space<hbm>> -> memref<1x40x128xi32, #tpu.memory_space<hbm>>
      %dma_start3A_67 = tpu.memref_squeeze %dma_start3A_66 : memref<1x40x128xi32, #tpu.memory_space<hbm>> -> memref<40x128xi32, #tpu.memory_space<hbm>>
      %dma_start3A_68 = arith.constant 0 : i32
      %dma_start3A_69 = tpu.memref_slice %arg3[%arg1, %add3A_28, %dma_start3A_68] : memref<16x160x128xi32, #tpu.memory_space<hbm>> -> memref<1x40x128xi32, #tpu.memory_space<hbm>>
      %dma_start3A_70 = tpu.memref_squeeze %dma_start3A_69 : memref<1x40x128xi32, #tpu.memory_space<hbm>> -> memref<40x128xi32, #tpu.memory_space<hbm>>
      tpu.enqueue_dma source(%dma_start3A_70 : memref<40x128xi32, #tpu.memory_space<hbm>>) target(%arg7 : memref<40x128xi32, #tpu.memory_space<vmem>>) target_semaphore(%run_scoped3A : memref<!tpu.dma_semaphore, #tpu.memory_space<semaphore_mem>>)
      %dma_wait3A = arith.constant 0 : i32
      %dma_wait3A_71 = tpu.memref_slice %arg3[%arg1, %add3A_28, %dma_wait3A] : memref<16x160x128xi32, #tpu.memory_space<hbm>> -> memref<1x40x128xi32, #tpu.memory_space<hbm>>
      %dma_wait3A_72 = tpu.memref_squeeze %dma_wait3A_71 : memref<1x40x128xi32, #tpu.memory_space<hbm>> -> memref<40x128xi32, #tpu.memory_space<hbm>>
      %dma_wait3A_73 = arith.constant 0 : i32
      %dma_wait3A_74 = tpu.memref_slice %arg3[%arg1, %add3A_28, %dma_wait3A_73] : memref<16x160x128xi32, #tpu.memory_space<hbm>> -> memref<1x40x128xi32, #tpu.memory_space<hbm>>
      %dma_wait3A_75 = tpu.memref_squeeze %dma_wait3A_74 : memref<1x40x128xi32, #tpu.memory_space<hbm>> -> memref<40x128xi32, #tpu.memory_space<hbm>>
      tpu.wait_dma2 semaphore(%run_scoped3A : memref<!tpu.dma_semaphore, #tpu.memory_space<semaphore_mem>>) src(%dma_wait3A_75 : memref<40x128xi32, #tpu.memory_space<hbm>>) dst(%arg7 : memref<40x128xi32, #tpu.memory_space<vmem>>)
      tpu.yield
    }) : () -> ()
    %dma_start3A = arith.constant 0 : i32
    %dma_start3A_29 = arith.constant 0 : i32
    %dma_start3A_30 = tpu.memref_slice %arg6[%dma_start3A, %dma_start3A_29] : memref<40x128xi32, #tpu.memory_space<vmem>> -> memref<1x128xi32, #tpu.memory_space<vmem>>
    %dma_start3A_31 = tpu.memref_squeeze %dma_start3A_30 : memref<1x128xi32, #tpu.memory_space<vmem>> -> memref<128xi32, #tpu.memory_space<vmem>>
    %dma_start3A_32 = arith.constant 0 : i32
    %dma_start3A_33 = arith.constant 0 : i32
    %dma_start3A_34 = tpu.memref_slice %arg4[%dma_start3A_32, %dma_start3A_33] : memref<10240x128xf32, #tpu.memory_space<hbm>> -> memref<10240x128xf32, #tpu.memory_space<hbm>>
    tpu.enqueue_indirect_dma source(%dma_start3A_34 : memref<10240x128xf32, #tpu.memory_space<hbm>>) target(%arg8 : memref<128x128xf32, #tpu.memory_space<vmem>>) offsets(%dma_start3A_31 : memref<128xi32, #tpu.memory_space<vmem>>) semaphore(%arg11 : memref<!tpu.dma_semaphore, #tpu.memory_space<semaphore_mem>>)
    %scan3A_35 = arith.constant 0 : i32
    %scan3A_36 = arith.constant 0 : i32
    %scan3A_37 = arith.constant 20 : i32
    %scan3A_38 = arith.addi %scan3A_36, %scan3A_37 : i32
    %scan3A_39 = arith.constant 1 : i32
    %scan3A_40 = scf.for %scan3A_65 = %scan3A_36 to %scan3A_38 step %scan3A_39 iter_args(%scan3A_66 = %scan3A_35) -> (i32)  : i32 {
      %mul3A_67 = arith.constant 2 : i32
      %mul3A_68 = arith.muli %mul3A_67, %scan3A_65 : i32
      %dma_wait3A = arith.constant 0 : i32
      %dma_wait3A_69 = tpu.memref_slice %arg6[%mul3A_68, %dma_wait3A] : memref<40x128xi32, #tpu.memory_space<vmem>> -> memref<1x128xi32, #tpu.memory_space<vmem>>
      %dma_wait3A_70 = tpu.memref_squeeze %dma_wait3A_69 : memref<1x128xi32, #tpu.memory_space<vmem>> -> memref<128xi32, #tpu.memory_space<vmem>>
      %dma_wait3A_71 = arith.constant 0 : i32
      %dma_wait3A_72 = arith.constant 0 : i32
      %dma_wait3A_73 = tpu.memref_slice %arg4[%dma_wait3A_71, %dma_wait3A_72] : memref<10240x128xf32, #tpu.memory_space<hbm>> -> memref<10240x128xf32, #tpu.memory_space<hbm>>
      tpu.wait_indirect_dma semaphore(%arg11 : memref<!tpu.dma_semaphore, #tpu.memory_space<semaphore_mem>>) src(%dma_wait3A_73 : memref<10240x128xf32, #tpu.memory_space<hbm>>) dst(%arg8 : memref<128x128xf32, #tpu.memory_space<vmem>>)
      %add3A_74 = arith.constant 1 : i32
      %add3A_75 = arith.addi %mul3A_68, %add3A_74 : i32
      %dma_start3A_76 = arith.constant 0 : i32
      %dma_start3A_77 = tpu.memref_slice %arg6[%add3A_75, %dma_start3A_76] : memref<40x128xi32, #tpu.memory_space<vmem>> -> memref<1x128xi32, #tpu.memory_space<vmem>>
      %dma_start3A_78 = tpu.memref_squeeze %dma_start3A_77 : memref<1x128xi32, #tpu.memory_space<vmem>> -> memref<128xi32, #tpu.memory_space<vmem>>
      %dma_start3A_79 = arith.constant 0 : i32
      %dma_start3A_80 = arith.constant 0 : i32
      %dma_start3A_81 = tpu.memref_slice %arg4[%dma_start3A_79, %dma_start3A_80] : memref<10240x128xf32, #tpu.memory_space<hbm>> -> memref<10240x128xf32, #tpu.memory_space<hbm>>
      tpu.enqueue_indirect_dma source(%dma_start3A_81 : memref<10240x128xf32, #tpu.memory_space<hbm>>) target(%arg9 : memref<128x128xf32, #tpu.memory_space<vmem>>) offsets(%dma_start3A_78 : memref<128xi32, #tpu.memory_space<vmem>>) semaphore(%arg12 : memref<!tpu.dma_semaphore, #tpu.memory_space<semaphore_mem>>)
      "tpu.region"() ({
        %run_scoped3A = tpu.sem_alloc : memref<!tpu.dma_semaphore, #tpu.memory_space<semaphore_mem>>
        %dma_start3A_97 = arith.constant 0 : i32
        %dma_start3A_98 = tpu.memref_slice %arg7[%mul3A_68, %dma_start3A_97] : memref<40x128xi32, #tpu.memory_space<vmem>> -> memref<1x128xi32, #tpu.memory_space<vmem>>
        %dma_start3A_99 = tpu.memref_squeeze %dma_start3A_98 : memref<1x128xi32, #tpu.memory_space<vmem>> -> memref<128xi32, #tpu.memory_space<vmem>>
        %dma_start3A_100 = arith.constant 0 : i32
        %dma_start3A_101 = arith.constant 0 : i32
        %dma_start3A_102 = tpu.memref_slice %arg10[%dma_start3A_100, %dma_start3A_101] : memref<10240x128xf32, #tpu.memory_space<vmem_shared>> -> memref<10240x128xf32, #tpu.memory_space<vmem_shared>>
        tpu.enqueue_indirect_dma source(%arg8 : memref<128x128xf32, #tpu.memory_space<vmem>>) target(%dma_start3A_102 : memref<10240x128xf32, #tpu.memory_space<vmem_shared>>) offsets(%dma_start3A_99 : memref<128xi32, #tpu.memory_space<vmem>>) semaphore(%run_scoped3A : memref<!tpu.dma_semaphore, #tpu.memory_space<semaphore_mem>>) {add = true}
        %dma_wait3A_103 = arith.constant 0 : i32
        %dma_wait3A_104 = tpu.memref_slice %arg7[%mul3A_68, %dma_wait3A_103] : memref<40x128xi32, #tpu.memory_space<vmem>> -> memref<1x128xi32, #tpu.memory_space<vmem>>
        %dma_wait3A_105 = tpu.memref_squeeze %dma_wait3A_104 : memref<1x128xi32, #tpu.memory_space<vmem>> -> memref<128xi32, #tpu.memory_space<vmem>>
        %dma_wait3A_106 = arith.constant 0 : i32
        %dma_wait3A_107 = arith.constant 0 : i32
        %dma_wait3A_108 = tpu.memref_slice %arg10[%dma_wait3A_106, %dma_wait3A_107] : memref<10240x128xf32, #tpu.memory_space<vmem_shared>> -> memref<10240x128xf32, #tpu.memory_space<vmem_shared>>
        tpu.wait_indirect_dma semaphore(%run_scoped3A : memref<!tpu.dma_semaphore, #tpu.memory_space<semaphore_mem>>) src(%arg8 : memref<128x128xf32, #tpu.memory_space<vmem>>) dst(%dma_wait3A_108 : memref<10240x128xf32, #tpu.memory_space<vmem_shared>>)
        tpu.yield
      }) : () -> ()
      %add3A_82 = arith.constant 1 : i32
      %add3A_83 = arith.addi %mul3A_68, %add3A_82 : i32
      %dma_wait3A_84 = arith.constant 0 : i32
      %dma_wait3A_85 = tpu.memref_slice %arg6[%add3A_83, %dma_wait3A_84] : memref<40x128xi32, #tpu.memory_space<vmem>> -> memref<1x128xi32, #tpu.memory_space<vmem>>
      %dma_wait3A_86 = tpu.memref_squeeze %dma_wait3A_85 : memref<1x128xi32, #tpu.memory_space<vmem>> -> memref<128xi32, #tpu.memory_space<vmem>>
      %dma_wait3A_87 = arith.constant 0 : i32
      %dma_wait3A_88 = arith.constant 0 : i32
      %dma_wait3A_89 = tpu.memref_slice %arg4[%dma_wait3A_87, %dma_wait3A_88] : memref<10240x128xf32, #tpu.memory_space<hbm>> -> memref<10240x128xf32, #tpu.memory_space<hbm>>
      tpu.wait_indirect_dma semaphore(%arg12 : memref<!tpu.dma_semaphore, #tpu.memory_space<semaphore_mem>>) src(%dma_wait3A_89 : memref<10240x128xf32, #tpu.memory_space<hbm>>) dst(%arg9 : memref<128x128xf32, #tpu.memory_space<vmem>>)
      %add3A_90 = arith.constant 1 : i32
      %add3A_91 = arith.addi %scan3A_65, %add3A_90 : i32
      %lt3A = arith.constant 20 : i32
      %lt3A_92 = arith.cmpi slt, %add3A_91, %lt3A : i32
      %convert_element_type3A = arith.extui %lt3A_92 : i1 to i32
      %cond3A = arith.constant 0 : i32
      %cond3A_93 = arith.cmpi ne, %convert_element_type3A, %cond3A : i32
      scf.if %cond3A_93 {
        %add3A_97 = arith.constant 2 : i32
        %add3A_98 = arith.addi %mul3A_68, %add3A_97 : i32
        %dma_start3A_99 = arith.constant 0 : i32
        %dma_start3A_100 = tpu.memref_slice %arg6[%add3A_98, %dma_start3A_99] : memref<40x128xi32, #tpu.memory_space<vmem>> -> memref<1x128xi32, #tpu.memory_space<vmem>>
        %dma_start3A_101 = tpu.memref_squeeze %dma_start3A_100 : memref<1x128xi32, #tpu.memory_space<vmem>> -> memref<128xi32, #tpu.memory_space<vmem>>
        %dma_start3A_102 = arith.constant 0 : i32
        %dma_start3A_103 = arith.constant 0 : i32
        %dma_start3A_104 = tpu.memref_slice %arg4[%dma_start3A_102, %dma_start3A_103] : memref<10240x128xf32, #tpu.memory_space<hbm>> -> memref<10240x128xf32, #tpu.memory_space<hbm>>
        tpu.enqueue_indirect_dma source(%dma_start3A_104 : memref<10240x128xf32, #tpu.memory_space<hbm>>) target(%arg8 : memref<128x128xf32, #tpu.memory_space<vmem>>) offsets(%dma_start3A_101 : memref<128xi32, #tpu.memory_space<vmem>>) semaphore(%arg11 : memref<!tpu.dma_semaphore, #tpu.memory_space<semaphore_mem>>)
      } else {
      }
      %add3A_94 = arith.constant 1 : i32
      %add3A_95 = arith.addi %mul3A_68, %add3A_94 : i32
      "tpu.region"() ({
        %run_scoped3A = tpu.sem_alloc : memref<!tpu.dma_semaphore, #tpu.memory_space<semaphore_mem>>
        %dma_start3A_97 = arith.constant 0 : i32
        %dma_start3A_98 = tpu.memref_slice %arg7[%add3A_95, %dma_start3A_97] : memref<40x128xi32, #tpu.memory_space<vmem>> -> memref<1x128xi32, #tpu.memory_space<vmem>>
        %dma_start3A_99 = tpu.memref_squeeze %dma_start3A_98 : memref<1x128xi32, #tpu.memory_space<vmem>> -> memref<128xi32, #tpu.memory_space<vmem>>
        %dma_start3A_100 = arith.constant 0 : i32
        %dma_start3A_101 = arith.constant 0 : i32
        %dma_start3A_102 = tpu.memref_slice %arg10[%dma_start3A_100, %dma_start3A_101] : memref<10240x128xf32, #tpu.memory_space<vmem_shared>> -> memref<10240x128xf32, #tpu.memory_space<vmem_shared>>
        tpu.enqueue_indirect_dma source(%arg9 : memref<128x128xf32, #tpu.memory_space<vmem>>) target(%dma_start3A_102 : memref<10240x128xf32, #tpu.memory_space<vmem_shared>>) offsets(%dma_start3A_99 : memref<128xi32, #tpu.memory_space<vmem>>) semaphore(%run_scoped3A : memref<!tpu.dma_semaphore, #tpu.memory_space<semaphore_mem>>) {add = true}
        %dma_wait3A_103 = arith.constant 0 : i32
        %dma_wait3A_104 = tpu.memref_slice %arg7[%add3A_95, %dma_wait3A_103] : memref<40x128xi32, #tpu.memory_space<vmem>> -> memref<1x128xi32, #tpu.memory_space<vmem>>
        %dma_wait3A_105 = tpu.memref_squeeze %dma_wait3A_104 : memref<1x128xi32, #tpu.memory_space<vmem>> -> memref<128xi32, #tpu.memory_space<vmem>>
        %dma_wait3A_106 = arith.constant 0 : i32
        %dma_wait3A_107 = arith.constant 0 : i32
        %dma_wait3A_108 = tpu.memref_slice %arg10[%dma_wait3A_106, %dma_wait3A_107] : memref<10240x128xf32, #tpu.memory_space<vmem_shared>> -> memref<10240x128xf32, #tpu.memory_space<vmem_shared>>
        tpu.wait_indirect_dma semaphore(%run_scoped3A : memref<!tpu.dma_semaphore, #tpu.memory_space<semaphore_mem>>) src(%arg9 : memref<128x128xf32, #tpu.memory_space<vmem>>) dst(%dma_wait3A_108 : memref<10240x128xf32, #tpu.memory_space<vmem_shared>>)
        tpu.yield
      }) : () -> ()
      %scan3A_96 = arith.constant 0 : i32
      scf.yield %scan3A_96 : i32
    }
    %scan3A_41 = arith.constant 20 : i32
    %mul3A_42 = arith.constant 80 : i32
    %mul3A_43 = arith.muli %arg0, %mul3A_42 : i32
    %add3A_44 = arith.constant 40 : i32
    %add3A_45 = arith.addi %mul3A_43, %add3A_44 : i32
    "tpu.region"() ({
      %run_scoped3A = tpu.sem_alloc : memref<!tpu.dma_semaphore, #tpu.memory_space<semaphore_mem>>
      %dma_start3A_65 = arith.constant 0 : i32
      %dma_start3A_66 = tpu.memref_slice %arg2[%arg1, %add3A_45, %dma_start3A_65] : memref<16x160x128xi32, #tpu.memory_space<hbm>> -> memref<1x40x128xi32, #tpu.memory_space<hbm>>
      %dma_start3A_67 = tpu.memref_squeeze %dma_start3A_66 : memref<1x40x128xi32, #tpu.memory_space<hbm>> -> memref<40x128xi32, #tpu.memory_space<hbm>>
      %dma_start3A_68 = arith.constant 0 : i32
      %dma_start3A_69 = tpu.memref_slice %arg2[%arg1, %add3A_45, %dma_start3A_68] : memref<16x160x128xi32, #tpu.memory_space<hbm>> -> memref<1x40x128xi32, #tpu.memory_space<hbm>>
      %dma_start3A_70 = tpu.memref_squeeze %dma_start3A_69 : memref<1x40x128xi32, #tpu.memory_space<hbm>> -> memref<40x128xi32, #tpu.memory_space<hbm>>
      tpu.enqueue_dma source(%dma_start3A_70 : memref<40x128xi32, #tpu.memory_space<hbm>>) target(%arg6 : memref<40x128xi32, #tpu.memory_space<vmem>>) target_semaphore(%run_scoped3A : memref<!tpu.dma_semaphore, #tpu.memory_space<semaphore_mem>>)
      %dma_wait3A = arith.constant 0 : i32
      %dma_wait3A_71 = tpu.memref_slice %arg2[%arg1, %add3A_45, %dma_wait3A] : memref<16x160x128xi32, #tpu.memory_space<hbm>> -> memref<1x40x128xi32, #tpu.memory_space<hbm>>
      %dma_wait3A_72 = tpu.memref_squeeze %dma_wait3A_71 : memref<1x40x128xi32, #tpu.memory_space<hbm>> -> memref<40x128xi32, #tpu.memory_space<hbm>>
      %dma_wait3A_73 = arith.constant 0 : i32
      %dma_wait3A_74 = tpu.memref_slice %arg2[%arg1, %add3A_45, %dma_wait3A_73] : memref<16x160x128xi32, #tpu.memory_space<hbm>> -> memref<1x40x128xi32, #tpu.memory_space<hbm>>
      %dma_wait3A_75 = tpu.memref_squeeze %dma_wait3A_74 : memref<1x40x128xi32, #tpu.memory_space<hbm>> -> memref<40x128xi32, #tpu.memory_space<hbm>>
      tpu.wait_dma2 semaphore(%run_scoped3A : memref<!tpu.dma_semaphore, #tpu.memory_space<semaphore_mem>>) src(%dma_wait3A_75 : memref<40x128xi32, #tpu.memory_space<hbm>>) dst(%arg6 : memref<40x128xi32, #tpu.memory_space<vmem>>)
      tpu.yield
    }) : () -> ()
    "tpu.region"() ({
      %run_scoped3A = tpu.sem_alloc : memref<!tpu.dma_semaphore, #tpu.memory_space<semaphore_mem>>
      %dma_start3A_65 = arith.constant 0 : i32
      %dma_start3A_66 = tpu.memref_slice %arg3[%arg1, %add3A_45, %dma_start3A_65] : memref<16x160x128xi32, #tpu.memory_space<hbm>> -> memref<1x40x128xi32, #tpu.memory_space<hbm>>
      %dma_start3A_67 = tpu.memref_squeeze %dma_start3A_66 : memref<1x40x128xi32, #tpu.memory_space<hbm>> -> memref<40x128xi32, #tpu.memory_space<hbm>>
      %dma_start3A_68 = arith.constant 0 : i32
      %dma_start3A_69 = tpu.memref_slice %arg3[%arg1, %add3A_45, %dma_start3A_68] : memref<16x160x128xi32, #tpu.memory_space<hbm>> -> memref<1x40x128xi32, #tpu.memory_space<hbm>>
      %dma_start3A_70 = tpu.memref_squeeze %dma_start3A_69 : memref<1x40x128xi32, #tpu.memory_space<hbm>> -> memref<40x128xi32, #tpu.memory_space<hbm>>
      tpu.enqueue_dma source(%dma_start3A_70 : memref<40x128xi32, #tpu.memory_space<hbm>>) target(%arg7 : memref<40x128xi32, #tpu.memory_space<vmem>>) target_semaphore(%run_scoped3A : memref<!tpu.dma_semaphore, #tpu.memory_space<semaphore_mem>>)
      %dma_wait3A = arith.constant 0 : i32
      %dma_wait3A_71 = tpu.memref_slice %arg3[%arg1, %add3A_45, %dma_wait3A] : memref<16x160x128xi32, #tpu.memory_space<hbm>> -> memref<1x40x128xi32, #tpu.memory_space<hbm>>
      %dma_wait3A_72 = tpu.memref_squeeze %dma_wait3A_71 : memref<1x40x128xi32, #tpu.memory_space<hbm>> -> memref<40x128xi32, #tpu.memory_space<hbm>>
      %dma_wait3A_73 = arith.constant 0 : i32
      %dma_wait3A_74 = tpu.memref_slice %arg3[%arg1, %add3A_45, %dma_wait3A_73] : memref<16x160x128xi32, #tpu.memory_space<hbm>> -> memref<1x40x128xi32, #tpu.memory_space<hbm>>
      %dma_wait3A_75 = tpu.memref_squeeze %dma_wait3A_74 : memref<1x40x128xi32, #tpu.memory_space<hbm>> -> memref<40x128xi32, #tpu.memory_space<hbm>>
      tpu.wait_dma2 semaphore(%run_scoped3A : memref<!tpu.dma_semaphore, #tpu.memory_space<semaphore_mem>>) src(%dma_wait3A_75 : memref<40x128xi32, #tpu.memory_space<hbm>>) dst(%arg7 : memref<40x128xi32, #tpu.memory_space<vmem>>)
      tpu.yield
    }) : () -> ()
    %dma_start3A_46 = arith.constant 0 : i32
    %dma_start3A_47 = arith.constant 0 : i32
    %dma_start3A_48 = tpu.memref_slice %arg6[%dma_start3A_46, %dma_start3A_47] : memref<40x128xi32, #tpu.memory_space<vmem>> -> memref<1x128xi32, #tpu.memory_space<vmem>>
    %dma_start3A_49 = tpu.memref_squeeze %dma_start3A_48 : memref<1x128xi32, #tpu.memory_space<vmem>> -> memref<128xi32, #tpu.memory_space<vmem>>
    %dma_start3A_50 = arith.constant 0 : i32
    %dma_start3A_51 = arith.constant 0 : i32
    %dma_start3A_52 = tpu.memref_slice %arg4[%dma_start3A_50, %dma_start3A_51] : memref<10240x128xf32, #tpu.memory_space<hbm>> -> memref<10240x128xf32, #tpu.memory_space<hbm>>
    tpu.enqueue_indirect_dma source(%dma_start3A_52 : memref<10240x128xf32, #tpu.memory_space<hbm>>) target(%arg8 : memref<128x128xf32, #tpu.memory_space<vmem>>) offsets(%dma_start3A_49 : memref<128xi32, #tpu.memory_space<vmem>>) semaphore(%arg11 : memref<!tpu.dma_semaphore, #tpu.memory_space<semaphore_mem>>)
    %scan3A_53 = arith.constant 0 : i32
    %scan3A_54 = arith.constant 0 : i32
    %scan3A_55 = arith.constant 20 : i32
    %scan3A_56 = arith.addi %scan3A_54, %scan3A_55 : i32
    %scan3A_57 = arith.constant 1 : i32
    %scan3A_58 = scf.for %scan3A_65 = %scan3A_54 to %scan3A_56 step %scan3A_57 iter_args(%scan3A_66 = %scan3A_53) -> (i32)  : i32 {
      %mul3A_67 = arith.constant 2 : i32
      %mul3A_68 = arith.muli %mul3A_67, %scan3A_65 : i32
      %dma_wait3A = arith.constant 0 : i32
      %dma_wait3A_69 = tpu.memref_slice %arg6[%mul3A_68, %dma_wait3A] : memref<40x128xi32, #tpu.memory_space<vmem>> -> memref<1x128xi32, #tpu.memory_space<vmem>>
      %dma_wait3A_70 = tpu.memref_squeeze %dma_wait3A_69 : memref<1x128xi32, #tpu.memory_space<vmem>> -> memref<128xi32, #tpu.memory_space<vmem>>
      %dma_wait3A_71 = arith.constant 0 : i32
      %dma_wait3A_72 = arith.constant 0 : i32
      %dma_wait3A_73 = tpu.memref_slice %arg4[%dma_wait3A_71, %dma_wait3A_72] : memref<10240x128xf32, #tpu.memory_space<hbm>> -> memref<10240x128xf32, #tpu.memory_space<hbm>>
      tpu.wait_indirect_dma semaphore(%arg11 : memref<!tpu.dma_semaphore, #tpu.memory_space<semaphore_mem>>) src(%dma_wait3A_73 : memref<10240x128xf32, #tpu.memory_space<hbm>>) dst(%arg8 : memref<128x128xf32, #tpu.memory_space<vmem>>)
      %add3A_74 = arith.constant 1 : i32
      %add3A_75 = arith.addi %mul3A_68, %add3A_74 : i32
      %dma_start3A_76 = arith.constant 0 : i32
      %dma_start3A_77 = tpu.memref_slice %arg6[%add3A_75, %dma_start3A_76] : memref<40x128xi32, #tpu.memory_space<vmem>> -> memref<1x128xi32, #tpu.memory_space<vmem>>
      %dma_start3A_78 = tpu.memref_squeeze %dma_start3A_77 : memref<1x128xi32, #tpu.memory_space<vmem>> -> memref<128xi32, #tpu.memory_space<vmem>>
      %dma_start3A_79 = arith.constant 0 : i32
      %dma_start3A_80 = arith.constant 0 : i32
      %dma_start3A_81 = tpu.memref_slice %arg4[%dma_start3A_79, %dma_start3A_80] : memref<10240x128xf32, #tpu.memory_space<hbm>> -> memref<10240x128xf32, #tpu.memory_space<hbm>>
      tpu.enqueue_indirect_dma source(%dma_start3A_81 : memref<10240x128xf32, #tpu.memory_space<hbm>>) target(%arg9 : memref<128x128xf32, #tpu.memory_space<vmem>>) offsets(%dma_start3A_78 : memref<128xi32, #tpu.memory_space<vmem>>) semaphore(%arg12 : memref<!tpu.dma_semaphore, #tpu.memory_space<semaphore_mem>>)
      "tpu.region"() ({
        %run_scoped3A = tpu.sem_alloc : memref<!tpu.dma_semaphore, #tpu.memory_space<semaphore_mem>>
        %dma_start3A_97 = arith.constant 0 : i32
        %dma_start3A_98 = tpu.memref_slice %arg7[%mul3A_68, %dma_start3A_97] : memref<40x128xi32, #tpu.memory_space<vmem>> -> memref<1x128xi32, #tpu.memory_space<vmem>>
        %dma_start3A_99 = tpu.memref_squeeze %dma_start3A_98 : memref<1x128xi32, #tpu.memory_space<vmem>> -> memref<128xi32, #tpu.memory_space<vmem>>
        %dma_start3A_100 = arith.constant 0 : i32
        %dma_start3A_101 = arith.constant 0 : i32
        %dma_start3A_102 = tpu.memref_slice %arg10[%dma_start3A_100, %dma_start3A_101] : memref<10240x128xf32, #tpu.memory_space<vmem_shared>> -> memref<10240x128xf32, #tpu.memory_space<vmem_shared>>
        tpu.enqueue_indirect_dma source(%arg8 : memref<128x128xf32, #tpu.memory_space<vmem>>) target(%dma_start3A_102 : memref<10240x128xf32, #tpu.memory_space<vmem_shared>>) offsets(%dma_start3A_99 : memref<128xi32, #tpu.memory_space<vmem>>) semaphore(%run_scoped3A : memref<!tpu.dma_semaphore, #tpu.memory_space<semaphore_mem>>) {add = true}
        %dma_wait3A_103 = arith.constant 0 : i32
        %dma_wait3A_104 = tpu.memref_slice %arg7[%mul3A_68, %dma_wait3A_103] : memref<40x128xi32, #tpu.memory_space<vmem>> -> memref<1x128xi32, #tpu.memory_space<vmem>>
        %dma_wait3A_105 = tpu.memref_squeeze %dma_wait3A_104 : memref<1x128xi32, #tpu.memory_space<vmem>> -> memref<128xi32, #tpu.memory_space<vmem>>
        %dma_wait3A_106 = arith.constant 0 : i32
        %dma_wait3A_107 = arith.constant 0 : i32
        %dma_wait3A_108 = tpu.memref_slice %arg10[%dma_wait3A_106, %dma_wait3A_107] : memref<10240x128xf32, #tpu.memory_space<vmem_shared>> -> memref<10240x128xf32, #tpu.memory_space<vmem_shared>>
        tpu.wait_indirect_dma semaphore(%run_scoped3A : memref<!tpu.dma_semaphore, #tpu.memory_space<semaphore_mem>>) src(%arg8 : memref<128x128xf32, #tpu.memory_space<vmem>>) dst(%dma_wait3A_108 : memref<10240x128xf32, #tpu.memory_space<vmem_shared>>)
        tpu.yield
      }) : () -> ()
      %add3A_82 = arith.constant 1 : i32
      %add3A_83 = arith.addi %mul3A_68, %add3A_82 : i32
      %dma_wait3A_84 = arith.constant 0 : i32
      %dma_wait3A_85 = tpu.memref_slice %arg6[%add3A_83, %dma_wait3A_84] : memref<40x128xi32, #tpu.memory_space<vmem>> -> memref<1x128xi32, #tpu.memory_space<vmem>>
      %dma_wait3A_86 = tpu.memref_squeeze %dma_wait3A_85 : memref<1x128xi32, #tpu.memory_space<vmem>> -> memref<128xi32, #tpu.memory_space<vmem>>
      %dma_wait3A_87 = arith.constant 0 : i32
      %dma_wait3A_88 = arith.constant 0 : i32
      %dma_wait3A_89 = tpu.memref_slice %arg4[%dma_wait3A_87, %dma_wait3A_88] : memref<10240x128xf32, #tpu.memory_space<hbm>> -> memref<10240x128xf32, #tpu.memory_space<hbm>>
      tpu.wait_indirect_dma semaphore(%arg12 : memref<!tpu.dma_semaphore, #tpu.memory_space<semaphore_mem>>) src(%dma_wait3A_89 : memref<10240x128xf32, #tpu.memory_space<hbm>>) dst(%arg9 : memref<128x128xf32, #tpu.memory_space<vmem>>)
      %add3A_90 = arith.constant 1 : i32
      %add3A_91 = arith.addi %scan3A_65, %add3A_90 : i32
      %lt3A = arith.constant 20 : i32
      %lt3A_92 = arith.cmpi slt, %add3A_91, %lt3A : i32
      %convert_element_type3A = arith.extui %lt3A_92 : i1 to i32
      %cond3A = arith.constant 0 : i32
      %cond3A_93 = arith.cmpi ne, %convert_element_type3A, %cond3A : i32
      scf.if %cond3A_93 {
        %add3A_97 = arith.constant 2 : i32
        %add3A_98 = arith.addi %mul3A_68, %add3A_97 : i32
        %dma_start3A_99 = arith.constant 0 : i32
        %dma_start3A_100 = tpu.memref_slice %arg6[%add3A_98, %dma_start3A_99] : memref<40x128xi32, #tpu.memory_space<vmem>> -> memref<1x128xi32, #tpu.memory_space<vmem>>
        %dma_start3A_101 = tpu.memref_squeeze %dma_start3A_100 : memref<1x128xi32, #tpu.memory_space<vmem>> -> memref<128xi32, #tpu.memory_space<vmem>>
        %dma_start3A_102 = arith.constant 0 : i32
        %dma_start3A_103 = arith.constant 0 : i32
        %dma_start3A_104 = tpu.memref_slice %arg4[%dma_start3A_102, %dma_start3A_103] : memref<10240x128xf32, #tpu.memory_space<hbm>> -> memref<10240x128xf32, #tpu.memory_space<hbm>>
        tpu.enqueue_indirect_dma source(%dma_start3A_104 : memref<10240x128xf32, #tpu.memory_space<hbm>>) target(%arg8 : memref<128x128xf32, #tpu.memory_space<vmem>>) offsets(%dma_start3A_101 : memref<128xi32, #tpu.memory_space<vmem>>) semaphore(%arg11 : memref<!tpu.dma_semaphore, #tpu.memory_space<semaphore_mem>>)
      } else {
      }
      %add3A_94 = arith.constant 1 : i32
      %add3A_95 = arith.addi %mul3A_68, %add3A_94 : i32
      "tpu.region"() ({
        %run_scoped3A = tpu.sem_alloc : memref<!tpu.dma_semaphore, #tpu.memory_space<semaphore_mem>>
        %dma_start3A_97 = arith.constant 0 : i32
        %dma_start3A_98 = tpu.memref_slice %arg7[%add3A_95, %dma_start3A_97] : memref<40x128xi32, #tpu.memory_space<vmem>> -> memref<1x128xi32, #tpu.memory_space<vmem>>
        %dma_start3A_99 = tpu.memref_squeeze %dma_start3A_98 : memref<1x128xi32, #tpu.memory_space<vmem>> -> memref<128xi32, #tpu.memory_space<vmem>>
        %dma_start3A_100 = arith.constant 0 : i32
        %dma_start3A_101 = arith.constant 0 : i32
        %dma_start3A_102 = tpu.memref_slice %arg10[%dma_start3A_100, %dma_start3A_101] : memref<10240x128xf32, #tpu.memory_space<vmem_shared>> -> memref<10240x128xf32, #tpu.memory_space<vmem_shared>>
        tpu.enqueue_indirect_dma source(%arg9 : memref<128x128xf32, #tpu.memory_space<vmem>>) target(%dma_start3A_102 : memref<10240x128xf32, #tpu.memory_space<vmem_shared>>) offsets(%dma_start3A_99 : memref<128xi32, #tpu.memory_space<vmem>>) semaphore(%run_scoped3A : memref<!tpu.dma_semaphore, #tpu.memory_space<semaphore_mem>>) {add = true}
        %dma_wait3A_103 = arith.constant 0 : i32
        %dma_wait3A_104 = tpu.memref_slice %arg7[%add3A_95, %dma_wait3A_103] : memref<40x128xi32, #tpu.memory_space<vmem>> -> memref<1x128xi32, #tpu.memory_space<vmem>>
        %dma_wait3A_105 = tpu.memref_squeeze %dma_wait3A_104 : memref<1x128xi32, #tpu.memory_space<vmem>> -> memref<128xi32, #tpu.memory_space<vmem>>
        %dma_wait3A_106 = arith.constant 0 : i32
        %dma_wait3A_107 = arith.constant 0 : i32
        %dma_wait3A_108 = tpu.memref_slice %arg10[%dma_wait3A_106, %dma_wait3A_107] : memref<10240x128xf32, #tpu.memory_space<vmem_shared>> -> memref<10240x128xf32, #tpu.memory_space<vmem_shared>>
        tpu.wait_indirect_dma semaphore(%run_scoped3A : memref<!tpu.dma_semaphore, #tpu.memory_space<semaphore_mem>>) src(%arg9 : memref<128x128xf32, #tpu.memory_space<vmem>>) dst(%dma_wait3A_108 : memref<10240x128xf32, #tpu.memory_space<vmem_shared>>)
        tpu.yield
      }) : () -> ()
      %scan3A_96 = arith.constant 0 : i32
      scf.yield %scan3A_96 : i32
    }
    %scan3A_59 = arith.constant 20 : i32
    %barrier3A_60 = arith.constant 0 : index
    tpu.barrier barrier_id(%barrier3A_60)
    %mul3A_61 = arith.constant 640 : i32
    %mul3A_62 = arith.muli %arg1, %mul3A_61 : i32
    %mul3A_63 = arith.constant 640 : i32
    %mul3A_64 = arith.muli %arg1, %mul3A_63 : i32
    "tpu.region"() ({
      %run_scoped3A = tpu.sem_alloc : memref<!tpu.dma_semaphore, #tpu.memory_space<semaphore_mem>>
      %dma_start3A_65 = arith.constant 0 : i32
      %dma_start3A_66 = tpu.memref_slice %arg5[%arg0, %mul3A_64, %dma_start3A_65] : memref<2x10240x128xf32, #tpu.memory_space<hbm>> -> memref<1x640x128xf32, #tpu.memory_space<hbm>>
      %dma_start3A_67 = tpu.memref_squeeze %dma_start3A_66 : memref<1x640x128xf32, #tpu.memory_space<hbm>> -> memref<640x128xf32, #tpu.memory_space<hbm>>
      %dma_start3A_68 = arith.constant 0 : i32
      %dma_start3A_69 = tpu.memref_slice %arg10[%mul3A_62, %dma_start3A_68] : memref<10240x128xf32, #tpu.memory_space<vmem_shared>> -> memref<640x128xf32, #tpu.memory_space<vmem_shared>>
      tpu.enqueue_dma source(%dma_start3A_69 : memref<640x128xf32, #tpu.memory_space<vmem_shared>>) target(%dma_start3A_67 : memref<640x128xf32, #tpu.memory_space<hbm>>) target_semaphore(%run_scoped3A : memref<!tpu.dma_semaphore, #tpu.memory_space<semaphore_mem>>)
      %dma_wait3A = arith.constant 0 : i32
      %dma_wait3A_70 = tpu.memref_slice %arg5[%arg0, %mul3A_64, %dma_wait3A] : memref<2x10240x128xf32, #tpu.memory_space<hbm>> -> memref<1x640x128xf32, #tpu.memory_space<hbm>>
      %dma_wait3A_71 = tpu.memref_squeeze %dma_wait3A_70 : memref<1x640x128xf32, #tpu.memory_space<hbm>> -> memref<640x128xf32, #tpu.memory_space<hbm>>
      %dma_wait3A_72 = arith.constant 0 : i32
      %dma_wait3A_73 = tpu.memref_slice %arg10[%mul3A_62, %dma_wait3A_72] : memref<10240x128xf32, #tpu.memory_space<vmem_shared>> -> memref<640x128xf32, #tpu.memory_space<vmem_shared>>
      tpu.wait_dma2 semaphore(%run_scoped3A : memref<!tpu.dma_semaphore, #tpu.memory_space<semaphore_mem>>) src(%dma_wait3A_73 : memref<640x128xf32, #tpu.memory_space<vmem_shared>>) dst(%dma_wait3A_71 : memref<640x128xf32, #tpu.memory_space<hbm>>)
      tpu.yield
    }) : () -> ()
    return
  }
}

#map = affine_map<(d0, d1) -> (0, 0, 0)>
#map1 = affine_map<(d0, d1) -> (0, 0)>
module attributes {stable_mosaic.version = 14 : i64} {
  func.func @scatter_kernel(%arg0: i32, %arg1: i32, %arg2: memref<16x160x128xi32, #tpu.memory_space<hbm>>, %arg3: memref<16x160x128xi32, #tpu.memory_space<hbm>>, %arg4: memref<10240x128xf32, #tpu.memory_space<hbm>>, %arg5: memref<2x10240x128xf32, #tpu.memory_space<hbm>>, %arg6: memref<40x128xi32, #tpu.memory_space<vmem>>, %arg7: memref<40x128xi32, #tpu.memory_space<vmem>>, %arg8: memref<128x128xf32, #tpu.memory_space<vmem>>, %arg9: memref<128x128xf32, #tpu.memory_space<vmem>>, %arg10: memref<10240x128xf32, #tpu.memory_space<vmem_shared>>, %arg11: memref<!tpu.dma_semaphore, #tpu.memory_space<semaphore_mem>>, %arg12: memref<!tpu.dma_semaphore, #tpu.memory_space<semaphore_mem>>) attributes {dimension_semantics = [#tpu.dimension_semantics<core_parallel>, #tpu.dimension_semantics<subcore_parallel>], iteration_bounds = array<i64: 2, 16>, scalar_prefetch = 0 : i64, scratch_operands = 7 : i64, tpu.core_type = #tpu.core_type<sc_vector_subcore>, window_params = [{transform_indices = #map}, {transform_indices = #map}, {transform_indices = #map1}, {transform_indices = #map}]} {
    %broadcast_in_dim3A = arith.constant 0.000000e+00 : f32
    %broadcast_in_dim3A_0 = vector.broadcast %broadcast_in_dim3A : f32 to vector<16xf32>
    %scan3A = arith.constant 0 : i32
    %scan3A_1 = arith.constant 0 : i32
    %scan3A_2 = arith.constant 128 : i32
    %scan3A_3 = arith.addi %scan3A_1, %scan3A_2 : i32
    %scan3A_4 = arith.constant 1 : i32
    %scan3A_5 = scf.for %scan3A_65 = %scan3A_1 to %scan3A_3 step %scan3A_4 iter_args(%scan3A_66 = %scan3A) -> (i32)  : i32 {
      %swap3A = arith.index_cast %scan3A_65 : i32 to index
      %swap3A_67 = arith.constant 0 : index
      %swap3A_68 = tpu.vector_load %arg8[%swap3A, %swap3A_67] {strides = array<i32>} : memref<128x128xf32, #tpu.memory_space<vmem>>, vector<1x16xf32>,
      %swap3A_69 = vector.shape_cast %swap3A_68 : vector<1x16xf32> to vector<16xf32>
      %swap3A_70 = vector.shape_cast %broadcast_in_dim3A_0 : vector<16xf32> to vector<1x16xf32>
      tpu.vector_store %arg8[%swap3A, %swap3A_67], %swap3A_70 {strides = array<i32>} : memref<128x128xf32, #tpu.memory_space<vmem>>, vector<1x16xf32>,
      %swap3A_71 = arith.index_cast %scan3A_65 : i32 to index
      %swap3A_72 = arith.constant 16 : index
      %swap3A_73 = tpu.vector_load %arg8[%swap3A_71, %swap3A_72] {strides = array<i32>} : memref<128x128xf32, #tpu.memory_space<vmem>>, vector<1x16xf32>,
      %swap3A_74 = vector.shape_cast %swap3A_73 : vector<1x16xf32> to vector<16xf32>
      %swap3A_75 = vector.shape_cast %broadcast_in_dim3A_0 : vector<16xf32> to vector<1x16xf32>
      tpu.vector_store %arg8[%swap3A_71, %swap3A_72], %swap3A_75 {strides = array<i32>} : memref<128x128xf32, #tpu.memory_space<vmem>>, vector<1x16xf32>,
      %swap3A_76 = arith.index_cast %scan3A_65 : i32 to index
      %swap3A_77 = arith.constant 32 : index
      %swap3A_78 = tpu.vector_load %arg8[%swap3A_76, %swap3A_77] {strides = array<i32>} : memref<128x128xf32, #tpu.memory_space<vmem>>, vector<1x16xf32>,
      %swap3A_79 = vector.shape_cast %swap3A_78 : vector<1x16xf32> to vector<16xf32>
      %swap3A_80 = vector.shape_cast %broadcast_in_dim3A_0 : vector<16xf32> to vector<1x16xf32>
      tpu.vector_store %arg8[%swap3A_76, %swap3A_77], %swap3A_80 {strides = array<i32>} : memref<128x128xf32, #tpu.memory_space<vmem>>, vector<1x16xf32>,
      %swap3A_81 = arith.index_cast %scan3A_65 : i32 to index
      %swap3A_82 = arith.constant 48 : index
      %swap3A_83 = tpu.vector_load %arg8[%swap3A_81, %swap3A_82] {strides = array<i32>} : memref<128x128xf32, #tpu.memory_space<vmem>>, vector<1x16xf32>,
      %swap3A_84 = vector.shape_cast %swap3A_83 : vector<1x16xf32> to vector<16xf32>
      %swap3A_85 = vector.shape_cast %broadcast_in_dim3A_0 : vector<16xf32> to vector<1x16xf32>
      tpu.vector_store %arg8[%swap3A_81, %swap3A_82], %swap3A_85 {strides = array<i32>} : memref<128x128xf32, #tpu.memory_space<vmem>>, vector<1x16xf32>,
      %swap3A_86 = arith.index_cast %scan3A_65 : i32 to index
      %swap3A_87 = arith.constant 64 : index
      %swap3A_88 = tpu.vector_load %arg8[%swap3A_86, %swap3A_87] {strides = array<i32>} : memref<128x128xf32, #tpu.memory_space<vmem>>, vector<1x16xf32>,
      %swap3A_89 = vector.shape_cast %swap3A_88 : vector<1x16xf32> to vector<16xf32>
      %swap3A_90 = vector.shape_cast %broadcast_in_dim3A_0 : vector<16xf32> to vector<1x16xf32>
      tpu.vector_store %arg8[%swap3A_86, %swap3A_87], %swap3A_90 {strides = array<i32>} : memref<128x128xf32, #tpu.memory_space<vmem>>, vector<1x16xf32>,
      %swap3A_91 = arith.index_cast %scan3A_65 : i32 to index
      %swap3A_92 = arith.constant 80 : index
      %swap3A_93 = tpu.vector_load %arg8[%swap3A_91, %swap3A_92] {strides = array<i32>} : memref<128x128xf32, #tpu.memory_space<vmem>>, vector<1x16xf32>,
      %swap3A_94 = vector.shape_cast %swap3A_93 : vector<1x16xf32> to vector<16xf32>
      %swap3A_95 = vector.shape_cast %broadcast_in_dim3A_0 : vector<16xf32> to vector<1x16xf32>
      tpu.vector_store %arg8[%swap3A_91, %swap3A_92], %swap3A_95 {strides = array<i32>} : memref<128x128xf32, #tpu.memory_space<vmem>>, vector<1x16xf32>,
      %swap3A_96 = arith.index_cast %scan3A_65 : i32 to index
      %swap3A_97 = arith.constant 96 : index
      %swap3A_98 = tpu.vector_load %arg8[%swap3A_96, %swap3A_97] {strides = array<i32>} : memref<128x128xf32, #tpu.memory_space<vmem>>, vector<1x16xf32>,
      %swap3A_99 = vector.shape_cast %swap3A_98 : vector<1x16xf32> to vector<16xf32>
      %swap3A_100 = vector.shape_cast %broadcast_in_dim3A_0 : vector<16xf32> to vector<1x16xf32>
      tpu.vector_store %arg8[%swap3A_96, %swap3A_97], %swap3A_100 {strides = array<i32>} : memref<128x128xf32, #tpu.memory_space<vmem>>, vector<1x16xf32>,
      %swap3A_101 = arith.index_cast %scan3A_65 : i32 to index
      %swap3A_102 = arith.constant 112 : index
      %swap3A_103 = tpu.vector_load %arg8[%swap3A_101, %swap3A_102] {strides = array<i32>} : memref<128x128xf32, #tpu.memory_space<vmem>>, vector<1x16xf32>,
      %swap3A_104 = vector.shape_cast %swap3A_103 : vector<1x16xf32> to vector<16xf32>
      %swap3A_105 = vector.shape_cast %broadcast_in_dim3A_0 : vector<16xf32> to vector<1x16xf32>
      tpu.vector_store %arg8[%swap3A_101, %swap3A_102], %swap3A_105 {strides = array<i32>} : memref<128x128xf32, #tpu.memory_space<vmem>>, vector<1x16xf32>,
      %scan3A_106 = arith.constant 0 : i32
      scf.yield %scan3A_106 : i32
    }
    %scan3A_6 = arith.constant 128 : i32
    %mul3A = arith.constant 640 : i32
    %mul3A_7 = arith.muli %arg1, %mul3A : i32
    %add3A = arith.constant 0 : i32
    %add3A_8 = arith.addi %mul3A_7, %add3A : i32
    "tpu.region"() ({
      %run_scoped3A = tpu.sem_alloc : memref<!tpu.dma_semaphore, #tpu.memory_space<semaphore_mem>>
      %dma_start3A_65 = arith.constant 0 : i32
      %dma_start3A_66 = tpu.memref_slice %arg10[%add3A_8, %dma_start3A_65] : memref<10240x128xf32, #tpu.memory_space<vmem_shared>> -> memref<128x128xf32, #tpu.memory_space<vmem_shared>>
      %dma_start3A_67 = arith.constant 0 : i32
      %dma_start3A_68 = tpu.memref_slice %arg10[%add3A_8, %dma_start3A_67] : memref<10240x128xf32, #tpu.memory_space<vmem_shared>> -> memref<128x128xf32, #tpu.memory_space<vmem_shared>>
      tpu.enqueue_dma source(%arg8 : memref<128x128xf32, #tpu.memory_space<vmem>>) target(%dma_start3A_68 : memref<128x128xf32, #tpu.memory_space<vmem_shared>>) target_semaphore(%run_scoped3A : memref<!tpu.dma_semaphore, #tpu.memory_space<semaphore_mem>>)
      %dma_wait3A = arith.constant 0 : i32
      %dma_wait3A_69 = tpu.memref_slice %arg10[%add3A_8, %dma_wait3A] : memref<10240x128xf32, #tpu.memory_space<vmem_shared>> -> memref<128x128xf32, #tpu.memory_space<vmem_shared>>
      %dma_wait3A_70 = arith.constant 0 : i32
      %dma_wait3A_71 = tpu.memref_slice %arg10[%add3A_8, %dma_wait3A_70] : memref<10240x128xf32, #tpu.memory_space<vmem_shared>> -> memref<128x128xf32, #tpu.memory_space<vmem_shared>>
      tpu.wait_dma2 semaphore(%run_scoped3A : memref<!tpu.dma_semaphore, #tpu.memory_space<semaphore_mem>>) src(%arg8 : memref<128x128xf32, #tpu.memory_space<vmem>>) dst(%dma_wait3A_71 : memref<128x128xf32, #tpu.memory_space<vmem_shared>>)
      tpu.yield
    }) : () -> ()
    %mul3A_9 = arith.constant 640 : i32
    %mul3A_10 = arith.muli %arg1, %mul3A_9 : i32
    %add3A_11 = arith.constant 128 : i32
    %add3A_12 = arith.addi %mul3A_10, %add3A_11 : i32
    "tpu.region"() ({
      %run_scoped3A = tpu.sem_alloc : memref<!tpu.dma_semaphore, #tpu.memory_space<semaphore_mem>>
      %dma_start3A_65 = arith.constant 0 : i32
      %dma_start3A_66 = tpu.memref_slice %arg10[%add3A_12, %dma_start3A_65] : memref<10240x128xf32, #tpu.memory_space<vmem_shared>> -> memref<128x128xf32, #tpu.memory_space<vmem_shared>>
      %dma_start3A_67 = arith.constant 0 : i32
      %dma_start3A_68 = tpu.memref_slice %arg10[%add3A_12, %dma_start3A_67] : memref<10240x128xf32, #tpu.memory_space<vmem_shared>> -> memref<128x128xf32, #tpu.memory_space<vmem_shared>>
      tpu.enqueue_dma source(%arg8 : memref<128x128xf32, #tpu.memory_space<vmem>>) target(%dma_start3A_68 : memref<128x128xf32, #tpu.memory_space<vmem_shared>>) target_semaphore(%run_scoped3A : memref<!tpu.dma_semaphore, #tpu.memory_space<semaphore_mem>>)
      %dma_wait3A = arith.constant 0 : i32
      %dma_wait3A_69 = tpu.memref_slice %arg10[%add3A_12, %dma_wait3A] : memref<10240x128xf32, #tpu.memory_space<vmem_shared>> -> memref<128x128xf32, #tpu.memory_space<vmem_shared>>
      %dma_wait3A_70 = arith.constant 0 : i32
      %dma_wait3A_71 = tpu.memref_slice %arg10[%add3A_12, %dma_wait3A_70] : memref<10240x128xf32, #tpu.memory_space<vmem_shared>> -> memref<128x128xf32, #tpu.memory_space<vmem_shared>>
      tpu.wait_dma2 semaphore(%run_scoped3A : memref<!tpu.dma_semaphore, #tpu.memory_space<semaphore_mem>>) src(%arg8 : memref<128x128xf32, #tpu.memory_space<vmem>>) dst(%dma_wait3A_71 : memref<128x128xf32, #tpu.memory_space<vmem_shared>>)
      tpu.yield
    }) : () -> ()
    %mul3A_13 = arith.constant 640 : i32
    %mul3A_14 = arith.muli %arg1, %mul3A_13 : i32
    %add3A_15 = arith.constant 256 : i32
    %add3A_16 = arith.addi %mul3A_14, %add3A_15 : i32
    "tpu.region"() ({
      %run_scoped3A = tpu.sem_alloc : memref<!tpu.dma_semaphore, #tpu.memory_space<semaphore_mem>>
      %dma_start3A_65 = arith.constant 0 : i32
      %dma_start3A_66 = tpu.memref_slice %arg10[%add3A_16, %dma_start3A_65] : memref<10240x128xf32, #tpu.memory_space<vmem_shared>> -> memref<128x128xf32, #tpu.memory_space<vmem_shared>>
      %dma_start3A_67 = arith.constant 0 : i32
      %dma_start3A_68 = tpu.memref_slice %arg10[%add3A_16, %dma_start3A_67] : memref<10240x128xf32, #tpu.memory_space<vmem_shared>> -> memref<128x128xf32, #tpu.memory_space<vmem_shared>>
      tpu.enqueue_dma source(%arg8 : memref<128x128xf32, #tpu.memory_space<vmem>>) target(%dma_start3A_68 : memref<128x128xf32, #tpu.memory_space<vmem_shared>>) target_semaphore(%run_scoped3A : memref<!tpu.dma_semaphore, #tpu.memory_space<semaphore_mem>>)
      %dma_wait3A = arith.constant 0 : i32
      %dma_wait3A_69 = tpu.memref_slice %arg10[%add3A_16, %dma_wait3A] : memref<10240x128xf32, #tpu.memory_space<vmem_shared>> -> memref<128x128xf32, #tpu.memory_space<vmem_shared>>
      %dma_wait3A_70 = arith.constant 0 : i32
      %dma_wait3A_71 = tpu.memref_slice %arg10[%add3A_16, %dma_wait3A_70] : memref<10240x128xf32, #tpu.memory_space<vmem_shared>> -> memref<128x128xf32, #tpu.memory_space<vmem_shared>>
      tpu.wait_dma2 semaphore(%run_scoped3A : memref<!tpu.dma_semaphore, #tpu.memory_space<semaphore_mem>>) src(%arg8 : memref<128x128xf32, #tpu.memory_space<vmem>>) dst(%dma_wait3A_71 : memref<128x128xf32, #tpu.memory_space<vmem_shared>>)
      tpu.yield
    }) : () -> ()
    %mul3A_17 = arith.constant 640 : i32
    %mul3A_18 = arith.muli %arg1, %mul3A_17 : i32
    %add3A_19 = arith.constant 384 : i32
    %add3A_20 = arith.addi %mul3A_18, %add3A_19 : i32
    "tpu.region"() ({
      %run_scoped3A = tpu.sem_alloc : memref<!tpu.dma_semaphore, #tpu.memory_space<semaphore_mem>>
      %dma_start3A_65 = arith.constant 0 : i32
      %dma_start3A_66 = tpu.memref_slice %arg10[%add3A_20, %dma_start3A_65] : memref<10240x128xf32, #tpu.memory_space<vmem_shared>> -> memref<128x128xf32, #tpu.memory_space<vmem_shared>>
      %dma_start3A_67 = arith.constant 0 : i32
      %dma_start3A_68 = tpu.memref_slice %arg10[%add3A_20, %dma_start3A_67] : memref<10240x128xf32, #tpu.memory_space<vmem_shared>> -> memref<128x128xf32, #tpu.memory_space<vmem_shared>>
      tpu.enqueue_dma source(%arg8 : memref<128x128xf32, #tpu.memory_space<vmem>>) target(%dma_start3A_68 : memref<128x128xf32, #tpu.memory_space<vmem_shared>>) target_semaphore(%run_scoped3A : memref<!tpu.dma_semaphore, #tpu.memory_space<semaphore_mem>>)
      %dma_wait3A = arith.constant 0 : i32
      %dma_wait3A_69 = tpu.memref_slice %arg10[%add3A_20, %dma_wait3A] : memref<10240x128xf32, #tpu.memory_space<vmem_shared>> -> memref<128x128xf32, #tpu.memory_space<vmem_shared>>
      %dma_wait3A_70 = arith.constant 0 : i32
      %dma_wait3A_71 = tpu.memref_slice %arg10[%add3A_20, %dma_wait3A_70] : memref<10240x128xf32, #tpu.memory_space<vmem_shared>> -> memref<128x128xf32, #tpu.memory_space<vmem_shared>>
      tpu.wait_dma2 semaphore(%run_scoped3A : memref<!tpu.dma_semaphore, #tpu.memory_space<semaphore_mem>>) src(%arg8 : memref<128x128xf32, #tpu.memory_space<vmem>>) dst(%dma_wait3A_71 : memref<128x128xf32, #tpu.memory_space<vmem_shared>>)
      tpu.yield
    }) : () -> ()
    %mul3A_21 = arith.constant 640 : i32
    %mul3A_22 = arith.muli %arg1, %mul3A_21 : i32
    %add3A_23 = arith.constant 512 : i32
    %add3A_24 = arith.addi %mul3A_22, %add3A_23 : i32
    "tpu.region"() ({
      %run_scoped3A = tpu.sem_alloc : memref<!tpu.dma_semaphore, #tpu.memory_space<semaphore_mem>>
      %dma_start3A_65 = arith.constant 0 : i32
      %dma_start3A_66 = tpu.memref_slice %arg10[%add3A_24, %dma_start3A_65] : memref<10240x128xf32, #tpu.memory_space<vmem_shared>> -> memref<128x128xf32, #tpu.memory_space<vmem_shared>>
      %dma_start3A_67 = arith.constant 0 : i32
      %dma_start3A_68 = tpu.memref_slice %arg10[%add3A_24, %dma_start3A_67] : memref<10240x128xf32, #tpu.memory_space<vmem_shared>> -> memref<128x128xf32, #tpu.memory_space<vmem_shared>>
      tpu.enqueue_dma source(%arg8 : memref<128x128xf32, #tpu.memory_space<vmem>>) target(%dma_start3A_68 : memref<128x128xf32, #tpu.memory_space<vmem_shared>>) target_semaphore(%run_scoped3A : memref<!tpu.dma_semaphore, #tpu.memory_space<semaphore_mem>>)
      %dma_wait3A = arith.constant 0 : i32
      %dma_wait3A_69 = tpu.memref_slice %arg10[%add3A_24, %dma_wait3A] : memref<10240x128xf32, #tpu.memory_space<vmem_shared>> -> memref<128x128xf32, #tpu.memory_space<vmem_shared>>
      %dma_wait3A_70 = arith.constant 0 : i32
      %dma_wait3A_71 = tpu.memref_slice %arg10[%add3A_24, %dma_wait3A_70] : memref<10240x128xf32, #tpu.memory_space<vmem_shared>> -> memref<128x128xf32, #tpu.memory_space<vmem_shared>>
      tpu.wait_dma2 semaphore(%run_scoped3A : memref<!tpu.dma_semaphore, #tpu.memory_space<semaphore_mem>>) src(%arg8 : memref<128x128xf32, #tpu.memory_space<vmem>>) dst(%dma_wait3A_71 : memref<128x128xf32, #tpu.memory_space<vmem_shared>>)
      tpu.yield
    }) : () -> ()
    %barrier3A = arith.constant 0 : index
    tpu.barrier barrier_id(%barrier3A)
    %mul3A_25 = arith.constant 80 : i32
    %mul3A_26 = arith.muli %arg0, %mul3A_25 : i32
    %add3A_27 = arith.constant 0 : i32
    %add3A_28 = arith.addi %mul3A_26, %add3A_27 : i32
    "tpu.region"() ({
      %run_scoped3A = tpu.sem_alloc : memref<!tpu.dma_semaphore, #tpu.memory_space<semaphore_mem>>
      %dma_start3A_65 = arith.constant 0 : i32
      %dma_start3A_66 = tpu.memref_slice %arg2[%arg1, %add3A_28, %dma_start3A_65] : memref<16x160x128xi32, #tpu.memory_space<hbm>> -> memref<1x40x128xi32, #tpu.memory_space<hbm>>
      %dma_start3A_67 = tpu.memref_squeeze %dma_start3A_66 : memref<1x40x128xi32, #tpu.memory_space<hbm>> -> memref<40x128xi32, #tpu.memory_space<hbm>>
      %dma_start3A_68 = arith.constant 0 : i32
      %dma_start3A_69 = tpu.memref_slice %arg2[%arg1, %add3A_28, %dma_start3A_68] : memref<16x160x128xi32, #tpu.memory_space<hbm>> -> memref<1x40x128xi32, #tpu.memory_space<hbm>>
      %dma_start3A_70 = tpu.memref_squeeze %dma_start3A_69 : memref<1x40x128xi32, #tpu.memory_space<hbm>> -> memref<40x128xi32, #tpu.memory_space<hbm>>
      tpu.enqueue_dma source(%dma_start3A_70 : memref<40x128xi32, #tpu.memory_space<hbm>>) target(%arg6 : memref<40x128xi32, #tpu.memory_space<vmem>>) target_semaphore(%run_scoped3A : memref<!tpu.dma_semaphore, #tpu.memory_space<semaphore_mem>>)
      %dma_wait3A = arith.constant 0 : i32
      %dma_wait3A_71 = tpu.memref_slice %arg2[%arg1, %add3A_28, %dma_wait3A] : memref<16x160x128xi32, #tpu.memory_space<hbm>> -> memref<1x40x128xi32, #tpu.memory_space<hbm>>
      %dma_wait3A_72 = tpu.memref_squeeze %dma_wait3A_71 : memref<1x40x128xi32, #tpu.memory_space<hbm>> -> memref<40x128xi32, #tpu.memory_space<hbm>>
      %dma_wait3A_73 = arith.constant 0 : i32
      %dma_wait3A_74 = tpu.memref_slice %arg2[%arg1, %add3A_28, %dma_wait3A_73] : memref<16x160x128xi32, #tpu.memory_space<hbm>> -> memref<1x40x128xi32, #tpu.memory_space<hbm>>
      %dma_wait3A_75 = tpu.memref_squeeze %dma_wait3A_74 : memref<1x40x128xi32, #tpu.memory_space<hbm>> -> memref<40x128xi32, #tpu.memory_space<hbm>>
      tpu.wait_dma2 semaphore(%run_scoped3A : memref<!tpu.dma_semaphore, #tpu.memory_space<semaphore_mem>>) src(%dma_wait3A_75 : memref<40x128xi32, #tpu.memory_space<hbm>>) dst(%arg6 : memref<40x128xi32, #tpu.memory_space<vmem>>)
      tpu.yield
    }) : () -> ()
    "tpu.region"() ({
      %run_scoped3A = tpu.sem_alloc : memref<!tpu.dma_semaphore, #tpu.memory_space<semaphore_mem>>
      %dma_start3A_65 = arith.constant 0 : i32
      %dma_start3A_66 = tpu.memref_slice %arg3[%arg1, %add3A_28, %dma_start3A_65] : memref<16x160x128xi32, #tpu.memory_space<hbm>> -> memref<1x40x128xi32, #tpu.memory_space<hbm>>
      %dma_start3A_67 = tpu.memref_squeeze %dma_start3A_66 : memref<1x40x128xi32, #tpu.memory_space<hbm>> -> memref<40x128xi32, #tpu.memory_space<hbm>>
      %dma_start3A_68 = arith.constant 0 : i32
      %dma_start3A_69 = tpu.memref_slice %arg3[%arg1, %add3A_28, %dma_start3A_68] : memref<16x160x128xi32, #tpu.memory_space<hbm>> -> memref<1x40x128xi32, #tpu.memory_space<hbm>>
      %dma_start3A_70 = tpu.memref_squeeze %dma_start3A_69 : memref<1x40x128xi32, #tpu.memory_space<hbm>> -> memref<40x128xi32, #tpu.memory_space<hbm>>
      tpu.enqueue_dma source(%dma_start3A_70 : memref<40x128xi32, #tpu.memory_space<hbm>>) target(%arg7 : memref<40x128xi32, #tpu.memory_space<vmem>>) target_semaphore(%run_scoped3A : memref<!tpu.dma_semaphore, #tpu.memory_space<semaphore_mem>>)
      %dma_wait3A = arith.constant 0 : i32
      %dma_wait3A_71 = tpu.memref_slice %arg3[%arg1, %add3A_28, %dma_wait3A] : memref<16x160x128xi32, #tpu.memory_space<hbm>> -> memref<1x40x128xi32, #tpu.memory_space<hbm>>
      %dma_wait3A_72 = tpu.memref_squeeze %dma_wait3A_71 : memref<1x40x128xi32, #tpu.memory_space<hbm>> -> memref<40x128xi32, #tpu.memory_space<hbm>>
      %dma_wait3A_73 = arith.constant 0 : i32
      %dma_wait3A_74 = tpu.memref_slice %arg3[%arg1, %add3A_28, %dma_wait3A_73] : memref<16x160x128xi32, #tpu.memory_space<hbm>> -> memref<1x40x128xi32, #tpu.memory_space<hbm>>
      %dma_wait3A_75 = tpu.memref_squeeze %dma_wait3A_74 : memref<1x40x128xi32, #tpu.memory_space<hbm>> -> memref<40x128xi32, #tpu.memory_space<hbm>>
      tpu.wait_dma2 semaphore(%run_scoped3A : memref<!tpu.dma_semaphore, #tpu.memory_space<semaphore_mem>>) src(%dma_wait3A_75 : memref<40x128xi32, #tpu.memory_space<hbm>>) dst(%arg7 : memref<40x128xi32, #tpu.memory_space<vmem>>)
      tpu.yield
    }) : () -> ()
    %dma_start3A = arith.constant 0 : i32
    %dma_start3A_29 = arith.constant 0 : i32
    %dma_start3A_30 = tpu.memref_slice %arg6[%dma_start3A, %dma_start3A_29] : memref<40x128xi32, #tpu.memory_space<vmem>> -> memref<1x128xi32, #tpu.memory_space<vmem>>
    %dma_start3A_31 = tpu.memref_squeeze %dma_start3A_30 : memref<1x128xi32, #tpu.memory_space<vmem>> -> memref<128xi32, #tpu.memory_space<vmem>>
    %dma_start3A_32 = arith.constant 0 : i32
    %dma_start3A_33 = arith.constant 0 : i32
    %dma_start3A_34 = tpu.memref_slice %arg4[%dma_start3A_32, %dma_start3A_33] : memref<10240x128xf32, #tpu.memory_space<hbm>> -> memref<10240x128xf32, #tpu.memory_space<hbm>>
    tpu.enqueue_indirect_dma source(%dma_start3A_34 : memref<10240x128xf32, #tpu.memory_space<hbm>>) target(%arg8 : memref<128x128xf32, #tpu.memory_space<vmem>>) offsets(%dma_start3A_31 : memref<128xi32, #tpu.memory_space<vmem>>) semaphore(%arg11 : memref<!tpu.dma_semaphore, #tpu.memory_space<semaphore_mem>>)
    %scan3A_35 = arith.constant 0 : i32
    %scan3A_36 = arith.constant 0 : i32
    %scan3A_37 = arith.constant 20 : i32
    %scan3A_38 = arith.addi %scan3A_36, %scan3A_37 : i32
    %scan3A_39 = arith.constant 1 : i32
    %scan3A_40 = scf.for %scan3A_65 = %scan3A_36 to %scan3A_38 step %scan3A_39 iter_args(%scan3A_66 = %scan3A_35) -> (i32)  : i32 {
      %mul3A_67 = arith.constant 2 : i32
      %mul3A_68 = arith.muli %mul3A_67, %scan3A_65 : i32
      %dma_wait3A = arith.constant 0 : i32
      %dma_wait3A_69 = tpu.memref_slice %arg6[%mul3A_68, %dma_wait3A] : memref<40x128xi32, #tpu.memory_space<vmem>> -> memref<1x128xi32, #tpu.memory_space<vmem>>
      %dma_wait3A_70 = tpu.memref_squeeze %dma_wait3A_69 : memref<1x128xi32, #tpu.memory_space<vmem>> -> memref<128xi32, #tpu.memory_space<vmem>>
      %dma_wait3A_71 = arith.constant 0 : i32
      %dma_wait3A_72 = arith.constant 0 : i32
      %dma_wait3A_73 = tpu.memref_slice %arg4[%dma_wait3A_71, %dma_wait3A_72] : memref<10240x128xf32, #tpu.memory_space<hbm>> -> memref<10240x128xf32, #tpu.memory_space<hbm>>
      tpu.wait_indirect_dma semaphore(%arg11 : memref<!tpu.dma_semaphore, #tpu.memory_space<semaphore_mem>>) src(%dma_wait3A_73 : memref<10240x128xf32, #tpu.memory_space<hbm>>) dst(%arg8 : memref<128x128xf32, #tpu.memory_space<vmem>>)
      %add3A_74 = arith.constant 1 : i32
      %add3A_75 = arith.addi %mul3A_68, %add3A_74 : i32
      %dma_start3A_76 = arith.constant 0 : i32
      %dma_start3A_77 = tpu.memref_slice %arg6[%add3A_75, %dma_start3A_76] : memref<40x128xi32, #tpu.memory_space<vmem>> -> memref<1x128xi32, #tpu.memory_space<vmem>>
      %dma_start3A_78 = tpu.memref_squeeze %dma_start3A_77 : memref<1x128xi32, #tpu.memory_space<vmem>> -> memref<128xi32, #tpu.memory_space<vmem>>
      %dma_start3A_79 = arith.constant 0 : i32
      %dma_start3A_80 = arith.constant 0 : i32
      %dma_start3A_81 = tpu.memref_slice %arg4[%dma_start3A_79, %dma_start3A_80] : memref<10240x128xf32, #tpu.memory_space<hbm>> -> memref<10240x128xf32, #tpu.memory_space<hbm>>
      tpu.enqueue_indirect_dma source(%dma_start3A_81 : memref<10240x128xf32, #tpu.memory_space<hbm>>) target(%arg9 : memref<128x128xf32, #tpu.memory_space<vmem>>) offsets(%dma_start3A_78 : memref<128xi32, #tpu.memory_space<vmem>>) semaphore(%arg12 : memref<!tpu.dma_semaphore, #tpu.memory_space<semaphore_mem>>)
      "tpu.region"() ({
        %run_scoped3A = tpu.sem_alloc : memref<!tpu.dma_semaphore, #tpu.memory_space<semaphore_mem>>
        %dma_start3A_97 = arith.constant 0 : i32
        %dma_start3A_98 = tpu.memref_slice %arg7[%mul3A_68, %dma_start3A_97] : memref<40x128xi32, #tpu.memory_space<vmem>> -> memref<1x128xi32, #tpu.memory_space<vmem>>
        %dma_start3A_99 = tpu.memref_squeeze %dma_start3A_98 : memref<1x128xi32, #tpu.memory_space<vmem>> -> memref<128xi32, #tpu.memory_space<vmem>>
        %dma_start3A_100 = arith.constant 0 : i32
        %dma_start3A_101 = arith.constant 0 : i32
        %dma_start3A_102 = tpu.memref_slice %arg10[%dma_start3A_100, %dma_start3A_101] : memref<10240x128xf32, #tpu.memory_space<vmem_shared>> -> memref<10240x128xf32, #tpu.memory_space<vmem_shared>>
        tpu.enqueue_indirect_dma source(%arg8 : memref<128x128xf32, #tpu.memory_space<vmem>>) target(%dma_start3A_102 : memref<10240x128xf32, #tpu.memory_space<vmem_shared>>) offsets(%dma_start3A_99 : memref<128xi32, #tpu.memory_space<vmem>>) semaphore(%run_scoped3A : memref<!tpu.dma_semaphore, #tpu.memory_space<semaphore_mem>>) {add = true}
        %dma_wait3A_103 = arith.constant 0 : i32
        %dma_wait3A_104 = tpu.memref_slice %arg7[%mul3A_68, %dma_wait3A_103] : memref<40x128xi32, #tpu.memory_space<vmem>> -> memref<1x128xi32, #tpu.memory_space<vmem>>
        %dma_wait3A_105 = tpu.memref_squeeze %dma_wait3A_104 : memref<1x128xi32, #tpu.memory_space<vmem>> -> memref<128xi32, #tpu.memory_space<vmem>>
        %dma_wait3A_106 = arith.constant 0 : i32
        %dma_wait3A_107 = arith.constant 0 : i32
        %dma_wait3A_108 = tpu.memref_slice %arg10[%dma_wait3A_106, %dma_wait3A_107] : memref<10240x128xf32, #tpu.memory_space<vmem_shared>> -> memref<10240x128xf32, #tpu.memory_space<vmem_shared>>
        tpu.wait_indirect_dma semaphore(%run_scoped3A : memref<!tpu.dma_semaphore, #tpu.memory_space<semaphore_mem>>) src(%arg8 : memref<128x128xf32, #tpu.memory_space<vmem>>) dst(%dma_wait3A_108 : memref<10240x128xf32, #tpu.memory_space<vmem_shared>>)
        tpu.yield
      }) : () -> ()
      %add3A_82 = arith.constant 1 : i32
      %add3A_83 = arith.addi %mul3A_68, %add3A_82 : i32
      %dma_wait3A_84 = arith.constant 0 : i32
      %dma_wait3A_85 = tpu.memref_slice %arg6[%add3A_83, %dma_wait3A_84] : memref<40x128xi32, #tpu.memory_space<vmem>> -> memref<1x128xi32, #tpu.memory_space<vmem>>
      %dma_wait3A_86 = tpu.memref_squeeze %dma_wait3A_85 : memref<1x128xi32, #tpu.memory_space<vmem>> -> memref<128xi32, #tpu.memory_space<vmem>>
      %dma_wait3A_87 = arith.constant 0 : i32
      %dma_wait3A_88 = arith.constant 0 : i32
      %dma_wait3A_89 = tpu.memref_slice %arg4[%dma_wait3A_87, %dma_wait3A_88] : memref<10240x128xf32, #tpu.memory_space<hbm>> -> memref<10240x128xf32, #tpu.memory_space<hbm>>
      tpu.wait_indirect_dma semaphore(%arg12 : memref<!tpu.dma_semaphore, #tpu.memory_space<semaphore_mem>>) src(%dma_wait3A_89 : memref<10240x128xf32, #tpu.memory_space<hbm>>) dst(%arg9 : memref<128x128xf32, #tpu.memory_space<vmem>>)
      %add3A_90 = arith.constant 1 : i32
      %add3A_91 = arith.addi %scan3A_65, %add3A_90 : i32
      %lt3A = arith.constant 20 : i32
      %lt3A_92 = arith.cmpi slt, %add3A_91, %lt3A : i32
      %convert_element_type3A = arith.extui %lt3A_92 : i1 to i32
      %cond3A = arith.constant 0 : i32
      %cond3A_93 = arith.cmpi ne, %convert_element_type3A, %cond3A : i32
      scf.if %cond3A_93 {
        %add3A_97 = arith.constant 2 : i32
        %add3A_98 = arith.addi %mul3A_68, %add3A_97 : i32
        %dma_start3A_99 = arith.constant 0 : i32
        %dma_start3A_100 = tpu.memref_slice %arg6[%add3A_98, %dma_start3A_99] : memref<40x128xi32, #tpu.memory_space<vmem>> -> memref<1x128xi32, #tpu.memory_space<vmem>>
        %dma_start3A_101 = tpu.memref_squeeze %dma_start3A_100 : memref<1x128xi32, #tpu.memory_space<vmem>> -> memref<128xi32, #tpu.memory_space<vmem>>
        %dma_start3A_102 = arith.constant 0 : i32
        %dma_start3A_103 = arith.constant 0 : i32
        %dma_start3A_104 = tpu.memref_slice %arg4[%dma_start3A_102, %dma_start3A_103] : memref<10240x128xf32, #tpu.memory_space<hbm>> -> memref<10240x128xf32, #tpu.memory_space<hbm>>
        tpu.enqueue_indirect_dma source(%dma_start3A_104 : memref<10240x128xf32, #tpu.memory_space<hbm>>) target(%arg8 : memref<128x128xf32, #tpu.memory_space<vmem>>) offsets(%dma_start3A_101 : memref<128xi32, #tpu.memory_space<vmem>>) semaphore(%arg11 : memref<!tpu.dma_semaphore, #tpu.memory_space<semaphore_mem>>)
      } else {
      }
      %add3A_94 = arith.constant 1 : i32
      %add3A_95 = arith.addi %mul3A_68, %add3A_94 : i32
      "tpu.region"() ({
        %run_scoped3A = tpu.sem_alloc : memref<!tpu.dma_semaphore, #tpu.memory_space<semaphore_mem>>
        %dma_start3A_97 = arith.constant 0 : i32
        %dma_start3A_98 = tpu.memref_slice %arg7[%add3A_95, %dma_start3A_97] : memref<40x128xi32, #tpu.memory_space<vmem>> -> memref<1x128xi32, #tpu.memory_space<vmem>>
        %dma_start3A_99 = tpu.memref_squeeze %dma_start3A_98 : memref<1x128xi32, #tpu.memory_space<vmem>> -> memref<128xi32, #tpu.memory_space<vmem>>
        %dma_start3A_100 = arith.constant 0 : i32
        %dma_start3A_101 = arith.constant 0 : i32
        %dma_start3A_102 = tpu.memref_slice %arg10[%dma_start3A_100, %dma_start3A_101] : memref<10240x128xf32, #tpu.memory_space<vmem_shared>> -> memref<10240x128xf32, #tpu.memory_space<vmem_shared>>
        tpu.enqueue_indirect_dma source(%arg9 : memref<128x128xf32, #tpu.memory_space<vmem>>) target(%dma_start3A_102 : memref<10240x128xf32, #tpu.memory_space<vmem_shared>>) offsets(%dma_start3A_99 : memref<128xi32, #tpu.memory_space<vmem>>) semaphore(%run_scoped3A : memref<!tpu.dma_semaphore, #tpu.memory_space<semaphore_mem>>) {add = true}
        %dma_wait3A_103 = arith.constant 0 : i32
        %dma_wait3A_104 = tpu.memref_slice %arg7[%add3A_95, %dma_wait3A_103] : memref<40x128xi32, #tpu.memory_space<vmem>> -> memref<1x128xi32, #tpu.memory_space<vmem>>
        %dma_wait3A_105 = tpu.memref_squeeze %dma_wait3A_104 : memref<1x128xi32, #tpu.memory_space<vmem>> -> memref<128xi32, #tpu.memory_space<vmem>>
        %dma_wait3A_106 = arith.constant 0 : i32
        %dma_wait3A_107 = arith.constant 0 : i32
        %dma_wait3A_108 = tpu.memref_slice %arg10[%dma_wait3A_106, %dma_wait3A_107] : memref<10240x128xf32, #tpu.memory_space<vmem_shared>> -> memref<10240x128xf32, #tpu.memory_space<vmem_shared>>
        tpu.wait_indirect_dma semaphore(%run_scoped3A : memref<!tpu.dma_semaphore, #tpu.memory_space<semaphore_mem>>) src(%arg9 : memref<128x128xf32, #tpu.memory_space<vmem>>) dst(%dma_wait3A_108 : memref<10240x128xf32, #tpu.memory_space<vmem_shared>>)
        tpu.yield
      }) : () -> ()
      %scan3A_96 = arith.constant 0 : i32
      scf.yield %scan3A_96 : i32
    }
    %scan3A_41 = arith.constant 20 : i32
    %mul3A_42 = arith.constant 80 : i32
    %mul3A_43 = arith.muli %arg0, %mul3A_42 : i32
    %add3A_44 = arith.constant 40 : i32
    %add3A_45 = arith.addi %mul3A_43, %add3A_44 : i32
    "tpu.region"() ({
      %run_scoped3A = tpu.sem_alloc : memref<!tpu.dma_semaphore, #tpu.memory_space<semaphore_mem>>
      %dma_start3A_65 = arith.constant 0 : i32
      %dma_start3A_66 = tpu.memref_slice %arg2[%arg1, %add3A_45, %dma_start3A_65] : memref<16x160x128xi32, #tpu.memory_space<hbm>> -> memref<1x40x128xi32, #tpu.memory_space<hbm>>
      %dma_start3A_67 = tpu.memref_squeeze %dma_start3A_66 : memref<1x40x128xi32, #tpu.memory_space<hbm>> -> memref<40x128xi32, #tpu.memory_space<hbm>>
      %dma_start3A_68 = arith.constant 0 : i32
      %dma_start3A_69 = tpu.memref_slice %arg2[%arg1, %add3A_45, %dma_start3A_68] : memref<16x160x128xi32, #tpu.memory_space<hbm>> -> memref<1x40x128xi32, #tpu.memory_space<hbm>>
      %dma_start3A_70 = tpu.memref_squeeze %dma_start3A_69 : memref<1x40x128xi32, #tpu.memory_space<hbm>> -> memref<40x128xi32, #tpu.memory_space<hbm>>
      tpu.enqueue_dma source(%dma_start3A_70 : memref<40x128xi32, #tpu.memory_space<hbm>>) target(%arg6 : memref<40x128xi32, #tpu.memory_space<vmem>>) target_semaphore(%run_scoped3A : memref<!tpu.dma_semaphore, #tpu.memory_space<semaphore_mem>>)
      %dma_wait3A = arith.constant 0 : i32
      %dma_wait3A_71 = tpu.memref_slice %arg2[%arg1, %add3A_45, %dma_wait3A] : memref<16x160x128xi32, #tpu.memory_space<hbm>> -> memref<1x40x128xi32, #tpu.memory_space<hbm>>
      %dma_wait3A_72 = tpu.memref_squeeze %dma_wait3A_71 : memref<1x40x128xi32, #tpu.memory_space<hbm>> -> memref<40x128xi32, #tpu.memory_space<hbm>>
      %dma_wait3A_73 = arith.constant 0 : i32
      %dma_wait3A_74 = tpu.memref_slice %arg2[%arg1, %add3A_45, %dma_wait3A_73] : memref<16x160x128xi32, #tpu.memory_space<hbm>> -> memref<1x40x128xi32, #tpu.memory_space<hbm>>
      %dma_wait3A_75 = tpu.memref_squeeze %dma_wait3A_74 : memref<1x40x128xi32, #tpu.memory_space<hbm>> -> memref<40x128xi32, #tpu.memory_space<hbm>>
      tpu.wait_dma2 semaphore(%run_scoped3A : memref<!tpu.dma_semaphore, #tpu.memory_space<semaphore_mem>>) src(%dma_wait3A_75 : memref<40x128xi32, #tpu.memory_space<hbm>>) dst(%arg6 : memref<40x128xi32, #tpu.memory_space<vmem>>)
      tpu.yield
    }) : () -> ()
    "tpu.region"() ({
      %run_scoped3A = tpu.sem_alloc : memref<!tpu.dma_semaphore, #tpu.memory_space<semaphore_mem>>
      %dma_start3A_65 = arith.constant 0 : i32
      %dma_start3A_66 = tpu.memref_slice %arg3[%arg1, %add3A_45, %dma_start3A_65] : memref<16x160x128xi32, #tpu.memory_space<hbm>> -> memref<1x40x128xi32, #tpu.memory_space<hbm>>
      %dma_start3A_67 = tpu.memref_squeeze %dma_start3A_66 : memref<1x40x128xi32, #tpu.memory_space<hbm>> -> memref<40x128xi32, #tpu.memory_space<hbm>>
      %dma_start3A_68 = arith.constant 0 : i32
      %dma_start3A_69 = tpu.memref_slice %arg3[%arg1, %add3A_45, %dma_start3A_68] : memref<16x160x128xi32, #tpu.memory_space<hbm>> -> memref<1x40x128xi32, #tpu.memory_space<hbm>>
      %dma_start3A_70 = tpu.memref_squeeze %dma_start3A_69 : memref<1x40x128xi32, #tpu.memory_space<hbm>> -> memref<40x128xi32, #tpu.memory_space<hbm>>
      tpu.enqueue_dma source(%dma_start3A_70 : memref<40x128xi32, #tpu.memory_space<hbm>>) target(%arg7 : memref<40x128xi32, #tpu.memory_space<vmem>>) target_semaphore(%run_scoped3A : memref<!tpu.dma_semaphore, #tpu.memory_space<semaphore_mem>>)
      %dma_wait3A = arith.constant 0 : i32
      %dma_wait3A_71 = tpu.memref_slice %arg3[%arg1, %add3A_45, %dma_wait3A] : memref<16x160x128xi32, #tpu.memory_space<hbm>> -> memref<1x40x128xi32, #tpu.memory_space<hbm>>
      %dma_wait3A_72 = tpu.memref_squeeze %dma_wait3A_71 : memref<1x40x128xi32, #tpu.memory_space<hbm>> -> memref<40x128xi32, #tpu.memory_space<hbm>>
      %dma_wait3A_73 = arith.constant 0 : i32
      %dma_wait3A_74 = tpu.memref_slice %arg3[%arg1, %add3A_45, %dma_wait3A_73] : memref<16x160x128xi32, #tpu.memory_space<hbm>> -> memref<1x40x128xi32, #tpu.memory_space<hbm>>
      %dma_wait3A_75 = tpu.memref_squeeze %dma_wait3A_74 : memref<1x40x128xi32, #tpu.memory_space<hbm>> -> memref<40x128xi32, #tpu.memory_space<hbm>>
      tpu.wait_dma2 semaphore(%run_scoped3A : memref<!tpu.dma_semaphore, #tpu.memory_space<semaphore_mem>>) src(%dma_wait3A_75 : memref<40x128xi32, #tpu.memory_space<hbm>>) dst(%arg7 : memref<40x128xi32, #tpu.memory_space<vmem>>)
      tpu.yield
    }) : () -> ()
    %dma_start3A_46 = arith.constant 0 : i32
    %dma_start3A_47 = arith.constant 0 : i32
    %dma_start3A_48 = tpu.memref_slice %arg6[%dma_start3A_46, %dma_start3A_47] : memref<40x128xi32, #tpu.memory_space<vmem>> -> memref<1x128xi32, #tpu.memory_space<vmem>>
    %dma_start3A_49 = tpu.memref_squeeze %dma_start3A_48 : memref<1x128xi32, #tpu.memory_space<vmem>> -> memref<128xi32, #tpu.memory_space<vmem>>
    %dma_start3A_50 = arith.constant 0 : i32
    %dma_start3A_51 = arith.constant 0 : i32
    %dma_start3A_52 = tpu.memref_slice %arg4[%dma_start3A_50, %dma_start3A_51] : memref<10240x128xf32, #tpu.memory_space<hbm>> -> memref<10240x128xf32, #tpu.memory_space<hbm>>
    tpu.enqueue_indirect_dma source(%dma_start3A_52 : memref<10240x128xf32, #tpu.memory_space<hbm>>) target(%arg8 : memref<128x128xf32, #tpu.memory_space<vmem>>) offsets(%dma_start3A_49 : memref<128xi32, #tpu.memory_space<vmem>>) semaphore(%arg11 : memref<!tpu.dma_semaphore, #tpu.memory_space<semaphore_mem>>)
    %scan3A_53 = arith.constant 0 : i32
    %scan3A_54 = arith.constant 0 : i32
    %scan3A_55 = arith.constant 20 : i32
    %scan3A_56 = arith.addi %scan3A_54, %scan3A_55 : i32
    %scan3A_57 = arith.constant 1 : i32
    %scan3A_58 = scf.for %scan3A_65 = %scan3A_54 to %scan3A_56 step %scan3A_57 iter_args(%scan3A_66 = %scan3A_53) -> (i32)  : i32 {
      %mul3A_67 = arith.constant 2 : i32
      %mul3A_68 = arith.muli %mul3A_67, %scan3A_65 : i32
      %dma_wait3A = arith.constant 0 : i32
      %dma_wait3A_69 = tpu.memref_slice %arg6[%mul3A_68, %dma_wait3A] : memref<40x128xi32, #tpu.memory_space<vmem>> -> memref<1x128xi32, #tpu.memory_space<vmem>>
      %dma_wait3A_70 = tpu.memref_squeeze %dma_wait3A_69 : memref<1x128xi32, #tpu.memory_space<vmem>> -> memref<128xi32, #tpu.memory_space<vmem>>
      %dma_wait3A_71 = arith.constant 0 : i32
      %dma_wait3A_72 = arith.constant 0 : i32
      %dma_wait3A_73 = tpu.memref_slice %arg4[%dma_wait3A_71, %dma_wait3A_72] : memref<10240x128xf32, #tpu.memory_space<hbm>> -> memref<10240x128xf32, #tpu.memory_space<hbm>>
      tpu.wait_indirect_dma semaphore(%arg11 : memref<!tpu.dma_semaphore, #tpu.memory_space<semaphore_mem>>) src(%dma_wait3A_73 : memref<10240x128xf32, #tpu.memory_space<hbm>>) dst(%arg8 : memref<128x128xf32, #tpu.memory_space<vmem>>)
      %add3A_74 = arith.constant 1 : i32
      %add3A_75 = arith.addi %mul3A_68, %add3A_74 : i32
      %dma_start3A_76 = arith.constant 0 : i32
      %dma_start3A_77 = tpu.memref_slice %arg6[%add3A_75, %dma_start3A_76] : memref<40x128xi32, #tpu.memory_space<vmem>> -> memref<1x128xi32, #tpu.memory_space<vmem>>
      %dma_start3A_78 = tpu.memref_squeeze %dma_start3A_77 : memref<1x128xi32, #tpu.memory_space<vmem>> -> memref<128xi32, #tpu.memory_space<vmem>>
      %dma_start3A_79 = arith.constant 0 : i32
      %dma_start3A_80 = arith.constant 0 : i32
      %dma_start3A_81 = tpu.memref_slice %arg4[%dma_start3A_79, %dma_start3A_80] : memref<10240x128xf32, #tpu.memory_space<hbm>> -> memref<10240x128xf32, #tpu.memory_space<hbm>>
      tpu.enqueue_indirect_dma source(%dma_start3A_81 : memref<10240x128xf32, #tpu.memory_space<hbm>>) target(%arg9 : memref<128x128xf32, #tpu.memory_space<vmem>>) offsets(%dma_start3A_78 : memref<128xi32, #tpu.memory_space<vmem>>) semaphore(%arg12 : memref<!tpu.dma_semaphore, #tpu.memory_space<semaphore_mem>>)
      "tpu.region"() ({
        %run_scoped3A = tpu.sem_alloc : memref<!tpu.dma_semaphore, #tpu.memory_space<semaphore_mem>>
        %dma_start3A_97 = arith.constant 0 : i32
        %dma_start3A_98 = tpu.memref_slice %arg7[%mul3A_68, %dma_start3A_97] : memref<40x128xi32, #tpu.memory_space<vmem>> -> memref<1x128xi32, #tpu.memory_space<vmem>>
        %dma_start3A_99 = tpu.memref_squeeze %dma_start3A_98 : memref<1x128xi32, #tpu.memory_space<vmem>> -> memref<128xi32, #tpu.memory_space<vmem>>
        %dma_start3A_100 = arith.constant 0 : i32
        %dma_start3A_101 = arith.constant 0 : i32
        %dma_start3A_102 = tpu.memref_slice %arg10[%dma_start3A_100, %dma_start3A_101] : memref<10240x128xf32, #tpu.memory_space<vmem_shared>> -> memref<10240x128xf32, #tpu.memory_space<vmem_shared>>
        tpu.enqueue_indirect_dma source(%arg8 : memref<128x128xf32, #tpu.memory_space<vmem>>) target(%dma_start3A_102 : memref<10240x128xf32, #tpu.memory_space<vmem_shared>>) offsets(%dma_start3A_99 : memref<128xi32, #tpu.memory_space<vmem>>) semaphore(%run_scoped3A : memref<!tpu.dma_semaphore, #tpu.memory_space<semaphore_mem>>) {add = true}
        %dma_wait3A_103 = arith.constant 0 : i32
        %dma_wait3A_104 = tpu.memref_slice %arg7[%mul3A_68, %dma_wait3A_103] : memref<40x128xi32, #tpu.memory_space<vmem>> -> memref<1x128xi32, #tpu.memory_space<vmem>>
        %dma_wait3A_105 = tpu.memref_squeeze %dma_wait3A_104 : memref<1x128xi32, #tpu.memory_space<vmem>> -> memref<128xi32, #tpu.memory_space<vmem>>
        %dma_wait3A_106 = arith.constant 0 : i32
        %dma_wait3A_107 = arith.constant 0 : i32
        %dma_wait3A_108 = tpu.memref_slice %arg10[%dma_wait3A_106, %dma_wait3A_107] : memref<10240x128xf32, #tpu.memory_space<vmem_shared>> -> memref<10240x128xf32, #tpu.memory_space<vmem_shared>>
        tpu.wait_indirect_dma semaphore(%run_scoped3A : memref<!tpu.dma_semaphore, #tpu.memory_space<semaphore_mem>>) src(%arg8 : memref<128x128xf32, #tpu.memory_space<vmem>>) dst(%dma_wait3A_108 : memref<10240x128xf32, #tpu.memory_space<vmem_shared>>)
        tpu.yield
      }) : () -> ()
      %add3A_82 = arith.constant 1 : i32
      %add3A_83 = arith.addi %mul3A_68, %add3A_82 : i32
      %dma_wait3A_84 = arith.constant 0 : i32
      %dma_wait3A_85 = tpu.memref_slice %arg6[%add3A_83, %dma_wait3A_84] : memref<40x128xi32, #tpu.memory_space<vmem>> -> memref<1x128xi32, #tpu.memory_space<vmem>>
      %dma_wait3A_86 = tpu.memref_squeeze %dma_wait3A_85 : memref<1x128xi32, #tpu.memory_space<vmem>> -> memref<128xi32, #tpu.memory_space<vmem>>
      %dma_wait3A_87 = arith.constant 0 : i32
      %dma_wait3A_88 = arith.constant 0 : i32
      %dma_wait3A_89 = tpu.memref_slice %arg4[%dma_wait3A_87, %dma_wait3A_88] : memref<10240x128xf32, #tpu.memory_space<hbm>> -> memref<10240x128xf32, #tpu.memory_space<hbm>>
      tpu.wait_indirect_dma semaphore(%arg12 : memref<!tpu.dma_semaphore, #tpu.memory_space<semaphore_mem>>) src(%dma_wait3A_89 : memref<10240x128xf32, #tpu.memory_space<hbm>>) dst(%arg9 : memref<128x128xf32, #tpu.memory_space<vmem>>)
      %add3A_90 = arith.constant 1 : i32
      %add3A_91 = arith.addi %scan3A_65, %add3A_90 : i32
      %lt3A = arith.constant 20 : i32
      %lt3A_92 = arith.cmpi slt, %add3A_91, %lt3A : i32
      %convert_element_type3A = arith.extui %lt3A_92 : i1 to i32
      %cond3A = arith.constant 0 : i32
      %cond3A_93 = arith.cmpi ne, %convert_element_type3A, %cond3A : i32
      scf.if %cond3A_93 {
        %add3A_97 = arith.constant 2 : i32
        %add3A_98 = arith.addi %mul3A_68, %add3A_97 : i32
        %dma_start3A_99 = arith.constant 0 : i32
        %dma_start3A_100 = tpu.memref_slice %arg6[%add3A_98, %dma_start3A_99] : memref<40x128xi32, #tpu.memory_space<vmem>> -> memref<1x128xi32, #tpu.memory_space<vmem>>
        %dma_start3A_101 = tpu.memref_squeeze %dma_start3A_100 : memref<1x128xi32, #tpu.memory_space<vmem>> -> memref<128xi32, #tpu.memory_space<vmem>>
        %dma_start3A_102 = arith.constant 0 : i32
        %dma_start3A_103 = arith.constant 0 : i32
        %dma_start3A_104 = tpu.memref_slice %arg4[%dma_start3A_102, %dma_start3A_103] : memref<10240x128xf32, #tpu.memory_space<hbm>> -> memref<10240x128xf32, #tpu.memory_space<hbm>>
        tpu.enqueue_indirect_dma source(%dma_start3A_104 : memref<10240x128xf32, #tpu.memory_space<hbm>>) target(%arg8 : memref<128x128xf32, #tpu.memory_space<vmem>>) offsets(%dma_start3A_101 : memref<128xi32, #tpu.memory_space<vmem>>) semaphore(%arg11 : memref<!tpu.dma_semaphore, #tpu.memory_space<semaphore_mem>>)
      } else {
      }
      %add3A_94 = arith.constant 1 : i32
      %add3A_95 = arith.addi %mul3A_68, %add3A_94 : i32
      "tpu.region"() ({
        %run_scoped3A = tpu.sem_alloc : memref<!tpu.dma_semaphore, #tpu.memory_space<semaphore_mem>>
        %dma_start3A_97 = arith.constant 0 : i32
        %dma_start3A_98 = tpu.memref_slice %arg7[%add3A_95, %dma_start3A_97] : memref<40x128xi32, #tpu.memory_space<vmem>> -> memref<1x128xi32, #tpu.memory_space<vmem>>
        %dma_start3A_99 = tpu.memref_squeeze %dma_start3A_98 : memref<1x128xi32, #tpu.memory_space<vmem>> -> memref<128xi32, #tpu.memory_space<vmem>>
        %dma_start3A_100 = arith.constant 0 : i32
        %dma_start3A_101 = arith.constant 0 : i32
        %dma_start3A_102 = tpu.memref_slice %arg10[%dma_start3A_100, %dma_start3A_101] : memref<10240x128xf32, #tpu.memory_space<vmem_shared>> -> memref<10240x128xf32, #tpu.memory_space<vmem_shared>>
        tpu.enqueue_indirect_dma source(%arg9 : memref<128x128xf32, #tpu.memory_space<vmem>>) target(%dma_start3A_102 : memref<10240x128xf32, #tpu.memory_space<vmem_shared>>) offsets(%dma_start3A_99 : memref<128xi32, #tpu.memory_space<vmem>>) semaphore(%run_scoped3A : memref<!tpu.dma_semaphore, #tpu.memory_space<semaphore_mem>>) {add = true}
        %dma_wait3A_103 = arith.constant 0 : i32
        %dma_wait3A_104 = tpu.memref_slice %arg7[%add3A_95, %dma_wait3A_103] : memref<40x128xi32, #tpu.memory_space<vmem>> -> memref<1x128xi32, #tpu.memory_space<vmem>>
        %dma_wait3A_105 = tpu.memref_squeeze %dma_wait3A_104 : memref<1x128xi32, #tpu.memory_space<vmem>> -> memref<128xi32, #tpu.memory_space<vmem>>
        %dma_wait3A_106 = arith.constant 0 : i32
        %dma_wait3A_107 = arith.constant 0 : i32
        %dma_wait3A_108 = tpu.memref_slice %arg10[%dma_wait3A_106, %dma_wait3A_107] : memref<10240x128xf32, #tpu.memory_space<vmem_shared>> -> memref<10240x128xf32, #tpu.memory_space<vmem_shared>>
        tpu.wait_indirect_dma semaphore(%run_scoped3A : memref<!tpu.dma_semaphore, #tpu.memory_space<semaphore_mem>>) src(%arg9 : memref<128x128xf32, #tpu.memory_space<vmem>>) dst(%dma_wait3A_108 : memref<10240x128xf32, #tpu.memory_space<vmem_shared>>)
        tpu.yield
      }) : () -> ()
      %scan3A_96 = arith.constant 0 : i32
      scf.yield %scan3A_96 : i32
    }
    %scan3A_59 = arith.constant 20 : i32
    %barrier3A_60 = arith.constant 0 : index
    tpu.barrier barrier_id(%barrier3A_60)
    %mul3A_61 = arith.constant 640 : i32
    %mul3A_62 = arith.muli %arg1, %mul3A_61 : i32
    %mul3A_63 = arith.constant 640 : i32
    %mul3A_64 = arith.muli %arg1, %mul3A_63 : i32
    "tpu.region"() ({
      %run_scoped3A = tpu.sem_alloc : memref<!tpu.dma_semaphore, #tpu.memory_space<semaphore_mem>>
      %dma_start3A_65 = arith.constant 0 : i32
      %dma_start3A_66 = tpu.memref_slice %arg5[%arg0, %mul3A_64, %dma_start3A_65] : memref<2x10240x128xf32, #tpu.memory_space<hbm>> -> memref<1x640x128xf32, #tpu.memory_space<hbm>>
      %dma_start3A_67 = tpu.memref_squeeze %dma_start3A_66 : memref<1x640x128xf32, #tpu.memory_space<hbm>> -> memref<640x128xf32, #tpu.memory_space<hbm>>
      %dma_start3A_68 = arith.constant 0 : i32
      %dma_start3A_69 = tpu.memref_slice %arg10[%mul3A_62, %dma_start3A_68] : memref<10240x128xf32, #tpu.memory_space<vmem_shared>> -> memref<640x128xf32, #tpu.memory_space<vmem_shared>>
      tpu.enqueue_dma source(%dma_start3A_69 : memref<640x128xf32, #tpu.memory_space<vmem_shared>>) target(%dma_start3A_67 : memref<640x128xf32, #tpu.memory_space<hbm>>) target_semaphore(%run_scoped3A : memref<!tpu.dma_semaphore, #tpu.memory_space<semaphore_mem>>)
      %dma_wait3A = arith.constant 0 : i32
      %dma_wait3A_70 = tpu.memref_slice %arg5[%arg0, %mul3A_64, %dma_wait3A] : memref<2x10240x128xf32, #tpu.memory_space<hbm>> -> memref<1x640x128xf32, #tpu.memory_space<hbm>>
      %dma_wait3A_71 = tpu.memref_squeeze %dma_wait3A_70 : memref<1x640x128xf32, #tpu.memory_space<hbm>> -> memref<640x128xf32, #tpu.memory_space<hbm>>
      %dma_wait3A_72 = arith.constant 0 : i32
      %dma_wait3A_73 = tpu.memref_slice %arg10[%mul3A_62, %dma_wait3A_72] : memref<10240x128xf32, #tpu.memory_space<vmem_shared>> -> memref<640x128xf32, #tpu.memory_space<vmem_shared>>
      tpu.wait_dma2 semaphore(%run_scoped3A : memref<!tpu.dma_semaphore, #tpu.memory_space<semaphore_mem>>) src(%dma_wait3A_73 : memref<640x128xf32, #tpu.memory_space<vmem_shared>>) dst(%dma_wait3A_71 : memref<640x128xf32, #tpu.memory_space<hbm>>)
      tpu.yield
    }) : () -> ()
    return
  }
}

#map = affine_map<(d0, d1) -> (0, 0, 0)>
module attributes {stable_mosaic.version = 14 : i64} {
  func.func @deg_kernel(%arg0: i32, %arg1: i32, %arg2: memref<16x160x128xi32, #tpu.memory_space<hbm>>, %arg3: memref<2x10240x128xf32, #tpu.memory_space<hbm>>, %arg4: memref<80x128xi32, #tpu.memory_space<vmem>>, %arg5: memref<128x128xf32, #tpu.memory_space<vmem>>, %arg6: memref<10240x128xf32, #tpu.memory_space<vmem_shared>>) attributes {dimension_semantics = [#tpu.dimension_semantics<core_parallel>, #tpu.dimension_semantics<subcore_parallel>], iteration_bounds = array<i64: 2, 16>, scalar_prefetch = 0 : i64, scratch_operands = 3 : i64, tpu.core_type = #tpu.core_type<sc_vector_subcore>, window_params = [{transform_indices = #map}, {transform_indices = #map}]} {
    %mul3A = arith.constant 80 : i32
    %mul3A_0 = arith.muli %arg0, %mul3A : i32
    "tpu.region"() ({
      %run_scoped3A = tpu.sem_alloc : memref<!tpu.dma_semaphore, #tpu.memory_space<semaphore_mem>>
      %dma_start3A = arith.constant 0 : i32
      %dma_start3A_48 = tpu.memref_slice %arg2[%arg1, %mul3A_0, %dma_start3A] : memref<16x160x128xi32, #tpu.memory_space<hbm>> -> memref<1x80x128xi32, #tpu.memory_space<hbm>>
      %dma_start3A_49 = tpu.memref_squeeze %dma_start3A_48 : memref<1x80x128xi32, #tpu.memory_space<hbm>> -> memref<80x128xi32, #tpu.memory_space<hbm>>
      %dma_start3A_50 = arith.constant 0 : i32
      %dma_start3A_51 = tpu.memref_slice %arg2[%arg1, %mul3A_0, %dma_start3A_50] : memref<16x160x128xi32, #tpu.memory_space<hbm>> -> memref<1x80x128xi32, #tpu.memory_space<hbm>>
      %dma_start3A_52 = tpu.memref_squeeze %dma_start3A_51 : memref<1x80x128xi32, #tpu.memory_space<hbm>> -> memref<80x128xi32, #tpu.memory_space<hbm>>
      tpu.enqueue_dma source(%dma_start3A_52 : memref<80x128xi32, #tpu.memory_space<hbm>>) target(%arg4 : memref<80x128xi32, #tpu.memory_space<vmem>>) target_semaphore(%run_scoped3A : memref<!tpu.dma_semaphore, #tpu.memory_space<semaphore_mem>>)
      %dma_wait3A = arith.constant 0 : i32
      %dma_wait3A_53 = tpu.memref_slice %arg2[%arg1, %mul3A_0, %dma_wait3A] : memref<16x160x128xi32, #tpu.memory_space<hbm>> -> memref<1x80x128xi32, #tpu.memory_space<hbm>>
      %dma_wait3A_54 = tpu.memref_squeeze %dma_wait3A_53 : memref<1x80x128xi32, #tpu.memory_space<hbm>> -> memref<80x128xi32, #tpu.memory_space<hbm>>
      %dma_wait3A_55 = arith.constant 0 : i32
      %dma_wait3A_56 = tpu.memref_slice %arg2[%arg1, %mul3A_0, %dma_wait3A_55] : memref<16x160x128xi32, #tpu.memory_space<hbm>> -> memref<1x80x128xi32, #tpu.memory_space<hbm>>
      %dma_wait3A_57 = tpu.memref_squeeze %dma_wait3A_56 : memref<1x80x128xi32, #tpu.memory_space<hbm>> -> memref<80x128xi32, #tpu.memory_space<hbm>>
      tpu.wait_dma2 semaphore(%run_scoped3A : memref<!tpu.dma_semaphore, #tpu.memory_space<semaphore_mem>>) src(%dma_wait3A_57 : memref<80x128xi32, #tpu.memory_space<hbm>>) dst(%arg4 : memref<80x128xi32, #tpu.memory_space<vmem>>)
      tpu.yield
    }) : () -> ()
    %broadcast_in_dim3A = arith.constant 0.000000e+00 : f32
    %broadcast_in_dim3A_1 = vector.broadcast %broadcast_in_dim3A : f32 to vector<16xf32>
    %scan3A = arith.constant 0 : i32
    %scan3A_2 = arith.constant 0 : i32
    %scan3A_3 = arith.constant 128 : i32
    %scan3A_4 = arith.addi %scan3A_2, %scan3A_3 : i32
    %scan3A_5 = arith.constant 1 : i32
    %scan3A_6 = scf.for %scan3A_48 = %scan3A_2 to %scan3A_4 step %scan3A_5 iter_args(%scan3A_49 = %scan3A) -> (i32)  : i32 {
      %swap3A = arith.index_cast %scan3A_48 : i32 to index
      %swap3A_50 = arith.constant 0 : index
      %swap3A_51 = tpu.vector_load %arg5[%swap3A, %swap3A_50] {strides = array<i32>} : memref<128x128xf32, #tpu.memory_space<vmem>>, vector<1x16xf32>,
      %swap3A_52 = vector.shape_cast %swap3A_51 : vector<1x16xf32> to vector<16xf32>
      %swap3A_53 = vector.shape_cast %broadcast_in_dim3A_1 : vector<16xf32> to vector<1x16xf32>
      tpu.vector_store %arg5[%swap3A, %swap3A_50], %swap3A_53 {strides = array<i32>} : memref<128x128xf32, #tpu.memory_space<vmem>>, vector<1x16xf32>,
      %swap3A_54 = arith.index_cast %scan3A_48 : i32 to index
      %swap3A_55 = arith.constant 16 : index
      %swap3A_56 = tpu.vector_load %arg5[%swap3A_54, %swap3A_55] {strides = array<i32>} : memref<128x128xf32, #tpu.memory_space<vmem>>, vector<1x16xf32>,
      %swap3A_57 = vector.shape_cast %swap3A_56 : vector<1x16xf32> to vector<16xf32>
      %swap3A_58 = vector.shape_cast %broadcast_in_dim3A_1 : vector<16xf32> to vector<1x16xf32>
      tpu.vector_store %arg5[%swap3A_54, %swap3A_55], %swap3A_58 {strides = array<i32>} : memref<128x128xf32, #tpu.memory_space<vmem>>, vector<1x16xf32>,
      %swap3A_59 = arith.index_cast %scan3A_48 : i32 to index
      %swap3A_60 = arith.constant 32 : index
      %swap3A_61 = tpu.vector_load %arg5[%swap3A_59, %swap3A_60] {strides = array<i32>} : memref<128x128xf32, #tpu.memory_space<vmem>>, vector<1x16xf32>,
      %swap3A_62 = vector.shape_cast %swap3A_61 : vector<1x16xf32> to vector<16xf32>
      %swap3A_63 = vector.shape_cast %broadcast_in_dim3A_1 : vector<16xf32> to vector<1x16xf32>
      tpu.vector_store %arg5[%swap3A_59, %swap3A_60], %swap3A_63 {strides = array<i32>} : memref<128x128xf32, #tpu.memory_space<vmem>>, vector<1x16xf32>,
      %swap3A_64 = arith.index_cast %scan3A_48 : i32 to index
      %swap3A_65 = arith.constant 48 : index
      %swap3A_66 = tpu.vector_load %arg5[%swap3A_64, %swap3A_65] {strides = array<i32>} : memref<128x128xf32, #tpu.memory_space<vmem>>, vector<1x16xf32>,
      %swap3A_67 = vector.shape_cast %swap3A_66 : vector<1x16xf32> to vector<16xf32>
      %swap3A_68 = vector.shape_cast %broadcast_in_dim3A_1 : vector<16xf32> to vector<1x16xf32>
      tpu.vector_store %arg5[%swap3A_64, %swap3A_65], %swap3A_68 {strides = array<i32>} : memref<128x128xf32, #tpu.memory_space<vmem>>, vector<1x16xf32>,
      %swap3A_69 = arith.index_cast %scan3A_48 : i32 to index
      %swap3A_70 = arith.constant 64 : index
      %swap3A_71 = tpu.vector_load %arg5[%swap3A_69, %swap3A_70] {strides = array<i32>} : memref<128x128xf32, #tpu.memory_space<vmem>>, vector<1x16xf32>,
      %swap3A_72 = vector.shape_cast %swap3A_71 : vector<1x16xf32> to vector<16xf32>
      %swap3A_73 = vector.shape_cast %broadcast_in_dim3A_1 : vector<16xf32> to vector<1x16xf32>
      tpu.vector_store %arg5[%swap3A_69, %swap3A_70], %swap3A_73 {strides = array<i32>} : memref<128x128xf32, #tpu.memory_space<vmem>>, vector<1x16xf32>,
      %swap3A_74 = arith.index_cast %scan3A_48 : i32 to index
      %swap3A_75 = arith.constant 80 : index
      %swap3A_76 = tpu.vector_load %arg5[%swap3A_74, %swap3A_75] {strides = array<i32>} : memref<128x128xf32, #tpu.memory_space<vmem>>, vector<1x16xf32>,
      %swap3A_77 = vector.shape_cast %swap3A_76 : vector<1x16xf32> to vector<16xf32>
      %swap3A_78 = vector.shape_cast %broadcast_in_dim3A_1 : vector<16xf32> to vector<1x16xf32>
      tpu.vector_store %arg5[%swap3A_74, %swap3A_75], %swap3A_78 {strides = array<i32>} : memref<128x128xf32, #tpu.memory_space<vmem>>, vector<1x16xf32>,
      %swap3A_79 = arith.index_cast %scan3A_48 : i32 to index
      %swap3A_80 = arith.constant 96 : index
      %swap3A_81 = tpu.vector_load %arg5[%swap3A_79, %swap3A_80] {strides = array<i32>} : memref<128x128xf32, #tpu.memory_space<vmem>>, vector<1x16xf32>,
      %swap3A_82 = vector.shape_cast %swap3A_81 : vector<1x16xf32> to vector<16xf32>
      %swap3A_83 = vector.shape_cast %broadcast_in_dim3A_1 : vector<16xf32> to vector<1x16xf32>
      tpu.vector_store %arg5[%swap3A_79, %swap3A_80], %swap3A_83 {strides = array<i32>} : memref<128x128xf32, #tpu.memory_space<vmem>>, vector<1x16xf32>,
      %swap3A_84 = arith.index_cast %scan3A_48 : i32 to index
      %swap3A_85 = arith.constant 112 : index
      %swap3A_86 = tpu.vector_load %arg5[%swap3A_84, %swap3A_85] {strides = array<i32>} : memref<128x128xf32, #tpu.memory_space<vmem>>, vector<1x16xf32>,
      %swap3A_87 = vector.shape_cast %swap3A_86 : vector<1x16xf32> to vector<16xf32>
      %swap3A_88 = vector.shape_cast %broadcast_in_dim3A_1 : vector<16xf32> to vector<1x16xf32>
      tpu.vector_store %arg5[%swap3A_84, %swap3A_85], %swap3A_88 {strides = array<i32>} : memref<128x128xf32, #tpu.memory_space<vmem>>, vector<1x16xf32>,
      %scan3A_89 = arith.constant 0 : i32
      scf.yield %scan3A_89 : i32
    }
    %scan3A_7 = arith.constant 128 : i32
    %mul3A_8 = arith.constant 640 : i32
    %mul3A_9 = arith.muli %arg1, %mul3A_8 : i32
    %add3A = arith.constant 0 : i32
    %add3A_10 = arith.addi %mul3A_9, %add3A : i32
    "tpu.region"() ({
      %run_scoped3A = tpu.sem_alloc : memref<!tpu.dma_semaphore, #tpu.memory_space<semaphore_mem>>
      %dma_start3A = arith.constant 0 : i32
      %dma_start3A_48 = tpu.memref_slice %arg6[%add3A_10, %dma_start3A] : memref<10240x128xf32, #tpu.memory_space<vmem_shared>> -> memref<128x128xf32, #tpu.memory_space<vmem_shared>>
      %dma_start3A_49 = arith.constant 0 : i32
      %dma_start3A_50 = tpu.memref_slice %arg6[%add3A_10, %dma_start3A_49] : memref<10240x128xf32, #tpu.memory_space<vmem_shared>> -> memref<128x128xf32, #tpu.memory_space<vmem_shared>>
      tpu.enqueue_dma source(%arg5 : memref<128x128xf32, #tpu.memory_space<vmem>>) target(%dma_start3A_50 : memref<128x128xf32, #tpu.memory_space<vmem_shared>>) target_semaphore(%run_scoped3A : memref<!tpu.dma_semaphore, #tpu.memory_space<semaphore_mem>>)
      %dma_wait3A = arith.constant 0 : i32
      %dma_wait3A_51 = tpu.memref_slice %arg6[%add3A_10, %dma_wait3A] : memref<10240x128xf32, #tpu.memory_space<vmem_shared>> -> memref<128x128xf32, #tpu.memory_space<vmem_shared>>
      %dma_wait3A_52 = arith.constant 0 : i32
      %dma_wait3A_53 = tpu.memref_slice %arg6[%add3A_10, %dma_wait3A_52] : memref<10240x128xf32, #tpu.memory_space<vmem_shared>> -> memref<128x128xf32, #tpu.memory_space<vmem_shared>>
      tpu.wait_dma2 semaphore(%run_scoped3A : memref<!tpu.dma_semaphore, #tpu.memory_space<semaphore_mem>>) src(%arg5 : memref<128x128xf32, #tpu.memory_space<vmem>>) dst(%dma_wait3A_53 : memref<128x128xf32, #tpu.memory_space<vmem_shared>>)
      tpu.yield
    }) : () -> ()
    %mul3A_11 = arith.constant 640 : i32
    %mul3A_12 = arith.muli %arg1, %mul3A_11 : i32
    %add3A_13 = arith.constant 128 : i32
    %add3A_14 = arith.addi %mul3A_12, %add3A_13 : i32
    "tpu.region"() ({
      %run_scoped3A = tpu.sem_alloc : memref<!tpu.dma_semaphore, #tpu.memory_space<semaphore_mem>>
      %dma_start3A = arith.constant 0 : i32
      %dma_start3A_48 = tpu.memref_slice %arg6[%add3A_14, %dma_start3A] : memref<10240x128xf32, #tpu.memory_space<vmem_shared>> -> memref<128x128xf32, #tpu.memory_space<vmem_shared>>
      %dma_start3A_49 = arith.constant 0 : i32
      %dma_start3A_50 = tpu.memref_slice %arg6[%add3A_14, %dma_start3A_49] : memref<10240x128xf32, #tpu.memory_space<vmem_shared>> -> memref<128x128xf32, #tpu.memory_space<vmem_shared>>
      tpu.enqueue_dma source(%arg5 : memref<128x128xf32, #tpu.memory_space<vmem>>) target(%dma_start3A_50 : memref<128x128xf32, #tpu.memory_space<vmem_shared>>) target_semaphore(%run_scoped3A : memref<!tpu.dma_semaphore, #tpu.memory_space<semaphore_mem>>)
      %dma_wait3A = arith.constant 0 : i32
      %dma_wait3A_51 = tpu.memref_slice %arg6[%add3A_14, %dma_wait3A] : memref<10240x128xf32, #tpu.memory_space<vmem_shared>> -> memref<128x128xf32, #tpu.memory_space<vmem_shared>>
      %dma_wait3A_52 = arith.constant 0 : i32
      %dma_wait3A_53 = tpu.memref_slice %arg6[%add3A_14, %dma_wait3A_52] : memref<10240x128xf32, #tpu.memory_space<vmem_shared>> -> memref<128x128xf32, #tpu.memory_space<vmem_shared>>
      tpu.wait_dma2 semaphore(%run_scoped3A : memref<!tpu.dma_semaphore, #tpu.memory_space<semaphore_mem>>) src(%arg5 : memref<128x128xf32, #tpu.memory_space<vmem>>) dst(%dma_wait3A_53 : memref<128x128xf32, #tpu.memory_space<vmem_shared>>)
      tpu.yield
    }) : () -> ()
    %mul3A_15 = arith.constant 640 : i32
    %mul3A_16 = arith.muli %arg1, %mul3A_15 : i32
    %add3A_17 = arith.constant 256 : i32
    %add3A_18 = arith.addi %mul3A_16, %add3A_17 : i32
    "tpu.region"() ({
      %run_scoped3A = tpu.sem_alloc : memref<!tpu.dma_semaphore, #tpu.memory_space<semaphore_mem>>
      %dma_start3A = arith.constant 0 : i32
      %dma_start3A_48 = tpu.memref_slice %arg6[%add3A_18, %dma_start3A] : memref<10240x128xf32, #tpu.memory_space<vmem_shared>> -> memref<128x128xf32, #tpu.memory_space<vmem_shared>>
      %dma_start3A_49 = arith.constant 0 : i32
      %dma_start3A_50 = tpu.memref_slice %arg6[%add3A_18, %dma_start3A_49] : memref<10240x128xf32, #tpu.memory_space<vmem_shared>> -> memref<128x128xf32, #tpu.memory_space<vmem_shared>>
      tpu.enqueue_dma source(%arg5 : memref<128x128xf32, #tpu.memory_space<vmem>>) target(%dma_start3A_50 : memref<128x128xf32, #tpu.memory_space<vmem_shared>>) target_semaphore(%run_scoped3A : memref<!tpu.dma_semaphore, #tpu.memory_space<semaphore_mem>>)
      %dma_wait3A = arith.constant 0 : i32
      %dma_wait3A_51 = tpu.memref_slice %arg6[%add3A_18, %dma_wait3A] : memref<10240x128xf32, #tpu.memory_space<vmem_shared>> -> memref<128x128xf32, #tpu.memory_space<vmem_shared>>
      %dma_wait3A_52 = arith.constant 0 : i32
      %dma_wait3A_53 = tpu.memref_slice %arg6[%add3A_18, %dma_wait3A_52] : memref<10240x128xf32, #tpu.memory_space<vmem_shared>> -> memref<128x128xf32, #tpu.memory_space<vmem_shared>>
      tpu.wait_dma2 semaphore(%run_scoped3A : memref<!tpu.dma_semaphore, #tpu.memory_space<semaphore_mem>>) src(%arg5 : memref<128x128xf32, #tpu.memory_space<vmem>>) dst(%dma_wait3A_53 : memref<128x128xf32, #tpu.memory_space<vmem_shared>>)
      tpu.yield
    }) : () -> ()
    %mul3A_19 = arith.constant 640 : i32
    %mul3A_20 = arith.muli %arg1, %mul3A_19 : i32
    %add3A_21 = arith.constant 384 : i32
    %add3A_22 = arith.addi %mul3A_20, %add3A_21 : i32
    "tpu.region"() ({
      %run_scoped3A = tpu.sem_alloc : memref<!tpu.dma_semaphore, #tpu.memory_space<semaphore_mem>>
      %dma_start3A = arith.constant 0 : i32
      %dma_start3A_48 = tpu.memref_slice %arg6[%add3A_22, %dma_start3A] : memref<10240x128xf32, #tpu.memory_space<vmem_shared>> -> memref<128x128xf32, #tpu.memory_space<vmem_shared>>
      %dma_start3A_49 = arith.constant 0 : i32
      %dma_start3A_50 = tpu.memref_slice %arg6[%add3A_22, %dma_start3A_49] : memref<10240x128xf32, #tpu.memory_space<vmem_shared>> -> memref<128x128xf32, #tpu.memory_space<vmem_shared>>
      tpu.enqueue_dma source(%arg5 : memref<128x128xf32, #tpu.memory_space<vmem>>) target(%dma_start3A_50 : memref<128x128xf32, #tpu.memory_space<vmem_shared>>) target_semaphore(%run_scoped3A : memref<!tpu.dma_semaphore, #tpu.memory_space<semaphore_mem>>)
      %dma_wait3A = arith.constant 0 : i32
      %dma_wait3A_51 = tpu.memref_slice %arg6[%add3A_22, %dma_wait3A] : memref<10240x128xf32, #tpu.memory_space<vmem_shared>> -> memref<128x128xf32, #tpu.memory_space<vmem_shared>>
      %dma_wait3A_52 = arith.constant 0 : i32
      %dma_wait3A_53 = tpu.memref_slice %arg6[%add3A_22, %dma_wait3A_52] : memref<10240x128xf32, #tpu.memory_space<vmem_shared>> -> memref<128x128xf32, #tpu.memory_space<vmem_shared>>
      tpu.wait_dma2 semaphore(%run_scoped3A : memref<!tpu.dma_semaphore, #tpu.memory_space<semaphore_mem>>) src(%arg5 : memref<128x128xf32, #tpu.memory_space<vmem>>) dst(%dma_wait3A_53 : memref<128x128xf32, #tpu.memory_space<vmem_shared>>)
      tpu.yield
    }) : () -> ()
    %mul3A_23 = arith.constant 640 : i32
    %mul3A_24 = arith.muli %arg1, %mul3A_23 : i32
    %add3A_25 = arith.constant 512 : i32
    %add3A_26 = arith.addi %mul3A_24, %add3A_25 : i32
    "tpu.region"() ({
      %run_scoped3A = tpu.sem_alloc : memref<!tpu.dma_semaphore, #tpu.memory_space<semaphore_mem>>
      %dma_start3A = arith.constant 0 : i32
      %dma_start3A_48 = tpu.memref_slice %arg6[%add3A_26, %dma_start3A] : memref<10240x128xf32, #tpu.memory_space<vmem_shared>> -> memref<128x128xf32, #tpu.memory_space<vmem_shared>>
      %dma_start3A_49 = arith.constant 0 : i32
      %dma_start3A_50 = tpu.memref_slice %arg6[%add3A_26, %dma_start3A_49] : memref<10240x128xf32, #tpu.memory_space<vmem_shared>> -> memref<128x128xf32, #tpu.memory_space<vmem_shared>>
      tpu.enqueue_dma source(%arg5 : memref<128x128xf32, #tpu.memory_space<vmem>>) target(%dma_start3A_50 : memref<128x128xf32, #tpu.memory_space<vmem_shared>>) target_semaphore(%run_scoped3A : memref<!tpu.dma_semaphore, #tpu.memory_space<semaphore_mem>>)
      %dma_wait3A = arith.constant 0 : i32
      %dma_wait3A_51 = tpu.memref_slice %arg6[%add3A_26, %dma_wait3A] : memref<10240x128xf32, #tpu.memory_space<vmem_shared>> -> memref<128x128xf32, #tpu.memory_space<vmem_shared>>
      %dma_wait3A_52 = arith.constant 0 : i32
      %dma_wait3A_53 = tpu.memref_slice %arg6[%add3A_26, %dma_wait3A_52] : memref<10240x128xf32, #tpu.memory_space<vmem_shared>> -> memref<128x128xf32, #tpu.memory_space<vmem_shared>>
      tpu.wait_dma2 semaphore(%run_scoped3A : memref<!tpu.dma_semaphore, #tpu.memory_space<semaphore_mem>>) src(%arg5 : memref<128x128xf32, #tpu.memory_space<vmem>>) dst(%dma_wait3A_53 : memref<128x128xf32, #tpu.memory_space<vmem_shared>>)
      tpu.yield
    }) : () -> ()
    %broadcast_in_dim3A_27 = arith.constant 1.000000e+00 : f32
    %broadcast_in_dim3A_28 = vector.broadcast %broadcast_in_dim3A_27 : f32 to vector<16xf32>
    %scan3A_29 = arith.constant 0 : i32
    %scan3A_30 = arith.constant 0 : i32
    %scan3A_31 = arith.constant 128 : i32
    %scan3A_32 = arith.addi %scan3A_30, %scan3A_31 : i32
    %scan3A_33 = arith.constant 1 : i32
    %scan3A_34 = scf.for %scan3A_48 = %scan3A_30 to %scan3A_32 step %scan3A_33 iter_args(%scan3A_49 = %scan3A_29) -> (i32)  : i32 {
      %swap3A = arith.index_cast %scan3A_48 : i32 to index
      %swap3A_50 = arith.constant 0 : index
      %swap3A_51 = tpu.vector_load %arg5[%swap3A, %swap3A_50] {strides = array<i32>} : memref<128x128xf32, #tpu.memory_space<vmem>>, vector<1x16xf32>,
      %swap3A_52 = vector.shape_cast %swap3A_51 : vector<1x16xf32> to vector<16xf32>
      %swap3A_53 = vector.shape_cast %broadcast_in_dim3A_28 : vector<16xf32> to vector<1x16xf32>
      tpu.vector_store %arg5[%swap3A, %swap3A_50], %swap3A_53 {strides = array<i32>} : memref<128x128xf32, #tpu.memory_space<vmem>>, vector<1x16xf32>,
      %swap3A_54 = arith.index_cast %scan3A_48 : i32 to index
      %swap3A_55 = arith.constant 16 : index
      %swap3A_56 = tpu.vector_load %arg5[%swap3A_54, %swap3A_55] {strides = array<i32>} : memref<128x128xf32, #tpu.memory_space<vmem>>, vector<1x16xf32>,
      %swap3A_57 = vector.shape_cast %swap3A_56 : vector<1x16xf32> to vector<16xf32>
      %swap3A_58 = vector.shape_cast %broadcast_in_dim3A_28 : vector<16xf32> to vector<1x16xf32>
      tpu.vector_store %arg5[%swap3A_54, %swap3A_55], %swap3A_58 {strides = array<i32>} : memref<128x128xf32, #tpu.memory_space<vmem>>, vector<1x16xf32>,
      %swap3A_59 = arith.index_cast %scan3A_48 : i32 to index
      %swap3A_60 = arith.constant 32 : index
      %swap3A_61 = tpu.vector_load %arg5[%swap3A_59, %swap3A_60] {strides = array<i32>} : memref<128x128xf32, #tpu.memory_space<vmem>>, vector<1x16xf32>,
      %swap3A_62 = vector.shape_cast %swap3A_61 : vector<1x16xf32> to vector<16xf32>
      %swap3A_63 = vector.shape_cast %broadcast_in_dim3A_28 : vector<16xf32> to vector<1x16xf32>
      tpu.vector_store %arg5[%swap3A_59, %swap3A_60], %swap3A_63 {strides = array<i32>} : memref<128x128xf32, #tpu.memory_space<vmem>>, vector<1x16xf32>,
      %swap3A_64 = arith.index_cast %scan3A_48 : i32 to index
      %swap3A_65 = arith.constant 48 : index
      %swap3A_66 = tpu.vector_load %arg5[%swap3A_64, %swap3A_65] {strides = array<i32>} : memref<128x128xf32, #tpu.memory_space<vmem>>, vector<1x16xf32>,
      %swap3A_67 = vector.shape_cast %swap3A_66 : vector<1x16xf32> to vector<16xf32>
      %swap3A_68 = vector.shape_cast %broadcast_in_dim3A_28 : vector<16xf32> to vector<1x16xf32>
      tpu.vector_store %arg5[%swap3A_64, %swap3A_65], %swap3A_68 {strides = array<i32>} : memref<128x128xf32, #tpu.memory_space<vmem>>, vector<1x16xf32>,
      %swap3A_69 = arith.index_cast %scan3A_48 : i32 to index
      %swap3A_70 = arith.constant 64 : index
      %swap3A_71 = tpu.vector_load %arg5[%swap3A_69, %swap3A_70] {strides = array<i32>} : memref<128x128xf32, #tpu.memory_space<vmem>>, vector<1x16xf32>,
      %swap3A_72 = vector.shape_cast %swap3A_71 : vector<1x16xf32> to vector<16xf32>
      %swap3A_73 = vector.shape_cast %broadcast_in_dim3A_28 : vector<16xf32> to vector<1x16xf32>
      tpu.vector_store %arg5[%swap3A_69, %swap3A_70], %swap3A_73 {strides = array<i32>} : memref<128x128xf32, #tpu.memory_space<vmem>>, vector<1x16xf32>,
      %swap3A_74 = arith.index_cast %scan3A_48 : i32 to index
      %swap3A_75 = arith.constant 80 : index
      %swap3A_76 = tpu.vector_load %arg5[%swap3A_74, %swap3A_75] {strides = array<i32>} : memref<128x128xf32, #tpu.memory_space<vmem>>, vector<1x16xf32>,
      %swap3A_77 = vector.shape_cast %swap3A_76 : vector<1x16xf32> to vector<16xf32>
      %swap3A_78 = vector.shape_cast %broadcast_in_dim3A_28 : vector<16xf32> to vector<1x16xf32>
      tpu.vector_store %arg5[%swap3A_74, %swap3A_75], %swap3A_78 {strides = array<i32>} : memref<128x128xf32, #tpu.memory_space<vmem>>, vector<1x16xf32>,
      %swap3A_79 = arith.index_cast %scan3A_48 : i32 to index
      %swap3A_80 = arith.constant 96 : index
      %swap3A_81 = tpu.vector_load %arg5[%swap3A_79, %swap3A_80] {strides = array<i32>} : memref<128x128xf32, #tpu.memory_space<vmem>>, vector<1x16xf32>,
      %swap3A_82 = vector.shape_cast %swap3A_81 : vector<1x16xf32> to vector<16xf32>
      %swap3A_83 = vector.shape_cast %broadcast_in_dim3A_28 : vector<16xf32> to vector<1x16xf32>
      tpu.vector_store %arg5[%swap3A_79, %swap3A_80], %swap3A_83 {strides = array<i32>} : memref<128x128xf32, #tpu.memory_space<vmem>>, vector<1x16xf32>,
      %swap3A_84 = arith.index_cast %scan3A_48 : i32 to index
      %swap3A_85 = arith.constant 112 : index
      %swap3A_86 = tpu.vector_load %arg5[%swap3A_84, %swap3A_85] {strides = array<i32>} : memref<128x128xf32, #tpu.memory_space<vmem>>, vector<1x16xf32>,
      %swap3A_87 = vector.shape_cast %swap3A_86 : vector<1x16xf32> to vector<16xf32>
      %swap3A_88 = vector.shape_cast %broadcast_in_dim3A_28 : vector<16xf32> to vector<1x16xf32>
      tpu.vector_store %arg5[%swap3A_84, %swap3A_85], %swap3A_88 {strides = array<i32>} : memref<128x128xf32, #tpu.memory_space<vmem>>, vector<1x16xf32>,
      %scan3A_89 = arith.constant 0 : i32
      scf.yield %scan3A_89 : i32
    }
    %scan3A_35 = arith.constant 128 : i32
    %barrier3A = arith.constant 0 : index
    tpu.barrier barrier_id(%barrier3A)
    %scan3A_36 = arith.constant 0 : i32
    %scan3A_37 = arith.constant 0 : i32
    %scan3A_38 = arith.constant 80 : i32
    %scan3A_39 = arith.addi %scan3A_37, %scan3A_38 : i32
    %scan3A_40 = arith.constant 1 : i32
    %scan3A_41 = scf.for %scan3A_48 = %scan3A_37 to %scan3A_39 step %scan3A_40 iter_args(%scan3A_49 = %scan3A_36) -> (i32)  : i32 {
      "tpu.region"() ({
        %run_scoped3A = tpu.sem_alloc : memref<!tpu.dma_semaphore, #tpu.memory_space<semaphore_mem>>
        %dma_start3A = arith.constant 0 : i32
        %dma_start3A_51 = tpu.memref_slice %arg4[%scan3A_48, %dma_start3A] : memref<80x128xi32, #tpu.memory_space<vmem>> -> memref<1x128xi32, #tpu.memory_space<vmem>>
        %dma_start3A_52 = tpu.memref_squeeze %dma_start3A_51 : memref<1x128xi32, #tpu.memory_space<vmem>> -> memref<128xi32, #tpu.memory_space<vmem>>
        %dma_start3A_53 = arith.constant 0 : i32
        %dma_start3A_54 = arith.constant 0 : i32
        %dma_start3A_55 = tpu.memref_slice %arg6[%dma_start3A_53, %dma_start3A_54] : memref<10240x128xf32, #tpu.memory_space<vmem_shared>> -> memref<10240x128xf32, #tpu.memory_space<vmem_shared>>
        tpu.enqueue_indirect_dma source(%arg5 : memref<128x128xf32, #tpu.memory_space<vmem>>) target(%dma_start3A_55 : memref<10240x128xf32, #tpu.memory_space<vmem_shared>>) offsets(%dma_start3A_52 : memref<128xi32, #tpu.memory_space<vmem>>) semaphore(%run_scoped3A : memref<!tpu.dma_semaphore, #tpu.memory_space<semaphore_mem>>) {add = true}
        %dma_wait3A = arith.constant 0 : i32
        %dma_wait3A_56 = tpu.memref_slice %arg4[%scan3A_48, %dma_wait3A] : memref<80x128xi32, #tpu.memory_space<vmem>> -> memref<1x128xi32, #tpu.memory_space<vmem>>
        %dma_wait3A_57 = tpu.memref_squeeze %dma_wait3A_56 : memref<1x128xi32, #tpu.memory_space<vmem>> -> memref<128xi32, #tpu.memory_space<vmem>>
        %dma_wait3A_58 = arith.constant 0 : i32
        %dma_wait3A_59 = arith.constant 0 : i32
        %dma_wait3A_60 = tpu.memref_slice %arg6[%dma_wait3A_58, %dma_wait3A_59] : memref<10240x128xf32, #tpu.memory_space<vmem_shared>> -> memref<10240x128xf32, #tpu.memory_space<vmem_shared>>
        tpu.wait_indirect_dma semaphore(%run_scoped3A : memref<!tpu.dma_semaphore, #tpu.memory_space<semaphore_mem>>) src(%arg5 : memref<128x128xf32, #tpu.memory_space<vmem>>) dst(%dma_wait3A_60 : memref<10240x128xf32, #tpu.memory_space<vmem_shared>>)
        tpu.yield
      }) : () -> ()
      %scan3A_50 = arith.constant 0 : i32
      scf.yield %scan3A_50 : i32
    }
    %scan3A_42 = arith.constant 80 : i32
    %barrier3A_43 = arith.constant 0 : index
    tpu.barrier barrier_id(%barrier3A_43)
    %mul3A_44 = arith.constant 640 : i32
    %mul3A_45 = arith.muli %arg1, %mul3A_44 : i32
    %mul3A_46 = arith.constant 640 : i32
    %mul3A_47 = arith.muli %arg1, %mul3A_46 : i32
    "tpu.region"() ({
      %run_scoped3A = tpu.sem_alloc : memref<!tpu.dma_semaphore, #tpu.memory_space<semaphore_mem>>
      %dma_start3A = arith.constant 0 : i32
      %dma_start3A_48 = tpu.memref_slice %arg3[%arg0, %mul3A_47, %dma_start3A] : memref<2x10240x128xf32, #tpu.memory_space<hbm>> -> memref<1x640x128xf32, #tpu.memory_space<hbm>>
      %dma_start3A_49 = tpu.memref_squeeze %dma_start3A_48 : memref<1x640x128xf32, #tpu.memory_space<hbm>> -> memref<640x128xf32, #tpu.memory_space<hbm>>
      %dma_start3A_50 = arith.constant 0 : i32
      %dma_start3A_51 = tpu.memref_slice %arg6[%mul3A_45, %dma_start3A_50] : memref<10240x128xf32, #tpu.memory_space<vmem_shared>> -> memref<640x128xf32, #tpu.memory_space<vmem_shared>>
      tpu.enqueue_dma source(%dma_start3A_51 : memref<640x128xf32, #tpu.memory_space<vmem_shared>>) target(%dma_start3A_49 : memref<640x128xf32, #tpu.memory_space<hbm>>) target_semaphore(%run_scoped3A : memref<!tpu.dma_semaphore, #tpu.memory_space<semaphore_mem>>)
      %dma_wait3A = arith.constant 0 : i32
      %dma_wait3A_52 = tpu.memref_slice %arg3[%arg0, %mul3A_47, %dma_wait3A] : memref<2x10240x128xf32, #tpu.memory_space<hbm>> -> memref<1x640x128xf32, #tpu.memory_space<hbm>>
      %dma_wait3A_53 = tpu.memref_squeeze %dma_wait3A_52 : memref<1x640x128xf32, #tpu.memory_space<hbm>> -> memref<640x128xf32, #tpu.memory_space<hbm>>
      %dma_wait3A_54 = arith.constant 0 : i32
      %dma_wait3A_55 = tpu.memref_slice %arg6[%mul3A_45, %dma_wait3A_54] : memref<10240x128xf32, #tpu.memory_space<vmem_shared>> -> memref<640x128xf32, #tpu.memory_space<vmem_shared>>
      tpu.wait_dma2 semaphore(%run_scoped3A : memref<!tpu.dma_semaphore, #tpu.memory_space<semaphore_mem>>) src(%dma_wait3A_55 : memref<640x128xf32, #tpu.memory_space<vmem_shared>>) dst(%dma_wait3A_53 : memref<640x128xf32, #tpu.memory_space<hbm>>)
      tpu.yield
    }) : () -> ()
    return
  }
}

module attributes {stable_mosaic.version = 14 : i64} {
  func.func @_pre_body(%arg0: i32, %arg1: memref<1024x256xf32, #tpu.memory_space<vmem>>, %arg2: memref<256x128xf32, #tpu.memory_space<vmem>>, %arg3: memref<1x128xf32, #tpu.memory_space<vmem>>, %arg4: memref<128x128xf32, #tpu.memory_space<vmem>>, %arg5: memref<128x128xf32, #tpu.memory_space<vmem>>, %arg6: memref<1x128xf32, #tpu.memory_space<vmem>>, %arg7: memref<1024x128xf32, #tpu.memory_space<vmem>>, %arg8: memref<1024x128xf32, #tpu.memory_space<vmem>>, %arg9: memref<1024x128xf32, #tpu.memory_space<vmem>>) attributes {dimension_semantics = [#tpu.dimension_semantics<arbitrary>], iteration_bounds = array<i64: 10>, scalar_prefetch = 0 : i64, scratch_operands = 0 : i64, tpu.core_type = #tpu.core_type<tc>, window_params = [{transform_indices = @transform_0, window_bounds = array<i64: 1024, 256>}, {pipeline_mode = #tpu.pipeline_mode<synchronous>, transform_indices = @transform_1, window_bounds = array<i64: 256, 128>}, {pipeline_mode = #tpu.pipeline_mode<synchronous>, transform_indices = @transform_2, window_bounds = array<i64: 1, 128>}, {pipeline_mode = #tpu.pipeline_mode<synchronous>, transform_indices = @transform_3, window_bounds = array<i64: 128, 128>}, {pipeline_mode = #tpu.pipeline_mode<synchronous>, transform_indices = @transform_4, window_bounds = array<i64: 128, 128>}, {pipeline_mode = #tpu.pipeline_mode<synchronous>, transform_indices = @transform_5, window_bounds = array<i64: 1, 128>}, {transform_indices = @transform_6, window_bounds = array<i64: 1024, 128>}, {transform_indices = @transform_7, window_bounds = array<i64: 1024, 128>}, {transform_indices = @transform_8, window_bounds = array<i64: 1024, 128>}]} {
    %get3A = arith.constant 0 : index
    %get3A_0 = arith.constant 0 : index
    %get3A_1 = vector.load %arg1[%get3A, %get3A_0] : memref<1024x256xf32, #tpu.memory_space<vmem>>, vector<1024x256xf32>
    %get3A_2 = arith.constant 0 : index
    %get3A_3 = arith.constant 0 : index
    %get3A_4 = vector.load %arg2[%get3A_2, %get3A_3] : memref<256x128xf32, #tpu.memory_space<vmem>>, vector<256x128xf32>
    %dot_general3A = arith.constant dense<0.000000e+00> : vector<1024x128xf32>
    %dot_general3A_5 = tpu.matmul %get3A_1, %get3A_4, %dot_general3A {dimension_numbers = #tpu.dot_dimension_numbers<[1], [0], [0], [1], [0, 0, 1, 1], [], []>, transpose_lhs_hint = false} : vector<1024x256xf32>, vector<256x128xf32>, vector<1024x128xf32> -> vector<1024x128xf32>
    %get3A_6 = arith.constant 0 : index
    %get3A_7 = arith.constant 0 : index
    %get3A_8 = vector.load %arg3[%get3A_6, %get3A_7] : memref<1x128xf32, #tpu.memory_space<vmem>>, vector<1x128xf32>
    %add3A = vector.broadcast %get3A_8 : vector<1x128xf32> to vector<1024x128xf32>
    %add3A_9 = arith.addf %dot_general3A_5, %add3A : vector<1024x128xf32>
    %swap3A = arith.constant 0 : index
    %swap3A_10 = arith.constant 0 : index
    %swap3A_11 = vector.load %arg7[%swap3A, %swap3A_10] : memref<1024x128xf32, #tpu.memory_space<vmem>>, vector<1024x128xf32>
    tpu.vector_store %arg7[%swap3A, %swap3A_10], %add3A_9 {strides = array<i32>} : memref<1024x128xf32, #tpu.memory_space<vmem>>, vector<1024x128xf32>,
    %get3A_12 = arith.constant 0 : index
    %get3A_13 = arith.constant 0 : index
    %get3A_14 = vector.load %arg4[%get3A_12, %get3A_13] : memref<128x128xf32, #tpu.memory_space<vmem>>, vector<128x128xf32>
    %dot_general3A_15 = arith.constant dense<0.000000e+00> : vector<1024x128xf32>
    %dot_general3A_16 = tpu.matmul %add3A_9, %get3A_14, %dot_general3A_15 {dimension_numbers = #tpu.dot_dimension_numbers<[1], [0], [0], [1], [0, 0, 1, 1], [], []>, transpose_lhs_hint = false} : vector<1024x128xf32>, vector<128x128xf32>, vector<1024x128xf32> -> vector<1024x128xf32>
    %swap3A_17 = arith.constant 0 : index
    %swap3A_18 = arith.constant 0 : index
    %swap3A_19 = vector.load %arg8[%swap3A_17, %swap3A_18] : memref<1024x128xf32, #tpu.memory_space<vmem>>, vector<1024x128xf32>
    tpu.vector_store %arg8[%swap3A_17, %swap3A_18], %dot_general3A_16 {strides = array<i32>} : memref<1024x128xf32, #tpu.memory_space<vmem>>, vector<1024x128xf32>,
    %get3A_20 = arith.constant 0 : index
    %get3A_21 = arith.constant 0 : index
    %get3A_22 = vector.load %arg5[%get3A_20, %get3A_21] : memref<128x128xf32, #tpu.memory_space<vmem>>, vector<128x128xf32>
    %dot_general3A_23 = arith.constant dense<0.000000e+00> : vector<1024x128xf32>
    %dot_general3A_24 = tpu.matmul %add3A_9, %get3A_22, %dot_general3A_23 {dimension_numbers = #tpu.dot_dimension_numbers<[1], [0], [0], [1], [0, 0, 1, 1], [], []>, transpose_lhs_hint = false} : vector<1024x128xf32>, vector<128x128xf32>, vector<1024x128xf32> -> vector<1024x128xf32>
    %get3A_25 = arith.constant 0 : index
    %get3A_26 = arith.constant 0 : index
    %get3A_27 = vector.load %arg6[%get3A_25, %get3A_26] : memref<1x128xf32, #tpu.memory_space<vmem>>, vector<1x128xf32>
    %add3A_28 = vector.broadcast %get3A_27 : vector<1x128xf32> to vector<1024x128xf32>
    %add3A_29 = arith.addf %dot_general3A_24, %add3A_28 : vector<1024x128xf32>
    %swap3A_30 = arith.constant 0 : index
    %swap3A_31 = arith.constant 0 : index
    %swap3A_32 = vector.load %arg9[%swap3A_30, %swap3A_31] : memref<1024x128xf32, #tpu.memory_space<vmem>>, vector<1024x128xf32>
    tpu.vector_store %arg9[%swap3A_30, %swap3A_31], %add3A_29 {strides = array<i32>} : memref<1024x128xf32, #tpu.memory_space<vmem>>, vector<1024x128xf32>,
    return
  }
  func.func @transform_0(%arg0: i32) -> (i32, i32) {
    %c0_i32 = arith.constant 0 : i32
    %c0_i32_0 = arith.constant 0 : i32
    return %arg0, %c0_i32 : i32, i32
  }
  func.func @transform_1(%arg0: i32) -> (i32, i32) {
    %c0_i32 = arith.constant 0 : i32
    %c0_i32_0 = arith.constant 0 : i32
    %c0_i32_1 = arith.constant 0 : i32
    return %c0_i32, %c0_i32_0 : i32, i32
  }
  func.func @transform_2(%arg0: i32) -> (i32, i32) {
    %c0_i32 = arith.constant 0 : i32
    %c0_i32_0 = arith.constant 0 : i32
    %c0_i32_1 = arith.constant 0 : i32
    return %c0_i32, %c0_i32_0 : i32, i32
  }
  func.func @transform_3(%arg0: i32) -> (i32, i32) {
    %c0_i32 = arith.constant 0 : i32
    %c0_i32_0 = arith.constant 0 : i32
    %c0_i32_1 = arith.constant 0 : i32
    return %c0_i32, %c0_i32_0 : i32, i32
  }
  func.func @transform_4(%arg0: i32) -> (i32, i32) {
    %c0_i32 = arith.constant 0 : i32
    %c0_i32_0 = arith.constant 0 : i32
    %c0_i32_1 = arith.constant 0 : i32
    return %c0_i32, %c0_i32_0 : i32, i32
  }
  func.func @transform_5(%arg0: i32) -> (i32, i32) {
    %c0_i32 = arith.constant 0 : i32
    %c0_i32_0 = arith.constant 0 : i32
    %c0_i32_1 = arith.constant 0 : i32
    return %c0_i32, %c0_i32_0 : i32, i32
  }
  func.func @transform_6(%arg0: i32) -> (i32, i32) {
    %c0_i32 = arith.constant 0 : i32
    %c0_i32_0 = arith.constant 0 : i32
    return %arg0, %c0_i32 : i32, i32
  }
  func.func @transform_7(%arg0: i32) -> (i32, i32) {
    %c0_i32 = arith.constant 0 : i32
    %c0_i32_0 = arith.constant 0 : i32
    return %arg0, %c0_i32 : i32, i32
  }
  func.func @transform_8(%arg0: i32) -> (i32, i32) {
    %c0_i32 = arith.constant 0 : i32
    %c0_i32_0 = arith.constant 0 : i32
    return %arg0, %c0_i32 : i32, i32
  }
}

module attributes {stable_mosaic.version = 14 : i64} {
  func.func @_layer_body(%arg0: i32, %arg1: memref<1024x128xf32, #tpu.memory_space<vmem>>, %arg2: memref<2x1024x128xf32, #tpu.memory_space<vmem>>, %arg3: memref<1024x128xf32, #tpu.memory_space<vmem>>, %arg4: memref<2x1024x128xf32, #tpu.memory_space<vmem>>, %arg5: memref<128x384xf32, #tpu.memory_space<vmem>>, %arg6: memref<128x384xf32, #tpu.memory_space<vmem>>, %arg7: memref<1x384xf32, #tpu.memory_space<vmem>>, %arg8: memref<1x384xf32, #tpu.memory_space<vmem>>, %arg9: memref<128x128xf32, #tpu.memory_space<vmem>>, %arg10: memref<128x128xf32, #tpu.memory_space<vmem>>, %arg11: memref<1x128xf32, #tpu.memory_space<vmem>>, %arg12: memref<1024x128xf32, #tpu.memory_space<vmem>>, %arg13: memref<1024x128xf32, #tpu.memory_space<vmem>>, %arg14: memref<1024x128xf32, #tpu.memory_space<vmem>>) attributes {dimension_semantics = [#tpu.dimension_semantics<arbitrary>], iteration_bounds = array<i64: 10>, scalar_prefetch = 0 : i64, scratch_operands = 0 : i64, tpu.core_type = #tpu.core_type<tc>, window_params = [{transform_indices = @transform_0, window_bounds = array<i64: 1024, 128>}, {transform_indices = @transform_1, window_bounds = array<i64: 2, 1024, 128>}, {transform_indices = @transform_2, window_bounds = array<i64: 1024, 128>}, {transform_indices = @transform_3, window_bounds = array<i64: 2, 1024, 128>}, {pipeline_mode = #tpu.pipeline_mode<synchronous>, transform_indices = @transform_4, window_bounds = array<i64: 128, 384>}, {pipeline_mode = #tpu.pipeline_mode<synchronous>, transform_indices = @transform_5, window_bounds = array<i64: 128, 384>}, {pipeline_mode = #tpu.pipeline_mode<synchronous>, transform_indices = @transform_6, window_bounds = array<i64: 1, 384>}, {pipeline_mode = #tpu.pipeline_mode<synchronous>, transform_indices = @transform_7, window_bounds = array<i64: 1, 384>}, {pipeline_mode = #tpu.pipeline_mode<synchronous>, transform_indices = @transform_8, window_bounds = array<i64: 128, 128>}, {pipeline_mode = #tpu.pipeline_mode<synchronous>, transform_indices = @transform_9, window_bounds = array<i64: 128, 128>}, {pipeline_mode = #tpu.pipeline_mode<synchronous>, transform_indices = @transform_10, window_bounds = array<i64: 1, 128>}, {transform_indices = @transform_11, window_bounds = array<i64: 1024, 128>}, {transform_indices = @transform_12, window_bounds = array<i64: 1024, 128>}, {transform_indices = @transform_13, window_bounds = array<i64: 1024, 128>}]} {
    %get3A = arith.constant 0 : index
    %get3A_0 = arith.constant 0 : index
    %get3A_1 = vector.load %arg1[%get3A, %get3A_0] : memref<1024x128xf32, #tpu.memory_space<vmem>>, vector<1024x128xf32>
    %get3A_2 = arith.constant 0 : index
    %get3A_3 = arith.constant 0 : index
    %get3A_4 = arith.constant 0 : index
    %get3A_5 = vector.load %arg4[%get3A_2, %get3A_3, %get3A_4] : memref<2x1024x128xf32, #tpu.memory_space<vmem>>, vector<1x1024x128xf32>
    %get3A_6 = vector.shape_cast %get3A_5 : vector<1x1024x128xf32> to vector<1024x128xf32>
    %slice3A = vector.extract_strided_slice %get3A_6 {offsets = [0, 0], sizes = [1024, 1], strides = [1, 1]} : vector<1024x128xf32> to vector<1024x1xf32>
    %squeeze3A = vector.shape_cast %slice3A : vector<1024x1xf32> to vector<1024xf32>
    %get3A_7 = arith.constant 1 : index
    %get3A_8 = arith.constant 0 : index
    %get3A_9 = arith.constant 0 : index
    %get3A_10 = vector.load %arg4[%get3A_7, %get3A_8, %get3A_9] : memref<2x1024x128xf32, #tpu.memory_space<vmem>>, vector<1x1024x128xf32>
    %get3A_11 = vector.shape_cast %get3A_10 : vector<1x1024x128xf32> to vector<1024x128xf32>
    %slice3A_12 = vector.extract_strided_slice %get3A_11 {offsets = [0, 0], sizes = [1024, 1], strides = [1, 1]} : vector<1024x128xf32> to vector<1024x1xf32>
    %squeeze3A_13 = vector.shape_cast %slice3A_12 : vector<1024x1xf32> to vector<1024xf32>
    %add3A = arith.addf %squeeze3A, %squeeze3A_13 : vector<1024xf32>
    %get3A_14 = arith.constant 0 : index
    %get3A_15 = arith.constant 0 : index
    %get3A_16 = arith.constant 0 : index
    %get3A_17 = vector.load %arg2[%get3A_14, %get3A_15, %get3A_16] : memref<2x1024x128xf32, #tpu.memory_space<vmem>>, vector<1x1024x128xf32>
    %get3A_18 = vector.shape_cast %get3A_17 : vector<1x1024x128xf32> to vector<1024x128xf32>
    %get3A_19 = arith.constant 1 : index
    %get3A_20 = arith.constant 0 : index
    %get3A_21 = arith.constant 0 : index
    %get3A_22 = vector.load %arg2[%get3A_19, %get3A_20, %get3A_21] : memref<2x1024x128xf32, #tpu.memory_space<vmem>>, vector<1x1024x128xf32>
    %get3A_23 = vector.shape_cast %get3A_22 : vector<1x1024x128xf32> to vector<1024x128xf32>
    %add3A_24 = arith.addf %get3A_18, %get3A_23 : vector<1024x128xf32>
    %broadcast_in_dim3A = vector.shape_cast %add3A : vector<1024xf32> to vector<1024x1xf32>
    %get3A_25 = arith.constant 0 : index
    %get3A_26 = arith.constant 0 : index
    %get3A_27 = vector.load %arg3[%get3A_25, %get3A_26] : memref<1024x128xf32, #tpu.memory_space<vmem>>, vector<1024x128xf32>
    %mul3A = vector.broadcast %broadcast_in_dim3A : vector<1024x1xf32> to vector<1024x128xf32>
    %mul3A_28 = arith.mulf %mul3A, %get3A_27 : vector<1024x128xf32>
    %add3A_29 = arith.addf %add3A_24, %mul3A_28 : vector<1024x128xf32>
    %get3A_30 = arith.constant 0 : index
    %get3A_31 = arith.constant 0 : index
    %get3A_32 = vector.load %arg5[%get3A_30, %get3A_31] : memref<128x384xf32, #tpu.memory_space<vmem>>, vector<128x384xf32>
    %dot_general3A = arith.constant dense<0.000000e+00> : vector<1024x384xf32>
    %dot_general3A_33 = tpu.matmul %add3A_29, %get3A_32, %dot_general3A {dimension_numbers = #tpu.dot_dimension_numbers<[1], [0], [0], [1], [0, 0, 1, 1], [], []>, transpose_lhs_hint = false} : vector<1024x128xf32>, vector<128x384xf32>, vector<1024x384xf32> -> vector<1024x384xf32>
    %get3A_34 = arith.constant 0 : index
    %get3A_35 = arith.constant 0 : index
    %get3A_36 = vector.load %arg7[%get3A_34, %get3A_35] : memref<1x384xf32, #tpu.memory_space<vmem>>, vector<1x384xf32>
    %add3A_37 = vector.broadcast %get3A_36 : vector<1x384xf32> to vector<1024x384xf32>
    %add3A_38 = arith.addf %dot_general3A_33, %add3A_37 : vector<1024x384xf32>
    %get3A_39 = arith.constant 0 : index
    %get3A_40 = arith.constant 0 : index
    %get3A_41 = vector.load %arg6[%get3A_39, %get3A_40] : memref<128x384xf32, #tpu.memory_space<vmem>>, vector<128x384xf32>
    %dot_general3A_42 = arith.constant dense<0.000000e+00> : vector<1024x384xf32>
    %dot_general3A_43 = tpu.matmul %get3A_1, %get3A_41, %dot_general3A_42 {dimension_numbers = #tpu.dot_dimension_numbers<[1], [0], [0], [1], [0, 0, 1, 1], [], []>, transpose_lhs_hint = false} : vector<1024x128xf32>, vector<128x384xf32>, vector<1024x384xf32> -> vector<1024x384xf32>
    %get3A_44 = arith.constant 0 : index
    %get3A_45 = arith.constant 0 : index
    %get3A_46 = vector.load %arg8[%get3A_44, %get3A_45] : memref<1x384xf32, #tpu.memory_space<vmem>>, vector<1x384xf32>
    %add3A_47 = vector.broadcast %get3A_46 : vector<1x384xf32> to vector<1024x384xf32>
    %add3A_48 = arith.addf %dot_general3A_43, %add3A_47 : vector<1024x384xf32>
    %slice3A_49 = vector.extract_strided_slice %add3A_38 {offsets = [0, 0], sizes = [1024, 128], strides = [1, 1]} : vector<1024x384xf32> to vector<1024x128xf32>
    %slice3A_50 = vector.extract_strided_slice %add3A_48 {offsets = [0, 0], sizes = [1024, 128], strides = [1, 1]} : vector<1024x384xf32> to vector<1024x128xf32>
    %add3A_51 = arith.addf %slice3A_49, %slice3A_50 : vector<1024x128xf32>
    %logistic3A = arith.negf %add3A_51 : vector<1024x128xf32>
    %logistic3A_52 = math.exp %logistic3A : vector<1024x128xf32>
    %logistic3A_53 = arith.constant 1.000000e+00 : f32
    %logistic3A_54 = vector.broadcast %logistic3A_53 : f32 to vector<1024x128xf32>
    %logistic3A_55 = arith.addf %logistic3A_54, %logistic3A_52 : vector<1024x128xf32>
    %logistic3A_56 = arith.divf %logistic3A_54, %logistic3A_55 : vector<1024x128xf32>
    %slice3A_57 = vector.extract_strided_slice %add3A_38 {offsets = [0, 128], sizes = [1024, 128], strides = [1, 1]} : vector<1024x384xf32> to vector<1024x128xf32>
    %slice3A_58 = vector.extract_strided_slice %add3A_48 {offsets = [0, 128], sizes = [1024, 128], strides = [1, 1]} : vector<1024x384xf32> to vector<1024x128xf32>
    %add3A_59 = arith.addf %slice3A_57, %slice3A_58 : vector<1024x128xf32>
    %logistic3A_60 = arith.negf %add3A_59 : vector<1024x128xf32>
    %logistic3A_61 = math.exp %logistic3A_60 : vector<1024x128xf32>
    %logistic3A_62 = arith.constant 1.000000e+00 : f32
    %logistic3A_63 = vector.broadcast %logistic3A_62 : f32 to vector<1024x128xf32>
    %logistic3A_64 = arith.addf %logistic3A_63, %logistic3A_61 : vector<1024x128xf32>
    %logistic3A_65 = arith.divf %logistic3A_63, %logistic3A_64 : vector<1024x128xf32>
    %slice3A_66 = vector.extract_strided_slice %add3A_38 {offsets = [0, 256], sizes = [1024, 128], strides = [1, 1]} : vector<1024x384xf32> to vector<1024x128xf32>
    %slice3A_67 = vector.extract_strided_slice %add3A_48 {offsets = [0, 256], sizes = [1024, 128], strides = [1, 1]} : vector<1024x384xf32> to vector<1024x128xf32>
    %mul3A_68 = arith.mulf %logistic3A_56, %slice3A_67 : vector<1024x128xf32>
    %add3A_69 = arith.addf %slice3A_66, %mul3A_68 : vector<1024x128xf32>
    %tanh3A = math.tanh %add3A_69 : vector<1024x128xf32>
    %sub3A = arith.constant 1.000000e+00 : f32
    %sub3A_70 = vector.broadcast %sub3A : f32 to vector<1024x128xf32>
    %sub3A_71 = arith.subf %sub3A_70, %logistic3A_65 : vector<1024x128xf32>
    %mul3A_72 = arith.mulf %sub3A_71, %tanh3A : vector<1024x128xf32>
    %mul3A_73 = arith.mulf %logistic3A_65, %get3A_1 : vector<1024x128xf32>
    %add3A_74 = arith.addf %mul3A_72, %mul3A_73 : vector<1024x128xf32>
    %swap3A = arith.constant 0 : index
    %swap3A_75 = arith.constant 0 : index
    %swap3A_76 = vector.load %arg12[%swap3A, %swap3A_75] : memref<1024x128xf32, #tpu.memory_space<vmem>>, vector<1024x128xf32>
    tpu.vector_store %arg12[%swap3A, %swap3A_75], %add3A_74 {strides = array<i32>} : memref<1024x128xf32, #tpu.memory_space<vmem>>, vector<1024x128xf32>,
    %get3A_77 = arith.constant 0 : index
    %get3A_78 = arith.constant 0 : index
    %get3A_79 = vector.load %arg9[%get3A_77, %get3A_78] : memref<128x128xf32, #tpu.memory_space<vmem>>, vector<128x128xf32>
    %dot_general3A_80 = arith.constant dense<0.000000e+00> : vector<1024x128xf32>
    %dot_general3A_81 = tpu.matmul %add3A_74, %get3A_79, %dot_general3A_80 {dimension_numbers = #tpu.dot_dimension_numbers<[1], [0], [0], [1], [0, 0, 1, 1], [], []>, transpose_lhs_hint = false} : vector<1024x128xf32>, vector<128x128xf32>, vector<1024x128xf32> -> vector<1024x128xf32>
    %swap3A_82 = arith.constant 0 : index
    %swap3A_83 = arith.constant 0 : index
    %swap3A_84 = vector.load %arg13[%swap3A_82, %swap3A_83] : memref<1024x128xf32, #tpu.memory_space<vmem>>, vector<1024x128xf32>
    tpu.vector_store %arg13[%swap3A_82, %swap3A_83], %dot_general3A_81 {strides = array<i32>} : memref<1024x128xf32, #tpu.memory_space<vmem>>, vector<1024x128xf32>,
    %get3A_85 = arith.constant 0 : index
    %get3A_86 = arith.constant 0 : index
    %get3A_87 = vector.load %arg10[%get3A_85, %get3A_86] : memref<128x128xf32, #tpu.memory_space<vmem>>, vector<128x128xf32>
    %dot_general3A_88 = arith.constant dense<0.000000e+00> : vector<1024x128xf32>
    %dot_general3A_89 = tpu.matmul %add3A_74, %get3A_87, %dot_general3A_88 {dimension_numbers = #tpu.dot_dimension_numbers<[1], [0], [0], [1], [0, 0, 1, 1], [], []>, transpose_lhs_hint = false} : vector<1024x128xf32>, vector<128x128xf32>, vector<1024x128xf32> -> vector<1024x128xf32>
    %get3A_90 = arith.constant 0 : index
    %get3A_91 = arith.constant 0 : index
    %get3A_92 = vector.load %arg11[%get3A_90, %get3A_91] : memref<1x128xf32, #tpu.memory_space<vmem>>, vector<1x128xf32>
    %add3A_93 = vector.broadcast %get3A_92 : vector<1x128xf32> to vector<1024x128xf32>
    %add3A_94 = arith.addf %dot_general3A_89, %add3A_93 : vector<1024x128xf32>
    %swap3A_95 = arith.constant 0 : index
    %swap3A_96 = arith.constant 0 : index
    %swap3A_97 = vector.load %arg14[%swap3A_95, %swap3A_96] : memref<1024x128xf32, #tpu.memory_space<vmem>>, vector<1024x128xf32>
    tpu.vector_store %arg14[%swap3A_95, %swap3A_96], %add3A_94 {strides = array<i32>} : memref<1024x128xf32, #tpu.memory_space<vmem>>, vector<1024x128xf32>,
    return
  }
  func.func @transform_0(%arg0: i32) -> (i32, i32) {
    %c0_i32 = arith.constant 0 : i32
    %c0_i32_0 = arith.constant 0 : i32
    return %arg0, %c0_i32 : i32, i32
  }
  func.func @transform_1(%arg0: i32) -> (i32, i32, i32) {
    %c0_i32 = arith.constant 0 : i32
    %c0_i32_0 = arith.constant 0 : i32
    %c0_i32_1 = arith.constant 0 : i32
    return %c0_i32, %arg0, %c0_i32_0 : i32, i32, i32
  }
  func.func @transform_2(%arg0: i32) -> (i32, i32) {
    %c0_i32 = arith.constant 0 : i32
    %c0_i32_0 = arith.constant 0 : i32
    return %arg0, %c0_i32 : i32, i32
  }
  func.func @transform_3(%arg0: i32) -> (i32, i32, i32) {
    %c0_i32 = arith.constant 0 : i32
    %c0_i32_0 = arith.constant 0 : i32
    %c0_i32_1 = arith.constant 0 : i32
    return %c0_i32, %arg0, %c0_i32_0 : i32, i32, i32
  }
  func.func @transform_4(%arg0: i32) -> (i32, i32) {
    %c0_i32 = arith.constant 0 : i32
    %c0_i32_0 = arith.constant 0 : i32
    %c0_i32_1 = arith.constant 0 : i32
    return %c0_i32, %c0_i32_0 : i32, i32
  }
  func.func @transform_5(%arg0: i32) -> (i32, i32) {
    %c0_i32 = arith.constant 0 : i32
    %c0_i32_0 = arith.constant 0 : i32
    %c0_i32_1 = arith.constant 0 : i32
    return %c0_i32, %c0_i32_0 : i32, i32
  }
  func.func @transform_6(%arg0: i32) -> (i32, i32) {
    %c0_i32 = arith.constant 0 : i32
    %c0_i32_0 = arith.constant 0 : i32
    %c0_i32_1 = arith.constant 0 : i32
    return %c0_i32, %c0_i32_0 : i32, i32
  }
  func.func @transform_7(%arg0: i32) -> (i32, i32) {
    %c0_i32 = arith.constant 0 : i32
    %c0_i32_0 = arith.constant 0 : i32
    %c0_i32_1 = arith.constant 0 : i32
    return %c0_i32, %c0_i32_0 : i32, i32
  }
  func.func @transform_8(%arg0: i32) -> (i32, i32) {
    %c0_i32 = arith.constant 0 : i32
    %c0_i32_0 = arith.constant 0 : i32
    %c0_i32_1 = arith.constant 0 : i32
    return %c0_i32, %c0_i32_0 : i32, i32
  }
  func.func @transform_9(%arg0: i32) -> (i32, i32) {
    %c0_i32 = arith.constant 0 : i32
    %c0_i32_0 = arith.constant 0 : i32
    %c0_i32_1 = arith.constant 0 : i32
    return %c0_i32, %c0_i32_0 : i32, i32
  }
  func.func @transform_10(%arg0: i32) -> (i32, i32) {
    %c0_i32 = arith.constant 0 : i32
    %c0_i32_0 = arith.constant 0 : i32
    %c0_i32_1 = arith.constant 0 : i32
    return %c0_i32, %c0_i32_0 : i32, i32
  }
  func.func @transform_11(%arg0: i32) -> (i32, i32) {
    %c0_i32 = arith.constant 0 : i32
    %c0_i32_0 = arith.constant 0 : i32
    return %arg0, %c0_i32 : i32, i32
  }
  func.func @transform_12(%arg0: i32) -> (i32, i32) {
    %c0_i32 = arith.constant 0 : i32
    %c0_i32_0 = arith.constant 0 : i32
    return %arg0, %c0_i32 : i32, i32
  }
  func.func @transform_13(%arg0: i32) -> (i32, i32) {
    %c0_i32 = arith.constant 0 : i32
    %c0_i32_0 = arith.constant 0 : i32
    return %arg0, %c0_i32 : i32, i32
  }
}

module attributes {stable_mosaic.version = 14 : i64} {
  func.func @_final_body(%arg0: i32, %arg1: memref<1024x128xf32, #tpu.memory_space<vmem>>, %arg2: memref<2x1024x128xf32, #tpu.memory_space<vmem>>, %arg3: memref<1024x128xf32, #tpu.memory_space<vmem>>, %arg4: memref<2x1024x128xf32, #tpu.memory_space<vmem>>, %arg5: memref<128x384xf32, #tpu.memory_space<vmem>>, %arg6: memref<128x384xf32, #tpu.memory_space<vmem>>, %arg7: memref<1x384xf32, #tpu.memory_space<vmem>>, %arg8: memref<1x384xf32, #tpu.memory_space<vmem>>, %arg9: memref<1024x128xf32, #tpu.memory_space<vmem>>) attributes {dimension_semantics = [#tpu.dimension_semantics<arbitrary>], iteration_bounds = array<i64: 10>, scalar_prefetch = 0 : i64, scratch_operands = 0 : i64, tpu.core_type = #tpu.core_type<tc>, window_params = [{transform_indices = @transform_0, window_bounds = array<i64: 1024, 128>}, {transform_indices = @transform_1, window_bounds = array<i64: 2, 1024, 128>}, {transform_indices = @transform_2, window_bounds = array<i64: 1024, 128>}, {transform_indices = @transform_3, window_bounds = array<i64: 2, 1024, 128>}, {pipeline_mode = #tpu.pipeline_mode<synchronous>, transform_indices = @transform_4, window_bounds = array<i64: 128, 384>}, {pipeline_mode = #tpu.pipeline_mode<synchronous>, transform_indices = @transform_5, window_bounds = array<i64: 128, 384>}, {pipeline_mode = #tpu.pipeline_mode<synchronous>, transform_indices = @transform_6, window_bounds = array<i64: 1, 384>}, {pipeline_mode = #tpu.pipeline_mode<synchronous>, transform_indices = @transform_7, window_bounds = array<i64: 1, 384>}, {transform_indices = @transform_8, window_bounds = array<i64: 1024, 128>}]} {
    %get3A = arith.constant 0 : index
    %get3A_0 = arith.constant 0 : index
    %get3A_1 = vector.load %arg1[%get3A, %get3A_0] : memref<1024x128xf32, #tpu.memory_space<vmem>>, vector<1024x128xf32>
    %get3A_2 = arith.constant 0 : index
    %get3A_3 = arith.constant 0 : index
    %get3A_4 = arith.constant 0 : index
    %get3A_5 = vector.load %arg4[%get3A_2, %get3A_3, %get3A_4] : memref<2x1024x128xf32, #tpu.memory_space<vmem>>, vector<1x1024x128xf32>
    %get3A_6 = vector.shape_cast %get3A_5 : vector<1x1024x128xf32> to vector<1024x128xf32>
    %slice3A = vector.extract_strided_slice %get3A_6 {offsets = [0, 0], sizes = [1024, 1], strides = [1, 1]} : vector<1024x128xf32> to vector<1024x1xf32>
    %squeeze3A = vector.shape_cast %slice3A : vector<1024x1xf32> to vector<1024xf32>
    %get3A_7 = arith.constant 1 : index
    %get3A_8 = arith.constant 0 : index
    %get3A_9 = arith.constant 0 : index
    %get3A_10 = vector.load %arg4[%get3A_7, %get3A_8, %get3A_9] : memref<2x1024x128xf32, #tpu.memory_space<vmem>>, vector<1x1024x128xf32>
    %get3A_11 = vector.shape_cast %get3A_10 : vector<1x1024x128xf32> to vector<1024x128xf32>
    %slice3A_12 = vector.extract_strided_slice %get3A_11 {offsets = [0, 0], sizes = [1024, 1], strides = [1, 1]} : vector<1024x128xf32> to vector<1024x1xf32>
    %squeeze3A_13 = vector.shape_cast %slice3A_12 : vector<1024x1xf32> to vector<1024xf32>
    %add3A = arith.addf %squeeze3A, %squeeze3A_13 : vector<1024xf32>
    %get3A_14 = arith.constant 0 : index
    %get3A_15 = arith.constant 0 : index
    %get3A_16 = arith.constant 0 : index
    %get3A_17 = vector.load %arg2[%get3A_14, %get3A_15, %get3A_16] : memref<2x1024x128xf32, #tpu.memory_space<vmem>>, vector<1x1024x128xf32>
    %get3A_18 = vector.shape_cast %get3A_17 : vector<1x1024x128xf32> to vector<1024x128xf32>
    %get3A_19 = arith.constant 1 : index
    %get3A_20 = arith.constant 0 : index
    %get3A_21 = arith.constant 0 : index
    %get3A_22 = vector.load %arg2[%get3A_19, %get3A_20, %get3A_21] : memref<2x1024x128xf32, #tpu.memory_space<vmem>>, vector<1x1024x128xf32>
    %get3A_23 = vector.shape_cast %get3A_22 : vector<1x1024x128xf32> to vector<1024x128xf32>
    %add3A_24 = arith.addf %get3A_18, %get3A_23 : vector<1024x128xf32>
    %broadcast_in_dim3A = vector.shape_cast %add3A : vector<1024xf32> to vector<1024x1xf32>
    %get3A_25 = arith.constant 0 : index
    %get3A_26 = arith.constant 0 : index
    %get3A_27 = vector.load %arg3[%get3A_25, %get3A_26] : memref<1024x128xf32, #tpu.memory_space<vmem>>, vector<1024x128xf32>
    %mul3A = vector.broadcast %broadcast_in_dim3A : vector<1024x1xf32> to vector<1024x128xf32>
    %mul3A_28 = arith.mulf %mul3A, %get3A_27 : vector<1024x128xf32>
    %add3A_29 = arith.addf %add3A_24, %mul3A_28 : vector<1024x128xf32>
    %get3A_30 = arith.constant 0 : index
    %get3A_31 = arith.constant 0 : index
    %get3A_32 = vector.load %arg5[%get3A_30, %get3A_31] : memref<128x384xf32, #tpu.memory_space<vmem>>, vector<128x384xf32>
    %dot_general3A = arith.constant dense<0.000000e+00> : vector<1024x384xf32>
    %dot_general3A_33 = tpu.matmul %add3A_29, %get3A_32, %dot_general3A {dimension_numbers = #tpu.dot_dimension_numbers<[1], [0], [0], [1], [0, 0, 1, 1], [], []>, transpose_lhs_hint = false} : vector<1024x128xf32>, vector<128x384xf32>, vector<1024x384xf32> -> vector<1024x384xf32>
    %get3A_34 = arith.constant 0 : index
    %get3A_35 = arith.constant 0 : index
    %get3A_36 = vector.load %arg7[%get3A_34, %get3A_35] : memref<1x384xf32, #tpu.memory_space<vmem>>, vector<1x384xf32>
    %add3A_37 = vector.broadcast %get3A_36 : vector<1x384xf32> to vector<1024x384xf32>
    %add3A_38 = arith.addf %dot_general3A_33, %add3A_37 : vector<1024x384xf32>
    %get3A_39 = arith.constant 0 : index
    %get3A_40 = arith.constant 0 : index
    %get3A_41 = vector.load %arg6[%get3A_39, %get3A_40] : memref<128x384xf32, #tpu.memory_space<vmem>>, vector<128x384xf32>
    %dot_general3A_42 = arith.constant dense<0.000000e+00> : vector<1024x384xf32>
    %dot_general3A_43 = tpu.matmul %get3A_1, %get3A_41, %dot_general3A_42 {dimension_numbers = #tpu.dot_dimension_numbers<[1], [0], [0], [1], [0, 0, 1, 1], [], []>, transpose_lhs_hint = false} : vector<1024x128xf32>, vector<128x384xf32>, vector<1024x384xf32> -> vector<1024x384xf32>
    %get3A_44 = arith.constant 0 : index
    %get3A_45 = arith.constant 0 : index
    %get3A_46 = vector.load %arg8[%get3A_44, %get3A_45] : memref<1x384xf32, #tpu.memory_space<vmem>>, vector<1x384xf32>
    %add3A_47 = vector.broadcast %get3A_46 : vector<1x384xf32> to vector<1024x384xf32>
    %add3A_48 = arith.addf %dot_general3A_43, %add3A_47 : vector<1024x384xf32>
    %slice3A_49 = vector.extract_strided_slice %add3A_38 {offsets = [0, 0], sizes = [1024, 128], strides = [1, 1]} : vector<1024x384xf32> to vector<1024x128xf32>
    %slice3A_50 = vector.extract_strided_slice %add3A_48 {offsets = [0, 0], sizes = [1024, 128], strides = [1, 1]} : vector<1024x384xf32> to vector<1024x128xf32>
    %add3A_51 = arith.addf %slice3A_49, %slice3A_50 : vector<1024x128xf32>
    %logistic3A = arith.negf %add3A_51 : vector<1024x128xf32>
    %logistic3A_52 = math.exp %logistic3A : vector<1024x128xf32>
    %logistic3A_53 = arith.constant 1.000000e+00 : f32
    %logistic3A_54 = vector.broadcast %logistic3A_53 : f32 to vector<1024x128xf32>
    %logistic3A_55 = arith.addf %logistic3A_54, %logistic3A_52 : vector<1024x128xf32>
    %logistic3A_56 = arith.divf %logistic3A_54, %logistic3A_55 : vector<1024x128xf32>
    %slice3A_57 = vector.extract_strided_slice %add3A_38 {offsets = [0, 128], sizes = [1024, 128], strides = [1, 1]} : vector<1024x384xf32> to vector<1024x128xf32>
    %slice3A_58 = vector.extract_strided_slice %add3A_48 {offsets = [0, 128], sizes = [1024, 128], strides = [1, 1]} : vector<1024x384xf32> to vector<1024x128xf32>
    %add3A_59 = arith.addf %slice3A_57, %slice3A_58 : vector<1024x128xf32>
    %logistic3A_60 = arith.negf %add3A_59 : vector<1024x128xf32>
    %logistic3A_61 = math.exp %logistic3A_60 : vector<1024x128xf32>
    %logistic3A_62 = arith.constant 1.000000e+00 : f32
    %logistic3A_63 = vector.broadcast %logistic3A_62 : f32 to vector<1024x128xf32>
    %logistic3A_64 = arith.addf %logistic3A_63, %logistic3A_61 : vector<1024x128xf32>
    %logistic3A_65 = arith.divf %logistic3A_63, %logistic3A_64 : vector<1024x128xf32>
    %slice3A_66 = vector.extract_strided_slice %add3A_38 {offsets = [0, 256], sizes = [1024, 128], strides = [1, 1]} : vector<1024x384xf32> to vector<1024x128xf32>
    %slice3A_67 = vector.extract_strided_slice %add3A_48 {offsets = [0, 256], sizes = [1024, 128], strides = [1, 1]} : vector<1024x384xf32> to vector<1024x128xf32>
    %mul3A_68 = arith.mulf %logistic3A_56, %slice3A_67 : vector<1024x128xf32>
    %add3A_69 = arith.addf %slice3A_66, %mul3A_68 : vector<1024x128xf32>
    %tanh3A = math.tanh %add3A_69 : vector<1024x128xf32>
    %sub3A = arith.constant 1.000000e+00 : f32
    %sub3A_70 = vector.broadcast %sub3A : f32 to vector<1024x128xf32>
    %sub3A_71 = arith.subf %sub3A_70, %logistic3A_65 : vector<1024x128xf32>
    %mul3A_72 = arith.mulf %sub3A_71, %tanh3A : vector<1024x128xf32>
    %mul3A_73 = arith.mulf %logistic3A_65, %get3A_1 : vector<1024x128xf32>
    %add3A_74 = arith.addf %mul3A_72, %mul3A_73 : vector<1024x128xf32>
    %swap3A = arith.constant 0 : index
    %swap3A_75 = arith.constant 0 : index
    %swap3A_76 = vector.load %arg9[%swap3A, %swap3A_75] : memref<1024x128xf32, #tpu.memory_space<vmem>>, vector<1024x128xf32>
    tpu.vector_store %arg9[%swap3A, %swap3A_75], %add3A_74 {strides = array<i32>} : memref<1024x128xf32, #tpu.memory_space<vmem>>, vector<1024x128xf32>,
    return
  }
  func.func @transform_0(%arg0: i32) -> (i32, i32) {
    %c0_i32 = arith.constant 0 : i32
    %c0_i32_0 = arith.constant 0 : i32
    return %arg0, %c0_i32 : i32, i32
  }
  func.func @transform_1(%arg0: i32) -> (i32, i32, i32) {
    %c0_i32 = arith.constant 0 : i32
    %c0_i32_0 = arith.constant 0 : i32
    %c0_i32_1 = arith.constant 0 : i32
    return %c0_i32, %arg0, %c0_i32_0 : i32, i32, i32
  }
  func.func @transform_2(%arg0: i32) -> (i32, i32) {
    %c0_i32 = arith.constant 0 : i32
    %c0_i32_0 = arith.constant 0 : i32
    return %arg0, %c0_i32 : i32, i32
  }
  func.func @transform_3(%arg0: i32) -> (i32, i32, i32) {
    %c0_i32 = arith.constant 0 : i32
    %c0_i32_0 = arith.constant 0 : i32
    %c0_i32_1 = arith.constant 0 : i32
    return %c0_i32, %arg0, %c0_i32_0 : i32, i32, i32
  }
  func.func @transform_4(%arg0: i32) -> (i32, i32) {
    %c0_i32 = arith.constant 0 : i32
    %c0_i32_0 = arith.constant 0 : i32
    %c0_i32_1 = arith.constant 0 : i32
    return %c0_i32, %c0_i32_0 : i32, i32
  }
  func.func @transform_5(%arg0: i32) -> (i32, i32) {
    %c0_i32 = arith.constant 0 : i32
    %c0_i32_0 = arith.constant 0 : i32
    %c0_i32_1 = arith.constant 0 : i32
    return %c0_i32, %c0_i32_0 : i32, i32
  }
  func.func @transform_6(%arg0: i32) -> (i32, i32) {
    %c0_i32 = arith.constant 0 : i32
    %c0_i32_0 = arith.constant 0 : i32
    %c0_i32_1 = arith.constant 0 : i32
    return %c0_i32, %c0_i32_0 : i32, i32
  }
  func.func @transform_7(%arg0: i32) -> (i32, i32) {
    %c0_i32 = arith.constant 0 : i32
    %c0_i32_0 = arith.constant 0 : i32
    %c0_i32_1 = arith.constant 0 : i32
    return %c0_i32, %c0_i32_0 : i32, i32
  }
  func.func @transform_8(%arg0: i32) -> (i32, i32) {
    %c0_i32 = arith.constant 0 : i32
    %c0_i32_0 = arith.constant 0 : i32
    return %arg0, %c0_i32 : i32, i32
  }
}

module attributes {stable_mosaic.version = 14 : i64} {
  func.func @_cls_body(%arg0: i32, %arg1: memref<1000x128xf32, #tpu.memory_space<vmem>>, %arg2: memref<1000x128xf32, #tpu.memory_space<vmem>>, %arg3: memref<128x128xf32, #tpu.memory_space<vmem>>, %arg4: memref<128x128xf32, #tpu.memory_space<vmem>>, %arg5: memref<1x128xf32, #tpu.memory_space<vmem>>, %arg6: memref<128x128xf32, #tpu.memory_space<vmem>>, %arg7: memref<1x128xf32, #tpu.memory_space<vmem>>, %arg8: memref<1000x128xf32, #tpu.memory_space<vmem>>) attributes {dimension_semantics = [#tpu.dimension_semantics<arbitrary>], iteration_bounds = array<i64: 5>, scalar_prefetch = 0 : i64, scratch_operands = 0 : i64, tpu.core_type = #tpu.core_type<tc>, window_params = [{transform_indices = @transform_0, window_bounds = array<i64: 1000, 128>}, {transform_indices = @transform_1, window_bounds = array<i64: 1000, 128>}, {pipeline_mode = #tpu.pipeline_mode<synchronous>, transform_indices = @transform_2, window_bounds = array<i64: 128, 128>}, {pipeline_mode = #tpu.pipeline_mode<synchronous>, transform_indices = @transform_3, window_bounds = array<i64: 128, 128>}, {pipeline_mode = #tpu.pipeline_mode<synchronous>, transform_indices = @transform_4, window_bounds = array<i64: 1, 128>}, {pipeline_mode = #tpu.pipeline_mode<synchronous>, transform_indices = @transform_5, window_bounds = array<i64: 128, 128>}, {pipeline_mode = #tpu.pipeline_mode<synchronous>, transform_indices = @transform_6, window_bounds = array<i64: 1, 128>}, {transform_indices = @transform_7, window_bounds = array<i64: 1000, 128>}]} {
    %get3A = arith.constant 0 : index
    %get3A_0 = arith.constant 0 : index
    %get3A_1 = vector.load %arg1[%get3A, %get3A_0] : memref<1000x128xf32, #tpu.memory_space<vmem>>, vector<1000x128xf32>
    %get3A_2 = arith.constant 0 : index
    %get3A_3 = arith.constant 0 : index
    %get3A_4 = vector.load %arg3[%get3A_2, %get3A_3] : memref<128x128xf32, #tpu.memory_space<vmem>>, vector<128x128xf32>
    %dot_general3A = arith.constant dense<0.000000e+00> : vector<1000x128xf32>
    %dot_general3A_5 = tpu.matmul %get3A_1, %get3A_4, %dot_general3A {dimension_numbers = #tpu.dot_dimension_numbers<[1], [0], [0], [1], [0, 0, 1, 1], [], []>, transpose_lhs_hint = false} : vector<1000x128xf32>, vector<128x128xf32>, vector<1000x128xf32> -> vector<1000x128xf32>
    %get3A_6 = arith.constant 0 : index
    %get3A_7 = arith.constant 0 : index
    %get3A_8 = vector.load %arg2[%get3A_6, %get3A_7] : memref<1000x128xf32, #tpu.memory_space<vmem>>, vector<1000x128xf32>
    %get3A_9 = arith.constant 0 : index
    %get3A_10 = arith.constant 0 : index
    %get3A_11 = vector.load %arg4[%get3A_9, %get3A_10] : memref<128x128xf32, #tpu.memory_space<vmem>>, vector<128x128xf32>
    %dot_general3A_12 = arith.constant dense<0.000000e+00> : vector<1000x128xf32>
    %dot_general3A_13 = tpu.matmul %get3A_8, %get3A_11, %dot_general3A_12 {dimension_numbers = #tpu.dot_dimension_numbers<[1], [0], [0], [1], [0, 0, 1, 1], [], []>, transpose_lhs_hint = false} : vector<1000x128xf32>, vector<128x128xf32>, vector<1000x128xf32> -> vector<1000x128xf32>
    %add3A = arith.addf %dot_general3A_5, %dot_general3A_13 : vector<1000x128xf32>
    %get3A_14 = arith.constant 0 : index
    %get3A_15 = arith.constant 0 : index
    %get3A_16 = vector.load %arg5[%get3A_14, %get3A_15] : memref<1x128xf32, #tpu.memory_space<vmem>>, vector<1x128xf32>
    %add3A_17 = vector.broadcast %get3A_16 : vector<1x128xf32> to vector<1000x128xf32>
    %add3A_18 = arith.addf %add3A, %add3A_17 : vector<1000x128xf32>
    %max3A = arith.constant 0.000000e+00 : f32
    %max3A_19 = vector.broadcast %max3A : f32 to vector<1000x128xf32>
    %max3A_20 = arith.maximumf %add3A_18, %max3A_19 : vector<1000x128xf32>
    %get3A_21 = arith.constant 0 : index
    %get3A_22 = arith.constant 0 : index
    %get3A_23 = vector.load %arg6[%get3A_21, %get3A_22] : memref<128x128xf32, #tpu.memory_space<vmem>>, vector<128x128xf32>
    %dot_general3A_24 = arith.constant dense<0.000000e+00> : vector<1000x128xf32>
    %dot_general3A_25 = tpu.matmul %max3A_20, %get3A_23, %dot_general3A_24 {dimension_numbers = #tpu.dot_dimension_numbers<[1], [0], [0], [1], [0, 0, 1, 1], [], []>, transpose_lhs_hint = false} : vector<1000x128xf32>, vector<128x128xf32>, vector<1000x128xf32> -> vector<1000x128xf32>
    %get3A_26 = arith.constant 0 : index
    %get3A_27 = arith.constant 0 : index
    %get3A_28 = vector.load %arg7[%get3A_26, %get3A_27] : memref<1x128xf32, #tpu.memory_space<vmem>>, vector<1x128xf32>
    %add3A_29 = vector.broadcast %get3A_28 : vector<1x128xf32> to vector<1000x128xf32>
    %add3A_30 = arith.addf %dot_general3A_25, %add3A_29 : vector<1000x128xf32>
    %swap3A = arith.constant 0 : index
    %swap3A_31 = arith.constant 0 : index
    %swap3A_32 = vector.load %arg8[%swap3A, %swap3A_31] : memref<1000x128xf32, #tpu.memory_space<vmem>>, vector<1000x128xf32>
    tpu.vector_store %arg8[%swap3A, %swap3A_31], %add3A_30 {strides = array<i32>} : memref<1000x128xf32, #tpu.memory_space<vmem>>, vector<1000x128xf32>,
    return
  }
  func.func @transform_0(%arg0: i32) -> (i32, i32) {
    %c0_i32 = arith.constant 0 : i32
    %c0_i32_0 = arith.constant 0 : i32
    return %arg0, %c0_i32 : i32, i32
  }
  func.func @transform_1(%arg0: i32) -> (i32, i32) {
    %add3A = arith.constant 5 : i32
    %add3A_0 = arith.addi %arg0, %add3A : i32
    %c0_i32 = arith.constant 0 : i32
    %c0_i32_1 = arith.constant 0 : i32
    return %add3A_0, %c0_i32 : i32, i32
  }
  func.func @transform_2(%arg0: i32) -> (i32, i32) {
    %c0_i32 = arith.constant 0 : i32
    %c0_i32_0 = arith.constant 0 : i32
    %c0_i32_1 = arith.constant 0 : i32
    return %c0_i32, %c0_i32_0 : i32, i32
  }
  func.func @transform_3(%arg0: i32) -> (i32, i32) {
    %c0_i32 = arith.constant 0 : i32
    %c0_i32_0 = arith.constant 0 : i32
    %c0_i32_1 = arith.constant 0 : i32
    return %c0_i32, %c0_i32_0 : i32, i32
  }
  func.func @transform_4(%arg0: i32) -> (i32, i32) {
    %c0_i32 = arith.constant 0 : i32
    %c0_i32_0 = arith.constant 0 : i32
    %c0_i32_1 = arith.constant 0 : i32
    return %c0_i32, %c0_i32_0 : i32, i32
  }
  func.func @transform_5(%arg0: i32) -> (i32, i32) {
    %c0_i32 = arith.constant 0 : i32
    %c0_i32_0 = arith.constant 0 : i32
    %c0_i32_1 = arith.constant 0 : i32
    return %c0_i32, %c0_i32_0 : i32, i32
  }
  func.func @transform_6(%arg0: i32) -> (i32, i32) {
    %c0_i32 = arith.constant 0 : i32
    %c0_i32_0 = arith.constant 0 : i32
    %c0_i32_1 = arith.constant 0 : i32
    return %c0_i32, %c0_i32_0 : i32, i32
  }
  func.func @transform_7(%arg0: i32) -> (i32, i32) {
    %c0_i32 = arith.constant 0 : i32
    %c0_i32_0 = arith.constant 0 : i32
    return %arg0, %c0_i32 : i32, i32
  }
}

</mosaic_0001>

<sc_bundles>
// kernel: kernel.11.cloned.1.call-start
scs
__scs_entry_jumppad:
0x0: {  	(pc) =	sbr.rel $0x88, $3  }
0x1: {  	(tag) =	ssettag $0x0;
	lr =	simm.s32 $0x1  }
0x2: {  	[smem:$0x3F87] =	sst lr;
	_ =	strace $0xD0000000  }
0x3: {  	_ = 	snop  }
0x4: {  	_ = 	snop  }
0x5: {  	_ = 	snop  }
0x6: {  	_ = 	snop  }
0x7: {  	_ = 	snop  }
__scs_overlays_trampoline_lowered:
0x8: {  	[smem:$0x3F96] =	sst s0  }
0x9: {  	[smem:$0x3F97] =	sst s1  }
0xa: {  	[smem:$0x3F98] =	sst s2  }
0xb: {  	[smem:$0x3F99] =	sst s3  }
0xc: {  	[smem:$0x3F9A] =	sst s4  }
0xd: {  	[smem:$0x3F9B] =	sst s5  }
0xe: {  	[smem:$0x3F9C] =	sst s6  }
0xf: {  	[smem:$0x3F9D] =	sst s7  }
0x10: {  	[smem:$0x3F9E] =	sst s8  }
0x11: {  	[smem:$0x3F9F] =	sst s9;
	s0 =	simm.s32 @!p0 $0x0  }
0x12: {  	s1 =	sld [smem:$0x3F85];
	s0 =	simm.s32 @p0 $0x1  }
0x13: {  	[smem:$0x3FA0] =	sst s0;
	s0 =	simm.s32 @!p1 $0x0  }
0x14: {  	s2 =	sld [smem:$0x3F84];
	s0 =	simm.s32 @p1 $0x1  }
0x15: {  	[smem:$0x3FA1] =	sst s0;
	s0 =	simm.s32 @!p2 $0x0  }
0x16: {  	s3 =	sld [smem:$0x3FDB];
	s0 =	simm.s32 @p2 $0x1  }
0x17: {  	s4 =	simm.s32 $0x1BF5;
	[smem:$0x3FA3] =	sst s0  }
0x18: {  	s0 =	sld [smem:$0x3F86];
	_ =	swait.ge [sflag:s4], $0x0  }
0x19: {  	s7 =	sld [smem:$0x3F87]  }
0x1a: {  	s8 =	sadd.s32 $0xFFFFE003, lr  }
0x1b: {  	s9 =	sadd.s32 $0xFFFFFEF7, lr;
	s5 =	simm.s32 $0xFFFFFFFF;
	p2 =	slt.u32 s8, $0xFFFFF086  }
0x1c: {  	p1 =	slt.u32 s9, $0xF7A;
	s5 =	simm.s32 @!p2 $0x0  }
0x1d: {  	s5 =	simm.s32 @p1 $0x1;
	p0 =	seq.s32 s7, s2  }
0x1e: {  	s7 =	smul.u32 @!p0 $0xF7A, s2;
	p2 =	seq.s32 @!p0 s5, $0x0  }
0x1f: {  	s9 =	smul.u32 $0xF7A, s1;
	s8 =	simm.s32 @!p0 $0x1BF5;
	p2 =	por !p2, p0  }
0x20: {  	[sflag:s8] =	ssyncset.s32 @!p0 $0xFFFFF086;
	s6 =	sadd.s32 @!p0 s3, s7;
	s7 =	simm.s32 @!p0 $0x108  }
0x21: {  	s3 =	sadd.s32 s3, s9;
	s6 =	sadd.s32 @!p0 $0x88, s6;
	s7 =	simm.s32 @p2 $0x1082  }
0x22: {  	[simem:s7], [sflag:s8] =	dma.local @!p0 [hbm:s6], $0xF7A  }
0x23: {  	s9 =	sor.u32 $0xD0000000, s2;
	s6 =	simm.s32 $0x108;
	_ =	swait.ge @!p0 [sflag:s8], $0x0  }
0x24: {  	s3 =	sadd.s32 $0x88, s3;
	s6 =	simm.s32 @!p1 $0x1082;
	[sflag:s4] =	ssyncset.s32 $0xFFFFF086  }
0x25: {  	[simem:s6], [sflag:s4] =	dma.local [hbm:s3], $0xF7A  }
0x26: {  	[smem:$0x3F87] =	sst s1;
	(tag) =	ssettag s2;
	_ =	strace s9  }
0x27: {  	s1 =	sld [smem:$0x3F97]  }
0x28: {  	s2 =	sld [smem:$0x3F98]  }
0x29: {  	s4 =	sld [smem:$0x3F9A]  }
0x2a: {  	p0 =	seq.s32 s5, $0x0;
	s5 =	sld [smem:$0x3F9B]  }
0x2b: {  	s6 =	sld [smem:$0x3F9C]  }
0x2c: {  	s7 =	sld [smem:$0x3F9D]  }
0x2d: {  	s3 =	simm.s32 $0x108;
	s8 =	sld [smem:$0x3F9E]  }
0x2e: {  	s3 =	simm.s32 @!p0 $0x1082;
	s9 =	sld [smem:$0x3F9F]  }
0x2f: {  	lr =	sadd.s32 s0, s3;
	s0 =	sld [smem:$0x3F96]  }
0x30: {  	s3 =	sld [smem:$0x3F99]  }
0x31: {  	[smem:$0x3FA2] =	sst s10  }
0x32: {  	s10 =	sld [smem:$0x3FA0];
	_ =	sdelay $0x3  }
0x33: {  	p0 =	seq.s32 s10, $0x1;
	s10 =	sld [smem:$0x3FA2];
	_ =	sdelay $0x3  }
0x34: {  	[smem:$0x3FA2] =	sst s10  }
0x35: {  	s10 =	sld [smem:$0x3FA1];
	_ =	sdelay $0x3  }
0x36: {  	p1 =	seq.s32 s10, $0x1;
	s10 =	sld [smem:$0x3FA2];
	_ =	sdelay $0x3  }
0x37: {  	[smem:$0x3FA2] =	sst s10  }
0x38: {  	s10 =	sld [smem:$0x3FA3]  }
0x39: {  	_ = 	snop;
	(pc) =	sbr.ind lr, $3  }
0x3a: {  	_ = 	snop  }
0x3b: {  	_ = 	snop  }
0x3c: {  	p2 =	seq.s32 s10, $0x1;
	s10 =	sld [smem:$0x3FA2]  }
0x3d: {  	_ =	shalt  }
0x3e: {  	_ =	shalt  }
0x3f: {  	_ =	shalt  }
0x40: {  	_ =	shalt  }
0x41: {  	_ =	shalt  }
0x42: {  	_ =	shalt  }
0x43: {  	_ =	shalt  }
0x44: {  	_ =	shalt  }
0x45: {  	_ =	shalt  }
0x46: {  	_ =	shalt  }
0x47: {  	_ =	shalt  }
0x48: {  	_ =	shalt  }
0x49: {  	_ =	shalt  }
0x4a: {  	_ =	shalt  }
0x4b: {  	_ =	shalt  }
0x4c: {  	_ =	shalt  }
0x4d: {  	_ =	shalt  }
0x4e: {  	_ =	shalt  }
0x4f: {  	_ =	shalt  }
0x50: {  	_ =	shalt  }
0x51: {  	_ =	shalt  }
0x52: {  	_ =	shalt  }
0x53: {  	_ =	shalt  }
0x54: {  	_ =	shalt  }
0x55: {  	_ =	shalt  }
0x56: {  	_ =	shalt  }
0x57: {  	_ =	shalt  }
0x58: {  	_ =	shalt  }
0x59: {  	_ =	shalt  }
0x5a: {  	_ =	shalt  }
0x5b: {  	_ =	shalt  }
0x5c: {  	_ =	shalt  }
0x5d: {  	_ =	shalt  }
0x5e: {  	_ =	shalt  }
0x5f: {  	_ =	shalt  }
0x60: {  	_ =	shalt  }
0x61: {  	_ =	shalt  }
0x62: {  	_ =	shalt  }
0x63: {  	_ =	shalt  }
0x64: {  	_ =	shalt  }
0x65: {  	_ =	shalt  }
0x66: {  	_ =	shalt  }
0x67: {  	_ =	shalt  }
0x68: {  	_ =	shalt  }
0x69: {  	_ =	shalt  }
0x6a: {  	_ =	shalt  }
0x6b: {  	_ =	shalt  }
0x6c: {  	_ =	shalt  }
0x6d: {  	_ =	shalt  }
0x6e: {  	_ =	shalt  }
0x6f: {  	_ =	shalt  }
0x70: {  	_ =	shalt  }
0x71: {  	_ =	shalt  }
0x72: {  	_ =	shalt  }
0x73: {  	_ =	shalt  }
0x74: {  	_ =	shalt  }
0x75: {  	_ =	shalt  }
0x76: {  	_ =	shalt  }
0x77: {  	_ =	shalt  }
0x78: {  	_ =	shalt  }
0x79: {  	_ =	shalt  }
0x7a: {  	_ =	shalt  }
0x7b: {  	_ =	shalt  }
0x7c: {  	_ =	shalt  }
0x7d: {  	_ =	shalt  }
0x7e: {  	_ =	shalt  }
0x7f: {  	_ =	shalt  }
0x80: {  	_ =	shalt  }
0x81: {  	_ =	shalt  }
0x82: {  	_ =	shalt  }
0x83: {  	_ =	shalt  }
0x84: {  	_ =	shalt  }
0x85: {  	_ =	shalt  }
0x86: {  	_ =	shalt  }
0x87: {  	_ =	shalt  }
.Lfunc_end0:
.L_simem_size_0:
called_computation_lowered:
.L_overlay_start_0:
0x88: {  	s2 =	sld [smem:$0x3FD9]  }
0x89: {  	s3 =	sld [smem:$0x3FFE];
	_ =	sdelay $0x1  }
0x8a: {  	s1 =	srdreg.scid  }
0x8b: {  	s0 =	sand.u32 $0x1, s1  }
0x8c: {  	s17 =	sshll.u32 s0, $0xA;
	s2 =	sadd.s32 s3, s2  }
0x8d: {  	s2 =	sadd.s32 s2, s17  }
0x8e: {  	[smem:$0x3FAE] =	sst s2  }
0x8f: {  	_ = 	snop  }
0x90: {  	(tm) =	ssettm $0x1  }
0x91: {  	s18 =	sld [smem:$0x3FFB];
	_ =	sdelay $0x3  }
0x92: {  	_ =	strace s18  }
0x93: {  	s2 =	sld [smem:$0x3FFC];
	_ =	sdelay $0x3  }
0x94: {  	_ =	strace s2  }
0x95: {  	s2 =	sld [smem:$0x3FFD];
	_ =	sdelay $0x3  }
0x96: {  	_ =	strace s2  }
0x97: {  	_ =	strace $0x8FFFFFFF  }
0x98: {  	s19 =	sld [smem:$0x3FDB];
	_ =	sdelay $0x1  }
0x99: {  	s20 =	simm.s32 $_scs_section_size  }
0x9a: {  	s4 =	simm.s32 $_size__tile_overlayer_lowered;
	s5 =	simm.s32 $_tile_overlayer_lowered  }
0x9b: {  	s6 =	simm.s32 $0x1BFF;
	s21 =	sshll.u32 s5, $0x1;
	s3 =	sadd.s32 s20, s19  }
0x9c: {  	s22 =	simm.s32 $0x0;
	s4 =	sshll.u32 s4, $0x1;
	s5 =	sadd.s32 s21, s3  }
0x9d: {  	[timem:s22], [sflag:s6] =	dma.local [hbm:s5], s4  }
0x9e: {  	_ =	swait.ge [sflag:s6], s4  }
0x9f: {  	s4 =	ssub.s32 $0x0, s4;
	[sflag:s6] =	ssyncset.done $0x0  }
0xa0: {  	[sflag:s6] =	ssyncadd.s32 s4;
	_ =	sdelay $0x1  }
0xa1: {  	s23 =	simm.s32 $0x1B8B  }
0xa2: {  	_ =	swait.ge [sflag:s23], $0x1  }
0xa3: {  	[sflag:s23] =	ssyncset.done $0x0  }
0xa4: {  	[sflag:s23] =	ssyncadd.s32 $0xFFFFFFFF  }
0xa5: {  	s4 =	sld [smem:$0x0]  }
0xa6: {  	s5 =	sand.u32 $0xFFFFFFFE, s1  }
0xa7: {  	p0 =	sne.s32 s1, s5  }
0xa8: {  	s5 =	sshll.u32 @p0 s5, $0xE  }
0xa9: {  	s5 =	sadd.s32 @p0 $0x11B8D, s5;
	s6 =	sshll.u32 @p0 s4, $0x11  }
0xaa: {  	s5 =	sor.u32 @p0 s6, s5  }
0xab: {  	[sflag:s5] =	ssyncadd.remote.s32 @p0 $0x1;
	_ =	sdelay $0x1  }
0xac: {  	s5 =	simm.s32 @p0 $0x1B8D  }
0xad: {  	_ =	swait.eq @p0 [sflag:s5], $0x1  }
0xae: {  	[sflag:s5] =	ssyncadd.s32 @p0 $0xFFFFFFFF  }
0xaf: {  	s6 =	sshll.u32 @!p0 s1, $0xE  }
0xb0: {  	s6 =	sor.u32 @!p0 $0x4000, s6;
	s5 =	simm.s32 @!p0 $0x1B8D  }
0xb1: {  	s4 =	sshll.u32 @!p0 s4, $0x11;
	s6 =	sadd.s32 @!p0 $0x11B8D, s6;
	_ =	swait.eq @!p0 [sflag:s5], $0x1  }
0xb2: {  	s4 =	sor.u32 @!p0 s4, s6;
	[sflag:s5] =	ssyncadd.s32 @!p0 $0xFFFFFFFF  }
0xb3: {  	s25 =	simm.s32 $0x1B8E;
	s24 =	sld [smem:$0x3FFE];
	[sflag:s4] =	ssyncadd.remote.s32 @!p0 $0x1  }
0xb4: {  	s26 =	simm.s32 $execute0_lowered;
	[smem:$0x3FD2] =	sst s25  }
0xb5: {  	s5 =	sshll.u32 s26, $0x1;
	_ =	strace $0x80000049;
	[dreg:$0x1] =	wrdreg $0xFFFFFFFF  }
0xb6: {  	s28 =	simm.s32 $_size_execute0_lowered;
	s3 =	sadd.s32 s3, s5;
	[dreg:$0x0] =	wrdreg $0x0  }
0xb7: {  	s5 =	sshll.u32 s28, $0x1;
	[dreg:$0x2] =	wrdreg s3  }
0xb8: {  	[dreg:$0x3] =	wrdreg s5  }
0xb9: {  	[dreg:$0x4] =	wrdreg $0xC0  }
0xba: {  	_ =	task [dreg:s22], $0x5FFFF  }
0xbb: {  	[dreg:$0x1] =	wrdreg $0xFFFFFFFF  }
0xbc: {  	[dreg:$0x0] =	wrdreg $0x60  }
0xbd: {  	[dreg:$0x2] =	wrdreg s24  }
0xbe: {  	[dreg:$0x3] =	wrdreg $0x68000  }
0xbf: {  	[dreg:$0x4] =	wrdreg $0x9  }
0xc0: {  	_ =	task.clear_ibuf [dreg:s22], $0x5FFFF;
	_ =	strace $0x90000049  }
0xc1: {  	s29 =	simm.s32 $0x9;
	_ =	strace $0x8000004B  }
0xc2: {  	_ =	swait.ge [sflag:s29], $0x1  }
0xc3: {  	[sflag:s29] =	ssyncadd.s32 $0xFFFFFFFF  }
0xc4: {  	_ =	strace $0x9000004B  }
0xc5: {  	_ =	sfence  }
0xc6: {  	s30 =	sld [smem:$0x0];
	_ =	sdelay $0x2  }
0xc7: {  	s31 =	sshll.u32 s1, $0xD;
	s1 =	sshrl.u32 s1, $0x2  }
0xc8: {  	s4 =	sand.u32 $0x4000, s31;
	s1 =	sadd.s32 s1, s30  }
0xc9: {  	s0 =	sor.u32 s4, s0;
	s1 =	sshll.u32 s1, $0x11  }
0xca: {  	s0 =	sor.u32 s1, s0  }
0xcb: {  	s0 =	sadd.s32 $0x8F2B, s0  }
0xcc: {  	[sflag:s0] =	ssyncadd.remote.s32 $0x1  }
0xcd: {  	_ =	sfence.sel $0xFFFF  }
0xce: {  	[dreg:$0x0] =	wrdreg $0xFFFFFFFF;
	(pc) =	sbr.abs _section_cstart, $3  }
0xcf: {  	[dreg:$0x1] =	wrdreg $0xFFFFFFFF  }
0xd0: {  	_ =	task.clear_ibuf [dreg:s22], $0x2FFFF;
	_ =	strace $0x9FFFFFFF  }
0xd1: {  	(tm) =	ssettm $0x7FFFFFFF  }
tec
execute0_lowered:
.L_overlay_start_1:
0x0: {  	(tag) =	ssettag $0x1  }
0x1: {  	s1 =	srdreg.scid  }
0x2: {  	s0 =	stileid.u32;
	s4 =	rddreg [dreg:$0x0]  }
0x3: {  	s2 =	rddreg [dreg:$0x1];
	s3 =	simm.s32 $0x0;
	s6 =	smul.u32 $0x5000, s0  }
0x4: {  	s12 =	simm.s32 $0x1;
	s13 =	simm.s32 $0x2800;
	s29 =	smul.u32 $0x14000, s0  }
0x5: {  	s14 =	simm.s32 $0x80;
	s5 =	sand.u32 $0x1, s1;
	s9 =	smul.u32 $0x50000, s0  }
0x6: {  	s17 =	simm.s32 $0x0;
	s1 =	rddreg [dreg:$0x2];
	s7 =	smul.u32 $0x2800, s5  }
0x7: {  	[smem:$0x7FF] =	sst s3;
	s15 =	sshll.u32 s0, $0x6;
	s8 =	smul.u32 $0x140000, s5  }
0x8: {  	_ =	strace $0x8000004A;
	s5 =	ssub.s32 $0x2, s5;
	s15 =	sor.u32 $0x1C01, s15  }
0x9: {  	s30 =	sshrl.u32 s9, $0x2;
	s31 =	sshrl.u32 s5, $0x1;
	s6 =	sadd.s32 s7, s6  }
0xa: {  	s7 =	sadd.s32 s29, s8;
	s11 =	ssub.s32 s5, s31;
	s6 =	sshrl.u32 s6, $0x3  }
0xb: {  	s7 =	sshrl.u32 s7, $0x3;
	s11 =	smax.u32 s11, $0x1;
	s6 =	sadd.s32 s6, s4  }
0xc: {  	s10 =	sadd.s32 s7, s4;
	s4 =	sadd.s32 s30, s2;
	s5 =	sadd.s32 $0xEC00, s6  }
0xd: {  	s6 =	sadd.s32 $0x4000, s4;
	s7 =	sadd.s32 $0x8000, s4;
	s8 =	sadd.s32 $0xC000, s4  }
0xe: {  	v0 =	vimm.f32 $0.0e+00;
	v1 =	vimm.f32 $1.000000000e+00;
	s9 =	sadd.s32 $0x10000, s4;
	s10 =	sadd.s32 $0xB8C00, s10;
	s16 =	sshrl.u32 s4, $0x3  }
.LBB2_1:
0xf: {  	[tilespmem:s3], [sflag:$0x1] =	stream.linear.gather [hbm4b:s5+s3], $0x2800, $0x38;
	[tilespmem:$0x1A800] =	vst v63  }
0x10: {  	_ =	swait.ge [sflag:s12], $0x2800  }
0x11: {  	[sflag:s12] =	ssyncset.done $0x0  }
0x12: {  	s18 =	simm.s32 $0x0;
	s19 =	simm.s32 $0x200;
	[sflag:s12] =	ssyncadd.s32 $0xFFFFD800  }
.LBB2_2:
0x13: {  	p0 =	sne.s32 s19, $0xFE00;
	[tilespmem:s18+$0x2870] =	vst v0  }
0x14: {  	[tilespmem:s18+$0x2800] =	vst v0  }
0x15: {  	[tilespmem:s18+$0x2810] =	vst v0  }
.Ltmp0:
0x16: {  	[tilespmem:s18+$0x2820] =	vst v0;
	(pc) =	sbr.rel @p0 .LBB2_2-.Ltmp0, $4  }
0x17: {  	[tilespmem:s18+$0x2830] =	vst v0  }
0x18: {  	[tilespmem:s18+$0x2840] =	vst v0  }
0x19: {  	[tilespmem:s18+$0x2850] =	vst v0  }
0x1a: {  	[tilespmem:s18+$0x2860] =	vst v0;
	s18 =	sshra.s32 s19, $0x2;
	s19 =	sadd.s32 $0x200, s19  }
0x1b: {  	[tilespmem:s18+$0x2870] =	vst v0  }
0x1c: {  	[tilespmem:s18+$0x2800] =	vst v0  }
0x1d: {  	[tilespmem:s18+$0x2810] =	vst v0  }
0x1e: {  	[tilespmem:s18+$0x2820] =	vst v0  }
0x1f: {  	[tilespmem:s18+$0x2830] =	vst v0  }
0x20: {  	[tilespmem:s18+$0x2840] =	vst v0  }
0x21: {  	[tilespmem:s18+$0x2850] =	vst v0  }
0x22: {  	[tilespmem:s18+$0x2860] =	vst v0  }
0x23: {  	[spmem:s4] =	stream.linear.scatter [tilespmem:s13], [sflag:$0x1], $0x4000, $0x38;
	[tilespmem:$0x1A800] =	vst v63  }
0x24: {  	_ =	swait.ge [sflag:s12], $0x4000  }
0x25: {  	[sflag:s12] =	ssyncset.done $0x0  }
0x26: {  	[sflag:s12] =	ssyncadd.s32 $0xFFFFC000  }
0x27: {  	[spmem:s6] =	stream.linear.scatter [tilespmem:s13], [sflag:$0x1], $0x4000, $0x38;
	[tilespmem:$0x1A800] =	vst v63  }
0x28: {  	_ =	swait.ge [sflag:s12], $0x4000  }
0x29: {  	[sflag:s12] =	ssyncset.done $0x0  }
0x2a: {  	[sflag:s12] =	ssyncadd.s32 $0xFFFFC000  }
0x2b: {  	[spmem:s7] =	stream.linear.scatter [tilespmem:s13], [sflag:$0x1], $0x4000, $0x38;
	[tilespmem:$0x1A800] =	vst v63  }
0x2c: {  	_ =	swait.ge [sflag:s12], $0x4000  }
0x2d: {  	[sflag:s12] =	ssyncset.done $0x0  }
0x2e: {  	[sflag:s12] =	ssyncadd.s32 $0xFFFFC000  }
0x2f: {  	[spmem:s8] =	stream.linear.scatter [tilespmem:s13], [sflag:$0x1], $0x4000, $0x38;
	[tilespmem:$0x1A800] =	vst v63  }
0x30: {  	_ =	swait.ge [sflag:s12], $0x4000  }
0x31: {  	[sflag:s12] =	ssyncset.done $0x0  }
0x32: {  	[sflag:s12] =	ssyncadd.s32 $0xFFFFC000  }
0x33: {  	[spmem:s9] =	stream.linear.scatter [tilespmem:s13], [sflag:$0x1], $0x4000, $0x38;
	[tilespmem:$0x1A800] =	vst v63  }
0x34: {  	_ =	swait.ge [sflag:s12], $0x4000  }
0x35: {  	[sflag:s12] =	ssyncset.done $0x0  }
0x36: {  	s18 =	simm.s32 $0x0;
	s19 =	simm.s32 $0x200;
	[sflag:s12] =	ssyncadd.s32 $0xFFFFC000  }
.LBB2_4:
0x37: {  	p0 =	sne.s32 s19, $0xFE00;
	[tilespmem:s18+$0x2870] =	vst v1  }
0x38: {  	[tilespmem:s18+$0x2800] =	vst v1  }
0x39: {  	[tilespmem:s18+$0x2810] =	vst v1  }
.Ltmp1:
0x3a: {  	[tilespmem:s18+$0x2820] =	vst v1;
	(pc) =	sbr.rel @p0 .LBB2_4-.Ltmp1, $4  }
0x3b: {  	[tilespmem:s18+$0x2830] =	vst v1  }
0x3c: {  	[tilespmem:s18+$0x2840] =	vst v1  }
0x3d: {  	[tilespmem:s18+$0x2850] =	vst v1  }
0x3e: {  	[tilespmem:s18+$0x2860] =	vst v1;
	s18 =	sshra.s32 s19, $0x2;
	s19 =	sadd.s32 $0x200, s19  }
0x3f: {  	[tilespmem:s18+$0x2870] =	vst v1  }
0x40: {  	[tilespmem:s18+$0x2800] =	vst v1  }
0x41: {  	[tilespmem:s18+$0x2810] =	vst v1  }
0x42: {  	[tilespmem:s18+$0x2820] =	vst v1  }
0x43: {  	[tilespmem:s18+$0x2830] =	vst v1  }
0x44: {  	[tilespmem:s18+$0x2840] =	vst v1  }
0x45: {  	[tilespmem:s18+$0x2850] =	vst v1  }
0x46: {  	[tilespmem:s18+$0x2860] =	vst v1  }
0x47: {  	s31 =	simm.s32 $0x0;
	[bflag:$0x0] =	sbarrier.arrive $0xFFFF  }
0x48: {  	[spmem:s2] =	stream.indirect.scatter.add.f32 [tilespmem:s13], [sflag:$0x1], $0x80, s31, s14, $0xb8;
	[tilespmem:$0x1A800] =	vst v63  }
0x49: {  	_ =	swait.ge [sflag:s12], $0x4000  }
0x4a: {  	s18 =	simm.s32 $0x200;
	[sflag:s12] =	ssyncset.done $0x0  }
.LBB2_6:
0x4b: {  	s19 =	sshra.s32 s18, $0x2;
	[sflag:s12] =	ssyncadd.s32 $0xFFFFC000;
	p0 =	sne.s32 s18, $0x9E00  }
0x4c: {  	[spmem:s2] =	stream.indirect.scatter.add.f32 [tilespmem:s13], [sflag:$0x1], $0x80, s19, s14, $0xb8;
	[tilespmem:$0x1A800] =	vst v63  }
.Ltmp2:
0x4d: {  	_ = 	snop;
	(pc) =	sbr.rel @p0 .LBB2_6-.Ltmp2, $4  }
0x4e: {  	_ = 	snop  }
0x4f: {  	s18 =	sadd.s32 $0x200, s18  }
0x50: {  	_ =	swait.ge [sflag:s12], $0x4000  }
0x51: {  	[sflag:s12] =	ssyncset.done $0x0  }
0x52: {  	s17 =	sadd.s32 $0x1, s17  }
0x53: {  	[sflag:s12] =	ssyncadd.s32 $0xFFFFC000;
	p0 =	sne.s32 s17, s11  }
.Ltmp3:
0x54: {  	[bflag:$0x0] =	sbarrier.arrive $0xFFFF;
	(pc) =	sbr.rel @p0 .LBB2_1-.Ltmp3, $4  }
0x55: {  	[hbm:s10], [sflag:s15] =	dma.local [spmem:s16], $0x2800  }
0x56: {  	_ =	swait.ge [sflag:s12], $0x2800  }
0x57: {  	[sflag:s12] =	ssyncset.done $0x0  }
0x58: {  	[sflag:s12] =	ssyncadd.s32 $0xFFFFD800  }
0x59: {  	_ =	sfence.sel $0x180000  }
0x5a: {  	[bflag:$0x0] =	sbarrier.arrive $0xFFFF  }
0x5b: {  	p0 =	sne.s32 s0, $0x0;
	_ =	strace $0x9000004A  }
0x5c: {  	s0 =	sadd.s32 @!p0 $0x100000, s1;
	[bflag:$0x2] =	sbarrier.arrive $0xFFFF  }
0x5d: {  	[sflag:s0] =	ssyncadd.tile.s32 @!p0 $0x1;
	_ =	shalt  }
.Lfunc_end2:
_tile_overlayer_lowered:
.L_overlay_start_2:
0x5e: {  	(tag) =	ssettag $0x2  }
0x5f: {  	s0 =	rddreg [dreg:$0x0];
	s2 =	stileid.u32  }
0x60: {  	s1 =	rddreg [dreg:$0x1];
	p0 =	sne.s32 s2, $0x0  }
0x61: {  	s3 =	rddreg [dreg:$0x2];
	[bflag:$0x3] =	sbarrier.arrive $0xFFFF;
	s2 =	simm.s32 @!p0 $0x1C01  }
0x62: {  	[timem:s3], [sflag:s2] =	dma.local @!p0 [hbm:s0], s1  }
0x63: {  	s0 =	simm.s32 @!p0 $0x1  }
0x64: {  	_ =	swait.ge @!p0 [sflag:s0], s1  }
0x65: {  	s1 =	ssub.s32 @!p0 $0x0, s1;
	[sflag:s0] =	ssyncset.done @!p0 $0x0  }
0x66: {  	[sflag:s0] =	ssyncadd.s32 @!p0 s1  }
0x67: {  	[bflag:$0x3] =	sbarrier.arrive $0xFFFF  }
0x68: {  	_ =	shalt  }

// kernel: kernel.14.cloned.1.call-start
scs
__scs_entry_jumppad:
0x0: {  	(pc) =	sbr.rel $0x88, $3  }
0x1: {  	(tag) =	ssettag $0x0;
	lr =	simm.s32 $0x1  }
0x2: {  	[smem:$0x3F87] =	sst lr;
	_ =	strace $0xD0000000  }
0x3: {  	_ = 	snop  }
0x4: {  	_ = 	snop  }
0x5: {  	_ = 	snop  }
0x6: {  	_ = 	snop  }
0x7: {  	_ = 	snop  }
__scs_overlays_trampoline_lowered:
0x8: {  	[smem:$0x3F96] =	sst s0  }
0x9: {  	[smem:$0x3F97] =	sst s1  }
0xa: {  	[smem:$0x3F98] =	sst s2  }
0xb: {  	[smem:$0x3F99] =	sst s3  }
0xc: {  	[smem:$0x3F9A] =	sst s4  }
0xd: {  	[smem:$0x3F9B] =	sst s5  }
0xe: {  	[smem:$0x3F9C] =	sst s6  }
0xf: {  	[smem:$0x3F9D] =	sst s7  }
0x10: {  	[smem:$0x3F9E] =	sst s8  }
0x11: {  	[smem:$0x3F9F] =	sst s9;
	s0 =	simm.s32 @!p0 $0x0  }
0x12: {  	s1 =	sld [smem:$0x3F85];
	s0 =	simm.s32 @p0 $0x1  }
0x13: {  	[smem:$0x3FA0] =	sst s0;
	s0 =	simm.s32 @!p1 $0x0  }
0x14: {  	s2 =	sld [smem:$0x3F84];
	s0 =	simm.s32 @p1 $0x1  }
0x15: {  	[smem:$0x3FA1] =	sst s0;
	s0 =	simm.s32 @!p2 $0x0  }
0x16: {  	s3 =	sld [smem:$0x3FDB];
	s0 =	simm.s32 @p2 $0x1  }
0x17: {  	s4 =	simm.s32 $0x1BF5;
	[smem:$0x3FA3] =	sst s0  }
0x18: {  	s0 =	sld [smem:$0x3F86];
	_ =	swait.ge [sflag:s4], $0x0  }
0x19: {  	s7 =	sld [smem:$0x3F87]  }
0x1a: {  	s8 =	sadd.s32 $0xFFFFE003, lr  }
0x1b: {  	s9 =	sadd.s32 $0xFFFFFEF7, lr;
	s5 =	simm.s32 $0xFFFFFFFF;
	p2 =	slt.u32 s8, $0xFFFFF086  }
0x1c: {  	p1 =	slt.u32 s9, $0xF7A;
	s5 =	simm.s32 @!p2 $0x0  }
0x1d: {  	s5 =	simm.s32 @p1 $0x1;
	p0 =	seq.s32 s7, s2  }
0x1e: {  	s7 =	smul.u32 @!p0 $0xF7A, s2;
	p2 =	seq.s32 @!p0 s5, $0x0  }
0x1f: {  	s9 =	smul.u32 $0xF7A, s1;
	s8 =	simm.s32 @!p0 $0x1BF5;
	p2 =	por !p2, p0  }
0x20: {  	[sflag:s8] =	ssyncset.s32 @!p0 $0xFFFFF086;
	s6 =	sadd.s32 @!p0 s3, s7;
	s7 =	simm.s32 @!p0 $0x108  }
0x21: {  	s3 =	sadd.s32 s3, s9;
	s6 =	sadd.s32 @!p0 $0x88, s6;
	s7 =	simm.s32 @p2 $0x1082  }
0x22: {  	[simem:s7], [sflag:s8] =	dma.local @!p0 [hbm:s6], $0xF7A  }
0x23: {  	s9 =	sor.u32 $0xD0000000, s2;
	s6 =	simm.s32 $0x108;
	_ =	swait.ge @!p0 [sflag:s8], $0x0  }
0x24: {  	s3 =	sadd.s32 $0x88, s3;
	s6 =	simm.s32 @!p1 $0x1082;
	[sflag:s4] =	ssyncset.s32 $0xFFFFF086  }
0x25: {  	[simem:s6], [sflag:s4] =	dma.local [hbm:s3], $0xF7A  }
0x26: {  	[smem:$0x3F87] =	sst s1;
	(tag) =	ssettag s2;
	_ =	strace s9  }
0x27: {  	s1 =	sld [smem:$0x3F97]  }
0x28: {  	s2 =	sld [smem:$0x3F98]  }
0x29: {  	s4 =	sld [smem:$0x3F9A]  }
0x2a: {  	p0 =	seq.s32 s5, $0x0;
	s5 =	sld [smem:$0x3F9B]  }
0x2b: {  	s6 =	sld [smem:$0x3F9C]  }
0x2c: {  	s7 =	sld [smem:$0x3F9D]  }
0x2d: {  	s3 =	simm.s32 $0x108;
	s8 =	sld [smem:$0x3F9E]  }
0x2e: {  	s3 =	simm.s32 @!p0 $0x1082;
	s9 =	sld [smem:$0x3F9F]  }
0x2f: {  	lr =	sadd.s32 s0, s3;
	s0 =	sld [smem:$0x3F96]  }
0x30: {  	s3 =	sld [smem:$0x3F99]  }
0x31: {  	[smem:$0x3FA2] =	sst s10  }
0x32: {  	s10 =	sld [smem:$0x3FA0];
	_ =	sdelay $0x3  }
0x33: {  	p0 =	seq.s32 s10, $0x1;
	s10 =	sld [smem:$0x3FA2];
	_ =	sdelay $0x3  }
0x34: {  	[smem:$0x3FA2] =	sst s10  }
0x35: {  	s10 =	sld [smem:$0x3FA1];
	_ =	sdelay $0x3  }
0x36: {  	p1 =	seq.s32 s10, $0x1;
	s10 =	sld [smem:$0x3FA2];
	_ =	sdelay $0x3  }
0x37: {  	[smem:$0x3FA2] =	sst s10  }
0x38: {  	s10 =	sld [smem:$0x3FA3]  }
0x39: {  	_ = 	snop;
	(pc) =	sbr.ind lr, $3  }
0x3a: {  	_ = 	snop  }
0x3b: {  	_ = 	snop  }
0x3c: {  	p2 =	seq.s32 s10, $0x1;
	s10 =	sld [smem:$0x3FA2]  }
0x3d: {  	_ =	shalt  }
0x3e: {  	_ =	shalt  }
0x3f: {  	_ =	shalt  }
0x40: {  	_ =	shalt  }
0x41: {  	_ =	shalt  }
0x42: {  	_ =	shalt  }
0x43: {  	_ =	shalt  }
0x44: {  	_ =	shalt  }
0x45: {  	_ =	shalt  }
0x46: {  	_ =	shalt  }
0x47: {  	_ =	shalt  }
0x48: {  	_ =	shalt  }
0x49: {  	_ =	shalt  }
0x4a: {  	_ =	shalt  }
0x4b: {  	_ =	shalt  }
0x4c: {  	_ =	shalt  }
0x4d: {  	_ =	shalt  }
0x4e: {  	_ =	shalt  }
0x4f: {  	_ =	shalt  }
0x50: {  	_ =	shalt  }
0x51: {  	_ =	shalt  }
0x52: {  	_ =	shalt  }
0x53: {  	_ =	shalt  }
0x54: {  	_ =	shalt  }
0x55: {  	_ =	shalt  }
0x56: {  	_ =	shalt  }
0x57: {  	_ =	shalt  }
0x58: {  	_ =	shalt  }
0x59: {  	_ =	shalt  }
0x5a: {  	_ =	shalt  }
0x5b: {  	_ =	shalt  }
0x5c: {  	_ =	shalt  }
0x5d: {  	_ =	shalt  }
0x5e: {  	_ =	shalt  }
0x5f: {  	_ =	shalt  }
0x60: {  	_ =	shalt  }
0x61: {  	_ =	shalt  }
0x62: {  	_ =	shalt  }
0x63: {  	_ =	shalt  }
0x64: {  	_ =	shalt  }
0x65: {  	_ =	shalt  }
0x66: {  	_ =	shalt  }
0x67: {  	_ =	shalt  }
0x68: {  	_ =	shalt  }
0x69: {  	_ =	shalt  }
0x6a: {  	_ =	shalt  }
0x6b: {  	_ =	shalt  }
0x6c: {  	_ =	shalt  }
0x6d: {  	_ =	shalt  }
0x6e: {  	_ =	shalt  }
0x6f: {  	_ =	shalt  }
0x70: {  	_ =	shalt  }
0x71: {  	_ =	shalt  }
0x72: {  	_ =	shalt  }
0x73: {  	_ =	shalt  }
0x74: {  	_ =	shalt  }
0x75: {  	_ =	shalt  }
0x76: {  	_ =	shalt  }
0x77: {  	_ =	shalt  }
0x78: {  	_ =	shalt  }
0x79: {  	_ =	shalt  }
0x7a: {  	_ =	shalt  }
0x7b: {  	_ =	shalt  }
0x7c: {  	_ =	shalt  }
0x7d: {  	_ =	shalt  }
0x7e: {  	_ =	shalt  }
0x7f: {  	_ =	shalt  }
0x80: {  	_ =	shalt  }
0x81: {  	_ =	shalt  }
0x82: {  	_ =	shalt  }
0x83: {  	_ =	shalt  }
0x84: {  	_ =	shalt  }
0x85: {  	_ =	shalt  }
0x86: {  	_ =	shalt  }
0x87: {  	_ =	shalt  }
.Lfunc_end0:
.L_simem_size_0:
called_computation.1_lowered:
.L_overlay_start_0:
0x88: {  	s2 =	sld [smem:$0x3FD9]  }
0x89: {  	s3 =	sld [smem:$0x3FFE];
	_ =	sdelay $0x1  }
0x8a: {  	s1 =	srdreg.scid  }
0x8b: {  	s0 =	sand.u32 $0x1, s1  }
0x8c: {  	s16 =	sshll.u32 s0, $0xA;
	s2 =	sadd.s32 s3, s2  }
0x8d: {  	s2 =	sadd.s32 s2, s16  }
0x8e: {  	[smem:$0x3FAE] =	sst s2  }
0x8f: {  	_ = 	snop  }
0x90: {  	(tm) =	ssettm $0x1  }
0x91: {  	s17 =	sld [smem:$0x3FFB];
	_ =	sdelay $0x3  }
0x92: {  	_ =	strace s17  }
0x93: {  	s2 =	sld [smem:$0x3FFC];
	_ =	sdelay $0x3  }
0x94: {  	_ =	strace s2  }
0x95: {  	s2 =	sld [smem:$0x3FFD];
	_ =	sdelay $0x3  }
0x96: {  	_ =	strace s2  }
0x97: {  	_ =	strace $0x8FFFFFFF  }
0x98: {  	s18 =	sld [smem:$0x3FDB];
	_ =	sdelay $0x1  }
0x99: {  	s19 =	simm.s32 $_scs_section_size  }
0x9a: {  	s4 =	simm.s32 $_size__tile_overlayer_lowered;
	s5 =	simm.s32 $_tile_overlayer_lowered  }
0x9b: {  	s22 =	simm.s32 $0x1BFF;
	s21 =	sshll.u32 s5, $0x1;
	s2 =	sadd.s32 s19, s18  }
0x9c: {  	s6 =	simm.s32 $0x0;
	s20 =	sshll.u32 s4, $0x1;
	s4 =	sadd.s32 s21, s2  }
0x9d: {  	[timem:s6], [sflag:s22] =	dma.local [hbm:s4], s20  }
0x9e: {  	_ =	swait.ge [sflag:s22], s20  }
0x9f: {  	s3 =	ssub.s32 $0x0, s20;
	[sflag:s22] =	ssyncset.done $0x0  }
0xa0: {  	[sflag:s22] =	ssyncadd.s32 s3;
	_ =	sdelay $0x1  }
0xa1: {  	s23 =	simm.s32 $0x1B8B  }
0xa2: {  	_ =	swait.ge [sflag:s23], $0x1  }
0xa3: {  	[sflag:s23] =	ssyncset.done $0x0  }
0xa4: {  	s25 =	simm.s32 $0x1B8E;
	s24 =	sld [smem:$0x3FFE];
	[sflag:s23] =	ssyncadd.s32 $0xFFFFFFFF  }
0xa5: {  	s26 =	simm.s32 $execute0_lowered;
	[smem:$0x3FD2] =	sst s25  }
0xa6: {  	s4 =	sshll.u32 s26, $0x1;
	_ =	strace $0x80000046;
	[dreg:$0x1] =	wrdreg $0xFFFFFFFF  }
0xa7: {  	s28 =	simm.s32 $_size_execute0_lowered;
	s2 =	sadd.s32 s2, s4;
	[dreg:$0x0] =	wrdreg $0x0  }
0xa8: {  	s4 =	sshll.u32 s28, $0x1;
	[dreg:$0x2] =	wrdreg s2  }
0xa9: {  	[dreg:$0x3] =	wrdreg s4  }
0xaa: {  	[dreg:$0x4] =	wrdreg $0xC0  }
0xab: {  	_ =	task [dreg:s6], $0x5FFFF  }
0xac: {  	[dreg:$0x1] =	wrdreg $0xFFFFFFFF  }
0xad: {  	[dreg:$0x0] =	wrdreg $0x60  }
0xae: {  	[dreg:$0x2] =	wrdreg s24  }
0xaf: {  	[dreg:$0x3] =	wrdreg $0xA8000  }
0xb0: {  	[dreg:$0x4] =	wrdreg $0xA  }
0xb1: {  	_ =	task.clear_ibuf [dreg:s6], $0x5FFFF;
	_ =	strace $0x90000046  }
0xb2: {  	s29 =	simm.s32 $0xA;
	_ =	strace $0x80000048  }
0xb3: {  	_ =	swait.ge [sflag:s29], $0x1  }
0xb4: {  	[sflag:s29] =	ssyncadd.s32 $0xFFFFFFFF  }
0xb5: {  	_ =	strace $0x90000048  }
0xb6: {  	_ =	sfence  }
0xb7: {  	s30 =	sld [smem:$0x0];
	_ =	sdelay $0x2  }
0xb8: {  	s31 =	sshll.u32 s1, $0xD;
	s1 =	sshrl.u32 s1, $0x2  }
0xb9: {  	s3 =	sand.u32 $0x4000, s31;
	s1 =	sadd.s32 s1, s30  }
0xba: {  	s0 =	sor.u32 s3, s0;
	s1 =	sshll.u32 s1, $0x11  }
0xbb: {  	s0 =	sor.u32 s1, s0  }
0xbc: {  	s0 =	sadd.s32 $0x8F2B, s0  }
0xbd: {  	[sflag:s0] =	ssyncadd.remote.s32 $0x1  }
0xbe: {  	_ =	sfence.sel $0xFFFF  }
0xbf: {  	[dreg:$0x0] =	wrdreg $0xFFFFFFFF;
	(pc) =	sbr.abs _section_cstart, $3  }
0xc0: {  	[dreg:$0x1] =	wrdreg $0xFFFFFFFF  }
0xc1: {  	_ =	task.clear_ibuf [dreg:s6], $0x2FFFF;
	_ =	strace $0x9FFFFFFF  }
0xc2: {  	(tm) =	ssettm $0x7FFFFFFF  }
0xc3: {  	_ =	shalt  }
tec
execute0_lowered:
.L_overlay_start_1:
0x0: {  	(tag) =	ssettag $0x1  }
0x1: {  	s5 =	rddreg [dreg:$0x0]  }
0x2: {  	s1 =	rddreg [dreg:$0x1];
	s2 =	srdreg.scid  }
0x3: {  	s0 =	rddreg [dreg:$0x2];
	s3 =	simm.s32 $0x0;
	s17 =	simm.s32 $0x3  }
0x4: {  	s18 =	simm.s32 $0x1400;
	s19 =	simm.s32 $0x80;
	s20 =	simm.s32 $0x1  }
0x5: {  	s21 =	simm.s32 $0x6800;
	s22 =	simm.s32 $0x2;
	s6 =	sand.u32 $0x1, s2  }
0x6: {  	s23 =	simm.s32 $0x1380;
	s2 =	stileid.u32;
	s4 =	smul.u32 $0x140000, s6  }
0x7: {  	s24 =	simm.s32 $0x2700;
	s25 =	simm.s32 $0x2780;
	s7 =	smul.u32 $0x14000, s2  }
0x8: {  	[smem:$0x7FF] =	sst s3;
	s12 =	sadd.s32 $0x4C00, s5;
	s8 =	smul.u32 $0x50000, s2  }
0x9: {  	s13 =	sadd.s32 $0xEC00, s5;
	s9 =	smul.u32 $0x5000, s2;
	s10 =	ssub.s32 $0x2, s6  }
0xa: {  	_ =	strace $0x80000047;
	s11 =	smul.u32 $0x2800, s6;
	s31 =	sshrl.u32 s10, $0x1  }
0xb: {  	s7 =	sadd.s32 s7, s4;
	s4 =	sadd.s32 $0x18C00, s5;
	s8 =	sshrl.u32 s8, $0x2  }
0xc: {  	s15 =	ssub.s32 s10, s31;
	s9 =	sadd.s32 s11, s9;
	s7 =	sshrl.u32 s7, $0x3  }
0xd: {  	s11 =	sshrl.u32 s9, $0x3;
	s15 =	smax.u32 s15, $0x1;
	s14 =	sadd.s32 s7, s5  }
0xe: {  	s5 =	sadd.s32 s8, s1;
	s10 =	sadd.s32 s12, s11;
	s16 =	sadd.s32 $0x280, s11  }
0xf: {  	s11 =	sadd.s32 s13, s11;
	s6 =	sadd.s32 $0x4000, s5;
	s7 =	sadd.s32 $0x8000, s5  }
0x10: {  	s8 =	sadd.s32 $0xC000, s5;
	s9 =	sadd.s32 $0x10000, s5;
	s12 =	sadd.s32 s12, s16  }
0x11: {  	v0 =	vimm.f32 $0.0e+00;
	s13 =	sadd.s32 s13, s16;
	s14 =	sadd.s32 $0x68C00, s14;
	s16 =	simm.s32 $0x2800  }
.LBB2_1:
0x12: {  	s26 =	simm.s32 $0x0;
	s28 =	simm.s32 $0x200  }
.LBB2_2:
0x13: {  	p0 =	sne.s32 s28, $0xFE00;
	[tilespmem:s26+$0x2870] =	vst v0  }
0x14: {  	[tilespmem:s26+$0x2800] =	vst v0  }
0x15: {  	[tilespmem:s26+$0x2810] =	vst v0  }
.Ltmp0:
0x16: {  	[tilespmem:s26+$0x2820] =	vst v0;
	(pc) =	sbr.rel @p0 .LBB2_2-.Ltmp0, $4  }
0x17: {  	[tilespmem:s26+$0x2830] =	vst v0  }
0x18: {  	[tilespmem:s26+$0x2840] =	vst v0  }
0x19: {  	[tilespmem:s26+$0x2850] =	vst v0  }
0x1a: {  	[tilespmem:s26+$0x2860] =	vst v0;
	s26 =	sshra.s32 s28, $0x2;
	s28 =	sadd.s32 $0x200, s28  }
0x1b: {  	[tilespmem:s26+$0x2870] =	vst v0  }
0x1c: {  	[tilespmem:s26+$0x2800] =	vst v0  }
0x1d: {  	[tilespmem:s26+$0x2810] =	vst v0  }
0x1e: {  	[tilespmem:s26+$0x2820] =	vst v0  }
0x1f: {  	[tilespmem:s26+$0x2830] =	vst v0  }
0x20: {  	[tilespmem:s26+$0x2840] =	vst v0  }
0x21: {  	[tilespmem:s26+$0x2850] =	vst v0  }
0x22: {  	[tilespmem:s26+$0x2860] =	vst v0  }
0x23: {  	[spmem:s5] =	stream.linear.scatter [tilespmem:s16], [sflag:$0x3], $0x4000, $0x38;
	[tilespmem:$0x1E800] =	vst v63  }
0x24: {  	_ =	swait.ge [sflag:s17], $0x4000  }
0x25: {  	[sflag:s17] =	ssyncset.done $0x0  }
0x26: {  	[sflag:s17] =	ssyncadd.s32 $0xFFFFC000  }
0x27: {  	[spmem:s6] =	stream.linear.scatter [tilespmem:s16], [sflag:$0x3], $0x4000, $0x38;
	[tilespmem:$0x1E800] =	vst v63  }
0x28: {  	_ =	swait.ge [sflag:s17], $0x4000  }
0x29: {  	[sflag:s17] =	ssyncset.done $0x0  }
0x2a: {  	[sflag:s17] =	ssyncadd.s32 $0xFFFFC000  }
0x2b: {  	[spmem:s7] =	stream.linear.scatter [tilespmem:s16], [sflag:$0x3], $0x4000, $0x38;
	[tilespmem:$0x1E800] =	vst v63  }
0x2c: {  	_ =	swait.ge [sflag:s17], $0x4000  }
0x2d: {  	[sflag:s17] =	ssyncset.done $0x0  }
0x2e: {  	[sflag:s17] =	ssyncadd.s32 $0xFFFFC000  }
0x2f: {  	[spmem:s8] =	stream.linear.scatter [tilespmem:s16], [sflag:$0x3], $0x4000, $0x38;
	[tilespmem:$0x1E800] =	vst v63  }
0x30: {  	_ =	swait.ge [sflag:s17], $0x4000  }
0x31: {  	[sflag:s17] =	ssyncset.done $0x0  }
0x32: {  	[sflag:s17] =	ssyncadd.s32 $0xFFFFC000  }
0x33: {  	[spmem:s9] =	stream.linear.scatter [tilespmem:s16], [sflag:$0x3], $0x4000, $0x38;
	[tilespmem:$0x1E800] =	vst v63  }
0x34: {  	_ =	swait.ge [sflag:s17], $0x4000  }
0x35: {  	[sflag:s17] =	ssyncset.done $0x0  }
0x36: {  	[sflag:s17] =	ssyncadd.s32 $0xFFFFC000  }
0x37: {  	s31 =	simm.s32 $0x0;
	[bflag:$0x0] =	sbarrier.arrive $0xFFFF  }
0x38: {  	[tilespmem:s31], [sflag:$0x3] =	stream.linear.gather [hbm4b:s10+s31], $0x1400, $0x38;
	[tilespmem:$0x1E800] =	vst v63  }
0x39: {  	_ =	swait.ge [sflag:s17], $0x1400  }
0x3a: {  	[sflag:s17] =	ssyncset.done $0x0  }
0x3b: {  	[sflag:s17] =	ssyncadd.s32 $0xFFFFEC00  }
0x3c: {  	[tilespmem:s18], [sflag:$0x3] =	stream.linear.gather [hbm4b:s11+s31], $0x1400, $0x38;
	[tilespmem:$0x1E800] =	vst v63  }
0x3d: {  	_ =	swait.ge [sflag:s17], $0x1400  }
0x3e: {  	[sflag:s17] =	ssyncset.done $0x0  }
0x3f: {  	[sflag:s17] =	ssyncadd.s32 $0xFFFFEC00  }
0x40: {  	[tilespmem:s16], [sflag:$0x1] =	stream.indirect.gather [hbm4b:s4+s19], $0x80, s31, s19, $0xb8;
	[tilespmem:$0x1E800] =	vst v63  }
0x41: {  	_ =	swait.ge [sflag:s20], $0x4000  }
0x42: {  	[sflag:s20] =	ssyncset.done $0x0  }
0x43: {  	s28 =	simm.s32 $0x80;
	[sflag:s20] =	ssyncadd.s32 $0xFFFFC000  }
0x44: {  	[tilespmem:s21], [sflag:$0x2] =	stream.indirect.gather [hbm4b:s4+s19], $0x80, s28, s19, $0xb8;
	[tilespmem:$0x1E800] =	vst v63  }
0x45: {  	s29 =	simm.s32 $0x1400  }
0x46: {  	[spmem:s1] =	stream.indirect.scatter.add.f32 [tilespmem:s16], [sflag:$0x3], $0x80, s29, s19, $0xb8;
	[tilespmem:$0x1E800] =	vst v63  }
0x47: {  	_ =	swait.ge [sflag:s17], $0x4000  }
0x48: {  	[sflag:s17] =	ssyncset.done $0x0  }
0x49: {  	[sflag:s17] =	ssyncadd.s32 $0xFFFFC000  }
0x4a: {  	_ =	swait.ge [sflag:s22], $0x4000  }
0x4b: {  	[sflag:s22] =	ssyncset.done $0x0  }
0x4c: {  	s30 =	simm.s32 $0x100;
	[sflag:s22] =	ssyncadd.s32 $0xFFFFC000  }
0x4d: {  	[tilespmem:s16], [sflag:$0x1] =	stream.indirect.gather [hbm4b:s4+s19], $0x80, s30, s19, $0xb8;
	[tilespmem:$0x1E800] =	vst v63  }
0x4e: {  	s31 =	simm.s32 $0x1480  }
0x4f: {  	[spmem:s1] =	stream.indirect.scatter.add.f32 [tilespmem:s21], [sflag:$0x3], $0x80, s31, s19, $0xb8;
	[tilespmem:$0x1E800] =	vst v63  }
0x50: {  	_ =	swait.ge [sflag:s17], $0x4000  }
0x51: {  	s26 =	simm.s32 $0x400;
	[sflag:s17] =	ssyncset.done $0x0  }
.LBB2_4:
0x52: {  	p0 =	sne.s32 s26, $0x4800  }
0x53: {  	[sflag:s17] =	ssyncadd.s32 $0xFFFFC000;
	s28 =	smov.u32 s26;
	s26 =	sadd.s32 $0x400, s26  }
0x54: {  	_ = 	snop  }
0x55: {  	_ =	swait.ge [sflag:s20], $0x4000  }
0x56: {  	s28 =	sshra.s32 s28, $0x2;
	[sflag:s20] =	ssyncset.done $0x0  }
0x57: {  	s29 =	sadd.s32 $0x80, s28;
	[sflag:s20] =	ssyncadd.s32 $0xFFFFC000  }
0x58: {  	[tilespmem:s21], [sflag:$0x2] =	stream.indirect.gather [hbm4b:s4+s19], $0x80, s29, s19, $0xb8;
	[tilespmem:$0x1E800] =	vst v63  }
0x59: {  	s29 =	sadd.s32 $0x1400, s28  }
0x5a: {  	[spmem:s1] =	stream.indirect.scatter.add.f32 [tilespmem:s16], [sflag:$0x3], $0x80, s29, s19, $0xb8;
	[tilespmem:$0x1E800] =	vst v63  }
0x5b: {  	_ =	swait.ge [sflag:s17], $0x4000  }
0x5c: {  	[sflag:s17] =	ssyncset.done $0x0  }
0x5d: {  	[sflag:s17] =	ssyncadd.s32 $0xFFFFC000  }
0x5e: {  	_ =	swait.ge [sflag:s22], $0x4000  }
0x5f: {  	[sflag:s22] =	ssyncset.done $0x0  }
0x60: {  	s29 =	sadd.s32 $0x100, s28;
	[sflag:s22] =	ssyncadd.s32 $0xFFFFC000  }
0x61: {  	[tilespmem:s16], [sflag:$0x1] =	stream.indirect.gather [hbm4b:s4+s19], $0x80, s29, s19, $0xb8;
	[tilespmem:$0x1E800] =	vst v63  }
.Ltmp1:
0x62: {  	_ = 	snop;
	(pc) =	sbr.rel @p0 .LBB2_4-.Ltmp1, $4  }
0x63: {  	s28 =	sadd.s32 $0x1480, s28  }
0x64: {  	[spmem:s1] =	stream.indirect.scatter.add.f32 [tilespmem:s21], [sflag:$0x3], $0x80, s28, s19, $0xb8;
	[tilespmem:$0x1E800] =	vst v63  }
0x65: {  	_ =	swait.ge [sflag:s17], $0x4000  }
0x66: {  	[sflag:s17] =	ssyncset.done $0x0  }
0x67: {  	[sflag:s17] =	ssyncadd.s32 $0xFFFFC000  }
0x68: {  	_ =	swait.ge [sflag:s20], $0x4000  }
0x69: {  	[sflag:s20] =	ssyncset.done $0x0  }
0x6a: {  	[sflag:s20] =	ssyncadd.s32 $0xFFFFC000  }
0x6b: {  	[tilespmem:s21], [sflag:$0x2] =	stream.indirect.gather [hbm4b:s4+s19], $0x80, s23, s19, $0xb8;
	[tilespmem:$0x1E800] =	vst v63  }
0x6c: {  	_ = 	snop  }
0x6d: {  	[spmem:s1] =	stream.indirect.scatter.add.f32 [tilespmem:s16], [sflag:$0x3], $0x80, s24, s19, $0xb8;
	[tilespmem:$0x1E800] =	vst v63  }
0x6e: {  	_ =	swait.ge [sflag:s17], $0x4000  }
0x6f: {  	[sflag:s17] =	ssyncset.done $0x0  }
0x70: {  	[sflag:s17] =	ssyncadd.s32 $0xFFFFC000  }
0x71: {  	_ =	swait.ge [sflag:s22], $0x4000  }
0x72: {  	[sflag:s22] =	ssyncset.done $0x0  }
0x73: {  	[sflag:s22] =	ssyncadd.s32 $0xFFFFC000  }
0x74: {  	[spmem:s1] =	stream.indirect.scatter.add.f32 [tilespmem:s21], [sflag:$0x3], $0x80, s25, s19, $0xb8;
	[tilespmem:$0x1E800] =	vst v63  }
0x75: {  	_ =	swait.ge [sflag:s17], $0x4000  }
0x76: {  	[sflag:s17] =	ssyncset.done $0x0  }
0x77: {  	s26 =	simm.s32 $0x0;
	[sflag:s17] =	ssyncadd.s32 $0xFFFFC000  }
0x78: {  	[tilespmem:s26], [sflag:$0x3] =	stream.linear.gather [hbm4b:s12+s26], $0x1400, $0x38;
	[tilespmem:$0x1E800] =	vst v63  }
0x79: {  	_ =	swait.ge [sflag:s17], $0x1400  }
0x7a: {  	[sflag:s17] =	ssyncset.done $0x0  }
0x7b: {  	[sflag:s17] =	ssyncadd.s32 $0xFFFFEC00  }
0x7c: {  	[tilespmem:s18], [sflag:$0x3] =	stream.linear.gather [hbm4b:s13+s26], $0x1400, $0x38;
	[tilespmem:$0x1E800] =	vst v63  }
0x7d: {  	_ =	swait.ge [sflag:s17], $0x1400  }
0x7e: {  	[sflag:s17] =	ssyncset.done $0x0  }
0x7f: {  	[sflag:s17] =	ssyncadd.s32 $0xFFFFEC00  }
0x80: {  	[tilespmem:s16], [sflag:$0x1] =	stream.indirect.gather [hbm4b:s4+s19], $0x80, s26, s19, $0xb8;
	[tilespmem:$0x1E800] =	vst v63  }
0x81: {  	_ =	swait.ge [sflag:s20], $0x4000  }
0x82: {  	[sflag:s20] =	ssyncset.done $0x0  }
0x83: {  	s28 =	simm.s32 $0x80;
	[sflag:s20] =	ssyncadd.s32 $0xFFFFC000  }
0x84: {  	[tilespmem:s21], [sflag:$0x2] =	stream.indirect.gather [hbm4b:s4+s19], $0x80, s28, s19, $0xb8;
	[tilespmem:$0x1E800] =	vst v63  }
0x85: {  	s29 =	simm.s32 $0x1400  }
0x86: {  	[spmem:s1] =	stream.indirect.scatter.add.f32 [tilespmem:s16], [sflag:$0x3], $0x80, s29, s19, $0xb8;
	[tilespmem:$0x1E800] =	vst v63  }
0x87: {  	_ =	swait.ge [sflag:s17], $0x4000  }
0x88: {  	[sflag:s17] =	ssyncset.done $0x0  }
0x89: {  	[sflag:s17] =	ssyncadd.s32 $0xFFFFC000  }
0x8a: {  	_ =	swait.ge [sflag:s22], $0x4000  }
0x8b: {  	[sflag:s22] =	ssyncset.done $0x0  }
0x8c: {  	s30 =	simm.s32 $0x100;
	[sflag:s22] =	ssyncadd.s32 $0xFFFFC000  }
0x8d: {  	[tilespmem:s16], [sflag:$0x1] =	stream.indirect.gather [hbm4b:s4+s19], $0x80, s30, s19, $0xb8;
	[tilespmem:$0x1E800] =	vst v63  }
0x8e: {  	s31 =	simm.s32 $0x1480  }
0x8f: {  	[spmem:s1] =	stream.indirect.scatter.add.f32 [tilespmem:s21], [sflag:$0x3], $0x80, s31, s19, $0xb8;
	[tilespmem:$0x1E800] =	vst v63  }
0x90: {  	_ =	swait.ge [sflag:s17], $0x4000  }
0x91: {  	s26 =	simm.s32 $0x400;
	[sflag:s17] =	ssyncset.done $0x0  }
.LBB2_6:
0x92: {  	p0 =	sne.s32 s26, $0x4800  }
0x93: {  	[sflag:s17] =	ssyncadd.s32 $0xFFFFC000;
	s28 =	smov.u32 s26;
	s26 =	sadd.s32 $0x400, s26  }
0x94: {  	_ = 	snop  }
0x95: {  	_ =	swait.ge [sflag:s20], $0x4000  }
0x96: {  	s28 =	sshra.s32 s28, $0x2;
	[sflag:s20] =	ssyncset.done $0x0  }
0x97: {  	s29 =	sadd.s32 $0x80, s28;
	[sflag:s20] =	ssyncadd.s32 $0xFFFFC000  }
0x98: {  	[tilespmem:s21], [sflag:$0x2] =	stream.indirect.gather [hbm4b:s4+s19], $0x80, s29, s19, $0xb8;
	[tilespmem:$0x1E800] =	vst v63  }
0x99: {  	s29 =	sadd.s32 $0x1400, s28  }
0x9a: {  	[spmem:s1] =	stream.indirect.scatter.add.f32 [tilespmem:s16], [sflag:$0x3], $0x80, s29, s19, $0xb8;
	[tilespmem:$0x1E800] =	vst v63  }
0x9b: {  	_ =	swait.ge [sflag:s17], $0x4000  }
0x9c: {  	[sflag:s17] =	ssyncset.done $0x0  }
0x9d: {  	[sflag:s17] =	ssyncadd.s32 $0xFFFFC000  }
0x9e: {  	_ =	swait.ge [sflag:s22], $0x4000  }
0x9f: {  	[sflag:s22] =	ssyncset.done $0x0  }
0xa0: {  	s29 =	sadd.s32 $0x100, s28;
	[sflag:s22] =	ssyncadd.s32 $0xFFFFC000  }
0xa1: {  	[tilespmem:s16], [sflag:$0x1] =	stream.indirect.gather [hbm4b:s4+s19], $0x80, s29, s19, $0xb8;
	[tilespmem:$0x1E800] =	vst v63  }
.Ltmp2:
0xa2: {  	_ = 	snop;
	(pc) =	sbr.rel @p0 .LBB2_6-.Ltmp2, $4  }
0xa3: {  	s28 =	sadd.s32 $0x1480, s28  }
0xa4: {  	[spmem:s1] =	stream.indirect.scatter.add.f32 [tilespmem:s21], [sflag:$0x3], $0x80, s28, s19, $0xb8;
	[tilespmem:$0x1E800] =	vst v63  }
0xa5: {  	_ =	swait.ge [sflag:s17], $0x4000  }
0xa6: {  	[sflag:s17] =	ssyncset.done $0x0  }
0xa7: {  	[sflag:s17] =	ssyncadd.s32 $0xFFFFC000  }
0xa8: {  	_ =	swait.ge [sflag:s20], $0x4000  }
0xa9: {  	[sflag:s20] =	ssyncset.done $0x0  }
0xaa: {  	[sflag:s20] =	ssyncadd.s32 $0xFFFFC000  }
0xab: {  	[tilespmem:s21], [sflag:$0x2] =	stream.indirect.gather [hbm4b:s4+s19], $0x80, s23, s19, $0xb8;
	[tilespmem:$0x1E800] =	vst v63  }
0xac: {  	_ = 	snop  }
0xad: {  	[spmem:s1] =	stream.indirect.scatter.add.f32 [tilespmem:s16], [sflag:$0x3], $0x80, s24, s19, $0xb8;
	[tilespmem:$0x1E800] =	vst v63  }
0xae: {  	_ =	swait.ge [sflag:s17], $0x4000  }
0xaf: {  	[sflag:s17] =	ssyncset.done $0x0  }
0xb0: {  	[sflag:s17] =	ssyncadd.s32 $0xFFFFC000  }
0xb1: {  	_ =	swait.ge [sflag:s22], $0x4000  }
0xb2: {  	[sflag:s22] =	ssyncset.done $0x0  }
0xb3: {  	[sflag:s22] =	ssyncadd.s32 $0xFFFFC000  }
0xb4: {  	[spmem:s1] =	stream.indirect.scatter.add.f32 [tilespmem:s21], [sflag:$0x3], $0x80, s25, s19, $0xb8;
	[tilespmem:$0x1E800] =	vst v63  }
0xb5: {  	_ =	swait.ge [sflag:s17], $0x4000  }
0xb6: {  	s26 =	sshll.u32 s2, $0x6;
	s3 =	sadd.s32 $0x1, s3;
	[sflag:s17] =	ssyncset.done $0x0  }
0xb7: {  	s28 =	sshrl.u32 s5, $0x3;
	p0 =	sne.s32 s3, s15;
	[sflag:s17] =	ssyncadd.s32 $0xFFFFC000  }
.Ltmp3:
0xb8: {  	s26 =	sor.u32 $0x1C03, s26;
	[bflag:$0x0] =	sbarrier.arrive $0xFFFF;
	(pc) =	sbr.rel @p0 .LBB2_1-.Ltmp3, $4  }
0xb9: {  	[hbm:s14], [sflag:s26] =	dma.local [spmem:s28], $0x2800  }
0xba: {  	_ =	swait.ge [sflag:s17], $0x2800  }
0xbb: {  	[sflag:s17] =	ssyncset.done $0x0  }
0xbc: {  	[sflag:s17] =	ssyncadd.s32 $0xFFFFD800  }
0xbd: {  	_ =	sfence.sel $0x180000  }
0xbe: {  	[bflag:$0x0] =	sbarrier.arrive $0xFFFF  }
0xbf: {  	p0 =	sne.s32 s2, $0x0;
	_ =	strace $0x90000047  }
0xc0: {  	s0 =	sadd.s32 @!p0 $0x100000, s0;
	[bflag:$0x2] =	sbarrier.arrive $0xFFFF  }
0xc1: {  	[sflag:s0] =	ssyncadd.tile.s32 @!p0 $0x1;
	_ =	shalt  }
.Lfunc_end2:
_tile_overlayer_lowered:
.L_overlay_start_2:
0xc2: {  	(tag) =	ssettag $0x2  }
0xc3: {  	s0 =	rddreg [dreg:$0x0];
	s2 =	stileid.u32  }
0xc4: {  	s1 =	rddreg [dreg:$0x1];
	p0 =	sne.s32 s2, $0x0  }
0xc5: {  	s3 =	rddreg [dreg:$0x2];
	[bflag:$0x3] =	sbarrier.arrive $0xFFFF;
	s2 =	simm.s32 @!p0 $0x1C03  }
0xc6: {  	[timem:s3], [sflag:s2] =	dma.local @!p0 [hbm:s0], s1  }
0xc7: {  	s0 =	simm.s32 @!p0 $0x3  }
0xc8: {  	_ =	swait.ge @!p0 [sflag:s0], s1  }
0xc9: {  	s1 =	ssub.s32 @!p0 $0x0, s1;
	[sflag:s0] =	ssyncset.done @!p0 $0x0  }
0xca: {  	[sflag:s0] =	ssyncadd.s32 @!p0 s1  }
0xcb: {  	[bflag:$0x3] =	sbarrier.arrive $0xFFFF  }
0xcc: {  	_ =	shalt  }

// kernel: kernel.17.cloned.1.call-start
scs
__scs_entry_jumppad:
0x0: {  	(pc) =	sbr.rel $0x88, $3  }
0x1: {  	(tag) =	ssettag $0x0;
	lr =	simm.s32 $0x1  }
0x2: {  	[smem:$0x3F87] =	sst lr;
	_ =	strace $0xD0000000  }
0x3: {  	_ = 	snop  }
0x4: {  	_ = 	snop  }
0x5: {  	_ = 	snop  }
0x6: {  	_ = 	snop  }
0x7: {  	_ = 	snop  }
__scs_overlays_trampoline_lowered:
0x8: {  	[smem:$0x3F96] =	sst s0  }
0x9: {  	[smem:$0x3F97] =	sst s1  }
0xa: {  	[smem:$0x3F98] =	sst s2  }
0xb: {  	[smem:$0x3F99] =	sst s3  }
0xc: {  	[smem:$0x3F9A] =	sst s4  }
0xd: {  	[smem:$0x3F9B] =	sst s5  }
0xe: {  	[smem:$0x3F9C] =	sst s6  }
0xf: {  	[smem:$0x3F9D] =	sst s7  }
0x10: {  	[smem:$0x3F9E] =	sst s8  }
0x11: {  	[smem:$0x3F9F] =	sst s9;
	s0 =	simm.s32 @!p0 $0x0  }
0x12: {  	s1 =	sld [smem:$0x3F85];
	s0 =	simm.s32 @p0 $0x1  }
0x13: {  	[smem:$0x3FA0] =	sst s0;
	s0 =	simm.s32 @!p1 $0x0  }
0x14: {  	s2 =	sld [smem:$0x3F84];
	s0 =	simm.s32 @p1 $0x1  }
0x15: {  	[smem:$0x3FA1] =	sst s0;
	s0 =	simm.s32 @!p2 $0x0  }
0x16: {  	s3 =	sld [smem:$0x3FDB];
	s0 =	simm.s32 @p2 $0x1  }
0x17: {  	s4 =	simm.s32 $0x1BF5;
	[smem:$0x3FA3] =	sst s0  }
0x18: {  	s0 =	sld [smem:$0x3F86];
	_ =	swait.ge [sflag:s4], $0x0  }
0x19: {  	s7 =	sld [smem:$0x3F87]  }
0x1a: {  	s8 =	sadd.s32 $0xFFFFE003, lr  }
0x1b: {  	s9 =	sadd.s32 $0xFFFFFEF7, lr;
	s5 =	simm.s32 $0xFFFFFFFF;
	p2 =	slt.u32 s8, $0xFFFFF086  }
0x1c: {  	p1 =	slt.u32 s9, $0xF7A;
	s5 =	simm.s32 @!p2 $0x0  }
0x1d: {  	s5 =	simm.s32 @p1 $0x1;
	p0 =	seq.s32 s7, s2  }
0x1e: {  	s7 =	smul.u32 @!p0 $0xF7A, s2;
	p2 =	seq.s32 @!p0 s5, $0x0  }
0x1f: {  	s9 =	smul.u32 $0xF7A, s1;
	s8 =	simm.s32 @!p0 $0x1BF5;
	p2 =	por !p2, p0  }
0x20: {  	[sflag:s8] =	ssyncset.s32 @!p0 $0xFFFFF086;
	s6 =	sadd.s32 @!p0 s3, s7;
	s7 =	simm.s32 @!p0 $0x108  }
0x21: {  	s3 =	sadd.s32 s3, s9;
	s6 =	sadd.s32 @!p0 $0x88, s6;
	s7 =	simm.s32 @p2 $0x1082  }
0x22: {  	[simem:s7], [sflag:s8] =	dma.local @!p0 [hbm:s6], $0xF7A  }
0x23: {  	s9 =	sor.u32 $0xD0000000, s2;
	s6 =	simm.s32 $0x108;
	_ =	swait.ge @!p0 [sflag:s8], $0x0  }
0x24: {  	s3 =	sadd.s32 $0x88, s3;
	s6 =	simm.s32 @!p1 $0x1082;
	[sflag:s4] =	ssyncset.s32 $0xFFFFF086  }
0x25: {  	[simem:s6], [sflag:s4] =	dma.local [hbm:s3], $0xF7A  }
0x26: {  	[smem:$0x3F87] =	sst s1;
	(tag) =	ssettag s2;
	_ =	strace s9  }
0x27: {  	s1 =	sld [smem:$0x3F97]  }
0x28: {  	s2 =	sld [smem:$0x3F98]  }
0x29: {  	s4 =	sld [smem:$0x3F9A]  }
0x2a: {  	p0 =	seq.s32 s5, $0x0;
	s5 =	sld [smem:$0x3F9B]  }
0x2b: {  	s6 =	sld [smem:$0x3F9C]  }
0x2c: {  	s7 =	sld [smem:$0x3F9D]  }
0x2d: {  	s3 =	simm.s32 $0x108;
	s8 =	sld [smem:$0x3F9E]  }
0x2e: {  	s3 =	simm.s32 @!p0 $0x1082;
	s9 =	sld [smem:$0x3F9F]  }
0x2f: {  	lr =	sadd.s32 s0, s3;
	s0 =	sld [smem:$0x3F96]  }
0x30: {  	s3 =	sld [smem:$0x3F99]  }
0x31: {  	[smem:$0x3FA2] =	sst s10  }
0x32: {  	s10 =	sld [smem:$0x3FA0];
	_ =	sdelay $0x3  }
0x33: {  	p0 =	seq.s32 s10, $0x1;
	s10 =	sld [smem:$0x3FA2];
	_ =	sdelay $0x3  }
0x34: {  	[smem:$0x3FA2] =	sst s10  }
0x35: {  	s10 =	sld [smem:$0x3FA1];
	_ =	sdelay $0x3  }
0x36: {  	p1 =	seq.s32 s10, $0x1;
	s10 =	sld [smem:$0x3FA2];
	_ =	sdelay $0x3  }
0x37: {  	[smem:$0x3FA2] =	sst s10  }
0x38: {  	s10 =	sld [smem:$0x3FA3]  }
0x39: {  	_ = 	snop;
	(pc) =	sbr.ind lr, $3  }
0x3a: {  	_ = 	snop  }
0x3b: {  	_ = 	snop  }
0x3c: {  	p2 =	seq.s32 s10, $0x1;
	s10 =	sld [smem:$0x3FA2]  }
0x3d: {  	_ =	shalt  }
0x3e: {  	_ =	shalt  }
0x3f: {  	_ =	shalt  }
0x40: {  	_ =	shalt  }
0x41: {  	_ =	shalt  }
0x42: {  	_ =	shalt  }
0x43: {  	_ =	shalt  }
0x44: {  	_ =	shalt  }
0x45: {  	_ =	shalt  }
0x46: {  	_ =	shalt  }
0x47: {  	_ =	shalt  }
0x48: {  	_ =	shalt  }
0x49: {  	_ =	shalt  }
0x4a: {  	_ =	shalt  }
0x4b: {  	_ =	shalt  }
0x4c: {  	_ =	shalt  }
0x4d: {  	_ =	shalt  }
0x4e: {  	_ =	shalt  }
0x4f: {  	_ =	shalt  }
0x50: {  	_ =	shalt  }
0x51: {  	_ =	shalt  }
0x52: {  	_ =	shalt  }
0x53: {  	_ =	shalt  }
0x54: {  	_ =	shalt  }
0x55: {  	_ =	shalt  }
0x56: {  	_ =	shalt  }
0x57: {  	_ =	shalt  }
0x58: {  	_ =	shalt  }
0x59: {  	_ =	shalt  }
0x5a: {  	_ =	shalt  }
0x5b: {  	_ =	shalt  }
0x5c: {  	_ =	shalt  }
0x5d: {  	_ =	shalt  }
0x5e: {  	_ =	shalt  }
0x5f: {  	_ =	shalt  }
0x60: {  	_ =	shalt  }
0x61: {  	_ =	shalt  }
0x62: {  	_ =	shalt  }
0x63: {  	_ =	shalt  }
0x64: {  	_ =	shalt  }
0x65: {  	_ =	shalt  }
0x66: {  	_ =	shalt  }
0x67: {  	_ =	shalt  }
0x68: {  	_ =	shalt  }
0x69: {  	_ =	shalt  }
0x6a: {  	_ =	shalt  }
0x6b: {  	_ =	shalt  }
0x6c: {  	_ =	shalt  }
0x6d: {  	_ =	shalt  }
0x6e: {  	_ =	shalt  }
0x6f: {  	_ =	shalt  }
0x70: {  	_ =	shalt  }
0x71: {  	_ =	shalt  }
0x72: {  	_ =	shalt  }
0x73: {  	_ =	shalt  }
0x74: {  	_ =	shalt  }
0x75: {  	_ =	shalt  }
0x76: {  	_ =	shalt  }
0x77: {  	_ =	shalt  }
0x78: {  	_ =	shalt  }
0x79: {  	_ =	shalt  }
0x7a: {  	_ =	shalt  }
0x7b: {  	_ =	shalt  }
0x7c: {  	_ =	shalt  }
0x7d: {  	_ =	shalt  }
0x7e: {  	_ =	shalt  }
0x7f: {  	_ =	shalt  }
0x80: {  	_ =	shalt  }
0x81: {  	_ =	shalt  }
0x82: {  	_ =	shalt  }
0x83: {  	_ =	shalt  }
0x84: {  	_ =	shalt  }
0x85: {  	_ =	shalt  }
0x86: {  	_ =	shalt  }
0x87: {  	_ =	shalt  }
.Lfunc_end0:
.L_simem_size_0:
called_computation.2_lowered:
.L_overlay_start_0:
0x88: {  	s2 =	sld [smem:$0x3FD9]  }
0x89: {  	s3 =	sld [smem:$0x3FFE];
	_ =	sdelay $0x1  }
0x8a: {  	s1 =	srdreg.scid  }
0x8b: {  	s0 =	sand.u32 $0x1, s1  }
0x8c: {  	s16 =	sshll.u32 s0, $0xA;
	s2 =	sadd.s32 s3, s2  }
0x8d: {  	s2 =	sadd.s32 s2, s16  }
0x8e: {  	[smem:$0x3FAE] =	sst s2  }
0x8f: {  	_ = 	snop  }
0x90: {  	(tm) =	ssettm $0x1  }
0x91: {  	s17 =	sld [smem:$0x3FFB];
	_ =	sdelay $0x3  }
0x92: {  	_ =	strace s17  }
0x93: {  	s2 =	sld [smem:$0x3FFC];
	_ =	sdelay $0x3  }
0x94: {  	_ =	strace s2  }
0x95: {  	s2 =	sld [smem:$0x3FFD];
	_ =	sdelay $0x3  }
0x96: {  	_ =	strace s2  }
0x97: {  	_ =	strace $0x8FFFFFFF  }
0x98: {  	s18 =	sld [smem:$0x3FDB];
	_ =	sdelay $0x1  }
0x99: {  	s19 =	simm.s32 $_scs_section_size  }
0x9a: {  	s4 =	simm.s32 $_size__tile_overlayer_lowered;
	s5 =	simm.s32 $_tile_overlayer_lowered  }
0x9b: {  	s22 =	simm.s32 $0x1BFF;
	s21 =	sshll.u32 s5, $0x1;
	s2 =	sadd.s32 s19, s18  }
0x9c: {  	s6 =	simm.s32 $0x0;
	s20 =	sshll.u32 s4, $0x1;
	s4 =	sadd.s32 s21, s2  }
0x9d: {  	[timem:s6], [sflag:s22] =	dma.local [hbm:s4], s20  }
0x9e: {  	_ =	swait.ge [sflag:s22], s20  }
0x9f: {  	s3 =	ssub.s32 $0x0, s20;
	[sflag:s22] =	ssyncset.done $0x0  }
0xa0: {  	[sflag:s22] =	ssyncadd.s32 s3;
	_ =	sdelay $0x1  }
0xa1: {  	s23 =	simm.s32 $0x1B8B  }
0xa2: {  	_ =	swait.ge [sflag:s23], $0x1  }
0xa3: {  	[sflag:s23] =	ssyncset.done $0x0  }
0xa4: {  	s25 =	simm.s32 $0x1B8E;
	s24 =	sld [smem:$0x3FFE];
	[sflag:s23] =	ssyncadd.s32 $0xFFFFFFFF  }
0xa5: {  	s26 =	simm.s32 $execute0_lowered;
	[smem:$0x3FD2] =	sst s25  }
0xa6: {  	s4 =	sshll.u32 s26, $0x1;
	_ =	strace $0x8000004C;
	[dreg:$0x1] =	wrdreg $0xFFFFFFFF  }
0xa7: {  	s28 =	simm.s32 $_size_execute0_lowered;
	s2 =	sadd.s32 s2, s4;
	[dreg:$0x0] =	wrdreg $0x0  }
0xa8: {  	s4 =	sshll.u32 s28, $0x1;
	[dreg:$0x2] =	wrdreg s2  }
0xa9: {  	[dreg:$0x3] =	wrdreg s4  }
0xaa: {  	[dreg:$0x4] =	wrdreg $0xC0  }
0xab: {  	_ =	task [dreg:s6], $0x5FFFF  }
0xac: {  	[dreg:$0x1] =	wrdreg $0xFFFFFFFF  }
0xad: {  	[dreg:$0x0] =	wrdreg $0x60  }
0xae: {  	[dreg:$0x2] =	wrdreg s24  }
0xaf: {  	[dreg:$0x3] =	wrdreg $0xA8000  }
0xb0: {  	[dreg:$0x4] =	wrdreg $0x9  }
0xb1: {  	_ =	task.clear_ibuf [dreg:s6], $0x5FFFF;
	_ =	strace $0x9000004C  }
0xb2: {  	s29 =	simm.s32 $0x9;
	_ =	strace $0x8000004E  }
0xb3: {  	_ =	swait.ge [sflag:s29], $0x1  }
0xb4: {  	[sflag:s29] =	ssyncadd.s32 $0xFFFFFFFF  }
0xb5: {  	_ =	strace $0x9000004E  }
0xb6: {  	_ =	sfence  }
0xb7: {  	s30 =	sld [smem:$0x0];
	_ =	sdelay $0x2  }
0xb8: {  	s31 =	sshll.u32 s1, $0xD;
	s1 =	sshrl.u32 s1, $0x2  }
0xb9: {  	s3 =	sand.u32 $0x4000, s31;
	s1 =	sadd.s32 s1, s30  }
0xba: {  	s0 =	sor.u32 s3, s0;
	s1 =	sshll.u32 s1, $0x11  }
0xbb: {  	s0 =	sor.u32 s1, s0  }
0xbc: {  	s0 =	sadd.s32 $0x8F2B, s0  }
0xbd: {  	[sflag:s0] =	ssyncadd.remote.s32 $0x1  }
0xbe: {  	_ =	sfence.sel $0xFFFF  }
0xbf: {  	[dreg:$0x0] =	wrdreg $0xFFFFFFFF;
	(pc) =	sbr.abs _section_cstart, $3  }
0xc0: {  	[dreg:$0x1] =	wrdreg $0xFFFFFFFF  }
0xc1: {  	_ =	task.clear_ibuf [dreg:s6], $0x2FFFF;
	_ =	strace $0x9FFFFFFF  }
0xc2: {  	(tm) =	ssettm $0x7FFFFFFF  }
0xc3: {  	_ =	shalt  }
tec
execute0_lowered:
.L_overlay_start_1:
0x0: {  	(tag) =	ssettag $0x1  }
0x1: {  	s5 =	rddreg [dreg:$0x0]  }
0x2: {  	s1 =	rddreg [dreg:$0x1];
	s2 =	srdreg.scid  }
0x3: {  	s0 =	rddreg [dreg:$0x2];
	s3 =	simm.s32 $0x0;
	s17 =	simm.s32 $0x3  }
0x4: {  	s18 =	simm.s32 $0x1400;
	s19 =	simm.s32 $0x80;
	s20 =	simm.s32 $0x1  }
0x5: {  	s21 =	simm.s32 $0x6800;
	s22 =	simm.s32 $0x2;
	s6 =	sand.u32 $0x1, s2  }
0x6: {  	s23 =	simm.s32 $0x1380;
	s2 =	stileid.u32;
	s4 =	smul.u32 $0x140000, s6  }
0x7: {  	s24 =	simm.s32 $0x2700;
	s25 =	simm.s32 $0x2780;
	s7 =	smul.u32 $0x14000, s2  }
0x8: {  	[smem:$0x7FF] =	sst s3;
	s12 =	sadd.s32 $0x4C00, s5;
	s8 =	smul.u32 $0x50000, s2  }
0x9: {  	s13 =	sadd.s32 $0xEC00, s5;
	s9 =	smul.u32 $0x5000, s2;
	s10 =	ssub.s32 $0x2, s6  }
0xa: {  	_ =	strace $0x8000004D;
	s11 =	smul.u32 $0x2800, s6;
	s31 =	sshrl.u32 s10, $0x1  }
0xb: {  	s7 =	sadd.s32 s7, s4;
	s4 =	sadd.s32 $0x18C00, s5;
	s8 =	sshrl.u32 s8, $0x2  }
0xc: {  	s15 =	ssub.s32 s10, s31;
	s9 =	sadd.s32 s11, s9;
	s7 =	sshrl.u32 s7, $0x3  }
0xd: {  	s11 =	sshrl.u32 s9, $0x3;
	s15 =	smax.u32 s15, $0x1;
	s14 =	sadd.s32 s7, s5  }
0xe: {  	s5 =	sadd.s32 s8, s1;
	s10 =	sadd.s32 s12, s11;
	s16 =	sadd.s32 $0x280, s11  }
0xf: {  	s11 =	sadd.s32 s13, s11;
	s6 =	sadd.s32 $0x4000, s5;
	s7 =	sadd.s32 $0x8000, s5  }
0x10: {  	s8 =	sadd.s32 $0xC000, s5;
	s9 =	sadd.s32 $0x10000, s5;
	s12 =	sadd.s32 s12, s16  }
0x11: {  	v0 =	vimm.f32 $0.0e+00;
	s13 =	sadd.s32 s13, s16;
	s14 =	sadd.s32 $0x68C00, s14;
	s16 =	simm.s32 $0x2800  }
.LBB2_1:
0x12: {  	s26 =	simm.s32 $0x0;
	s28 =	simm.s32 $0x200  }
.LBB2_2:
0x13: {  	p0 =	sne.s32 s28, $0xFE00;
	[tilespmem:s26+$0x2870] =	vst v0  }
0x14: {  	[tilespmem:s26+$0x2800] =	vst v0  }
0x15: {  	[tilespmem:s26+$0x2810] =	vst v0  }
.Ltmp0:
0x16: {  	[tilespmem:s26+$0x2820] =	vst v0;
	(pc) =	sbr.rel @p0 .LBB2_2-.Ltmp0, $4  }
0x17: {  	[tilespmem:s26+$0x2830] =	vst v0  }
0x18: {  	[tilespmem:s26+$0x2840] =	vst v0  }
0x19: {  	[tilespmem:s26+$0x2850] =	vst v0  }
0x1a: {  	[tilespmem:s26+$0x2860] =	vst v0;
	s26 =	sshra.s32 s28, $0x2;
	s28 =	sadd.s32 $0x200, s28  }
0x1b: {  	[tilespmem:s26+$0x2870] =	vst v0  }
0x1c: {  	[tilespmem:s26+$0x2800] =	vst v0  }
0x1d: {  	[tilespmem:s26+$0x2810] =	vst v0  }
0x1e: {  	[tilespmem:s26+$0x2820] =	vst v0  }
0x1f: {  	[tilespmem:s26+$0x2830] =	vst v0  }
0x20: {  	[tilespmem:s26+$0x2840] =	vst v0  }
0x21: {  	[tilespmem:s26+$0x2850] =	vst v0  }
0x22: {  	[tilespmem:s26+$0x2860] =	vst v0  }
0x23: {  	[spmem:s5] =	stream.linear.scatter [tilespmem:s16], [sflag:$0x3], $0x4000, $0x38;
	[tilespmem:$0x1E800] =	vst v63  }
0x24: {  	_ =	swait.ge [sflag:s17], $0x4000  }
0x25: {  	[sflag:s17] =	ssyncset.done $0x0  }
0x26: {  	[sflag:s17] =	ssyncadd.s32 $0xFFFFC000  }
0x27: {  	[spmem:s6] =	stream.linear.scatter [tilespmem:s16], [sflag:$0x3], $0x4000, $0x38;
	[tilespmem:$0x1E800] =	vst v63  }
0x28: {  	_ =	swait.ge [sflag:s17], $0x4000  }
0x29: {  	[sflag:s17] =	ssyncset.done $0x0  }
0x2a: {  	[sflag:s17] =	ssyncadd.s32 $0xFFFFC000  }
0x2b: {  	[spmem:s7] =	stream.linear.scatter [tilespmem:s16], [sflag:$0x3], $0x4000, $0x38;
	[tilespmem:$0x1E800] =	vst v63  }
0x2c: {  	_ =	swait.ge [sflag:s17], $0x4000  }
0x2d: {  	[sflag:s17] =	ssyncset.done $0x0  }
0x2e: {  	[sflag:s17] =	ssyncadd.s32 $0xFFFFC000  }
0x2f: {  	[spmem:s8] =	stream.linear.scatter [tilespmem:s16], [sflag:$0x3], $0x4000, $0x38;
	[tilespmem:$0x1E800] =	vst v63  }
0x30: {  	_ =	swait.ge [sflag:s17], $0x4000  }
0x31: {  	[sflag:s17] =	ssyncset.done $0x0  }
0x32: {  	[sflag:s17] =	ssyncadd.s32 $0xFFFFC000  }
0x33: {  	[spmem:s9] =	stream.linear.scatter [tilespmem:s16], [sflag:$0x3], $0x4000, $0x38;
	[tilespmem:$0x1E800] =	vst v63  }
0x34: {  	_ =	swait.ge [sflag:s17], $0x4000  }
0x35: {  	[sflag:s17] =	ssyncset.done $0x0  }
0x36: {  	[sflag:s17] =	ssyncadd.s32 $0xFFFFC000  }
0x37: {  	s31 =	simm.s32 $0x0;
	[bflag:$0x0] =	sbarrier.arrive $0xFFFF  }
0x38: {  	[tilespmem:s31], [sflag:$0x3] =	stream.linear.gather [hbm4b:s10+s31], $0x1400, $0x38;
	[tilespmem:$0x1E800] =	vst v63  }
0x39: {  	_ =	swait.ge [sflag:s17], $0x1400  }
0x3a: {  	[sflag:s17] =	ssyncset.done $0x0  }
0x3b: {  	[sflag:s17] =	ssyncadd.s32 $0xFFFFEC00  }
0x3c: {  	[tilespmem:s18], [sflag:$0x3] =	stream.linear.gather [hbm4b:s11+s31], $0x1400, $0x38;
	[tilespmem:$0x1E800] =	vst v63  }
0x3d: {  	_ =	swait.ge [sflag:s17], $0x1400  }
0x3e: {  	[sflag:s17] =	ssyncset.done $0x0  }
0x3f: {  	[sflag:s17] =	ssyncadd.s32 $0xFFFFEC00  }
0x40: {  	[tilespmem:s16], [sflag:$0x1] =	stream.indirect.gather [hbm4b:s4+s19], $0x80, s31, s19, $0xb8;
	[tilespmem:$0x1E800] =	vst v63  }
0x41: {  	_ =	swait.ge [sflag:s20], $0x4000  }
0x42: {  	[sflag:s20] =	ssyncset.done $0x0  }
0x43: {  	s28 =	simm.s32 $0x80;
	[sflag:s20] =	ssyncadd.s32 $0xFFFFC000  }
0x44: {  	[tilespmem:s21], [sflag:$0x2] =	stream.indirect.gather [hbm4b:s4+s19], $0x80, s28, s19, $0xb8;
	[tilespmem:$0x1E800] =	vst v63  }
0x45: {  	s29 =	simm.s32 $0x1400  }
0x46: {  	[spmem:s1] =	stream.indirect.scatter.add.f32 [tilespmem:s16], [sflag:$0x3], $0x80, s29, s19, $0xb8;
	[tilespmem:$0x1E800] =	vst v63  }
0x47: {  	_ =	swait.ge [sflag:s17], $0x4000  }
0x48: {  	[sflag:s17] =	ssyncset.done $0x0  }
0x49: {  	[sflag:s17] =	ssyncadd.s32 $0xFFFFC000  }
0x4a: {  	_ =	swait.ge [sflag:s22], $0x4000  }
0x4b: {  	[sflag:s22] =	ssyncset.done $0x0  }
0x4c: {  	s30 =	simm.s32 $0x100;
	[sflag:s22] =	ssyncadd.s32 $0xFFFFC000  }
0x4d: {  	[tilespmem:s16], [sflag:$0x1] =	stream.indirect.gather [hbm4b:s4+s19], $0x80, s30, s19, $0xb8;
	[tilespmem:$0x1E800] =	vst v63  }
0x4e: {  	s31 =	simm.s32 $0x1480  }
0x4f: {  	[spmem:s1] =	stream.indirect.scatter.add.f32 [tilespmem:s21], [sflag:$0x3], $0x80, s31, s19, $0xb8;
	[tilespmem:$0x1E800] =	vst v63  }
0x50: {  	_ =	swait.ge [sflag:s17], $0x4000  }
0x51: {  	s26 =	simm.s32 $0x400;
	[sflag:s17] =	ssyncset.done $0x0  }
.LBB2_4:
0x52: {  	p0 =	sne.s32 s26, $0x4800  }
0x53: {  	[sflag:s17] =	ssyncadd.s32 $0xFFFFC000;
	s28 =	smov.u32 s26;
	s26 =	sadd.s32 $0x400, s26  }
0x54: {  	_ = 	snop  }
0x55: {  	_ =	swait.ge [sflag:s20], $0x4000  }
0x56: {  	s28 =	sshra.s32 s28, $0x2;
	[sflag:s20] =	ssyncset.done $0x0  }
0x57: {  	s29 =	sadd.s32 $0x80, s28;
	[sflag:s20] =	ssyncadd.s32 $0xFFFFC000  }
0x58: {  	[tilespmem:s21], [sflag:$0x2] =	stream.indirect.gather [hbm4b:s4+s19], $0x80, s29, s19, $0xb8;
	[tilespmem:$0x1E800] =	vst v63  }
0x59: {  	s29 =	sadd.s32 $0x1400, s28  }
0x5a: {  	[spmem:s1] =	stream.indirect.scatter.add.f32 [tilespmem:s16], [sflag:$0x3], $0x80, s29, s19, $0xb8;
	[tilespmem:$0x1E800] =	vst v63  }
0x5b: {  	_ =	swait.ge [sflag:s17], $0x4000  }
0x5c: {  	[sflag:s17] =	ssyncset.done $0x0  }
0x5d: {  	[sflag:s17] =	ssyncadd.s32 $0xFFFFC000  }
0x5e: {  	_ =	swait.ge [sflag:s22], $0x4000  }
0x5f: {  	[sflag:s22] =	ssyncset.done $0x0  }
0x60: {  	s29 =	sadd.s32 $0x100, s28;
	[sflag:s22] =	ssyncadd.s32 $0xFFFFC000  }
0x61: {  	[tilespmem:s16], [sflag:$0x1] =	stream.indirect.gather [hbm4b:s4+s19], $0x80, s29, s19, $0xb8;
	[tilespmem:$0x1E800] =	vst v63  }
.Ltmp1:
0x62: {  	_ = 	snop;
	(pc) =	sbr.rel @p0 .LBB2_4-.Ltmp1, $4  }
0x63: {  	s28 =	sadd.s32 $0x1480, s28  }
0x64: {  	[spmem:s1] =	stream.indirect.scatter.add.f32 [tilespmem:s21], [sflag:$0x3], $0x80, s28, s19, $0xb8;
	[tilespmem:$0x1E800] =	vst v63  }
0x65: {  	_ =	swait.ge [sflag:s17], $0x4000  }
0x66: {  	[sflag:s17] =	ssyncset.done $0x0  }
0x67: {  	[sflag:s17] =	ssyncadd.s32 $0xFFFFC000  }
0x68: {  	_ =	swait.ge [sflag:s20], $0x4000  }
0x69: {  	[sflag:s20] =	ssyncset.done $0x0  }
0x6a: {  	[sflag:s20] =	ssyncadd.s32 $0xFFFFC000  }
0x6b: {  	[tilespmem:s21], [sflag:$0x2] =	stream.indirect.gather [hbm4b:s4+s19], $0x80, s23, s19, $0xb8;
	[tilespmem:$0x1E800] =	vst v63  }
0x6c: {  	_ = 	snop  }
0x6d: {  	[spmem:s1] =	stream.indirect.scatter.add.f32 [tilespmem:s16], [sflag:$0x3], $0x80, s24, s19, $0xb8;
	[tilespmem:$0x1E800] =	vst v63  }
0x6e: {  	_ =	swait.ge [sflag:s17], $0x4000  }
0x6f: {  	[sflag:s17] =	ssyncset.done $0x0  }
0x70: {  	[sflag:s17] =	ssyncadd.s32 $0xFFFFC000  }
0x71: {  	_ =	swait.ge [sflag:s22], $0x4000  }
0x72: {  	[sflag:s22] =	ssyncset.done $0x0  }
0x73: {  	[sflag:s22] =	ssyncadd.s32 $0xFFFFC000  }
0x74: {  	[spmem:s1] =	stream.indirect.scatter.add.f32 [tilespmem:s21], [sflag:$0x3], $0x80, s25, s19, $0xb8;
	[tilespmem:$0x1E800] =	vst v63  }
0x75: {  	_ =	swait.ge [sflag:s17], $0x4000  }
0x76: {  	[sflag:s17] =	ssyncset.done $0x0  }
0x77: {  	s26 =	simm.s32 $0x0;
	[sflag:s17] =	ssyncadd.s32 $0xFFFFC000  }
0x78: {  	[tilespmem:s26], [sflag:$0x3] =	stream.linear.gather [hbm4b:s12+s26], $0x1400, $0x38;
	[tilespmem:$0x1E800] =	vst v63  }
0x79: {  	_ =	swait.ge [sflag:s17], $0x1400  }
0x7a: {  	[sflag:s17] =	ssyncset.done $0x0  }
0x7b: {  	[sflag:s17] =	ssyncadd.s32 $0xFFFFEC00  }
0x7c: {  	[tilespmem:s18], [sflag:$0x3] =	stream.linear.gather [hbm4b:s13+s26], $0x1400, $0x38;
	[tilespmem:$0x1E800] =	vst v63  }
0x7d: {  	_ =	swait.ge [sflag:s17], $0x1400  }
0x7e: {  	[sflag:s17] =	ssyncset.done $0x0  }
0x7f: {  	[sflag:s17] =	ssyncadd.s32 $0xFFFFEC00  }
0x80: {  	[tilespmem:s16], [sflag:$0x1] =	stream.indirect.gather [hbm4b:s4+s19], $0x80, s26, s19, $0xb8;
	[tilespmem:$0x1E800] =	vst v63  }
0x81: {  	_ =	swait.ge [sflag:s20], $0x4000  }
0x82: {  	[sflag:s20] =	ssyncset.done $0x0  }
0x83: {  	s28 =	simm.s32 $0x80;
	[sflag:s20] =	ssyncadd.s32 $0xFFFFC000  }
0x84: {  	[tilespmem:s21], [sflag:$0x2] =	stream.indirect.gather [hbm4b:s4+s19], $0x80, s28, s19, $0xb8;
	[tilespmem:$0x1E800] =	vst v63  }
0x85: {  	s29 =	simm.s32 $0x1400  }
0x86: {  	[spmem:s1] =	stream.indirect.scatter.add.f32 [tilespmem:s16], [sflag:$0x3], $0x80, s29, s19, $0xb8;
	[tilespmem:$0x1E800] =	vst v63  }
0x87: {  	_ =	swait.ge [sflag:s17], $0x4000  }
0x88: {  	[sflag:s17] =	ssyncset.done $0x0  }
0x89: {  	[sflag:s17] =	ssyncadd.s32 $0xFFFFC000  }
0x8a: {  	_ =	swait.ge [sflag:s22], $0x4000  }
0x8b: {  	[sflag:s22] =	ssyncset.done $0x0  }
0x8c: {  	s30 =	simm.s32 $0x100;
	[sflag:s22] =	ssyncadd.s32 $0xFFFFC000  }
0x8d: {  	[tilespmem:s16], [sflag:$0x1] =	stream.indirect.gather [hbm4b:s4+s19], $0x80, s30, s19, $0xb8;
	[tilespmem:$0x1E800] =	vst v63  }
0x8e: {  	s31 =	simm.s32 $0x1480  }
0x8f: {  	[spmem:s1] =	stream.indirect.scatter.add.f32 [tilespmem:s21], [sflag:$0x3], $0x80, s31, s19, $0xb8;
	[tilespmem:$0x1E800] =	vst v63  }
0x90: {  	_ =	swait.ge [sflag:s17], $0x4000  }
0x91: {  	s26 =	simm.s32 $0x400;
	[sflag:s17] =	ssyncset.done $0x0  }
.LBB2_6:
0x92: {  	p0 =	sne.s32 s26, $0x4800  }
0x93: {  	[sflag:s17] =	ssyncadd.s32 $0xFFFFC000;
	s28 =	smov.u32 s26;
	s26 =	sadd.s32 $0x400, s26  }
0x94: {  	_ = 	snop  }
0x95: {  	_ =	swait.ge [sflag:s20], $0x4000  }
0x96: {  	s28 =	sshra.s32 s28, $0x2;
	[sflag:s20] =	ssyncset.done $0x0  }
0x97: {  	s29 =	sadd.s32 $0x80, s28;
	[sflag:s20] =	ssyncadd.s32 $0xFFFFC000  }
0x98: {  	[tilespmem:s21], [sflag:$0x2] =	stream.indirect.gather [hbm4b:s4+s19], $0x80, s29, s19, $0xb8;
	[tilespmem:$0x1E800] =	vst v63  }
0x99: {  	s29 =	sadd.s32 $0x1400, s28  }
0x9a: {  	[spmem:s1] =	stream.indirect.scatter.add.f32 [tilespmem:s16], [sflag:$0x3], $0x80, s29, s19, $0xb8;
	[tilespmem:$0x1E800] =	vst v63  }
0x9b: {  	_ =	swait.ge [sflag:s17], $0x4000  }
0x9c: {  	[sflag:s17] =	ssyncset.done $0x0  }
0x9d: {  	[sflag:s17] =	ssyncadd.s32 $0xFFFFC000  }
0x9e: {  	_ =	swait.ge [sflag:s22], $0x4000  }
0x9f: {  	[sflag:s22] =	ssyncset.done $0x0  }
0xa0: {  	s29 =	sadd.s32 $0x100, s28;
	[sflag:s22] =	ssyncadd.s32 $0xFFFFC000  }
0xa1: {  	[tilespmem:s16], [sflag:$0x1] =	stream.indirect.gather [hbm4b:s4+s19], $0x80, s29, s19, $0xb8;
	[tilespmem:$0x1E800] =	vst v63  }
.Ltmp2:
0xa2: {  	_ = 	snop;
	(pc) =	sbr.rel @p0 .LBB2_6-.Ltmp2, $4  }
0xa3: {  	s28 =	sadd.s32 $0x1480, s28  }
0xa4: {  	[spmem:s1] =	stream.indirect.scatter.add.f32 [tilespmem:s21], [sflag:$0x3], $0x80, s28, s19, $0xb8;
	[tilespmem:$0x1E800] =	vst v63  }
0xa5: {  	_ =	swait.ge [sflag:s17], $0x4000  }
0xa6: {  	[sflag:s17] =	ssyncset.done $0x0  }
0xa7: {  	[sflag:s17] =	ssyncadd.s32 $0xFFFFC000  }
0xa8: {  	_ =	swait.ge [sflag:s20], $0x4000  }
0xa9: {  	[sflag:s20] =	ssyncset.done $0x0  }
0xaa: {  	[sflag:s20] =	ssyncadd.s32 $0xFFFFC000  }
0xab: {  	[tilespmem:s21], [sflag:$0x2] =	stream.indirect.gather [hbm4b:s4+s19], $0x80, s23, s19, $0xb8;
	[tilespmem:$0x1E800] =	vst v63  }
0xac: {  	_ = 	snop  }
0xad: {  	[spmem:s1] =	stream.indirect.scatter.add.f32 [tilespmem:s16], [sflag:$0x3], $0x80, s24, s19, $0xb8;
	[tilespmem:$0x1E800] =	vst v63  }
0xae: {  	_ =	swait.ge [sflag:s17], $0x4000  }
0xaf: {  	[sflag:s17] =	ssyncset.done $0x0  }
0xb0: {  	[sflag:s17] =	ssyncadd.s32 $0xFFFFC000  }
0xb1: {  	_ =	swait.ge [sflag:s22], $0x4000  }
0xb2: {  	[sflag:s22] =	ssyncset.done $0x0  }
0xb3: {  	[sflag:s22] =	ssyncadd.s32 $0xFFFFC000  }
0xb4: {  	[spmem:s1] =	stream.indirect.scatter.add.f32 [tilespmem:s21], [sflag:$0x3], $0x80, s25, s19, $0xb8;
	[tilespmem:$0x1E800] =	vst v63  }
0xb5: {  	_ =	swait.ge [sflag:s17], $0x4000  }
0xb6: {  	s26 =	sshll.u32 s2, $0x6;
	s3 =	sadd.s32 $0x1, s3;
	[sflag:s17] =	ssyncset.done $0x0  }
0xb7: {  	s28 =	sshrl.u32 s5, $0x3;
	p0 =	sne.s32 s3, s15;
	[sflag:s17] =	ssyncadd.s32 $0xFFFFC000  }
.Ltmp3:
0xb8: {  	s26 =	sor.u32 $0x1C03, s26;
	[bflag:$0x0] =	sbarrier.arrive $0xFFFF;
	(pc) =	sbr.rel @p0 .LBB2_1-.Ltmp3, $4  }
0xb9: {  	[hbm:s14], [sflag:s26] =	dma.local [spmem:s28], $0x2800  }
0xba: {  	_ =	swait.ge [sflag:s17], $0x2800  }
0xbb: {  	[sflag:s17] =	ssyncset.done $0x0  }
0xbc: {  	[sflag:s17] =	ssyncadd.s32 $0xFFFFD800  }
0xbd: {  	_ =	sfence.sel $0x180000  }
0xbe: {  	[bflag:$0x0] =	sbarrier.arrive $0xFFFF  }
0xbf: {  	p0 =	sne.s32 s2, $0x0;
	_ =	strace $0x9000004D  }
0xc0: {  	s0 =	sadd.s32 @!p0 $0x100000, s0;
	[bflag:$0x2] =	sbarrier.arrive $0xFFFF  }
0xc1: {  	[sflag:s0] =	ssyncadd.tile.s32 @!p0 $0x1;
	_ =	shalt  }
.Lfunc_end2:
_tile_overlayer_lowered:
.L_overlay_start_2:
0xc2: {  	(tag) =	ssettag $0x2  }
0xc3: {  	s0 =	rddreg [dreg:$0x0];
	s2 =	stileid.u32  }
0xc4: {  	s1 =	rddreg [dreg:$0x1];
	p0 =	sne.s32 s2, $0x0  }
0xc5: {  	s3 =	rddreg [dreg:$0x2];
	[bflag:$0x3] =	sbarrier.arrive $0xFFFF;
	s2 =	simm.s32 @!p0 $0x1C03  }
0xc6: {  	[timem:s3], [sflag:s2] =	dma.local @!p0 [hbm:s0], s1  }
0xc7: {  	s0 =	simm.s32 @!p0 $0x3  }
0xc8: {  	_ =	swait.ge @!p0 [sflag:s0], s1  }
0xc9: {  	s1 =	ssub.s32 @!p0 $0x0, s1;
	[sflag:s0] =	ssyncset.done @!p0 $0x0  }
0xca: {  	[sflag:s0] =	ssyncadd.s32 @!p0 s1  }
0xcb: {  	[bflag:$0x3] =	sbarrier.arrive $0xFFFF  }
0xcc: {  	_ =	shalt  }

// kernel: kernel.20.cloned.1.call-start
scs
__scs_entry_jumppad:
0x0: {  	(pc) =	sbr.rel $0x88, $3  }
0x1: {  	(tag) =	ssettag $0x0;
	lr =	simm.s32 $0x1  }
0x2: {  	[smem:$0x3F87] =	sst lr;
	_ =	strace $0xD0000000  }
0x3: {  	_ = 	snop  }
0x4: {  	_ = 	snop  }
0x5: {  	_ = 	snop  }
0x6: {  	_ = 	snop  }
0x7: {  	_ = 	snop  }
__scs_overlays_trampoline_lowered:
0x8: {  	[smem:$0x3F96] =	sst s0  }
0x9: {  	[smem:$0x3F97] =	sst s1  }
0xa: {  	[smem:$0x3F98] =	sst s2  }
0xb: {  	[smem:$0x3F99] =	sst s3  }
0xc: {  	[smem:$0x3F9A] =	sst s4  }
0xd: {  	[smem:$0x3F9B] =	sst s5  }
0xe: {  	[smem:$0x3F9C] =	sst s6  }
0xf: {  	[smem:$0x3F9D] =	sst s7  }
0x10: {  	[smem:$0x3F9E] =	sst s8  }
0x11: {  	[smem:$0x3F9F] =	sst s9;
	s0 =	simm.s32 @!p0 $0x0  }
0x12: {  	s1 =	sld [smem:$0x3F85];
	s0 =	simm.s32 @p0 $0x1  }
0x13: {  	[smem:$0x3FA0] =	sst s0;
	s0 =	simm.s32 @!p1 $0x0  }
0x14: {  	s2 =	sld [smem:$0x3F84];
	s0 =	simm.s32 @p1 $0x1  }
0x15: {  	[smem:$0x3FA1] =	sst s0;
	s0 =	simm.s32 @!p2 $0x0  }
0x16: {  	s3 =	sld [smem:$0x3FDB];
	s0 =	simm.s32 @p2 $0x1  }
0x17: {  	s4 =	simm.s32 $0x1BF5;
	[smem:$0x3FA3] =	sst s0  }
0x18: {  	s0 =	sld [smem:$0x3F86];
	_ =	swait.ge [sflag:s4], $0x0  }
0x19: {  	s7 =	sld [smem:$0x3F87]  }
0x1a: {  	s8 =	sadd.s32 $0xFFFFE003, lr  }
0x1b: {  	s9 =	sadd.s32 $0xFFFFFEF7, lr;
	s5 =	simm.s32 $0xFFFFFFFF;
	p2 =	slt.u32 s8, $0xFFFFF086  }
0x1c: {  	p1 =	slt.u32 s9, $0xF7A;
	s5 =	simm.s32 @!p2 $0x0  }
0x1d: {  	s5 =	simm.s32 @p1 $0x1;
	p0 =	seq.s32 s7, s2  }
0x1e: {  	s7 =	smul.u32 @!p0 $0xF7A, s2;
	p2 =	seq.s32 @!p0 s5, $0x0  }
0x1f: {  	s9 =	smul.u32 $0xF7A, s1;
	s8 =	simm.s32 @!p0 $0x1BF5;
	p2 =	por !p2, p0  }
0x20: {  	[sflag:s8] =	ssyncset.s32 @!p0 $0xFFFFF086;
	s6 =	sadd.s32 @!p0 s3, s7;
	s7 =	simm.s32 @!p0 $0x108  }
0x21: {  	s3 =	sadd.s32 s3, s9;
	s6 =	sadd.s32 @!p0 $0x88, s6;
	s7 =	simm.s32 @p2 $0x1082  }
0x22: {  	[simem:s7], [sflag:s8] =	dma.local @!p0 [hbm:s6], $0xF7A  }
0x23: {  	s9 =	sor.u32 $0xD0000000, s2;
	s6 =	simm.s32 $0x108;
	_ =	swait.ge @!p0 [sflag:s8], $0x0  }
0x24: {  	s3 =	sadd.s32 $0x88, s3;
	s6 =	simm.s32 @!p1 $0x1082;
	[sflag:s4] =	ssyncset.s32 $0xFFFFF086  }
0x25: {  	[simem:s6], [sflag:s4] =	dma.local [hbm:s3], $0xF7A  }
0x26: {  	[smem:$0x3F87] =	sst s1;
	(tag) =	ssettag s2;
	_ =	strace s9  }
0x27: {  	s1 =	sld [smem:$0x3F97]  }
0x28: {  	s2 =	sld [smem:$0x3F98]  }
0x29: {  	s4 =	sld [smem:$0x3F9A]  }
0x2a: {  	p0 =	seq.s32 s5, $0x0;
	s5 =	sld [smem:$0x3F9B]  }
0x2b: {  	s6 =	sld [smem:$0x3F9C]  }
0x2c: {  	s7 =	sld [smem:$0x3F9D]  }
0x2d: {  	s3 =	simm.s32 $0x108;
	s8 =	sld [smem:$0x3F9E]  }
0x2e: {  	s3 =	simm.s32 @!p0 $0x1082;
	s9 =	sld [smem:$0x3F9F]  }
0x2f: {  	lr =	sadd.s32 s0, s3;
	s0 =	sld [smem:$0x3F96]  }
0x30: {  	s3 =	sld [smem:$0x3F99]  }
0x31: {  	[smem:$0x3FA2] =	sst s10  }
0x32: {  	s10 =	sld [smem:$0x3FA0];
	_ =	sdelay $0x3  }
0x33: {  	p0 =	seq.s32 s10, $0x1;
	s10 =	sld [smem:$0x3FA2];
	_ =	sdelay $0x3  }
0x34: {  	[smem:$0x3FA2] =	sst s10  }
0x35: {  	s10 =	sld [smem:$0x3FA1];
	_ =	sdelay $0x3  }
0x36: {  	p1 =	seq.s32 s10, $0x1;
	s10 =	sld [smem:$0x3FA2];
	_ =	sdelay $0x3  }
0x37: {  	[smem:$0x3FA2] =	sst s10  }
0x38: {  	s10 =	sld [smem:$0x3FA3]  }
0x39: {  	_ = 	snop;
	(pc) =	sbr.ind lr, $3  }
0x3a: {  	_ = 	snop  }
0x3b: {  	_ = 	snop  }
0x3c: {  	p2 =	seq.s32 s10, $0x1;
	s10 =	sld [smem:$0x3FA2]  }
0x3d: {  	_ =	shalt  }
0x3e: {  	_ =	shalt  }
0x3f: {  	_ =	shalt  }
0x40: {  	_ =	shalt  }
0x41: {  	_ =	shalt  }
0x42: {  	_ =	shalt  }
0x43: {  	_ =	shalt  }
0x44: {  	_ =	shalt  }
0x45: {  	_ =	shalt  }
0x46: {  	_ =	shalt  }
0x47: {  	_ =	shalt  }
0x48: {  	_ =	shalt  }
0x49: {  	_ =	shalt  }
0x4a: {  	_ =	shalt  }
0x4b: {  	_ =	shalt  }
0x4c: {  	_ =	shalt  }
0x4d: {  	_ =	shalt  }
0x4e: {  	_ =	shalt  }
0x4f: {  	_ =	shalt  }
0x50: {  	_ =	shalt  }
0x51: {  	_ =	shalt  }
0x52: {  	_ =	shalt  }
0x53: {  	_ =	shalt  }
0x54: {  	_ =	shalt  }
0x55: {  	_ =	shalt  }
0x56: {  	_ =	shalt  }
0x57: {  	_ =	shalt  }
0x58: {  	_ =	shalt  }
0x59: {  	_ =	shalt  }
0x5a: {  	_ =	shalt  }
0x5b: {  	_ =	shalt  }
0x5c: {  	_ =	shalt  }
0x5d: {  	_ =	shalt  }
0x5e: {  	_ =	shalt  }
0x5f: {  	_ =	shalt  }
0x60: {  	_ =	shalt  }
0x61: {  	_ =	shalt  }
0x62: {  	_ =	shalt  }
0x63: {  	_ =	shalt  }
0x64: {  	_ =	shalt  }
0x65: {  	_ =	shalt  }
0x66: {  	_ =	shalt  }
0x67: {  	_ =	shalt  }
0x68: {  	_ =	shalt  }
0x69: {  	_ =	shalt  }
0x6a: {  	_ =	shalt  }
0x6b: {  	_ =	shalt  }
0x6c: {  	_ =	shalt  }
0x6d: {  	_ =	shalt  }
0x6e: {  	_ =	shalt  }
0x6f: {  	_ =	shalt  }
0x70: {  	_ =	shalt  }
0x71: {  	_ =	shalt  }
0x72: {  	_ =	shalt  }
0x73: {  	_ =	shalt  }
0x74: {  	_ =	shalt  }
0x75: {  	_ =	shalt  }
0x76: {  	_ =	shalt  }
0x77: {  	_ =	shalt  }
0x78: {  	_ =	shalt  }
0x79: {  	_ =	shalt  }
0x7a: {  	_ =	shalt  }
0x7b: {  	_ =	shalt  }
0x7c: {  	_ =	shalt  }
0x7d: {  	_ =	shalt  }
0x7e: {  	_ =	shalt  }
0x7f: {  	_ =	shalt  }
0x80: {  	_ =	shalt  }
0x81: {  	_ =	shalt  }
0x82: {  	_ =	shalt  }
0x83: {  	_ =	shalt  }
0x84: {  	_ =	shalt  }
0x85: {  	_ =	shalt  }
0x86: {  	_ =	shalt  }
0x87: {  	_ =	shalt  }
.Lfunc_end0:
.L_simem_size_0:
called_computation.3_lowered:
.L_overlay_start_0:
0x88: {  	s2 =	sld [smem:$0x3FD9]  }
0x89: {  	s3 =	sld [smem:$0x3FFE];
	_ =	sdelay $0x1  }
0x8a: {  	s1 =	srdreg.scid  }
0x8b: {  	s0 =	sand.u32 $0x1, s1  }
0x8c: {  	s16 =	sshll.u32 s0, $0xA;
	s2 =	sadd.s32 s3, s2  }
0x8d: {  	s2 =	sadd.s32 s2, s16  }
0x8e: {  	[smem:$0x3FAE] =	sst s2  }
0x8f: {  	_ = 	snop  }
0x90: {  	(tm) =	ssettm $0x1  }
0x91: {  	s17 =	sld [smem:$0x3FFB];
	_ =	sdelay $0x3  }
0x92: {  	_ =	strace s17  }
0x93: {  	s2 =	sld [smem:$0x3FFC];
	_ =	sdelay $0x3  }
0x94: {  	_ =	strace s2  }
0x95: {  	s2 =	sld [smem:$0x3FFD];
	_ =	sdelay $0x3  }
0x96: {  	_ =	strace s2  }
0x97: {  	_ =	strace $0x8FFFFFFF  }
0x98: {  	s18 =	sld [smem:$0x3FDB];
	_ =	sdelay $0x1  }
0x99: {  	s19 =	simm.s32 $_scs_section_size  }
0x9a: {  	s4 =	simm.s32 $_size__tile_overlayer_lowered;
	s5 =	simm.s32 $_tile_overlayer_lowered  }
0x9b: {  	s22 =	simm.s32 $0x1BFF;
	s21 =	sshll.u32 s5, $0x1;
	s2 =	sadd.s32 s19, s18  }
0x9c: {  	s6 =	simm.s32 $0x0;
	s20 =	sshll.u32 s4, $0x1;
	s4 =	sadd.s32 s21, s2  }
0x9d: {  	[timem:s6], [sflag:s22] =	dma.local [hbm:s4], s20  }
0x9e: {  	_ =	swait.ge [sflag:s22], s20  }
0x9f: {  	s3 =	ssub.s32 $0x0, s20;
	[sflag:s22] =	ssyncset.done $0x0  }
0xa0: {  	[sflag:s22] =	ssyncadd.s32 s3;
	_ =	sdelay $0x1  }
0xa1: {  	s23 =	simm.s32 $0x1B8B  }
0xa2: {  	_ =	swait.ge [sflag:s23], $0x1  }
0xa3: {  	[sflag:s23] =	ssyncset.done $0x0  }
0xa4: {  	s25 =	simm.s32 $0x1B8E;
	s24 =	sld [smem:$0x3FFE];
	[sflag:s23] =	ssyncadd.s32 $0xFFFFFFFF  }
0xa5: {  	s26 =	simm.s32 $execute0_lowered;
	[smem:$0x3FD2] =	sst s25  }
0xa6: {  	s4 =	sshll.u32 s26, $0x1;
	_ =	strace $0x8000004F;
	[dreg:$0x1] =	wrdreg $0xFFFFFFFF  }
0xa7: {  	s28 =	simm.s32 $_size_execute0_lowered;
	s2 =	sadd.s32 s2, s4;
	[dreg:$0x0] =	wrdreg $0x0  }
0xa8: {  	s4 =	sshll.u32 s28, $0x1;
	[dreg:$0x2] =	wrdreg s2  }
0xa9: {  	[dreg:$0x3] =	wrdreg s4  }
0xaa: {  	[dreg:$0x4] =	wrdreg $0xC0  }
0xab: {  	_ =	task [dreg:s6], $0x5FFFF  }
0xac: {  	[dreg:$0x1] =	wrdreg $0xFFFFFFFF  }
0xad: {  	[dreg:$0x0] =	wrdreg $0x60  }
0xae: {  	[dreg:$0x2] =	wrdreg s24  }
0xaf: {  	[dreg:$0x3] =	wrdreg $0xA8000  }
0xb0: {  	[dreg:$0x4] =	wrdreg $0x9  }
0xb1: {  	_ =	task.clear_ibuf [dreg:s6], $0x5FFFF;
	_ =	strace $0x9000004F  }
0xb2: {  	s29 =	simm.s32 $0x9;
	_ =	strace $0x80000051  }
0xb3: {  	_ =	swait.ge [sflag:s29], $0x1  }
0xb4: {  	[sflag:s29] =	ssyncadd.s32 $0xFFFFFFFF  }
0xb5: {  	_ =	strace $0x90000051  }
0xb6: {  	_ =	sfence  }
0xb7: {  	s30 =	sld [smem:$0x0];
	_ =	sdelay $0x2  }
0xb8: {  	s31 =	sshll.u32 s1, $0xD;
	s1 =	sshrl.u32 s1, $0x2  }
0xb9: {  	s3 =	sand.u32 $0x4000, s31;
	s1 =	sadd.s32 s1, s30  }
0xba: {  	s0 =	sor.u32 s3, s0;
	s1 =	sshll.u32 s1, $0x11  }
0xbb: {  	s0 =	sor.u32 s1, s0  }
0xbc: {  	s0 =	sadd.s32 $0x8F2B, s0  }
0xbd: {  	[sflag:s0] =	ssyncadd.remote.s32 $0x1  }
0xbe: {  	_ =	sfence.sel $0xFFFF  }
0xbf: {  	[dreg:$0x0] =	wrdreg $0xFFFFFFFF;
	(pc) =	sbr.abs _section_cstart, $3  }
0xc0: {  	[dreg:$0x1] =	wrdreg $0xFFFFFFFF  }
0xc1: {  	_ =	task.clear_ibuf [dreg:s6], $0x2FFFF;
	_ =	strace $0x9FFFFFFF  }
0xc2: {  	(tm) =	ssettm $0x7FFFFFFF  }
0xc3: {  	_ =	shalt  }
tec
execute0_lowered:
.L_overlay_start_1:
0x0: {  	(tag) =	ssettag $0x1  }
0x1: {  	s5 =	rddreg [dreg:$0x0]  }
0x2: {  	s1 =	rddreg [dreg:$0x1];
	s2 =	srdreg.scid  }
0x3: {  	s0 =	rddreg [dreg:$0x2];
	s3 =	simm.s32 $0x0;
	s17 =	simm.s32 $0x3  }
0x4: {  	s18 =	simm.s32 $0x1400;
	s19 =	simm.s32 $0x80;
	s20 =	simm.s32 $0x1  }
0x5: {  	s21 =	simm.s32 $0x6800;
	s22 =	simm.s32 $0x2;
	s6 =	sand.u32 $0x1, s2  }
0x6: {  	s23 =	simm.s32 $0x1380;
	s2 =	stileid.u32;
	s4 =	smul.u32 $0x140000, s6  }
0x7: {  	s24 =	simm.s32 $0x2700;
	s25 =	simm.s32 $0x2780;
	s7 =	smul.u32 $0x14000, s2  }
0x8: {  	[smem:$0x7FF] =	sst s3;
	s12 =	sadd.s32 $0x4C00, s5;
	s8 =	smul.u32 $0x50000, s2  }
0x9: {  	s13 =	sadd.s32 $0xEC00, s5;
	s9 =	smul.u32 $0x5000, s2;
	s10 =	ssub.s32 $0x2, s6  }
0xa: {  	_ =	strace $0x80000050;
	s11 =	smul.u32 $0x2800, s6;
	s31 =	sshrl.u32 s10, $0x1  }
0xb: {  	s7 =	sadd.s32 s7, s4;
	s4 =	sadd.s32 $0x18C00, s5;
	s8 =	sshrl.u32 s8, $0x2  }
0xc: {  	s15 =	ssub.s32 s10, s31;
	s9 =	sadd.s32 s11, s9;
	s7 =	sshrl.u32 s7, $0x3  }
0xd: {  	s11 =	sshrl.u32 s9, $0x3;
	s15 =	smax.u32 s15, $0x1;
	s14 =	sadd.s32 s7, s5  }
0xe: {  	s5 =	sadd.s32 s8, s1;
	s10 =	sadd.s32 s12, s11;
	s16 =	sadd.s32 $0x280, s11  }
0xf: {  	s11 =	sadd.s32 s13, s11;
	s6 =	sadd.s32 $0x4000, s5;
	s7 =	sadd.s32 $0x8000, s5  }
0x10: {  	s8 =	sadd.s32 $0xC000, s5;
	s9 =	sadd.s32 $0x10000, s5;
	s12 =	sadd.s32 s12, s16  }
0x11: {  	v0 =	vimm.f32 $0.0e+00;
	s13 =	sadd.s32 s13, s16;
	s14 =	sadd.s32 $0x40C00, s14;
	s16 =	simm.s32 $0x2800  }
.LBB2_1:
0x12: {  	s26 =	simm.s32 $0x0;
	s28 =	simm.s32 $0x200  }
.LBB2_2:
0x13: {  	p0 =	sne.s32 s28, $0xFE00;
	[tilespmem:s26+$0x2870] =	vst v0  }
0x14: {  	[tilespmem:s26+$0x2800] =	vst v0  }
0x15: {  	[tilespmem:s26+$0x2810] =	vst v0  }
.Ltmp0:
0x16: {  	[tilespmem:s26+$0x2820] =	vst v0;
	(pc) =	sbr.rel @p0 .LBB2_2-.Ltmp0, $4  }
0x17: {  	[tilespmem:s26+$0x2830] =	vst v0  }
0x18: {  	[tilespmem:s26+$0x2840] =	vst v0  }
0x19: {  	[tilespmem:s26+$0x2850] =	vst v0  }
0x1a: {  	[tilespmem:s26+$0x2860] =	vst v0;
	s26 =	sshra.s32 s28, $0x2;
	s28 =	sadd.s32 $0x200, s28  }
0x1b: {  	[tilespmem:s26+$0x2870] =	vst v0  }
0x1c: {  	[tilespmem:s26+$0x2800] =	vst v0  }
0x1d: {  	[tilespmem:s26+$0x2810] =	vst v0  }
0x1e: {  	[tilespmem:s26+$0x2820] =	vst v0  }
0x1f: {  	[tilespmem:s26+$0x2830] =	vst v0  }
0x20: {  	[tilespmem:s26+$0x2840] =	vst v0  }
0x21: {  	[tilespmem:s26+$0x2850] =	vst v0  }
0x22: {  	[tilespmem:s26+$0x2860] =	vst v0  }
0x23: {  	[spmem:s5] =	stream.linear.scatter [tilespmem:s16], [sflag:$0x3], $0x4000, $0x38;
	[tilespmem:$0x1E800] =	vst v63  }
0x24: {  	_ =	swait.ge [sflag:s17], $0x4000  }
0x25: {  	[sflag:s17] =	ssyncset.done $0x0  }
0x26: {  	[sflag:s17] =	ssyncadd.s32 $0xFFFFC000  }
0x27: {  	[spmem:s6] =	stream.linear.scatter [tilespmem:s16], [sflag:$0x3], $0x4000, $0x38;
	[tilespmem:$0x1E800] =	vst v63  }
0x28: {  	_ =	swait.ge [sflag:s17], $0x4000  }
0x29: {  	[sflag:s17] =	ssyncset.done $0x0  }
0x2a: {  	[sflag:s17] =	ssyncadd.s32 $0xFFFFC000  }
0x2b: {  	[spmem:s7] =	stream.linear.scatter [tilespmem:s16], [sflag:$0x3], $0x4000, $0x38;
	[tilespmem:$0x1E800] =	vst v63  }
0x2c: {  	_ =	swait.ge [sflag:s17], $0x4000  }
0x2d: {  	[sflag:s17] =	ssyncset.done $0x0  }
0x2e: {  	[sflag:s17] =	ssyncadd.s32 $0xFFFFC000  }
0x2f: {  	[spmem:s8] =	stream.linear.scatter [tilespmem:s16], [sflag:$0x3], $0x4000, $0x38;
	[tilespmem:$0x1E800] =	vst v63  }
0x30: {  	_ =	swait.ge [sflag:s17], $0x4000  }
0x31: {  	[sflag:s17] =	ssyncset.done $0x0  }
0x32: {  	[sflag:s17] =	ssyncadd.s32 $0xFFFFC000  }
0x33: {  	[spmem:s9] =	stream.linear.scatter [tilespmem:s16], [sflag:$0x3], $0x4000, $0x38;
	[tilespmem:$0x1E800] =	vst v63  }
0x34: {  	_ =	swait.ge [sflag:s17], $0x4000  }
0x35: {  	[sflag:s17] =	ssyncset.done $0x0  }
0x36: {  	[sflag:s17] =	ssyncadd.s32 $0xFFFFC000  }
0x37: {  	s31 =	simm.s32 $0x0;
	[bflag:$0x0] =	sbarrier.arrive $0xFFFF  }
0x38: {  	[tilespmem:s31], [sflag:$0x3] =	stream.linear.gather [hbm4b:s10+s31], $0x1400, $0x38;
	[tilespmem:$0x1E800] =	vst v63  }
0x39: {  	_ =	swait.ge [sflag:s17], $0x1400  }
0x3a: {  	[sflag:s17] =	ssyncset.done $0x0  }
0x3b: {  	[sflag:s17] =	ssyncadd.s32 $0xFFFFEC00  }
0x3c: {  	[tilespmem:s18], [sflag:$0x3] =	stream.linear.gather [hbm4b:s11+s31], $0x1400, $0x38;
	[tilespmem:$0x1E800] =	vst v63  }
0x3d: {  	_ =	swait.ge [sflag:s17], $0x1400  }
0x3e: {  	[sflag:s17] =	ssyncset.done $0x0  }
0x3f: {  	[sflag:s17] =	ssyncadd.s32 $0xFFFFEC00  }
0x40: {  	[tilespmem:s16], [sflag:$0x1] =	stream.indirect.gather [hbm4b:s4+s19], $0x80, s31, s19, $0xb8;
	[tilespmem:$0x1E800] =	vst v63  }
0x41: {  	_ =	swait.ge [sflag:s20], $0x4000  }
0x42: {  	[sflag:s20] =	ssyncset.done $0x0  }
0x43: {  	s28 =	simm.s32 $0x80;
	[sflag:s20] =	ssyncadd.s32 $0xFFFFC000  }
0x44: {  	[tilespmem:s21], [sflag:$0x2] =	stream.indirect.gather [hbm4b:s4+s19], $0x80, s28, s19, $0xb8;
	[tilespmem:$0x1E800] =	vst v63  }
0x45: {  	s29 =	simm.s32 $0x1400  }
0x46: {  	[spmem:s1] =	stream.indirect.scatter.add.f32 [tilespmem:s16], [sflag:$0x3], $0x80, s29, s19, $0xb8;
	[tilespmem:$0x1E800] =	vst v63  }
0x47: {  	_ =	swait.ge [sflag:s17], $0x4000  }
0x48: {  	[sflag:s17] =	ssyncset.done $0x0  }
0x49: {  	[sflag:s17] =	ssyncadd.s32 $0xFFFFC000  }
0x4a: {  	_ =	swait.ge [sflag:s22], $0x4000  }
0x4b: {  	[sflag:s22] =	ssyncset.done $0x0  }
0x4c: {  	s30 =	simm.s32 $0x100;
	[sflag:s22] =	ssyncadd.s32 $0xFFFFC000  }
0x4d: {  	[tilespmem:s16], [sflag:$0x1] =	stream.indirect.gather [hbm4b:s4+s19], $0x80, s30, s19, $0xb8;
	[tilespmem:$0x1E800] =	vst v63  }
0x4e: {  	s31 =	simm.s32 $0x1480  }
0x4f: {  	[spmem:s1] =	stream.indirect.scatter.add.f32 [tilespmem:s21], [sflag:$0x3], $0x80, s31, s19, $0xb8;
	[tilespmem:$0x1E800] =	vst v63  }
0x50: {  	_ =	swait.ge [sflag:s17], $0x4000  }
0x51: {  	s26 =	simm.s32 $0x400;
	[sflag:s17] =	ssyncset.done $0x0  }
.LBB2_4:
0x52: {  	p0 =	sne.s32 s26, $0x4800  }
0x53: {  	[sflag:s17] =	ssyncadd.s32 $0xFFFFC000;
	s28 =	smov.u32 s26;
	s26 =	sadd.s32 $0x400, s26  }
0x54: {  	_ = 	snop  }
0x55: {  	_ =	swait.ge [sflag:s20], $0x4000  }
0x56: {  	s28 =	sshra.s32 s28, $0x2;
	[sflag:s20] =	ssyncset.done $0x0  }
0x57: {  	s29 =	sadd.s32 $0x80, s28;
	[sflag:s20] =	ssyncadd.s32 $0xFFFFC000  }
0x58: {  	[tilespmem:s21], [sflag:$0x2] =	stream.indirect.gather [hbm4b:s4+s19], $0x80, s29, s19, $0xb8;
	[tilespmem:$0x1E800] =	vst v63  }
0x59: {  	s29 =	sadd.s32 $0x1400, s28  }
0x5a: {  	[spmem:s1] =	stream.indirect.scatter.add.f32 [tilespmem:s16], [sflag:$0x3], $0x80, s29, s19, $0xb8;
	[tilespmem:$0x1E800] =	vst v63  }
0x5b: {  	_ =	swait.ge [sflag:s17], $0x4000  }
0x5c: {  	[sflag:s17] =	ssyncset.done $0x0  }
0x5d: {  	[sflag:s17] =	ssyncadd.s32 $0xFFFFC000  }
0x5e: {  	_ =	swait.ge [sflag:s22], $0x4000  }
0x5f: {  	[sflag:s22] =	ssyncset.done $0x0  }
0x60: {  	s29 =	sadd.s32 $0x100, s28;
	[sflag:s22] =	ssyncadd.s32 $0xFFFFC000  }
0x61: {  	[tilespmem:s16], [sflag:$0x1] =	stream.indirect.gather [hbm4b:s4+s19], $0x80, s29, s19, $0xb8;
	[tilespmem:$0x1E800] =	vst v63  }
.Ltmp1:
0x62: {  	_ = 	snop;
	(pc) =	sbr.rel @p0 .LBB2_4-.Ltmp1, $4  }
0x63: {  	s28 =	sadd.s32 $0x1480, s28  }
0x64: {  	[spmem:s1] =	stream.indirect.scatter.add.f32 [tilespmem:s21], [sflag:$0x3], $0x80, s28, s19, $0xb8;
	[tilespmem:$0x1E800] =	vst v63  }
0x65: {  	_ =	swait.ge [sflag:s17], $0x4000  }
0x66: {  	[sflag:s17] =	ssyncset.done $0x0  }
0x67: {  	[sflag:s17] =	ssyncadd.s32 $0xFFFFC000  }
0x68: {  	_ =	swait.ge [sflag:s20], $0x4000  }
0x69: {  	[sflag:s20] =	ssyncset.done $0x0  }
0x6a: {  	[sflag:s20] =	ssyncadd.s32 $0xFFFFC000  }
0x6b: {  	[tilespmem:s21], [sflag:$0x2] =	stream.indirect.gather [hbm4b:s4+s19], $0x80, s23, s19, $0xb8;
	[tilespmem:$0x1E800] =	vst v63  }
0x6c: {  	_ = 	snop  }
0x6d: {  	[spmem:s1] =	stream.indirect.scatter.add.f32 [tilespmem:s16], [sflag:$0x3], $0x80, s24, s19, $0xb8;
	[tilespmem:$0x1E800] =	vst v63  }
0x6e: {  	_ =	swait.ge [sflag:s17], $0x4000  }
0x6f: {  	[sflag:s17] =	ssyncset.done $0x0  }
0x70: {  	[sflag:s17] =	ssyncadd.s32 $0xFFFFC000  }
0x71: {  	_ =	swait.ge [sflag:s22], $0x4000  }
0x72: {  	[sflag:s22] =	ssyncset.done $0x0  }
0x73: {  	[sflag:s22] =	ssyncadd.s32 $0xFFFFC000  }
0x74: {  	[spmem:s1] =	stream.indirect.scatter.add.f32 [tilespmem:s21], [sflag:$0x3], $0x80, s25, s19, $0xb8;
	[tilespmem:$0x1E800] =	vst v63  }
0x75: {  	_ =	swait.ge [sflag:s17], $0x4000  }
0x76: {  	[sflag:s17] =	ssyncset.done $0x0  }
0x77: {  	s26 =	simm.s32 $0x0;
	[sflag:s17] =	ssyncadd.s32 $0xFFFFC000  }
0x78: {  	[tilespmem:s26], [sflag:$0x3] =	stream.linear.gather [hbm4b:s12+s26], $0x1400, $0x38;
	[tilespmem:$0x1E800] =	vst v63  }
0x79: {  	_ =	swait.ge [sflag:s17], $0x1400  }
0x7a: {  	[sflag:s17] =	ssyncset.done $0x0  }
0x7b: {  	[sflag:s17] =	ssyncadd.s32 $0xFFFFEC00  }
0x7c: {  	[tilespmem:s18], [sflag:$0x3] =	stream.linear.gather [hbm4b:s13+s26], $0x1400, $0x38;
	[tilespmem:$0x1E800] =	vst v63  }
0x7d: {  	_ =	swait.ge [sflag:s17], $0x1400  }
0x7e: {  	[sflag:s17] =	ssyncset.done $0x0  }
0x7f: {  	[sflag:s17] =	ssyncadd.s32 $0xFFFFEC00  }
0x80: {  	[tilespmem:s16], [sflag:$0x1] =	stream.indirect.gather [hbm4b:s4+s19], $0x80, s26, s19, $0xb8;
	[tilespmem:$0x1E800] =	vst v63  }
0x81: {  	_ =	swait.ge [sflag:s20], $0x4000  }
0x82: {  	[sflag:s20] =	ssyncset.done $0x0  }
0x83: {  	s28 =	simm.s32 $0x80;
	[sflag:s20] =	ssyncadd.s32 $0xFFFFC000  }
0x84: {  	[tilespmem:s21], [sflag:$0x2] =	stream.indirect.gather [hbm4b:s4+s19], $0x80, s28, s19, $0xb8;
	[tilespmem:$0x1E800] =	vst v63  }
0x85: {  	s29 =	simm.s32 $0x1400  }
0x86: {  	[spmem:s1] =	stream.indirect.scatter.add.f32 [tilespmem:s16], [sflag:$0x3], $0x80, s29, s19, $0xb8;
	[tilespmem:$0x1E800] =	vst v63  }
0x87: {  	_ =	swait.ge [sflag:s17], $0x4000  }
0x88: {  	[sflag:s17] =	ssyncset.done $0x0  }
0x89: {  	[sflag:s17] =	ssyncadd.s32 $0xFFFFC000  }
0x8a: {  	_ =	swait.ge [sflag:s22], $0x4000  }
0x8b: {  	[sflag:s22] =	ssyncset.done $0x0  }
0x8c: {  	s30 =	simm.s32 $0x100;
	[sflag:s22] =	ssyncadd.s32 $0xFFFFC000  }
0x8d: {  	[tilespmem:s16], [sflag:$0x1] =	stream.indirect.gather [hbm4b:s4+s19], $0x80, s30, s19, $0xb8;
	[tilespmem:$0x1E800] =	vst v63  }
0x8e: {  	s31 =	simm.s32 $0x1480  }
0x8f: {  	[spmem:s1] =	stream.indirect.scatter.add.f32 [tilespmem:s21], [sflag:$0x3], $0x80, s31, s19, $0xb8;
	[tilespmem:$0x1E800] =	vst v63  }
0x90: {  	_ =	swait.ge [sflag:s17], $0x4000  }
0x91: {  	s26 =	simm.s32 $0x400;
	[sflag:s17] =	ssyncset.done $0x0  }
.LBB2_6:
0x92: {  	p0 =	sne.s32 s26, $0x4800  }
0x93: {  	[sflag:s17] =	ssyncadd.s32 $0xFFFFC000;
	s28 =	smov.u32 s26;
	s26 =	sadd.s32 $0x400, s26  }
0x94: {  	_ = 	snop  }
0x95: {  	_ =	swait.ge [sflag:s20], $0x4000  }
0x96: {  	s28 =	sshra.s32 s28, $0x2;
	[sflag:s20] =	ssyncset.done $0x0  }
0x97: {  	s29 =	sadd.s32 $0x80, s28;
	[sflag:s20] =	ssyncadd.s32 $0xFFFFC000  }
0x98: {  	[tilespmem:s21], [sflag:$0x2] =	stream.indirect.gather [hbm4b:s4+s19], $0x80, s29, s19, $0xb8;
	[tilespmem:$0x1E800] =	vst v63  }
0x99: {  	s29 =	sadd.s32 $0x1400, s28  }
0x9a: {  	[spmem:s1] =	stream.indirect.scatter.add.f32 [tilespmem:s16], [sflag:$0x3], $0x80, s29, s19, $0xb8;
	[tilespmem:$0x1E800] =	vst v63  }
0x9b: {  	_ =	swait.ge [sflag:s17], $0x4000  }
0x9c: {  	[sflag:s17] =	ssyncset.done $0x0  }
0x9d: {  	[sflag:s17] =	ssyncadd.s32 $0xFFFFC000  }
0x9e: {  	_ =	swait.ge [sflag:s22], $0x4000  }
0x9f: {  	[sflag:s22] =	ssyncset.done $0x0  }
0xa0: {  	s29 =	sadd.s32 $0x100, s28;
	[sflag:s22] =	ssyncadd.s32 $0xFFFFC000  }
0xa1: {  	[tilespmem:s16], [sflag:$0x1] =	stream.indirect.gather [hbm4b:s4+s19], $0x80, s29, s19, $0xb8;
	[tilespmem:$0x1E800] =	vst v63  }
.Ltmp2:
0xa2: {  	_ = 	snop;
	(pc) =	sbr.rel @p0 .LBB2_6-.Ltmp2, $4  }
0xa3: {  	s28 =	sadd.s32 $0x1480, s28  }
0xa4: {  	[spmem:s1] =	stream.indirect.scatter.add.f32 [tilespmem:s21], [sflag:$0x3], $0x80, s28, s19, $0xb8;
	[tilespmem:$0x1E800] =	vst v63  }
0xa5: {  	_ =	swait.ge [sflag:s17], $0x4000  }
0xa6: {  	[sflag:s17] =	ssyncset.done $0x0  }
0xa7: {  	[sflag:s17] =	ssyncadd.s32 $0xFFFFC000  }
0xa8: {  	_ =	swait.ge [sflag:s20], $0x4000  }
0xa9: {  	[sflag:s20] =	ssyncset.done $0x0  }
0xaa: {  	[sflag:s20] =	ssyncadd.s32 $0xFFFFC000  }
0xab: {  	[tilespmem:s21], [sflag:$0x2] =	stream.indirect.gather [hbm4b:s4+s19], $0x80, s23, s19, $0xb8;
	[tilespmem:$0x1E800] =	vst v63  }
0xac: {  	_ = 	snop  }
0xad: {  	[spmem:s1] =	stream.indirect.scatter.add.f32 [tilespmem:s16], [sflag:$0x3], $0x80, s24, s19, $0xb8;
	[tilespmem:$0x1E800] =	vst v63  }
0xae: {  	_ =	swait.ge [sflag:s17], $0x4000  }
0xaf: {  	[sflag:s17] =	ssyncset.done $0x0  }
0xb0: {  	[sflag:s17] =	ssyncadd.s32 $0xFFFFC000  }
0xb1: {  	_ =	swait.ge [sflag:s22], $0x4000  }
0xb2: {  	[sflag:s22] =	ssyncset.done $0x0  }
0xb3: {  	[sflag:s22] =	ssyncadd.s32 $0xFFFFC000  }
0xb4: {  	[spmem:s1] =	stream.indirect.scatter.add.f32 [tilespmem:s21], [sflag:$0x3], $0x80, s25, s19, $0xb8;
	[tilespmem:$0x1E800] =	vst v63  }
0xb5: {  	_ =	swait.ge [sflag:s17], $0x4000  }
0xb6: {  	s26 =	sshll.u32 s2, $0x6;
	s3 =	sadd.s32 $0x1, s3;
	[sflag:s17] =	ssyncset.done $0x0  }
0xb7: {  	s28 =	sshrl.u32 s5, $0x3;
	p0 =	sne.s32 s3, s15;
	[sflag:s17] =	ssyncadd.s32 $0xFFFFC000  }
.Ltmp3:
0xb8: {  	s26 =	sor.u32 $0x1C03, s26;
	[bflag:$0x0] =	sbarrier.arrive $0xFFFF;
	(pc) =	sbr.rel @p0 .LBB2_1-.Ltmp3, $4  }
0xb9: {  	[hbm:s14], [sflag:s26] =	dma.local [spmem:s28], $0x2800  }
0xba: {  	_ =	swait.ge [sflag:s17], $0x2800  }
0xbb: {  	[sflag:s17] =	ssyncset.done $0x0  }
0xbc: {  	[sflag:s17] =	ssyncadd.s32 $0xFFFFD800  }
0xbd: {  	_ =	sfence.sel $0x180000  }
0xbe: {  	[bflag:$0x0] =	sbarrier.arrive $0xFFFF  }
0xbf: {  	p0 =	sne.s32 s2, $0x0;
	_ =	strace $0x90000050  }
0xc0: {  	s0 =	sadd.s32 @!p0 $0x100000, s0;
	[bflag:$0x2] =	sbarrier.arrive $0xFFFF  }
0xc1: {  	[sflag:s0] =	ssyncadd.tile.s32 @!p0 $0x1;
	_ =	shalt  }
.Lfunc_end2:
_tile_overlayer_lowered:
.L_overlay_start_2:
0xc2: {  	(tag) =	ssettag $0x2  }
0xc3: {  	s0 =	rddreg [dreg:$0x0];
	s2 =	stileid.u32  }
0xc4: {  	s1 =	rddreg [dreg:$0x1];
	p0 =	sne.s32 s2, $0x0  }
0xc5: {  	s3 =	rddreg [dreg:$0x2];
	[bflag:$0x3] =	sbarrier.arrive $0xFFFF;
	s2 =	simm.s32 @!p0 $0x1C03  }
0xc6: {  	[timem:s3], [sflag:s2] =	dma.local @!p0 [hbm:s0], s1  }
0xc7: {  	s0 =	simm.s32 @!p0 $0x3  }
0xc8: {  	_ =	swait.ge @!p0 [sflag:s0], s1  }
0xc9: {  	s1 =	ssub.s32 @!p0 $0x0, s1;
	[sflag:s0] =	ssyncset.done @!p0 $0x0  }
0xca: {  	[sflag:s0] =	ssyncadd.s32 @!p0 s1  }
0xcb: {  	[bflag:$0x3] =	sbarrier.arrive $0xFFFF  }
0xcc: {  	_ =	shalt  }

</sc_bundles>
